<compile_context>
chip_gen: v7x
topology: tpu7x:2x2x1
jax: 0.10.2.dev20260603
libtpu: 0.0.44.dev20260713+nightly
codegen_flags: <defaults>
</compile_context>

<pallas_src>
import jax
import jax.numpy as jnp
from jax import lax
from jax.experimental import pallas as pl
from jax.experimental.pallas import tpu as pltpu
from jax.experimental.pallas import tpu_sc as plsc

N = 10000
D = 128
E = 320000
NC = 2
NS = 16
NW = NC * NS
EPW = E // NW
K = 80
CH = EPW // K
NP = 10240
RPT = NP // NS
NT = RPT // K

_mesh = plsc.VectorSubcoreMesh(
    core_axis_name="c", subcore_axis_name="s", num_cores=NC, num_subcores=NS)


def _sc_agg_body(h_hbm, src_hbm, dst_hbm, p_out,
                 src_v, dst_v, buf0, buf1, acc_sh, gs0, gs1):
    cid = lax.axis_index("c")
    sid = lax.axis_index("s")
    wid = cid * NS + sid

    pltpu.sync_copy(src_hbm.at[wid], src_v)
    pltpu.sync_copy(dst_hbm.at[wid], dst_v)

    def zrow(r, _):
        for c16 in range(D // 16):
            buf0[r, pl.ds(c16 * 16, 16)] = jnp.zeros((16,), jnp.float32)
        return 0
    lax.fori_loop(0, K, zrow, 0)
    for t in range(NT):
        pltpu.sync_copy(buf0, acc_sh.at[pl.ds(sid * RPT + t * K, K)])

    plsc.subcore_barrier()

    def sidx(c):
        return src_v.at[pl.ds(c * K, K)]

    pltpu.async_copy(h_hbm.at[sidx(0)], buf0, gs0)

    def body(o, _):
        c0 = 2 * o
        pltpu.make_async_copy(h_hbm.at[sidx(c0)], buf0, gs0).wait()
        pltpu.async_copy(h_hbm.at[sidx(c0 + 1)], buf1, gs1)
        pltpu.sync_copy(buf0, acc_sh.at[dst_v.at[c0]], add=True)
        pltpu.make_async_copy(h_hbm.at[sidx(c0 + 1)], buf1, gs1).wait()
        pltpu.async_copy(h_hbm.at[sidx(c0 + 2)], buf0, gs0)
        pltpu.sync_copy(buf1, acc_sh.at[dst_v.at[c0 + 1]], add=True)
        return 0
    lax.fori_loop(0, (CH - 1) // 2, body, 0)
    pltpu.make_async_copy(h_hbm.at[sidx(CH - 1)], buf0, gs0).wait()
    pltpu.sync_copy(buf0, acc_sh.at[dst_v.at[CH - 1]], add=True)

    plsc.subcore_barrier()

    for t in range(NT):
        s = sid * RPT + t * K
        pltpu.sync_copy(acc_sh.at[pl.ds(s, K)], buf0)
        pltpu.sync_copy(buf0, p_out.at[cid, pl.ds(s, K)])


_agg = pl.kernel(
    _sc_agg_body,
    out_type=jax.ShapeDtypeStruct((NC, NP, D), jnp.float32),
    mesh=_mesh,
    scratch_types=[
        pltpu.VMEM((EPW,), jnp.int32),
        pltpu.VMEM((CH, K), jnp.int32),
        pltpu.VMEM((K, D), jnp.float32),
        pltpu.VMEM((K, D), jnp.float32),
        pltpu.VMEM_SHARED((NP, D), jnp.float32),
        pltpu.SemaphoreType.DMA,
        pltpu.SemaphoreType.DMA,
    ],
)


def _sc_cnt_body(dst_hbm, c_out, dst_v, obuf, cnt_sh, sem0):
    cid = lax.axis_index("c")
    sid = lax.axis_index("s")
    wid = cid * NS + sid

    pltpu.sync_copy(dst_hbm.at[wid], dst_v)

    def fill(val):
        def row(r, _):
            for c16 in range(D // 16):
                obuf[r, pl.ds(c16 * 16, 16)] = jnp.full((16,), val, jnp.float32)
            return 0
        lax.fori_loop(0, K, row, 0)

    fill(0.0)
    for t in range(NT):
        pltpu.sync_copy(obuf, cnt_sh.at[pl.ds(sid * RPT + t * K, K)])
    fill(1.0)

    plsc.subcore_barrier()

    B = 5

    def body(g, _):
        for j in range(B):
            pltpu.async_copy(obuf, cnt_sh.at[dst_v.at[g * B + j]], sem0,
                             add=True)
        for j in range(B):
            pltpu.make_async_copy(obuf, cnt_sh.at[dst_v.at[g * B + j]],
                                  sem0).wait()
        return 0
    lax.fori_loop(0, CH // B, body, 0)

    plsc.subcore_barrier()

    for t in range(NT):
        s = sid * RPT + t * K
        pltpu.sync_copy(cnt_sh.at[pl.ds(s, K)], obuf)
        pltpu.sync_copy(obuf, c_out.at[cid, pl.ds(s, K)])


_cnt = pl.kernel(
    _sc_cnt_body,
    out_type=jax.ShapeDtypeStruct((NC, NP, D), jnp.float32),
    mesh=_mesh,
    scratch_types=[
        pltpu.VMEM((CH, K), jnp.int32),
        pltpu.VMEM((K, D), jnp.float32),
        pltpu.VMEM_SHARED((NP, D), jnp.float32),
        pltpu.SemaphoreType.DMA,
    ],
)

R = 1000


def _tc_self_body(h, wr, o_ref):
    o_ref[...] = lax.dot_general(h[...], wr[...], (((1,), (1,)), ((), ())),
                                 preferred_element_type=jnp.float32)


def _mean_from_parts(p0, p1, c0, c1):
    cnt = c0[:, 0:1] + c1[:, 0:1]
    inv = 1.0 / jnp.maximum(cnt, 1.0)
    return (p0[...] + p1[...]) * inv


def _tc_combine_body(p0, p1, c0, c1, sf, wl, bl, o_ref):
    mean = _mean_from_parts(p0, p1, c0, c1)
    acc = lax.dot_general(mean, wl[...], (((1,), (1,)), ((), ())),
                          preferred_element_type=jnp.float32)
    o_ref[...] = jnp.maximum(acc + sf[...] + bl[...], 0.0)


def _tc_final_body(p0, p1, c0, c1, sf, wl, bl, wlin, blin, o_ref):
    mean = _mean_from_parts(p0, p1, c0, c1)
    acc = lax.dot_general(mean, wl[...], (((1,), (1,)), ((), ())),
                          preferred_element_type=jnp.float32)
    hrelu = jnp.maximum(acc + sf[...] + bl[...], 0.0)
    o_ref[...] = lax.dot_general(hrelu, wlin[...], (((1,), (1,)), ((), ())),
                                 preferred_element_type=jnp.float32) + blin[...]


def _row_spec():
    return pl.BlockSpec((R, D), lambda i: (i, 0))


def _w_spec():
    return pl.BlockSpec((D, D), lambda i: (0, 0))


def _b_spec():
    return pl.BlockSpec((1, D), lambda i: (0, 0))


_tc_self = pl.pallas_call(
    _tc_self_body,
    grid=(N // R,),
    in_specs=[_row_spec(), _w_spec()],
    out_specs=_row_spec(),
    out_shape=jax.ShapeDtypeStruct((N, D), jnp.float32),
)

_tc_combine = pl.pallas_call(
    _tc_combine_body,
    grid=(N // R,),
    in_specs=[_row_spec(), _row_spec(), _row_spec(), _row_spec(),
              _row_spec(), _w_spec(), _b_spec()],
    out_specs=_row_spec(),
    out_shape=jax.ShapeDtypeStruct((N, D), jnp.float32),
)

_tc_final = pl.pallas_call(
    _tc_final_body,
    grid=(N // R,),
    in_specs=[_row_spec(), _row_spec(), _row_spec(), _row_spec(),
              _row_spec(), _w_spec(), _b_spec(), _w_spec(), _b_spec()],
    out_specs=_row_spec(),
    out_shape=jax.ShapeDtypeStruct((N, D), jnp.float32),
)


def kernel(x, edge_index, W1l, b1l, W1r, W2l, b2l, W2r, W3l, b3l, W3r,
           Wlin, blin):
    src = edge_index[0].reshape(NW, EPW)
    dst = edge_index[1].reshape(NW, CH, K)
    b1 = b1l.reshape(1, D)
    b2 = b2l.reshape(1, D)
    b3 = b3l.reshape(1, D)
    bl = blin.reshape(1, D)

    c = _cnt(dst)
    s1 = _tc_self(x, W1r)
    p = _agg(x, src, dst)
    h1 = _tc_combine(p[0], p[1], c[0], c[1], s1, W1l, b1)
    s2 = _tc_self(h1, W2r)
    p = _agg(h1, src, dst)
    h2 = _tc_combine(p[0], p[1], c[0], c[1], s2, W2l, b2)
    s3 = _tc_self(h2, W3r)
    p = _agg(h2, src, dst)
    return _tc_final(p[0], p[1], c[0], c[1], s3, W3l, b3, Wlin, bl)

# --- scband reference (transcript-rebuilt; emitter-appended) ---
"""Pipeline reference for scband-pegnnmodel-34600256537257 (READ-ONLY COPY).

The authoritative reference and input builder live on the scoring server;
editing this copy changes nothing except your own understanding.
"""

import jax, jax.numpy as jnp
import numpy as np

N = 10000
E = 320000
D = 128
H = 128
O = 128


def setup_inputs(seed: int = 0) -> dict:
    key = jax.random.key(seed)
    ks = jax.random.split(key, 16)
    x = jax.random.normal(ks[0], (N, D), dtype=jnp.float32)
    edge_index = jax.random.randint(ks[1], (2, E), 0, N, dtype=jnp.int32)
    s = 0.05
    params = {
        'W1l': jax.random.normal(ks[2], (H, D), dtype=jnp.float32) * s,
        'b1l': jnp.zeros((H,), dtype=jnp.float32),
        'W1r': jax.random.normal(ks[3], (H, D), dtype=jnp.float32) * s,
        'W2l': jax.random.normal(ks[4], (H, H), dtype=jnp.float32) * s,
        'b2l': jnp.zeros((H,), dtype=jnp.float32),
        'W2r': jax.random.normal(ks[5], (H, H), dtype=jnp.float32) * s,
        'W3l': jax.random.normal(ks[6], (H, H), dtype=jnp.float32) * s,
        'b3l': jnp.zeros((H,), dtype=jnp.float32),
        'W3r': jax.random.normal(ks[7], (H, H), dtype=jnp.float32) * s,
        'Wlin': jax.random.normal(ks[8], (O, H), dtype=jnp.float32) * s,
        'blin': jnp.zeros((O,), dtype=jnp.float32),
    }
    out = {'x': x, 'edge_index': edge_index}
    out.update(params)
    return out


def _sage_conv(x, src, dst, Wl, bl, Wr):
    # PyG SAGEConv with mean aggregation: out = W_l @ mean_{j in N(i)} x_j + b_l + W_r @ x_i
    msg = x[src]  # gather source-node features per edge
    agg = jax.ops.segment_sum(msg, dst, num_segments=N)
    cnt = jax.ops.segment_sum(jnp.ones((src.shape[0],), dtype=x.dtype), dst, num_segments=N)
    mean = agg / jnp.clip(cnt, 1.0)[:, None]
    return mean @ Wl.T + bl + x @ Wr.T


def reference(x, edge_index, W1l, b1l, W1r, W2l, b2l, W2r, W3l, b3l, W3r, Wlin, blin):
    src = edge_index[0]
    dst = edge_index[1]
    h = jax.nn.relu(_sage_conv(x, src, dst, W1l, b1l, W1r))
    h = jax.nn.relu(_sage_conv(h, src, dst, W2l, b2l, W2r))
    # dropout p=0.2 is identity in eval mode
    h = jax.nn.relu(_sage_conv(h, src, dst, W3l, b3l, W3r))
    out = h @ Wlin.T + blin
    return out

if __name__ == "__main__":
    import jax
    _d = setup_inputs()
    print(jax.jit(kernel)(*tuple(_d.values())))

</pallas_src>

<mosaic_0001>
#map = affine_map<(d0, d1) -> (0, 0)>
#map1 = affine_map<(d0, d1) -> (0, 0, 0)>
module attributes {stable_mosaic.version = 14 : i64} {
  func.func @_sc_agg_body(%arg0: i32, %arg1: i32, %arg2: memref<10000x128xf32, #tpu.memory_space<hbm>>, %arg3: memref<32x10000xi32, #tpu.memory_space<hbm>>, %arg4: memref<32x125x80xi32, #tpu.memory_space<hbm>>, %arg5: memref<2x10240x128xf32, #tpu.memory_space<hbm>>, %arg6: memref<10000xi32, #tpu.memory_space<vmem>>, %arg7: memref<125x80xi32, #tpu.memory_space<vmem>>, %arg8: memref<80x128xf32, #tpu.memory_space<vmem>>, %arg9: memref<80x128xf32, #tpu.memory_space<vmem>>, %arg10: memref<10240x128xf32, #tpu.memory_space<vmem_shared>>, %arg11: memref<!tpu.dma_semaphore, #tpu.memory_space<semaphore_mem>>, %arg12: memref<!tpu.dma_semaphore, #tpu.memory_space<semaphore_mem>>) attributes {dimension_semantics = [#tpu.dimension_semantics<core_parallel>, #tpu.dimension_semantics<subcore_parallel>], iteration_bounds = array<i64: 2, 16>, scalar_prefetch = 0 : i64, scratch_operands = 7 : i64, tpu.core_type = #tpu.core_type<sc_vector_subcore>, window_params = [{transform_indices = #map}, {transform_indices = #map}, {transform_indices = #map1}, {transform_indices = #map1}]} {
    %mul3A = arith.constant 16 : i32
    %mul3A_0 = arith.muli %arg0, %mul3A : i32
    %add3A = arith.addi %mul3A_0, %arg1 : i32
    "tpu.region"() ({
      %run_scoped3A_87 = tpu.sem_alloc : memref<!tpu.dma_semaphore, #tpu.memory_space<semaphore_mem>>
      %dma_start3A_88 = arith.constant 0 : i32
      %dma_start3A_89 = tpu.memref_slice %arg3[%add3A, %dma_start3A_88] : memref<32x10000xi32, #tpu.memory_space<hbm>> -> memref<1x10000xi32, #tpu.memory_space<hbm>>
      %dma_start3A_90 = tpu.memref_squeeze %dma_start3A_89 : memref<1x10000xi32, #tpu.memory_space<hbm>> -> memref<10000xi32, #tpu.memory_space<hbm>>
      %dma_start3A_91 = arith.constant 0 : i32
      %dma_start3A_92 = tpu.memref_slice %arg3[%add3A, %dma_start3A_91] : memref<32x10000xi32, #tpu.memory_space<hbm>> -> memref<1x10000xi32, #tpu.memory_space<hbm>>
      %dma_start3A_93 = tpu.memref_squeeze %dma_start3A_92 : memref<1x10000xi32, #tpu.memory_space<hbm>> -> memref<10000xi32, #tpu.memory_space<hbm>>
      tpu.enqueue_dma source(%dma_start3A_93 : memref<10000xi32, #tpu.memory_space<hbm>>) target(%arg6 : memref<10000xi32, #tpu.memory_space<vmem>>) target_semaphore(%run_scoped3A_87 : memref<!tpu.dma_semaphore, #tpu.memory_space<semaphore_mem>>)
      %dma_wait3A_94 = arith.constant 0 : i32
      %dma_wait3A_95 = tpu.memref_slice %arg3[%add3A, %dma_wait3A_94] : memref<32x10000xi32, #tpu.memory_space<hbm>> -> memref<1x10000xi32, #tpu.memory_space<hbm>>
      %dma_wait3A_96 = tpu.memref_squeeze %dma_wait3A_95 : memref<1x10000xi32, #tpu.memory_space<hbm>> -> memref<10000xi32, #tpu.memory_space<hbm>>
      %dma_wait3A_97 = arith.constant 0 : i32
      %dma_wait3A_98 = tpu.memref_slice %arg3[%add3A, %dma_wait3A_97] : memref<32x10000xi32, #tpu.memory_space<hbm>> -> memref<1x10000xi32, #tpu.memory_space<hbm>>
      %dma_wait3A_99 = tpu.memref_squeeze %dma_wait3A_98 : memref<1x10000xi32, #tpu.memory_space<hbm>> -> memref<10000xi32, #tpu.memory_space<hbm>>
      tpu.wait_dma2 semaphore(%run_scoped3A_87 : memref<!tpu.dma_semaphore, #tpu.memory_space<semaphore_mem>>) src(%dma_wait3A_99 : memref<10000xi32, #tpu.memory_space<hbm>>) dst(%arg6 : memref<10000xi32, #tpu.memory_space<vmem>>)
      tpu.yield
    }) : () -> ()
    "tpu.region"() ({
      %run_scoped3A_87 = tpu.sem_alloc : memref<!tpu.dma_semaphore, #tpu.memory_space<semaphore_mem>>
      %dma_start3A_88 = arith.constant 0 : i32
      %dma_start3A_89 = arith.constant 0 : i32
      %dma_start3A_90 = tpu.memref_slice %arg4[%add3A, %dma_start3A_88, %dma_start3A_89] : memref<32x125x80xi32, #tpu.memory_space<hbm>> -> memref<1x125x80xi32, #tpu.memory_space<hbm>>
      %dma_start3A_91 = tpu.memref_squeeze %dma_start3A_90 : memref<1x125x80xi32, #tpu.memory_space<hbm>> -> memref<125x80xi32, #tpu.memory_space<hbm>>
      %dma_start3A_92 = arith.constant 0 : i32
      %dma_start3A_93 = arith.constant 0 : i32
      %dma_start3A_94 = tpu.memref_slice %arg4[%add3A, %dma_start3A_92, %dma_start3A_93] : memref<32x125x80xi32, #tpu.memory_space<hbm>> -> memref<1x125x80xi32, #tpu.memory_space<hbm>>
      %dma_start3A_95 = tpu.memref_squeeze %dma_start3A_94 : memref<1x125x80xi32, #tpu.memory_space<hbm>> -> memref<125x80xi32, #tpu.memory_space<hbm>>
      tpu.enqueue_dma source(%dma_start3A_95 : memref<125x80xi32, #tpu.memory_space<hbm>>) target(%arg7 : memref<125x80xi32, #tpu.memory_space<vmem>>) target_semaphore(%run_scoped3A_87 : memref<!tpu.dma_semaphore, #tpu.memory_space<semaphore_mem>>)
      %dma_wait3A_96 = arith.constant 0 : i32
      %dma_wait3A_97 = arith.constant 0 : i32
      %dma_wait3A_98 = tpu.memref_slice %arg4[%add3A, %dma_wait3A_96, %dma_wait3A_97] : memref<32x125x80xi32, #tpu.memory_space<hbm>> -> memref<1x125x80xi32, #tpu.memory_space<hbm>>
      %dma_wait3A_99 = tpu.memref_squeeze %dma_wait3A_98 : memref<1x125x80xi32, #tpu.memory_space<hbm>> -> memref<125x80xi32, #tpu.memory_space<hbm>>
      %dma_wait3A_100 = arith.constant 0 : i32
      %dma_wait3A_101 = arith.constant 0 : i32
      %dma_wait3A_102 = tpu.memref_slice %arg4[%add3A, %dma_wait3A_100, %dma_wait3A_101] : memref<32x125x80xi32, #tpu.memory_space<hbm>> -> memref<1x125x80xi32, #tpu.memory_space<hbm>>
      %dma_wait3A_103 = tpu.memref_squeeze %dma_wait3A_102 : memref<1x125x80xi32, #tpu.memory_space<hbm>> -> memref<125x80xi32, #tpu.memory_space<hbm>>
      tpu.wait_dma2 semaphore(%run_scoped3A_87 : memref<!tpu.dma_semaphore, #tpu.memory_space<semaphore_mem>>) src(%dma_wait3A_103 : memref<125x80xi32, #tpu.memory_space<hbm>>) dst(%arg7 : memref<125x80xi32, #tpu.memory_space<vmem>>)
      tpu.yield
    }) : () -> ()
    %scan3A = arith.constant 0 : i32
    %scan3A_1 = arith.constant 0 : i32
    %scan3A_2 = arith.constant 80 : i32
    %scan3A_3 = arith.addi %scan3A_1, %scan3A_2 : i32
    %scan3A_4 = arith.constant 1 : i32
    %scan3A_5 = scf.for %scan3A_87 = %scan3A_1 to %scan3A_3 step %scan3A_4 iter_args(%scan3A_88 = %scan3A) -> (i32)  : i32 {
      %broadcast_in_dim3A = arith.constant 0.000000e+00 : f32
      %broadcast_in_dim3A_89 = vector.broadcast %broadcast_in_dim3A : f32 to vector<16xf32>
      %swap3A = arith.index_cast %scan3A_87 : i32 to index
      %swap3A_90 = arith.constant 0 : index
      %swap3A_91 = tpu.vector_load %arg8[%swap3A, %swap3A_90] {strides = array<i32>} : memref<80x128xf32, #tpu.memory_space<vmem>>, vector<1x16xf32>,
      %swap3A_92 = vector.shape_cast %swap3A_91 : vector<1x16xf32> to vector<16xf32>
      %swap3A_93 = vector.shape_cast %broadcast_in_dim3A_89 : vector<16xf32> to vector<1x16xf32>
      tpu.vector_store %arg8[%swap3A, %swap3A_90], %swap3A_93 {strides = array<i32>} : memref<80x128xf32, #tpu.memory_space<vmem>>, vector<1x16xf32>,
      %broadcast_in_dim3A_94 = arith.constant 0.000000e+00 : f32
      %broadcast_in_dim3A_95 = vector.broadcast %broadcast_in_dim3A_94 : f32 to vector<16xf32>
      %swap3A_96 = arith.index_cast %scan3A_87 : i32 to index
      %swap3A_97 = arith.constant 16 : index
      %swap3A_98 = tpu.vector_load %arg8[%swap3A_96, %swap3A_97] {strides = array<i32>} : memref<80x128xf32, #tpu.memory_space<vmem>>, vector<1x16xf32>,
      %swap3A_99 = vector.shape_cast %swap3A_98 : vector<1x16xf32> to vector<16xf32>
      %swap3A_100 = vector.shape_cast %broadcast_in_dim3A_95 : vector<16xf32> to vector<1x16xf32>
      tpu.vector_store %arg8[%swap3A_96, %swap3A_97], %swap3A_100 {strides = array<i32>} : memref<80x128xf32, #tpu.memory_space<vmem>>, vector<1x16xf32>,
      %broadcast_in_dim3A_101 = arith.constant 0.000000e+00 : f32
      %broadcast_in_dim3A_102 = vector.broadcast %broadcast_in_dim3A_101 : f32 to vector<16xf32>
      %swap3A_103 = arith.index_cast %scan3A_87 : i32 to index
      %swap3A_104 = arith.constant 32 : index
      %swap3A_105 = tpu.vector_load %arg8[%swap3A_103, %swap3A_104] {strides = array<i32>} : memref<80x128xf32, #tpu.memory_space<vmem>>, vector<1x16xf32>,
      %swap3A_106 = vector.shape_cast %swap3A_105 : vector<1x16xf32> to vector<16xf32>
      %swap3A_107 = vector.shape_cast %broadcast_in_dim3A_102 : vector<16xf32> to vector<1x16xf32>
      tpu.vector_store %arg8[%swap3A_103, %swap3A_104], %swap3A_107 {strides = array<i32>} : memref<80x128xf32, #tpu.memory_space<vmem>>, vector<1x16xf32>,
      %broadcast_in_dim3A_108 = arith.constant 0.000000e+00 : f32
      %broadcast_in_dim3A_109 = vector.broadcast %broadcast_in_dim3A_108 : f32 to vector<16xf32>
      %swap3A_110 = arith.index_cast %scan3A_87 : i32 to index
      %swap3A_111 = arith.constant 48 : index
      %swap3A_112 = tpu.vector_load %arg8[%swap3A_110, %swap3A_111] {strides = array<i32>} : memref<80x128xf32, #tpu.memory_space<vmem>>, vector<1x16xf32>,
      %swap3A_113 = vector.shape_cast %swap3A_112 : vector<1x16xf32> to vector<16xf32>
      %swap3A_114 = vector.shape_cast %broadcast_in_dim3A_109 : vector<16xf32> to vector<1x16xf32>
      tpu.vector_store %arg8[%swap3A_110, %swap3A_111], %swap3A_114 {strides = array<i32>} : memref<80x128xf32, #tpu.memory_space<vmem>>, vector<1x16xf32>,
      %broadcast_in_dim3A_115 = arith.constant 0.000000e+00 : f32
      %broadcast_in_dim3A_116 = vector.broadcast %broadcast_in_dim3A_115 : f32 to vector<16xf32>
      %swap3A_117 = arith.index_cast %scan3A_87 : i32 to index
      %swap3A_118 = arith.constant 64 : index
      %swap3A_119 = tpu.vector_load %arg8[%swap3A_117, %swap3A_118] {strides = array<i32>} : memref<80x128xf32, #tpu.memory_space<vmem>>, vector<1x16xf32>,
      %swap3A_120 = vector.shape_cast %swap3A_119 : vector<1x16xf32> to vector<16xf32>
      %swap3A_121 = vector.shape_cast %broadcast_in_dim3A_116 : vector<16xf32> to vector<1x16xf32>
      tpu.vector_store %arg8[%swap3A_117, %swap3A_118], %swap3A_121 {strides = array<i32>} : memref<80x128xf32, #tpu.memory_space<vmem>>, vector<1x16xf32>,
      %broadcast_in_dim3A_122 = arith.constant 0.000000e+00 : f32
      %broadcast_in_dim3A_123 = vector.broadcast %broadcast_in_dim3A_122 : f32 to vector<16xf32>
      %swap3A_124 = arith.index_cast %scan3A_87 : i32 to index
      %swap3A_125 = arith.constant 80 : index
      %swap3A_126 = tpu.vector_load %arg8[%swap3A_124, %swap3A_125] {strides = array<i32>} : memref<80x128xf32, #tpu.memory_space<vmem>>, vector<1x16xf32>,
      %swap3A_127 = vector.shape_cast %swap3A_126 : vector<1x16xf32> to vector<16xf32>
      %swap3A_128 = vector.shape_cast %broadcast_in_dim3A_123 : vector<16xf32> to vector<1x16xf32>
      tpu.vector_store %arg8[%swap3A_124, %swap3A_125], %swap3A_128 {strides = array<i32>} : memref<80x128xf32, #tpu.memory_space<vmem>>, vector<1x16xf32>,
      %broadcast_in_dim3A_129 = arith.constant 0.000000e+00 : f32
      %broadcast_in_dim3A_130 = vector.broadcast %broadcast_in_dim3A_129 : f32 to vector<16xf32>
      %swap3A_131 = arith.index_cast %scan3A_87 : i32 to index
      %swap3A_132 = arith.constant 96 : index
      %swap3A_133 = tpu.vector_load %arg8[%swap3A_131, %swap3A_132] {strides = array<i32>} : memref<80x128xf32, #tpu.memory_space<vmem>>, vector<1x16xf32>,
      %swap3A_134 = vector.shape_cast %swap3A_133 : vector<1x16xf32> to vector<16xf32>
      %swap3A_135 = vector.shape_cast %broadcast_in_dim3A_130 : vector<16xf32> to vector<1x16xf32>
      tpu.vector_store %arg8[%swap3A_131, %swap3A_132], %swap3A_135 {strides = array<i32>} : memref<80x128xf32, #tpu.memory_space<vmem>>, vector<1x16xf32>,
      %broadcast_in_dim3A_136 = arith.constant 0.000000e+00 : f32
      %broadcast_in_dim3A_137 = vector.broadcast %broadcast_in_dim3A_136 : f32 to vector<16xf32>
      %swap3A_138 = arith.index_cast %scan3A_87 : i32 to index
      %swap3A_139 = arith.constant 112 : index
      %swap3A_140 = tpu.vector_load %arg8[%swap3A_138, %swap3A_139] {strides = array<i32>} : memref<80x128xf32, #tpu.memory_space<vmem>>, vector<1x16xf32>,
      %swap3A_141 = vector.shape_cast %swap3A_140 : vector<1x16xf32> to vector<16xf32>
      %swap3A_142 = vector.shape_cast %broadcast_in_dim3A_137 : vector<16xf32> to vector<1x16xf32>
      tpu.vector_store %arg8[%swap3A_138, %swap3A_139], %swap3A_142 {strides = array<i32>} : memref<80x128xf32, #tpu.memory_space<vmem>>, vector<1x16xf32>,
      %scan3A_143 = arith.constant 0 : i32
      scf.yield %scan3A_143 : i32
    }
    %scan3A_6 = arith.constant 80 : i32
    %mul3A_7 = arith.constant 640 : i32
    %mul3A_8 = arith.muli %arg1, %mul3A_7 : i32
    %add3A_9 = arith.constant 0 : i32
    %add3A_10 = arith.addi %mul3A_8, %add3A_9 : i32
    "tpu.region"() ({
      %run_scoped3A_87 = tpu.sem_alloc : memref<!tpu.dma_semaphore, #tpu.memory_space<semaphore_mem>>
      %dma_start3A_88 = arith.constant 0 : i32
      %dma_start3A_89 = tpu.memref_slice %arg10[%add3A_10, %dma_start3A_88] : memref<10240x128xf32, #tpu.memory_space<vmem_shared>> -> memref<80x128xf32, #tpu.memory_space<vmem_shared>>
      %dma_start3A_90 = arith.constant 0 : i32
      %dma_start3A_91 = tpu.memref_slice %arg10[%add3A_10, %dma_start3A_90] : memref<10240x128xf32, #tpu.memory_space<vmem_shared>> -> memref<80x128xf32, #tpu.memory_space<vmem_shared>>
      tpu.enqueue_dma source(%arg8 : memref<80x128xf32, #tpu.memory_space<vmem>>) target(%dma_start3A_91 : memref<80x128xf32, #tpu.memory_space<vmem_shared>>) target_semaphore(%run_scoped3A_87 : memref<!tpu.dma_semaphore, #tpu.memory_space<semaphore_mem>>)
      %dma_wait3A_92 = arith.constant 0 : i32
      %dma_wait3A_93 = tpu.memref_slice %arg10[%add3A_10, %dma_wait3A_92] : memref<10240x128xf32, #tpu.memory_space<vmem_shared>> -> memref<80x128xf32, #tpu.memory_space<vmem_shared>>
      %dma_wait3A_94 = arith.constant 0 : i32
      %dma_wait3A_95 = tpu.memref_slice %arg10[%add3A_10, %dma_wait3A_94] : memref<10240x128xf32, #tpu.memory_space<vmem_shared>> -> memref<80x128xf32, #tpu.memory_space<vmem_shared>>
      tpu.wait_dma2 semaphore(%run_scoped3A_87 : memref<!tpu.dma_semaphore, #tpu.memory_space<semaphore_mem>>) src(%arg8 : memref<80x128xf32, #tpu.memory_space<vmem>>) dst(%dma_wait3A_95 : memref<80x128xf32, #tpu.memory_space<vmem_shared>>)
      tpu.yield
    }) : () -> ()
    %mul3A_11 = arith.constant 640 : i32
    %mul3A_12 = arith.muli %arg1, %mul3A_11 : i32
    %add3A_13 = arith.constant 80 : i32
    %add3A_14 = arith.addi %mul3A_12, %add3A_13 : i32
    "tpu.region"() ({
      %run_scoped3A_87 = tpu.sem_alloc : memref<!tpu.dma_semaphore, #tpu.memory_space<semaphore_mem>>
      %dma_start3A_88 = arith.constant 0 : i32
      %dma_start3A_89 = tpu.memref_slice %arg10[%add3A_14, %dma_start3A_88] : memref<10240x128xf32, #tpu.memory_space<vmem_shared>> -> memref<80x128xf32, #tpu.memory_space<vmem_shared>>
      %dma_start3A_90 = arith.constant 0 : i32
      %dma_start3A_91 = tpu.memref_slice %arg10[%add3A_14, %dma_start3A_90] : memref<10240x128xf32, #tpu.memory_space<vmem_shared>> -> memref<80x128xf32, #tpu.memory_space<vmem_shared>>
      tpu.enqueue_dma source(%arg8 : memref<80x128xf32, #tpu.memory_space<vmem>>) target(%dma_start3A_91 : memref<80x128xf32, #tpu.memory_space<vmem_shared>>) target_semaphore(%run_scoped3A_87 : memref<!tpu.dma_semaphore, #tpu.memory_space<semaphore_mem>>)
      %dma_wait3A_92 = arith.constant 0 : i32
      %dma_wait3A_93 = tpu.memref_slice %arg10[%add3A_14, %dma_wait3A_92] : memref<10240x128xf32, #tpu.memory_space<vmem_shared>> -> memref<80x128xf32, #tpu.memory_space<vmem_shared>>
      %dma_wait3A_94 = arith.constant 0 : i32
      %dma_wait3A_95 = tpu.memref_slice %arg10[%add3A_14, %dma_wait3A_94] : memref<10240x128xf32, #tpu.memory_space<vmem_shared>> -> memref<80x128xf32, #tpu.memory_space<vmem_shared>>
      tpu.wait_dma2 semaphore(%run_scoped3A_87 : memref<!tpu.dma_semaphore, #tpu.memory_space<semaphore_mem>>) src(%arg8 : memref<80x128xf32, #tpu.memory_space<vmem>>) dst(%dma_wait3A_95 : memref<80x128xf32, #tpu.memory_space<vmem_shared>>)
      tpu.yield
    }) : () -> ()
    %mul3A_15 = arith.constant 640 : i32
    %mul3A_16 = arith.muli %arg1, %mul3A_15 : i32
    %add3A_17 = arith.constant 160 : i32
    %add3A_18 = arith.addi %mul3A_16, %add3A_17 : i32
    "tpu.region"() ({
      %run_scoped3A_87 = tpu.sem_alloc : memref<!tpu.dma_semaphore, #tpu.memory_space<semaphore_mem>>
      %dma_start3A_88 = arith.constant 0 : i32
      %dma_start3A_89 = tpu.memref_slice %arg10[%add3A_18, %dma_start3A_88] : memref<10240x128xf32, #tpu.memory_space<vmem_shared>> -> memref<80x128xf32, #tpu.memory_space<vmem_shared>>
      %dma_start3A_90 = arith.constant 0 : i32
      %dma_start3A_91 = tpu.memref_slice %arg10[%add3A_18, %dma_start3A_90] : memref<10240x128xf32, #tpu.memory_space<vmem_shared>> -> memref<80x128xf32, #tpu.memory_space<vmem_shared>>
      tpu.enqueue_dma source(%arg8 : memref<80x128xf32, #tpu.memory_space<vmem>>) target(%dma_start3A_91 : memref<80x128xf32, #tpu.memory_space<vmem_shared>>) target_semaphore(%run_scoped3A_87 : memref<!tpu.dma_semaphore, #tpu.memory_space<semaphore_mem>>)
      %dma_wait3A_92 = arith.constant 0 : i32
      %dma_wait3A_93 = tpu.memref_slice %arg10[%add3A_18, %dma_wait3A_92] : memref<10240x128xf32, #tpu.memory_space<vmem_shared>> -> memref<80x128xf32, #tpu.memory_space<vmem_shared>>
      %dma_wait3A_94 = arith.constant 0 : i32
      %dma_wait3A_95 = tpu.memref_slice %arg10[%add3A_18, %dma_wait3A_94] : memref<10240x128xf32, #tpu.memory_space<vmem_shared>> -> memref<80x128xf32, #tpu.memory_space<vmem_shared>>
      tpu.wait_dma2 semaphore(%run_scoped3A_87 : memref<!tpu.dma_semaphore, #tpu.memory_space<semaphore_mem>>) src(%arg8 : memref<80x128xf32, #tpu.memory_space<vmem>>) dst(%dma_wait3A_95 : memref<80x128xf32, #tpu.memory_space<vmem_shared>>)
      tpu.yield
    }) : () -> ()
    %mul3A_19 = arith.constant 640 : i32
    %mul3A_20 = arith.muli %arg1, %mul3A_19 : i32
    %add3A_21 = arith.constant 240 : i32
    %add3A_22 = arith.addi %mul3A_20, %add3A_21 : i32
    "tpu.region"() ({
      %run_scoped3A_87 = tpu.sem_alloc : memref<!tpu.dma_semaphore, #tpu.memory_space<semaphore_mem>>
      %dma_start3A_88 = arith.constant 0 : i32
      %dma_start3A_89 = tpu.memref_slice %arg10[%add3A_22, %dma_start3A_88] : memref<10240x128xf32, #tpu.memory_space<vmem_shared>> -> memref<80x128xf32, #tpu.memory_space<vmem_shared>>
      %dma_start3A_90 = arith.constant 0 : i32
      %dma_start3A_91 = tpu.memref_slice %arg10[%add3A_22, %dma_start3A_90] : memref<10240x128xf32, #tpu.memory_space<vmem_shared>> -> memref<80x128xf32, #tpu.memory_space<vmem_shared>>
      tpu.enqueue_dma source(%arg8 : memref<80x128xf32, #tpu.memory_space<vmem>>) target(%dma_start3A_91 : memref<80x128xf32, #tpu.memory_space<vmem_shared>>) target_semaphore(%run_scoped3A_87 : memref<!tpu.dma_semaphore, #tpu.memory_space<semaphore_mem>>)
      %dma_wait3A_92 = arith.constant 0 : i32
      %dma_wait3A_93 = tpu.memref_slice %arg10[%add3A_22, %dma_wait3A_92] : memref<10240x128xf32, #tpu.memory_space<vmem_shared>> -> memref<80x128xf32, #tpu.memory_space<vmem_shared>>
      %dma_wait3A_94 = arith.constant 0 : i32
      %dma_wait3A_95 = tpu.memref_slice %arg10[%add3A_22, %dma_wait3A_94] : memref<10240x128xf32, #tpu.memory_space<vmem_shared>> -> memref<80x128xf32, #tpu.memory_space<vmem_shared>>
      tpu.wait_dma2 semaphore(%run_scoped3A_87 : memref<!tpu.dma_semaphore, #tpu.memory_space<semaphore_mem>>) src(%arg8 : memref<80x128xf32, #tpu.memory_space<vmem>>) dst(%dma_wait3A_95 : memref<80x128xf32, #tpu.memory_space<vmem_shared>>)
      tpu.yield
    }) : () -> ()
    %mul3A_23 = arith.constant 640 : i32
    %mul3A_24 = arith.muli %arg1, %mul3A_23 : i32
    %add3A_25 = arith.constant 320 : i32
    %add3A_26 = arith.addi %mul3A_24, %add3A_25 : i32
    "tpu.region"() ({
      %run_scoped3A_87 = tpu.sem_alloc : memref<!tpu.dma_semaphore, #tpu.memory_space<semaphore_mem>>
      %dma_start3A_88 = arith.constant 0 : i32
      %dma_start3A_89 = tpu.memref_slice %arg10[%add3A_26, %dma_start3A_88] : memref<10240x128xf32, #tpu.memory_space<vmem_shared>> -> memref<80x128xf32, #tpu.memory_space<vmem_shared>>
      %dma_start3A_90 = arith.constant 0 : i32
      %dma_start3A_91 = tpu.memref_slice %arg10[%add3A_26, %dma_start3A_90] : memref<10240x128xf32, #tpu.memory_space<vmem_shared>> -> memref<80x128xf32, #tpu.memory_space<vmem_shared>>
      tpu.enqueue_dma source(%arg8 : memref<80x128xf32, #tpu.memory_space<vmem>>) target(%dma_start3A_91 : memref<80x128xf32, #tpu.memory_space<vmem_shared>>) target_semaphore(%run_scoped3A_87 : memref<!tpu.dma_semaphore, #tpu.memory_space<semaphore_mem>>)
      %dma_wait3A_92 = arith.constant 0 : i32
      %dma_wait3A_93 = tpu.memref_slice %arg10[%add3A_26, %dma_wait3A_92] : memref<10240x128xf32, #tpu.memory_space<vmem_shared>> -> memref<80x128xf32, #tpu.memory_space<vmem_shared>>
      %dma_wait3A_94 = arith.constant 0 : i32
      %dma_wait3A_95 = tpu.memref_slice %arg10[%add3A_26, %dma_wait3A_94] : memref<10240x128xf32, #tpu.memory_space<vmem_shared>> -> memref<80x128xf32, #tpu.memory_space<vmem_shared>>
      tpu.wait_dma2 semaphore(%run_scoped3A_87 : memref<!tpu.dma_semaphore, #tpu.memory_space<semaphore_mem>>) src(%arg8 : memref<80x128xf32, #tpu.memory_space<vmem>>) dst(%dma_wait3A_95 : memref<80x128xf32, #tpu.memory_space<vmem_shared>>)
      tpu.yield
    }) : () -> ()
    %mul3A_27 = arith.constant 640 : i32
    %mul3A_28 = arith.muli %arg1, %mul3A_27 : i32
    %add3A_29 = arith.constant 400 : i32
    %add3A_30 = arith.addi %mul3A_28, %add3A_29 : i32
    "tpu.region"() ({
      %run_scoped3A_87 = tpu.sem_alloc : memref<!tpu.dma_semaphore, #tpu.memory_space<semaphore_mem>>
      %dma_start3A_88 = arith.constant 0 : i32
      %dma_start3A_89 = tpu.memref_slice %arg10[%add3A_30, %dma_start3A_88] : memref<10240x128xf32, #tpu.memory_space<vmem_shared>> -> memref<80x128xf32, #tpu.memory_space<vmem_shared>>
      %dma_start3A_90 = arith.constant 0 : i32
      %dma_start3A_91 = tpu.memref_slice %arg10[%add3A_30, %dma_start3A_90] : memref<10240x128xf32, #tpu.memory_space<vmem_shared>> -> memref<80x128xf32, #tpu.memory_space<vmem_shared>>
      tpu.enqueue_dma source(%arg8 : memref<80x128xf32, #tpu.memory_space<vmem>>) target(%dma_start3A_91 : memref<80x128xf32, #tpu.memory_space<vmem_shared>>) target_semaphore(%run_scoped3A_87 : memref<!tpu.dma_semaphore, #tpu.memory_space<semaphore_mem>>)
      %dma_wait3A_92 = arith.constant 0 : i32
      %dma_wait3A_93 = tpu.memref_slice %arg10[%add3A_30, %dma_wait3A_92] : memref<10240x128xf32, #tpu.memory_space<vmem_shared>> -> memref<80x128xf32, #tpu.memory_space<vmem_shared>>
      %dma_wait3A_94 = arith.constant 0 : i32
      %dma_wait3A_95 = tpu.memref_slice %arg10[%add3A_30, %dma_wait3A_94] : memref<10240x128xf32, #tpu.memory_space<vmem_shared>> -> memref<80x128xf32, #tpu.memory_space<vmem_shared>>
      tpu.wait_dma2 semaphore(%run_scoped3A_87 : memref<!tpu.dma_semaphore, #tpu.memory_space<semaphore_mem>>) src(%arg8 : memref<80x128xf32, #tpu.memory_space<vmem>>) dst(%dma_wait3A_95 : memref<80x128xf32, #tpu.memory_space<vmem_shared>>)
      tpu.yield
    }) : () -> ()
    %mul3A_31 = arith.constant 640 : i32
    %mul3A_32 = arith.muli %arg1, %mul3A_31 : i32
    %add3A_33 = arith.constant 480 : i32
    %add3A_34 = arith.addi %mul3A_32, %add3A_33 : i32
    "tpu.region"() ({
      %run_scoped3A_87 = tpu.sem_alloc : memref<!tpu.dma_semaphore, #tpu.memory_space<semaphore_mem>>
      %dma_start3A_88 = arith.constant 0 : i32
      %dma_start3A_89 = tpu.memref_slice %arg10[%add3A_34, %dma_start3A_88] : memref<10240x128xf32, #tpu.memory_space<vmem_shared>> -> memref<80x128xf32, #tpu.memory_space<vmem_shared>>
      %dma_start3A_90 = arith.constant 0 : i32
      %dma_start3A_91 = tpu.memref_slice %arg10[%add3A_34, %dma_start3A_90] : memref<10240x128xf32, #tpu.memory_space<vmem_shared>> -> memref<80x128xf32, #tpu.memory_space<vmem_shared>>
      tpu.enqueue_dma source(%arg8 : memref<80x128xf32, #tpu.memory_space<vmem>>) target(%dma_start3A_91 : memref<80x128xf32, #tpu.memory_space<vmem_shared>>) target_semaphore(%run_scoped3A_87 : memref<!tpu.dma_semaphore, #tpu.memory_space<semaphore_mem>>)
      %dma_wait3A_92 = arith.constant 0 : i32
      %dma_wait3A_93 = tpu.memref_slice %arg10[%add3A_34, %dma_wait3A_92] : memref<10240x128xf32, #tpu.memory_space<vmem_shared>> -> memref<80x128xf32, #tpu.memory_space<vmem_shared>>
      %dma_wait3A_94 = arith.constant 0 : i32
      %dma_wait3A_95 = tpu.memref_slice %arg10[%add3A_34, %dma_wait3A_94] : memref<10240x128xf32, #tpu.memory_space<vmem_shared>> -> memref<80x128xf32, #tpu.memory_space<vmem_shared>>
      tpu.wait_dma2 semaphore(%run_scoped3A_87 : memref<!tpu.dma_semaphore, #tpu.memory_space<semaphore_mem>>) src(%arg8 : memref<80x128xf32, #tpu.memory_space<vmem>>) dst(%dma_wait3A_95 : memref<80x128xf32, #tpu.memory_space<vmem_shared>>)
      tpu.yield
    }) : () -> ()
    %mul3A_35 = arith.constant 640 : i32
    %mul3A_36 = arith.muli %arg1, %mul3A_35 : i32
    %add3A_37 = arith.constant 560 : i32
    %add3A_38 = arith.addi %mul3A_36, %add3A_37 : i32
    "tpu.region"() ({
      %run_scoped3A_87 = tpu.sem_alloc : memref<!tpu.dma_semaphore, #tpu.memory_space<semaphore_mem>>
      %dma_start3A_88 = arith.constant 0 : i32
      %dma_start3A_89 = tpu.memref_slice %arg10[%add3A_38, %dma_start3A_88] : memref<10240x128xf32, #tpu.memory_space<vmem_shared>> -> memref<80x128xf32, #tpu.memory_space<vmem_shared>>
      %dma_start3A_90 = arith.constant 0 : i32
      %dma_start3A_91 = tpu.memref_slice %arg10[%add3A_38, %dma_start3A_90] : memref<10240x128xf32, #tpu.memory_space<vmem_shared>> -> memref<80x128xf32, #tpu.memory_space<vmem_shared>>
      tpu.enqueue_dma source(%arg8 : memref<80x128xf32, #tpu.memory_space<vmem>>) target(%dma_start3A_91 : memref<80x128xf32, #tpu.memory_space<vmem_shared>>) target_semaphore(%run_scoped3A_87 : memref<!tpu.dma_semaphore, #tpu.memory_space<semaphore_mem>>)
      %dma_wait3A_92 = arith.constant 0 : i32
      %dma_wait3A_93 = tpu.memref_slice %arg10[%add3A_38, %dma_wait3A_92] : memref<10240x128xf32, #tpu.memory_space<vmem_shared>> -> memref<80x128xf32, #tpu.memory_space<vmem_shared>>
      %dma_wait3A_94 = arith.constant 0 : i32
      %dma_wait3A_95 = tpu.memref_slice %arg10[%add3A_38, %dma_wait3A_94] : memref<10240x128xf32, #tpu.memory_space<vmem_shared>> -> memref<80x128xf32, #tpu.memory_space<vmem_shared>>
      tpu.wait_dma2 semaphore(%run_scoped3A_87 : memref<!tpu.dma_semaphore, #tpu.memory_space<semaphore_mem>>) src(%arg8 : memref<80x128xf32, #tpu.memory_space<vmem>>) dst(%dma_wait3A_95 : memref<80x128xf32, #tpu.memory_space<vmem_shared>>)
      tpu.yield
    }) : () -> ()
    %barrier3A = arith.constant 0 : index
    tpu.barrier barrier_id(%barrier3A)
    %dma_start3A = arith.constant 0 : i32
    %dma_start3A_39 = tpu.memref_slice %arg6[%dma_start3A] : memref<10000xi32, #tpu.memory_space<vmem>> -> memref<80xi32, #tpu.memory_space<vmem>>
    %dma_start3A_40 = arith.constant 0 : i32
    %dma_start3A_41 = arith.constant 0 : i32
    %dma_start3A_42 = tpu.memref_slice %arg2[%dma_start3A_40, %dma_start3A_41] : memref<10000x128xf32, #tpu.memory_space<hbm>> -> memref<10000x128xf32, #tpu.memory_space<hbm>>
    tpu.enqueue_indirect_dma source(%dma_start3A_42 : memref<10000x128xf32, #tpu.memory_space<hbm>>) target(%arg8 : memref<80x128xf32, #tpu.memory_space<vmem>>) offsets(%dma_start3A_39 : memref<80xi32, #tpu.memory_space<vmem>>) semaphore(%arg11 : memref<!tpu.dma_semaphore, #tpu.memory_space<semaphore_mem>>)
    %scan3A_43 = arith.constant 0 : i32
    %scan3A_44 = arith.constant 0 : i32
    %scan3A_45 = arith.constant 62 : i32
    %scan3A_46 = arith.addi %scan3A_44, %scan3A_45 : i32
    %scan3A_47 = arith.constant 1 : i32
    %scan3A_48 = scf.for %scan3A_87 = %scan3A_44 to %scan3A_46 step %scan3A_47 iter_args(%scan3A_88 = %scan3A_43) -> (i32)  : i32 {
      %mul3A_89 = arith.constant 2 : i32
      %mul3A_90 = arith.muli %mul3A_89, %scan3A_87 : i32
      %mul3A_91 = arith.constant 80 : i32
      %mul3A_92 = arith.muli %mul3A_90, %mul3A_91 : i32
      %dma_wait3A_93 = tpu.memref_slice %arg6[%mul3A_92] : memref<10000xi32, #tpu.memory_space<vmem>> -> memref<80xi32, #tpu.memory_space<vmem>>
      %dma_wait3A_94 = arith.constant 0 : i32
      %dma_wait3A_95 = arith.constant 0 : i32
      %dma_wait3A_96 = tpu.memref_slice %arg2[%dma_wait3A_94, %dma_wait3A_95] : memref<10000x128xf32, #tpu.memory_space<hbm>> -> memref<10000x128xf32, #tpu.memory_space<hbm>>
      tpu.wait_indirect_dma semaphore(%arg11 : memref<!tpu.dma_semaphore, #tpu.memory_space<semaphore_mem>>) src(%dma_wait3A_96 : memref<10000x128xf32, #tpu.memory_space<hbm>>) dst(%arg8 : memref<80x128xf32, #tpu.memory_space<vmem>>)
      %add3A_97 = arith.constant 1 : i32
      %add3A_98 = arith.addi %mul3A_90, %add3A_97 : i32
      %mul3A_99 = arith.constant 80 : i32
      %mul3A_100 = arith.muli %add3A_98, %mul3A_99 : i32
      %dma_start3A_101 = tpu.memref_slice %arg6[%mul3A_100] : memref<10000xi32, #tpu.memory_space<vmem>> -> memref<80xi32, #tpu.memory_space<vmem>>
      %dma_start3A_102 = arith.constant 0 : i32
      %dma_start3A_103 = arith.constant 0 : i32
      %dma_start3A_104 = tpu.memref_slice %arg2[%dma_start3A_102, %dma_start3A_103] : memref<10000x128xf32, #tpu.memory_space<hbm>> -> memref<10000x128xf32, #tpu.memory_space<hbm>>
      tpu.enqueue_indirect_dma source(%dma_start3A_104 : memref<10000x128xf32, #tpu.memory_space<hbm>>) target(%arg9 : memref<80x128xf32, #tpu.memory_space<vmem>>) offsets(%dma_start3A_101 : memref<80xi32, #tpu.memory_space<vmem>>) semaphore(%arg12 : memref<!tpu.dma_semaphore, #tpu.memory_space<semaphore_mem>>)
      "tpu.region"() ({
        %run_scoped3A_124 = tpu.sem_alloc : memref<!tpu.dma_semaphore, #tpu.memory_space<semaphore_mem>>
        %dma_start3A_125 = arith.constant 0 : i32
        %dma_start3A_126 = tpu.memref_slice %arg7[%mul3A_90, %dma_start3A_125] : memref<125x80xi32, #tpu.memory_space<vmem>> -> memref<1x80xi32, #tpu.memory_space<vmem>>
        %dma_start3A_127 = tpu.memref_squeeze %dma_start3A_126 : memref<1x80xi32, #tpu.memory_space<vmem>> -> memref<80xi32, #tpu.memory_space<vmem>>
        %dma_start3A_128 = arith.constant 0 : i32
        %dma_start3A_129 = arith.constant 0 : i32
        %dma_start3A_130 = tpu.memref_slice %arg10[%dma_start3A_128, %dma_start3A_129] : memref<10240x128xf32, #tpu.memory_space<vmem_shared>> -> memref<10240x128xf32, #tpu.memory_space<vmem_shared>>
        tpu.enqueue_indirect_dma source(%arg8 : memref<80x128xf32, #tpu.memory_space<vmem>>) target(%dma_start3A_130 : memref<10240x128xf32, #tpu.memory_space<vmem_shared>>) offsets(%dma_start3A_127 : memref<80xi32, #tpu.memory_space<vmem>>) semaphore(%run_scoped3A_124 : memref<!tpu.dma_semaphore, #tpu.memory_space<semaphore_mem>>) {add = true}
        %dma_wait3A_131 = arith.constant 0 : i32
        %dma_wait3A_132 = tpu.memref_slice %arg7[%mul3A_90, %dma_wait3A_131] : memref<125x80xi32, #tpu.memory_space<vmem>> -> memref<1x80xi32, #tpu.memory_space<vmem>>
        %dma_wait3A_133 = tpu.memref_squeeze %dma_wait3A_132 : memref<1x80xi32, #tpu.memory_space<vmem>> -> memref<80xi32, #tpu.memory_space<vmem>>
        %dma_wait3A_134 = arith.constant 0 : i32
        %dma_wait3A_135 = arith.constant 0 : i32
        %dma_wait3A_136 = tpu.memref_slice %arg10[%dma_wait3A_134, %dma_wait3A_135] : memref<10240x128xf32, #tpu.memory_space<vmem_shared>> -> memref<10240x128xf32, #tpu.memory_space<vmem_shared>>
        tpu.wait_indirect_dma semaphore(%run_scoped3A_124 : memref<!tpu.dma_semaphore, #tpu.memory_space<semaphore_mem>>) src(%arg8 : memref<80x128xf32, #tpu.memory_space<vmem>>) dst(%dma_wait3A_136 : memref<10240x128xf32, #tpu.memory_space<vmem_shared>>)
        tpu.yield
      }) : () -> ()
      %add3A_105 = arith.constant 1 : i32
      %add3A_106 = arith.addi %mul3A_90, %add3A_105 : i32
      %mul3A_107 = arith.constant 80 : i32
      %mul3A_108 = arith.muli %add3A_106, %mul3A_107 : i32
      %dma_wait3A_109 = tpu.memref_slice %arg6[%mul3A_108] : memref<10000xi32, #tpu.memory_space<vmem>> -> memref<80xi32, #tpu.memory_space<vmem>>
      %dma_wait3A_110 = arith.constant 0 : i32
      %dma_wait3A_111 = arith.constant 0 : i32
      %dma_wait3A_112 = tpu.memref_slice %arg2[%dma_wait3A_110, %dma_wait3A_111] : memref<10000x128xf32, #tpu.memory_space<hbm>> -> memref<10000x128xf32, #tpu.memory_space<hbm>>
      tpu.wait_indirect_dma semaphore(%arg12 : memref<!tpu.dma_semaphore, #tpu.memory_space<semaphore_mem>>) src(%dma_wait3A_112 : memref<10000x128xf32, #tpu.memory_space<hbm>>) dst(%arg9 : memref<80x128xf32, #tpu.memory_space<vmem>>)
      %add3A_113 = arith.constant 2 : i32
      %add3A_114 = arith.addi %mul3A_90, %add3A_113 : i32
      %mul3A_115 = arith.constant 80 : i32
      %mul3A_116 = arith.muli %add3A_114, %mul3A_115 : i32
      %dma_start3A_117 = tpu.memref_slice %arg6[%mul3A_116] : memref<10000xi32, #tpu.memory_space<vmem>> -> memref<80xi32, #tpu.memory_space<vmem>>
      %dma_start3A_118 = arith.constant 0 : i32
      %dma_start3A_119 = arith.constant 0 : i32
      %dma_start3A_120 = tpu.memref_slice %arg2[%dma_start3A_118, %dma_start3A_119] : memref<10000x128xf32, #tpu.memory_space<hbm>> -> memref<10000x128xf32, #tpu.memory_space<hbm>>
      tpu.enqueue_indirect_dma source(%dma_start3A_120 : memref<10000x128xf32, #tpu.memory_space<hbm>>) target(%arg8 : memref<80x128xf32, #tpu.memory_space<vmem>>) offsets(%dma_start3A_117 : memref<80xi32, #tpu.memory_space<vmem>>) semaphore(%arg11 : memref<!tpu.dma_semaphore, #tpu.memory_space<semaphore_mem>>)
      %add3A_121 = arith.constant 1 : i32
      %add3A_122 = arith.addi %mul3A_90, %add3A_121 : i32
      "tpu.region"() ({
        %run_scoped3A_124 = tpu.sem_alloc : memref<!tpu.dma_semaphore, #tpu.memory_space<semaphore_mem>>
        %dma_start3A_125 = arith.constant 0 : i32
        %dma_start3A_126 = tpu.memref_slice %arg7[%add3A_122, %dma_start3A_125] : memref<125x80xi32, #tpu.memory_space<vmem>> -> memref<1x80xi32, #tpu.memory_space<vmem>>
        %dma_start3A_127 = tpu.memref_squeeze %dma_start3A_126 : memref<1x80xi32, #tpu.memory_space<vmem>> -> memref<80xi32, #tpu.memory_space<vmem>>
        %dma_start3A_128 = arith.constant 0 : i32
        %dma_start3A_129 = arith.constant 0 : i32
        %dma_start3A_130 = tpu.memref_slice %arg10[%dma_start3A_128, %dma_start3A_129] : memref<10240x128xf32, #tpu.memory_space<vmem_shared>> -> memref<10240x128xf32, #tpu.memory_space<vmem_shared>>
        tpu.enqueue_indirect_dma source(%arg9 : memref<80x128xf32, #tpu.memory_space<vmem>>) target(%dma_start3A_130 : memref<10240x128xf32, #tpu.memory_space<vmem_shared>>) offsets(%dma_start3A_127 : memref<80xi32, #tpu.memory_space<vmem>>) semaphore(%run_scoped3A_124 : memref<!tpu.dma_semaphore, #tpu.memory_space<semaphore_mem>>) {add = true}
        %dma_wait3A_131 = arith.constant 0 : i32
        %dma_wait3A_132 = tpu.memref_slice %arg7[%add3A_122, %dma_wait3A_131] : memref<125x80xi32, #tpu.memory_space<vmem>> -> memref<1x80xi32, #tpu.memory_space<vmem>>
        %dma_wait3A_133 = tpu.memref_squeeze %dma_wait3A_132 : memref<1x80xi32, #tpu.memory_space<vmem>> -> memref<80xi32, #tpu.memory_space<vmem>>
        %dma_wait3A_134 = arith.constant 0 : i32
        %dma_wait3A_135 = arith.constant 0 : i32
        %dma_wait3A_136 = tpu.memref_slice %arg10[%dma_wait3A_134, %dma_wait3A_135] : memref<10240x128xf32, #tpu.memory_space<vmem_shared>> -> memref<10240x128xf32, #tpu.memory_space<vmem_shared>>
        tpu.wait_indirect_dma semaphore(%run_scoped3A_124 : memref<!tpu.dma_semaphore, #tpu.memory_space<semaphore_mem>>) src(%arg9 : memref<80x128xf32, #tpu.memory_space<vmem>>) dst(%dma_wait3A_136 : memref<10240x128xf32, #tpu.memory_space<vmem_shared>>)
        tpu.yield
      }) : () -> ()
      %scan3A_123 = arith.constant 0 : i32
      scf.yield %scan3A_123 : i32
    }
    %scan3A_49 = arith.constant 62 : i32
    %dma_wait3A = arith.constant 9920 : i32
    %dma_wait3A_50 = tpu.memref_slice %arg6[%dma_wait3A] : memref<10000xi32, #tpu.memory_space<vmem>> -> memref<80xi32, #tpu.memory_space<vmem>>
    %dma_wait3A_51 = arith.constant 0 : i32
    %dma_wait3A_52 = arith.constant 0 : i32
    %dma_wait3A_53 = tpu.memref_slice %arg2[%dma_wait3A_51, %dma_wait3A_52] : memref<10000x128xf32, #tpu.memory_space<hbm>> -> memref<10000x128xf32, #tpu.memory_space<hbm>>
    tpu.wait_indirect_dma semaphore(%arg11 : memref<!tpu.dma_semaphore, #tpu.memory_space<semaphore_mem>>) src(%dma_wait3A_53 : memref<10000x128xf32, #tpu.memory_space<hbm>>) dst(%arg8 : memref<80x128xf32, #tpu.memory_space<vmem>>)
    %run_scoped3A = arith.constant 124 : i32
    "tpu.region"() ({
      %run_scoped3A_87 = tpu.sem_alloc : memref<!tpu.dma_semaphore, #tpu.memory_space<semaphore_mem>>
      %dma_start3A_88 = arith.constant 0 : i32
      %dma_start3A_89 = tpu.memref_slice %arg7[%run_scoped3A, %dma_start3A_88] : memref<125x80xi32, #tpu.memory_space<vmem>> -> memref<1x80xi32, #tpu.memory_space<vmem>>
      %dma_start3A_90 = tpu.memref_squeeze %dma_start3A_89 : memref<1x80xi32, #tpu.memory_space<vmem>> -> memref<80xi32, #tpu.memory_space<vmem>>
      %dma_start3A_91 = arith.constant 0 : i32
      %dma_start3A_92 = arith.constant 0 : i32
      %dma_start3A_93 = tpu.memref_slice %arg10[%dma_start3A_91, %dma_start3A_92] : memref<10240x128xf32, #tpu.memory_space<vmem_shared>> -> memref<10240x128xf32, #tpu.memory_space<vmem_shared>>
      tpu.enqueue_indirect_dma source(%arg8 : memref<80x128xf32, #tpu.memory_space<vmem>>) target(%dma_start3A_93 : memref<10240x128xf32, #tpu.memory_space<vmem_shared>>) offsets(%dma_start3A_90 : memref<80xi32, #tpu.memory_space<vmem>>) semaphore(%run_scoped3A_87 : memref<!tpu.dma_semaphore, #tpu.memory_space<semaphore_mem>>) {add = true}
      %dma_wait3A_94 = arith.constant 0 : i32
      %dma_wait3A_95 = tpu.memref_slice %arg7[%run_scoped3A, %dma_wait3A_94] : memref<125x80xi32, #tpu.memory_space<vmem>> -> memref<1x80xi32, #tpu.memory_space<vmem>>
      %dma_wait3A_96 = tpu.memref_squeeze %dma_wait3A_95 : memref<1x80xi32, #tpu.memory_space<vmem>> -> memref<80xi32, #tpu.memory_space<vmem>>
      %dma_wait3A_97 = arith.constant 0 : i32
      %dma_wait3A_98 = arith.constant 0 : i32
      %dma_wait3A_99 = tpu.memref_slice %arg10[%dma_wait3A_97, %dma_wait3A_98] : memref<10240x128xf32, #tpu.memory_space<vmem_shared>> -> memref<10240x128xf32, #tpu.memory_space<vmem_shared>>
      tpu.wait_indirect_dma semaphore(%run_scoped3A_87 : memref<!tpu.dma_semaphore, #tpu.memory_space<semaphore_mem>>) src(%arg8 : memref<80x128xf32, #tpu.memory_space<vmem>>) dst(%dma_wait3A_99 : memref<10240x128xf32, #tpu.memory_space<vmem_shared>>)
      tpu.yield
    }) : () -> ()
    %barrier3A_54 = arith.constant 0 : index
    tpu.barrier barrier_id(%barrier3A_54)
    %mul3A_55 = arith.constant 640 : i32
    %mul3A_56 = arith.muli %arg1, %mul3A_55 : i32
    %add3A_57 = arith.constant 0 : i32
    %add3A_58 = arith.addi %mul3A_56, %add3A_57 : i32
    "tpu.region"() ({
      %run_scoped3A_87 = tpu.sem_alloc : memref<!tpu.dma_semaphore, #tpu.memory_space<semaphore_mem>>
      %dma_start3A_88 = arith.constant 0 : i32
      %dma_start3A_89 = tpu.memref_slice %arg10[%add3A_58, %dma_start3A_88] : memref<10240x128xf32, #tpu.memory_space<vmem_shared>> -> memref<80x128xf32, #tpu.memory_space<vmem_shared>>
      %dma_start3A_90 = arith.constant 0 : i32
      %dma_start3A_91 = tpu.memref_slice %arg10[%add3A_58, %dma_start3A_90] : memref<10240x128xf32, #tpu.memory_space<vmem_shared>> -> memref<80x128xf32, #tpu.memory_space<vmem_shared>>
      tpu.enqueue_dma source(%dma_start3A_91 : memref<80x128xf32, #tpu.memory_space<vmem_shared>>) target(%arg8 : memref<80x128xf32, #tpu.memory_space<vmem>>) target_semaphore(%run_scoped3A_87 : memref<!tpu.dma_semaphore, #tpu.memory_space<semaphore_mem>>)
      %dma_wait3A_92 = arith.constant 0 : i32
      %dma_wait3A_93 = tpu.memref_slice %arg10[%add3A_58, %dma_wait3A_92] : memref<10240x128xf32, #tpu.memory_space<vmem_shared>> -> memref<80x128xf32, #tpu.memory_space<vmem_shared>>
      %dma_wait3A_94 = arith.constant 0 : i32
      %dma_wait3A_95 = tpu.memref_slice %arg10[%add3A_58, %dma_wait3A_94] : memref<10240x128xf32, #tpu.memory_space<vmem_shared>> -> memref<80x128xf32, #tpu.memory_space<vmem_shared>>
      tpu.wait_dma2 semaphore(%run_scoped3A_87 : memref<!tpu.dma_semaphore, #tpu.memory_space<semaphore_mem>>) src(%dma_wait3A_95 : memref<80x128xf32, #tpu.memory_space<vmem_shared>>) dst(%arg8 : memref<80x128xf32, #tpu.memory_space<vmem>>)
      tpu.yield
    }) : () -> ()
    "tpu.region"() ({
      %run_scoped3A_87 = tpu.sem_alloc : memref<!tpu.dma_semaphore, #tpu.memory_space<semaphore_mem>>
      %dma_start3A_88 = arith.constant 0 : i32
      %dma_start3A_89 = tpu.memref_slice %arg5[%arg0, %add3A_58, %dma_start3A_88] : memref<2x10240x128xf32, #tpu.memory_space<hbm>> -> memref<1x80x128xf32, #tpu.memory_space<hbm>>
      %dma_start3A_90 = tpu.memref_squeeze %dma_start3A_89 : memref<1x80x128xf32, #tpu.memory_space<hbm>> -> memref<80x128xf32, #tpu.memory_space<hbm>>
      %dma_start3A_91 = arith.constant 0 : i32
      %dma_start3A_92 = tpu.memref_slice %arg5[%arg0, %add3A_58, %dma_start3A_91] : memref<2x10240x128xf32, #tpu.memory_space<hbm>> -> memref<1x80x128xf32, #tpu.memory_space<hbm>>
      %dma_start3A_93 = tpu.memref_squeeze %dma_start3A_92 : memref<1x80x128xf32, #tpu.memory_space<hbm>> -> memref<80x128xf32, #tpu.memory_space<hbm>>
      tpu.enqueue_dma source(%arg8 : memref<80x128xf32, #tpu.memory_space<vmem>>) target(%dma_start3A_93 : memref<80x128xf32, #tpu.memory_space<hbm>>) target_semaphore(%run_scoped3A_87 : memref<!tpu.dma_semaphore, #tpu.memory_space<semaphore_mem>>)
      %dma_wait3A_94 = arith.constant 0 : i32
      %dma_wait3A_95 = tpu.memref_slice %arg5[%arg0, %add3A_58, %dma_wait3A_94] : memref<2x10240x128xf32, #tpu.memory_space<hbm>> -> memref<1x80x128xf32, #tpu.memory_space<hbm>>
      %dma_wait3A_96 = tpu.memref_squeeze %dma_wait3A_95 : memref<1x80x128xf32, #tpu.memory_space<hbm>> -> memref<80x128xf32, #tpu.memory_space<hbm>>
      %dma_wait3A_97 = arith.constant 0 : i32
      %dma_wait3A_98 = tpu.memref_slice %arg5[%arg0, %add3A_58, %dma_wait3A_97] : memref<2x10240x128xf32, #tpu.memory_space<hbm>> -> memref<1x80x128xf32, #tpu.memory_space<hbm>>
      %dma_wait3A_99 = tpu.memref_squeeze %dma_wait3A_98 : memref<1x80x128xf32, #tpu.memory_space<hbm>> -> memref<80x128xf32, #tpu.memory_space<hbm>>
      tpu.wait_dma2 semaphore(%run_scoped3A_87 : memref<!tpu.dma_semaphore, #tpu.memory_space<semaphore_mem>>) src(%arg8 : memref<80x128xf32, #tpu.memory_space<vmem>>) dst(%dma_wait3A_99 : memref<80x128xf32, #tpu.memory_space<hbm>>)
      tpu.yield
    }) : () -> ()
    %mul3A_59 = arith.constant 640 : i32
    %mul3A_60 = arith.muli %arg1, %mul3A_59 : i32
    %add3A_61 = arith.constant 80 : i32
    %add3A_62 = arith.addi %mul3A_60, %add3A_61 : i32
    "tpu.region"() ({
      %run_scoped3A_87 = tpu.sem_alloc : memref<!tpu.dma_semaphore, #tpu.memory_space<semaphore_mem>>
      %dma_start3A_88 = arith.constant 0 : i32
      %dma_start3A_89 = tpu.memref_slice %arg10[%add3A_62, %dma_start3A_88] : memref<10240x128xf32, #tpu.memory_space<vmem_shared>> -> memref<80x128xf32, #tpu.memory_space<vmem_shared>>
      %dma_start3A_90 = arith.constant 0 : i32
      %dma_start3A_91 = tpu.memref_slice %arg10[%add3A_62, %dma_start3A_90] : memref<10240x128xf32, #tpu.memory_space<vmem_shared>> -> memref<80x128xf32, #tpu.memory_space<vmem_shared>>
      tpu.enqueue_dma source(%dma_start3A_91 : memref<80x128xf32, #tpu.memory_space<vmem_shared>>) target(%arg8 : memref<80x128xf32, #tpu.memory_space<vmem>>) target_semaphore(%run_scoped3A_87 : memref<!tpu.dma_semaphore, #tpu.memory_space<semaphore_mem>>)
      %dma_wait3A_92 = arith.constant 0 : i32
      %dma_wait3A_93 = tpu.memref_slice %arg10[%add3A_62, %dma_wait3A_92] : memref<10240x128xf32, #tpu.memory_space<vmem_shared>> -> memref<80x128xf32, #tpu.memory_space<vmem_shared>>
      %dma_wait3A_94 = arith.constant 0 : i32
      %dma_wait3A_95 = tpu.memref_slice %arg10[%add3A_62, %dma_wait3A_94] : memref<10240x128xf32, #tpu.memory_space<vmem_shared>> -> memref<80x128xf32, #tpu.memory_space<vmem_shared>>
      tpu.wait_dma2 semaphore(%run_scoped3A_87 : memref<!tpu.dma_semaphore, #tpu.memory_space<semaphore_mem>>) src(%dma_wait3A_95 : memref<80x128xf32, #tpu.memory_space<vmem_shared>>) dst(%arg8 : memref<80x128xf32, #tpu.memory_space<vmem>>)
      tpu.yield
    }) : () -> ()
    "tpu.region"() ({
      %run_scoped3A_87 = tpu.sem_alloc : memref<!tpu.dma_semaphore, #tpu.memory_space<semaphore_mem>>
      %dma_start3A_88 = arith.constant 0 : i32
      %dma_start3A_89 = tpu.memref_slice %arg5[%arg0, %add3A_62, %dma_start3A_88] : memref<2x10240x128xf32, #tpu.memory_space<hbm>> -> memref<1x80x128xf32, #tpu.memory_space<hbm>>
      %dma_start3A_90 = tpu.memref_squeeze %dma_start3A_89 : memref<1x80x128xf32, #tpu.memory_space<hbm>> -> memref<80x128xf32, #tpu.memory_space<hbm>>
      %dma_start3A_91 = arith.constant 0 : i32
      %dma_start3A_92 = tpu.memref_slice %arg5[%arg0, %add3A_62, %dma_start3A_91] : memref<2x10240x128xf32, #tpu.memory_space<hbm>> -> memref<1x80x128xf32, #tpu.memory_space<hbm>>
      %dma_start3A_93 = tpu.memref_squeeze %dma_start3A_92 : memref<1x80x128xf32, #tpu.memory_space<hbm>> -> memref<80x128xf32, #tpu.memory_space<hbm>>
      tpu.enqueue_dma source(%arg8 : memref<80x128xf32, #tpu.memory_space<vmem>>) target(%dma_start3A_93 : memref<80x128xf32, #tpu.memory_space<hbm>>) target_semaphore(%run_scoped3A_87 : memref<!tpu.dma_semaphore, #tpu.memory_space<semaphore_mem>>)
      %dma_wait3A_94 = arith.constant 0 : i32
      %dma_wait3A_95 = tpu.memref_slice %arg5[%arg0, %add3A_62, %dma_wait3A_94] : memref<2x10240x128xf32, #tpu.memory_space<hbm>> -> memref<1x80x128xf32, #tpu.memory_space<hbm>>
      %dma_wait3A_96 = tpu.memref_squeeze %dma_wait3A_95 : memref<1x80x128xf32, #tpu.memory_space<hbm>> -> memref<80x128xf32, #tpu.memory_space<hbm>>
      %dma_wait3A_97 = arith.constant 0 : i32
      %dma_wait3A_98 = tpu.memref_slice %arg5[%arg0, %add3A_62, %dma_wait3A_97] : memref<2x10240x128xf32, #tpu.memory_space<hbm>> -> memref<1x80x128xf32, #tpu.memory_space<hbm>>
      %dma_wait3A_99 = tpu.memref_squeeze %dma_wait3A_98 : memref<1x80x128xf32, #tpu.memory_space<hbm>> -> memref<80x128xf32, #tpu.memory_space<hbm>>
      tpu.wait_dma2 semaphore(%run_scoped3A_87 : memref<!tpu.dma_semaphore, #tpu.memory_space<semaphore_mem>>) src(%arg8 : memref<80x128xf32, #tpu.memory_space<vmem>>) dst(%dma_wait3A_99 : memref<80x128xf32, #tpu.memory_space<hbm>>)
      tpu.yield
    }) : () -> ()
    %mul3A_63 = arith.constant 640 : i32
    %mul3A_64 = arith.muli %arg1, %mul3A_63 : i32
    %add3A_65 = arith.constant 160 : i32
    %add3A_66 = arith.addi %mul3A_64, %add3A_65 : i32
    "tpu.region"() ({
      %run_scoped3A_87 = tpu.sem_alloc : memref<!tpu.dma_semaphore, #tpu.memory_space<semaphore_mem>>
      %dma_start3A_88 = arith.constant 0 : i32
      %dma_start3A_89 = tpu.memref_slice %arg10[%add3A_66, %dma_start3A_88] : memref<10240x128xf32, #tpu.memory_space<vmem_shared>> -> memref<80x128xf32, #tpu.memory_space<vmem_shared>>
      %dma_start3A_90 = arith.constant 0 : i32
      %dma_start3A_91 = tpu.memref_slice %arg10[%add3A_66, %dma_start3A_90] : memref<10240x128xf32, #tpu.memory_space<vmem_shared>> -> memref<80x128xf32, #tpu.memory_space<vmem_shared>>
      tpu.enqueue_dma source(%dma_start3A_91 : memref<80x128xf32, #tpu.memory_space<vmem_shared>>) target(%arg8 : memref<80x128xf32, #tpu.memory_space<vmem>>) target_semaphore(%run_scoped3A_87 : memref<!tpu.dma_semaphore, #tpu.memory_space<semaphore_mem>>)
      %dma_wait3A_92 = arith.constant 0 : i32
      %dma_wait3A_93 = tpu.memref_slice %arg10[%add3A_66, %dma_wait3A_92] : memref<10240x128xf32, #tpu.memory_space<vmem_shared>> -> memref<80x128xf32, #tpu.memory_space<vmem_shared>>
      %dma_wait3A_94 = arith.constant 0 : i32
      %dma_wait3A_95 = tpu.memref_slice %arg10[%add3A_66, %dma_wait3A_94] : memref<10240x128xf32, #tpu.memory_space<vmem_shared>> -> memref<80x128xf32, #tpu.memory_space<vmem_shared>>
      tpu.wait_dma2 semaphore(%run_scoped3A_87 : memref<!tpu.dma_semaphore, #tpu.memory_space<semaphore_mem>>) src(%dma_wait3A_95 : memref<80x128xf32, #tpu.memory_space<vmem_shared>>) dst(%arg8 : memref<80x128xf32, #tpu.memory_space<vmem>>)
      tpu.yield
    }) : () -> ()
    "tpu.region"() ({
      %run_scoped3A_87 = tpu.sem_alloc : memref<!tpu.dma_semaphore, #tpu.memory_space<semaphore_mem>>
      %dma_start3A_88 = arith.constant 0 : i32
      %dma_start3A_89 = tpu.memref_slice %arg5[%arg0, %add3A_66, %dma_start3A_88] : memref<2x10240x128xf32, #tpu.memory_space<hbm>> -> memref<1x80x128xf32, #tpu.memory_space<hbm>>
      %dma_start3A_90 = tpu.memref_squeeze %dma_start3A_89 : memref<1x80x128xf32, #tpu.memory_space<hbm>> -> memref<80x128xf32, #tpu.memory_space<hbm>>
      %dma_start3A_91 = arith.constant 0 : i32
      %dma_start3A_92 = tpu.memref_slice %arg5[%arg0, %add3A_66, %dma_start3A_91] : memref<2x10240x128xf32, #tpu.memory_space<hbm>> -> memref<1x80x128xf32, #tpu.memory_space<hbm>>
      %dma_start3A_93 = tpu.memref_squeeze %dma_start3A_92 : memref<1x80x128xf32, #tpu.memory_space<hbm>> -> memref<80x128xf32, #tpu.memory_space<hbm>>
      tpu.enqueue_dma source(%arg8 : memref<80x128xf32, #tpu.memory_space<vmem>>) target(%dma_start3A_93 : memref<80x128xf32, #tpu.memory_space<hbm>>) target_semaphore(%run_scoped3A_87 : memref<!tpu.dma_semaphore, #tpu.memory_space<semaphore_mem>>)
      %dma_wait3A_94 = arith.constant 0 : i32
      %dma_wait3A_95 = tpu.memref_slice %arg5[%arg0, %add3A_66, %dma_wait3A_94] : memref<2x10240x128xf32, #tpu.memory_space<hbm>> -> memref<1x80x128xf32, #tpu.memory_space<hbm>>
      %dma_wait3A_96 = tpu.memref_squeeze %dma_wait3A_95 : memref<1x80x128xf32, #tpu.memory_space<hbm>> -> memref<80x128xf32, #tpu.memory_space<hbm>>
      %dma_wait3A_97 = arith.constant 0 : i32
      %dma_wait3A_98 = tpu.memref_slice %arg5[%arg0, %add3A_66, %dma_wait3A_97] : memref<2x10240x128xf32, #tpu.memory_space<hbm>> -> memref<1x80x128xf32, #tpu.memory_space<hbm>>
      %dma_wait3A_99 = tpu.memref_squeeze %dma_wait3A_98 : memref<1x80x128xf32, #tpu.memory_space<hbm>> -> memref<80x128xf32, #tpu.memory_space<hbm>>
      tpu.wait_dma2 semaphore(%run_scoped3A_87 : memref<!tpu.dma_semaphore, #tpu.memory_space<semaphore_mem>>) src(%arg8 : memref<80x128xf32, #tpu.memory_space<vmem>>) dst(%dma_wait3A_99 : memref<80x128xf32, #tpu.memory_space<hbm>>)
      tpu.yield
    }) : () -> ()
    %mul3A_67 = arith.constant 640 : i32
    %mul3A_68 = arith.muli %arg1, %mul3A_67 : i32
    %add3A_69 = arith.constant 240 : i32
    %add3A_70 = arith.addi %mul3A_68, %add3A_69 : i32
    "tpu.region"() ({
      %run_scoped3A_87 = tpu.sem_alloc : memref<!tpu.dma_semaphore, #tpu.memory_space<semaphore_mem>>
      %dma_start3A_88 = arith.constant 0 : i32
      %dma_start3A_89 = tpu.memref_slice %arg10[%add3A_70, %dma_start3A_88] : memref<10240x128xf32, #tpu.memory_space<vmem_shared>> -> memref<80x128xf32, #tpu.memory_space<vmem_shared>>
      %dma_start3A_90 = arith.constant 0 : i32
      %dma_start3A_91 = tpu.memref_slice %arg10[%add3A_70, %dma_start3A_90] : memref<10240x128xf32, #tpu.memory_space<vmem_shared>> -> memref<80x128xf32, #tpu.memory_space<vmem_shared>>
      tpu.enqueue_dma source(%dma_start3A_91 : memref<80x128xf32, #tpu.memory_space<vmem_shared>>) target(%arg8 : memref<80x128xf32, #tpu.memory_space<vmem>>) target_semaphore(%run_scoped3A_87 : memref<!tpu.dma_semaphore, #tpu.memory_space<semaphore_mem>>)
      %dma_wait3A_92 = arith.constant 0 : i32
      %dma_wait3A_93 = tpu.memref_slice %arg10[%add3A_70, %dma_wait3A_92] : memref<10240x128xf32, #tpu.memory_space<vmem_shared>> -> memref<80x128xf32, #tpu.memory_space<vmem_shared>>
      %dma_wait3A_94 = arith.constant 0 : i32
      %dma_wait3A_95 = tpu.memref_slice %arg10[%add3A_70, %dma_wait3A_94] : memref<10240x128xf32, #tpu.memory_space<vmem_shared>> -> memref<80x128xf32, #tpu.memory_space<vmem_shared>>
      tpu.wait_dma2 semaphore(%run_scoped3A_87 : memref<!tpu.dma_semaphore, #tpu.memory_space<semaphore_mem>>) src(%dma_wait3A_95 : memref<80x128xf32, #tpu.memory_space<vmem_shared>>) dst(%arg8 : memref<80x128xf32, #tpu.memory_space<vmem>>)
      tpu.yield
    }) : () -> ()
    "tpu.region"() ({
      %run_scoped3A_87 = tpu.sem_alloc : memref<!tpu.dma_semaphore, #tpu.memory_space<semaphore_mem>>
      %dma_start3A_88 = arith.constant 0 : i32
      %dma_start3A_89 = tpu.memref_slice %arg5[%arg0, %add3A_70, %dma_start3A_88] : memref<2x10240x128xf32, #tpu.memory_space<hbm>> -> memref<1x80x128xf32, #tpu.memory_space<hbm>>
      %dma_start3A_90 = tpu.memref_squeeze %dma_start3A_89 : memref<1x80x128xf32, #tpu.memory_space<hbm>> -> memref<80x128xf32, #tpu.memory_space<hbm>>
      %dma_start3A_91 = arith.constant 0 : i32
      %dma_start3A_92 = tpu.memref_slice %arg5[%arg0, %add3A_70, %dma_start3A_91] : memref<2x10240x128xf32, #tpu.memory_space<hbm>> -> memref<1x80x128xf32, #tpu.memory_space<hbm>>
      %dma_start3A_93 = tpu.memref_squeeze %dma_start3A_92 : memref<1x80x128xf32, #tpu.memory_space<hbm>> -> memref<80x128xf32, #tpu.memory_space<hbm>>
      tpu.enqueue_dma source(%arg8 : memref<80x128xf32, #tpu.memory_space<vmem>>) target(%dma_start3A_93 : memref<80x128xf32, #tpu.memory_space<hbm>>) target_semaphore(%run_scoped3A_87 : memref<!tpu.dma_semaphore, #tpu.memory_space<semaphore_mem>>)
      %dma_wait3A_94 = arith.constant 0 : i32
      %dma_wait3A_95 = tpu.memref_slice %arg5[%arg0, %add3A_70, %dma_wait3A_94] : memref<2x10240x128xf32, #tpu.memory_space<hbm>> -> memref<1x80x128xf32, #tpu.memory_space<hbm>>
      %dma_wait3A_96 = tpu.memref_squeeze %dma_wait3A_95 : memref<1x80x128xf32, #tpu.memory_space<hbm>> -> memref<80x128xf32, #tpu.memory_space<hbm>>
      %dma_wait3A_97 = arith.constant 0 : i32
      %dma_wait3A_98 = tpu.memref_slice %arg5[%arg0, %add3A_70, %dma_wait3A_97] : memref<2x10240x128xf32, #tpu.memory_space<hbm>> -> memref<1x80x128xf32, #tpu.memory_space<hbm>>
      %dma_wait3A_99 = tpu.memref_squeeze %dma_wait3A_98 : memref<1x80x128xf32, #tpu.memory_space<hbm>> -> memref<80x128xf32, #tpu.memory_space<hbm>>
      tpu.wait_dma2 semaphore(%run_scoped3A_87 : memref<!tpu.dma_semaphore, #tpu.memory_space<semaphore_mem>>) src(%arg8 : memref<80x128xf32, #tpu.memory_space<vmem>>) dst(%dma_wait3A_99 : memref<80x128xf32, #tpu.memory_space<hbm>>)
      tpu.yield
    }) : () -> ()
    %mul3A_71 = arith.constant 640 : i32
    %mul3A_72 = arith.muli %arg1, %mul3A_71 : i32
    %add3A_73 = arith.constant 320 : i32
    %add3A_74 = arith.addi %mul3A_72, %add3A_73 : i32
    "tpu.region"() ({
      %run_scoped3A_87 = tpu.sem_alloc : memref<!tpu.dma_semaphore, #tpu.memory_space<semaphore_mem>>
      %dma_start3A_88 = arith.constant 0 : i32
      %dma_start3A_89 = tpu.memref_slice %arg10[%add3A_74, %dma_start3A_88] : memref<10240x128xf32, #tpu.memory_space<vmem_shared>> -> memref<80x128xf32, #tpu.memory_space<vmem_shared>>
      %dma_start3A_90 = arith.constant 0 : i32
      %dma_start3A_91 = tpu.memref_slice %arg10[%add3A_74, %dma_start3A_90] : memref<10240x128xf32, #tpu.memory_space<vmem_shared>> -> memref<80x128xf32, #tpu.memory_space<vmem_shared>>
      tpu.enqueue_dma source(%dma_start3A_91 : memref<80x128xf32, #tpu.memory_space<vmem_shared>>) target(%arg8 : memref<80x128xf32, #tpu.memory_space<vmem>>) target_semaphore(%run_scoped3A_87 : memref<!tpu.dma_semaphore, #tpu.memory_space<semaphore_mem>>)
      %dma_wait3A_92 = arith.constant 0 : i32
      %dma_wait3A_93 = tpu.memref_slice %arg10[%add3A_74, %dma_wait3A_92] : memref<10240x128xf32, #tpu.memory_space<vmem_shared>> -> memref<80x128xf32, #tpu.memory_space<vmem_shared>>
      %dma_wait3A_94 = arith.constant 0 : i32
      %dma_wait3A_95 = tpu.memref_slice %arg10[%add3A_74, %dma_wait3A_94] : memref<10240x128xf32, #tpu.memory_space<vmem_shared>> -> memref<80x128xf32, #tpu.memory_space<vmem_shared>>
      tpu.wait_dma2 semaphore(%run_scoped3A_87 : memref<!tpu.dma_semaphore, #tpu.memory_space<semaphore_mem>>) src(%dma_wait3A_95 : memref<80x128xf32, #tpu.memory_space<vmem_shared>>) dst(%arg8 : memref<80x128xf32, #tpu.memory_space<vmem>>)
      tpu.yield
    }) : () -> ()
    "tpu.region"() ({
      %run_scoped3A_87 = tpu.sem_alloc : memref<!tpu.dma_semaphore, #tpu.memory_space<semaphore_mem>>
      %dma_start3A_88 = arith.constant 0 : i32
      %dma_start3A_89 = tpu.memref_slice %arg5[%arg0, %add3A_74, %dma_start3A_88] : memref<2x10240x128xf32, #tpu.memory_space<hbm>> -> memref<1x80x128xf32, #tpu.memory_space<hbm>>
      %dma_start3A_90 = tpu.memref_squeeze %dma_start3A_89 : memref<1x80x128xf32, #tpu.memory_space<hbm>> -> memref<80x128xf32, #tpu.memory_space<hbm>>
      %dma_start3A_91 = arith.constant 0 : i32
      %dma_start3A_92 = tpu.memref_slice %arg5[%arg0, %add3A_74, %dma_start3A_91] : memref<2x10240x128xf32, #tpu.memory_space<hbm>> -> memref<1x80x128xf32, #tpu.memory_space<hbm>>
      %dma_start3A_93 = tpu.memref_squeeze %dma_start3A_92 : memref<1x80x128xf32, #tpu.memory_space<hbm>> -> memref<80x128xf32, #tpu.memory_space<hbm>>
      tpu.enqueue_dma source(%arg8 : memref<80x128xf32, #tpu.memory_space<vmem>>) target(%dma_start3A_93 : memref<80x128xf32, #tpu.memory_space<hbm>>) target_semaphore(%run_scoped3A_87 : memref<!tpu.dma_semaphore, #tpu.memory_space<semaphore_mem>>)
      %dma_wait3A_94 = arith.constant 0 : i32
      %dma_wait3A_95 = tpu.memref_slice %arg5[%arg0, %add3A_74, %dma_wait3A_94] : memref<2x10240x128xf32, #tpu.memory_space<hbm>> -> memref<1x80x128xf32, #tpu.memory_space<hbm>>
      %dma_wait3A_96 = tpu.memref_squeeze %dma_wait3A_95 : memref<1x80x128xf32, #tpu.memory_space<hbm>> -> memref<80x128xf32, #tpu.memory_space<hbm>>
      %dma_wait3A_97 = arith.constant 0 : i32
      %dma_wait3A_98 = tpu.memref_slice %arg5[%arg0, %add3A_74, %dma_wait3A_97] : memref<2x10240x128xf32, #tpu.memory_space<hbm>> -> memref<1x80x128xf32, #tpu.memory_space<hbm>>
      %dma_wait3A_99 = tpu.memref_squeeze %dma_wait3A_98 : memref<1x80x128xf32, #tpu.memory_space<hbm>> -> memref<80x128xf32, #tpu.memory_space<hbm>>
      tpu.wait_dma2 semaphore(%run_scoped3A_87 : memref<!tpu.dma_semaphore, #tpu.memory_space<semaphore_mem>>) src(%arg8 : memref<80x128xf32, #tpu.memory_space<vmem>>) dst(%dma_wait3A_99 : memref<80x128xf32, #tpu.memory_space<hbm>>)
      tpu.yield
    }) : () -> ()
    %mul3A_75 = arith.constant 640 : i32
    %mul3A_76 = arith.muli %arg1, %mul3A_75 : i32
    %add3A_77 = arith.constant 400 : i32
    %add3A_78 = arith.addi %mul3A_76, %add3A_77 : i32
    "tpu.region"() ({
      %run_scoped3A_87 = tpu.sem_alloc : memref<!tpu.dma_semaphore, #tpu.memory_space<semaphore_mem>>
      %dma_start3A_88 = arith.constant 0 : i32
      %dma_start3A_89 = tpu.memref_slice %arg10[%add3A_78, %dma_start3A_88] : memref<10240x128xf32, #tpu.memory_space<vmem_shared>> -> memref<80x128xf32, #tpu.memory_space<vmem_shared>>
      %dma_start3A_90 = arith.constant 0 : i32
      %dma_start3A_91 = tpu.memref_slice %arg10[%add3A_78, %dma_start3A_90] : memref<10240x128xf32, #tpu.memory_space<vmem_shared>> -> memref<80x128xf32, #tpu.memory_space<vmem_shared>>
      tpu.enqueue_dma source(%dma_start3A_91 : memref<80x128xf32, #tpu.memory_space<vmem_shared>>) target(%arg8 : memref<80x128xf32, #tpu.memory_space<vmem>>) target_semaphore(%run_scoped3A_87 : memref<!tpu.dma_semaphore, #tpu.memory_space<semaphore_mem>>)
      %dma_wait3A_92 = arith.constant 0 : i32
      %dma_wait3A_93 = tpu.memref_slice %arg10[%add3A_78, %dma_wait3A_92] : memref<10240x128xf32, #tpu.memory_space<vmem_shared>> -> memref<80x128xf32, #tpu.memory_space<vmem_shared>>
      %dma_wait3A_94 = arith.constant 0 : i32
      %dma_wait3A_95 = tpu.memref_slice %arg10[%add3A_78, %dma_wait3A_94] : memref<10240x128xf32, #tpu.memory_space<vmem_shared>> -> memref<80x128xf32, #tpu.memory_space<vmem_shared>>
      tpu.wait_dma2 semaphore(%run_scoped3A_87 : memref<!tpu.dma_semaphore, #tpu.memory_space<semaphore_mem>>) src(%dma_wait3A_95 : memref<80x128xf32, #tpu.memory_space<vmem_shared>>) dst(%arg8 : memref<80x128xf32, #tpu.memory_space<vmem>>)
      tpu.yield
    }) : () -> ()
    "tpu.region"() ({
      %run_scoped3A_87 = tpu.sem_alloc : memref<!tpu.dma_semaphore, #tpu.memory_space<semaphore_mem>>
      %dma_start3A_88 = arith.constant 0 : i32
      %dma_start3A_89 = tpu.memref_slice %arg5[%arg0, %add3A_78, %dma_start3A_88] : memref<2x10240x128xf32, #tpu.memory_space<hbm>> -> memref<1x80x128xf32, #tpu.memory_space<hbm>>
      %dma_start3A_90 = tpu.memref_squeeze %dma_start3A_89 : memref<1x80x128xf32, #tpu.memory_space<hbm>> -> memref<80x128xf32, #tpu.memory_space<hbm>>
      %dma_start3A_91 = arith.constant 0 : i32
      %dma_start3A_92 = tpu.memref_slice %arg5[%arg0, %add3A_78, %dma_start3A_91] : memref<2x10240x128xf32, #tpu.memory_space<hbm>> -> memref<1x80x128xf32, #tpu.memory_space<hbm>>
      %dma_start3A_93 = tpu.memref_squeeze %dma_start3A_92 : memref<1x80x128xf32, #tpu.memory_space<hbm>> -> memref<80x128xf32, #tpu.memory_space<hbm>>
      tpu.enqueue_dma source(%arg8 : memref<80x128xf32, #tpu.memory_space<vmem>>) target(%dma_start3A_93 : memref<80x128xf32, #tpu.memory_space<hbm>>) target_semaphore(%run_scoped3A_87 : memref<!tpu.dma_semaphore, #tpu.memory_space<semaphore_mem>>)
      %dma_wait3A_94 = arith.constant 0 : i32
      %dma_wait3A_95 = tpu.memref_slice %arg5[%arg0, %add3A_78, %dma_wait3A_94] : memref<2x10240x128xf32, #tpu.memory_space<hbm>> -> memref<1x80x128xf32, #tpu.memory_space<hbm>>
      %dma_wait3A_96 = tpu.memref_squeeze %dma_wait3A_95 : memref<1x80x128xf32, #tpu.memory_space<hbm>> -> memref<80x128xf32, #tpu.memory_space<hbm>>
      %dma_wait3A_97 = arith.constant 0 : i32
      %dma_wait3A_98 = tpu.memref_slice %arg5[%arg0, %add3A_78, %dma_wait3A_97] : memref<2x10240x128xf32, #tpu.memory_space<hbm>> -> memref<1x80x128xf32, #tpu.memory_space<hbm>>
      %dma_wait3A_99 = tpu.memref_squeeze %dma_wait3A_98 : memref<1x80x128xf32, #tpu.memory_space<hbm>> -> memref<80x128xf32, #tpu.memory_space<hbm>>
      tpu.wait_dma2 semaphore(%run_scoped3A_87 : memref<!tpu.dma_semaphore, #tpu.memory_space<semaphore_mem>>) src(%arg8 : memref<80x128xf32, #tpu.memory_space<vmem>>) dst(%dma_wait3A_99 : memref<80x128xf32, #tpu.memory_space<hbm>>)
      tpu.yield
    }) : () -> ()
    %mul3A_79 = arith.constant 640 : i32
    %mul3A_80 = arith.muli %arg1, %mul3A_79 : i32
    %add3A_81 = arith.constant 480 : i32
    %add3A_82 = arith.addi %mul3A_80, %add3A_81 : i32
    "tpu.region"() ({
      %run_scoped3A_87 = tpu.sem_alloc : memref<!tpu.dma_semaphore, #tpu.memory_space<semaphore_mem>>
      %dma_start3A_88 = arith.constant 0 : i32
      %dma_start3A_89 = tpu.memref_slice %arg10[%add3A_82, %dma_start3A_88] : memref<10240x128xf32, #tpu.memory_space<vmem_shared>> -> memref<80x128xf32, #tpu.memory_space<vmem_shared>>
      %dma_start3A_90 = arith.constant 0 : i32
      %dma_start3A_91 = tpu.memref_slice %arg10[%add3A_82, %dma_start3A_90] : memref<10240x128xf32, #tpu.memory_space<vmem_shared>> -> memref<80x128xf32, #tpu.memory_space<vmem_shared>>
      tpu.enqueue_dma source(%dma_start3A_91 : memref<80x128xf32, #tpu.memory_space<vmem_shared>>) target(%arg8 : memref<80x128xf32, #tpu.memory_space<vmem>>) target_semaphore(%run_scoped3A_87 : memref<!tpu.dma_semaphore, #tpu.memory_space<semaphore_mem>>)
      %dma_wait3A_92 = arith.constant 0 : i32
      %dma_wait3A_93 = tpu.memref_slice %arg10[%add3A_82, %dma_wait3A_92] : memref<10240x128xf32, #tpu.memory_space<vmem_shared>> -> memref<80x128xf32, #tpu.memory_space<vmem_shared>>
      %dma_wait3A_94 = arith.constant 0 : i32
      %dma_wait3A_95 = tpu.memref_slice %arg10[%add3A_82, %dma_wait3A_94] : memref<10240x128xf32, #tpu.memory_space<vmem_shared>> -> memref<80x128xf32, #tpu.memory_space<vmem_shared>>
      tpu.wait_dma2 semaphore(%run_scoped3A_87 : memref<!tpu.dma_semaphore, #tpu.memory_space<semaphore_mem>>) src(%dma_wait3A_95 : memref<80x128xf32, #tpu.memory_space<vmem_shared>>) dst(%arg8 : memref<80x128xf32, #tpu.memory_space<vmem>>)
      tpu.yield
    }) : () -> ()
    "tpu.region"() ({
      %run_scoped3A_87 = tpu.sem_alloc : memref<!tpu.dma_semaphore, #tpu.memory_space<semaphore_mem>>
      %dma_start3A_88 = arith.constant 0 : i32
      %dma_start3A_89 = tpu.memref_slice %arg5[%arg0, %add3A_82, %dma_start3A_88] : memref<2x10240x128xf32, #tpu.memory_space<hbm>> -> memref<1x80x128xf32, #tpu.memory_space<hbm>>
      %dma_start3A_90 = tpu.memref_squeeze %dma_start3A_89 : memref<1x80x128xf32, #tpu.memory_space<hbm>> -> memref<80x128xf32, #tpu.memory_space<hbm>>
      %dma_start3A_91 = arith.constant 0 : i32
      %dma_start3A_92 = tpu.memref_slice %arg5[%arg0, %add3A_82, %dma_start3A_91] : memref<2x10240x128xf32, #tpu.memory_space<hbm>> -> memref<1x80x128xf32, #tpu.memory_space<hbm>>
      %dma_start3A_93 = tpu.memref_squeeze %dma_start3A_92 : memref<1x80x128xf32, #tpu.memory_space<hbm>> -> memref<80x128xf32, #tpu.memory_space<hbm>>
      tpu.enqueue_dma source(%arg8 : memref<80x128xf32, #tpu.memory_space<vmem>>) target(%dma_start3A_93 : memref<80x128xf32, #tpu.memory_space<hbm>>) target_semaphore(%run_scoped3A_87 : memref<!tpu.dma_semaphore, #tpu.memory_space<semaphore_mem>>)
      %dma_wait3A_94 = arith.constant 0 : i32
      %dma_wait3A_95 = tpu.memref_slice %arg5[%arg0, %add3A_82, %dma_wait3A_94] : memref<2x10240x128xf32, #tpu.memory_space<hbm>> -> memref<1x80x128xf32, #tpu.memory_space<hbm>>
      %dma_wait3A_96 = tpu.memref_squeeze %dma_wait3A_95 : memref<1x80x128xf32, #tpu.memory_space<hbm>> -> memref<80x128xf32, #tpu.memory_space<hbm>>
      %dma_wait3A_97 = arith.constant 0 : i32
      %dma_wait3A_98 = tpu.memref_slice %arg5[%arg0, %add3A_82, %dma_wait3A_97] : memref<2x10240x128xf32, #tpu.memory_space<hbm>> -> memref<1x80x128xf32, #tpu.memory_space<hbm>>
      %dma_wait3A_99 = tpu.memref_squeeze %dma_wait3A_98 : memref<1x80x128xf32, #tpu.memory_space<hbm>> -> memref<80x128xf32, #tpu.memory_space<hbm>>
      tpu.wait_dma2 semaphore(%run_scoped3A_87 : memref<!tpu.dma_semaphore, #tpu.memory_space<semaphore_mem>>) src(%arg8 : memref<80x128xf32, #tpu.memory_space<vmem>>) dst(%dma_wait3A_99 : memref<80x128xf32, #tpu.memory_space<hbm>>)
      tpu.yield
    }) : () -> ()
    %mul3A_83 = arith.constant 640 : i32
    %mul3A_84 = arith.muli %arg1, %mul3A_83 : i32
    %add3A_85 = arith.constant 560 : i32
    %add3A_86 = arith.addi %mul3A_84, %add3A_85 : i32
    "tpu.region"() ({
      %run_scoped3A_87 = tpu.sem_alloc : memref<!tpu.dma_semaphore, #tpu.memory_space<semaphore_mem>>
      %dma_start3A_88 = arith.constant 0 : i32
      %dma_start3A_89 = tpu.memref_slice %arg10[%add3A_86, %dma_start3A_88] : memref<10240x128xf32, #tpu.memory_space<vmem_shared>> -> memref<80x128xf32, #tpu.memory_space<vmem_shared>>
      %dma_start3A_90 = arith.constant 0 : i32
      %dma_start3A_91 = tpu.memref_slice %arg10[%add3A_86, %dma_start3A_90] : memref<10240x128xf32, #tpu.memory_space<vmem_shared>> -> memref<80x128xf32, #tpu.memory_space<vmem_shared>>
      tpu.enqueue_dma source(%dma_start3A_91 : memref<80x128xf32, #tpu.memory_space<vmem_shared>>) target(%arg8 : memref<80x128xf32, #tpu.memory_space<vmem>>) target_semaphore(%run_scoped3A_87 : memref<!tpu.dma_semaphore, #tpu.memory_space<semaphore_mem>>)
      %dma_wait3A_92 = arith.constant 0 : i32
      %dma_wait3A_93 = tpu.memref_slice %arg10[%add3A_86, %dma_wait3A_92] : memref<10240x128xf32, #tpu.memory_space<vmem_shared>> -> memref<80x128xf32, #tpu.memory_space<vmem_shared>>
      %dma_wait3A_94 = arith.constant 0 : i32
      %dma_wait3A_95 = tpu.memref_slice %arg10[%add3A_86, %dma_wait3A_94] : memref<10240x128xf32, #tpu.memory_space<vmem_shared>> -> memref<80x128xf32, #tpu.memory_space<vmem_shared>>
      tpu.wait_dma2 semaphore(%run_scoped3A_87 : memref<!tpu.dma_semaphore, #tpu.memory_space<semaphore_mem>>) src(%dma_wait3A_95 : memref<80x128xf32, #tpu.memory_space<vmem_shared>>) dst(%arg8 : memref<80x128xf32, #tpu.memory_space<vmem>>)
      tpu.yield
    }) : () -> ()
    "tpu.region"() ({
      %run_scoped3A_87 = tpu.sem_alloc : memref<!tpu.dma_semaphore, #tpu.memory_space<semaphore_mem>>
      %dma_start3A_88 = arith.constant 0 : i32
      %dma_start3A_89 = tpu.memref_slice %arg5[%arg0, %add3A_86, %dma_start3A_88] : memref<2x10240x128xf32, #tpu.memory_space<hbm>> -> memref<1x80x128xf32, #tpu.memory_space<hbm>>
      %dma_start3A_90 = tpu.memref_squeeze %dma_start3A_89 : memref<1x80x128xf32, #tpu.memory_space<hbm>> -> memref<80x128xf32, #tpu.memory_space<hbm>>
      %dma_start3A_91 = arith.constant 0 : i32
      %dma_start3A_92 = tpu.memref_slice %arg5[%arg0, %add3A_86, %dma_start3A_91] : memref<2x10240x128xf32, #tpu.memory_space<hbm>> -> memref<1x80x128xf32, #tpu.memory_space<hbm>>
      %dma_start3A_93 = tpu.memref_squeeze %dma_start3A_92 : memref<1x80x128xf32, #tpu.memory_space<hbm>> -> memref<80x128xf32, #tpu.memory_space<hbm>>
      tpu.enqueue_dma source(%arg8 : memref<80x128xf32, #tpu.memory_space<vmem>>) target(%dma_start3A_93 : memref<80x128xf32, #tpu.memory_space<hbm>>) target_semaphore(%run_scoped3A_87 : memref<!tpu.dma_semaphore, #tpu.memory_space<semaphore_mem>>)
      %dma_wait3A_94 = arith.constant 0 : i32
      %dma_wait3A_95 = tpu.memref_slice %arg5[%arg0, %add3A_86, %dma_wait3A_94] : memref<2x10240x128xf32, #tpu.memory_space<hbm>> -> memref<1x80x128xf32, #tpu.memory_space<hbm>>
      %dma_wait3A_96 = tpu.memref_squeeze %dma_wait3A_95 : memref<1x80x128xf32, #tpu.memory_space<hbm>> -> memref<80x128xf32, #tpu.memory_space<hbm>>
      %dma_wait3A_97 = arith.constant 0 : i32
      %dma_wait3A_98 = tpu.memref_slice %arg5[%arg0, %add3A_86, %dma_wait3A_97] : memref<2x10240x128xf32, #tpu.memory_space<hbm>> -> memref<1x80x128xf32, #tpu.memory_space<hbm>>
      %dma_wait3A_99 = tpu.memref_squeeze %dma_wait3A_98 : memref<1x80x128xf32, #tpu.memory_space<hbm>> -> memref<80x128xf32, #tpu.memory_space<hbm>>
      tpu.wait_dma2 semaphore(%run_scoped3A_87 : memref<!tpu.dma_semaphore, #tpu.memory_space<semaphore_mem>>) src(%arg8 : memref<80x128xf32, #tpu.memory_space<vmem>>) dst(%dma_wait3A_99 : memref<80x128xf32, #tpu.memory_space<hbm>>)
      tpu.yield
    }) : () -> ()
    return
  }
}

#map = affine_map<(d0, d1) -> (0, 0)>
#map1 = affine_map<(d0, d1) -> (0, 0, 0)>
module attributes {stable_mosaic.version = 14 : i64} {
  func.func @_sc_agg_body(%arg0: i32, %arg1: i32, %arg2: memref<10000x128xf32, #tpu.memory_space<hbm>>, %arg3: memref<32x10000xi32, #tpu.memory_space<hbm>>, %arg4: memref<32x125x80xi32, #tpu.memory_space<hbm>>, %arg5: memref<2x10240x128xf32, #tpu.memory_space<hbm>>, %arg6: memref<10000xi32, #tpu.memory_space<vmem>>, %arg7: memref<125x80xi32, #tpu.memory_space<vmem>>, %arg8: memref<80x128xf32, #tpu.memory_space<vmem>>, %arg9: memref<80x128xf32, #tpu.memory_space<vmem>>, %arg10: memref<10240x128xf32, #tpu.memory_space<vmem_shared>>, %arg11: memref<!tpu.dma_semaphore, #tpu.memory_space<semaphore_mem>>, %arg12: memref<!tpu.dma_semaphore, #tpu.memory_space<semaphore_mem>>) attributes {dimension_semantics = [#tpu.dimension_semantics<core_parallel>, #tpu.dimension_semantics<subcore_parallel>], iteration_bounds = array<i64: 2, 16>, scalar_prefetch = 0 : i64, scratch_operands = 7 : i64, tpu.core_type = #tpu.core_type<sc_vector_subcore>, window_params = [{transform_indices = #map}, {transform_indices = #map}, {transform_indices = #map1}, {transform_indices = #map1}]} {
    %mul3A = arith.constant 16 : i32
    %mul3A_0 = arith.muli %arg0, %mul3A : i32
    %add3A = arith.addi %mul3A_0, %arg1 : i32
    "tpu.region"() ({
      %run_scoped3A_87 = tpu.sem_alloc : memref<!tpu.dma_semaphore, #tpu.memory_space<semaphore_mem>>
      %dma_start3A_88 = arith.constant 0 : i32
      %dma_start3A_89 = tpu.memref_slice %arg3[%add3A, %dma_start3A_88] : memref<32x10000xi32, #tpu.memory_space<hbm>> -> memref<1x10000xi32, #tpu.memory_space<hbm>>
      %dma_start3A_90 = tpu.memref_squeeze %dma_start3A_89 : memref<1x10000xi32, #tpu.memory_space<hbm>> -> memref<10000xi32, #tpu.memory_space<hbm>>
      %dma_start3A_91 = arith.constant 0 : i32
      %dma_start3A_92 = tpu.memref_slice %arg3[%add3A, %dma_start3A_91] : memref<32x10000xi32, #tpu.memory_space<hbm>> -> memref<1x10000xi32, #tpu.memory_space<hbm>>
      %dma_start3A_93 = tpu.memref_squeeze %dma_start3A_92 : memref<1x10000xi32, #tpu.memory_space<hbm>> -> memref<10000xi32, #tpu.memory_space<hbm>>
      tpu.enqueue_dma source(%dma_start3A_93 : memref<10000xi32, #tpu.memory_space<hbm>>) target(%arg6 : memref<10000xi32, #tpu.memory_space<vmem>>) target_semaphore(%run_scoped3A_87 : memref<!tpu.dma_semaphore, #tpu.memory_space<semaphore_mem>>)
      %dma_wait3A_94 = arith.constant 0 : i32
      %dma_wait3A_95 = tpu.memref_slice %arg3[%add3A, %dma_wait3A_94] : memref<32x10000xi32, #tpu.memory_space<hbm>> -> memref<1x10000xi32, #tpu.memory_space<hbm>>
      %dma_wait3A_96 = tpu.memref_squeeze %dma_wait3A_95 : memref<1x10000xi32, #tpu.memory_space<hbm>> -> memref<10000xi32, #tpu.memory_space<hbm>>
      %dma_wait3A_97 = arith.constant 0 : i32
      %dma_wait3A_98 = tpu.memref_slice %arg3[%add3A, %dma_wait3A_97] : memref<32x10000xi32, #tpu.memory_space<hbm>> -> memref<1x10000xi32, #tpu.memory_space<hbm>>
      %dma_wait3A_99 = tpu.memref_squeeze %dma_wait3A_98 : memref<1x10000xi32, #tpu.memory_space<hbm>> -> memref<10000xi32, #tpu.memory_space<hbm>>
      tpu.wait_dma2 semaphore(%run_scoped3A_87 : memref<!tpu.dma_semaphore, #tpu.memory_space<semaphore_mem>>) src(%dma_wait3A_99 : memref<10000xi32, #tpu.memory_space<hbm>>) dst(%arg6 : memref<10000xi32, #tpu.memory_space<vmem>>)
      tpu.yield
    }) : () -> ()
    "tpu.region"() ({
      %run_scoped3A_87 = tpu.sem_alloc : memref<!tpu.dma_semaphore, #tpu.memory_space<semaphore_mem>>
      %dma_start3A_88 = arith.constant 0 : i32
      %dma_start3A_89 = arith.constant 0 : i32
      %dma_start3A_90 = tpu.memref_slice %arg4[%add3A, %dma_start3A_88, %dma_start3A_89] : memref<32x125x80xi32, #tpu.memory_space<hbm>> -> memref<1x125x80xi32, #tpu.memory_space<hbm>>
      %dma_start3A_91 = tpu.memref_squeeze %dma_start3A_90 : memref<1x125x80xi32, #tpu.memory_space<hbm>> -> memref<125x80xi32, #tpu.memory_space<hbm>>
      %dma_start3A_92 = arith.constant 0 : i32
      %dma_start3A_93 = arith.constant 0 : i32
      %dma_start3A_94 = tpu.memref_slice %arg4[%add3A, %dma_start3A_92, %dma_start3A_93] : memref<32x125x80xi32, #tpu.memory_space<hbm>> -> memref<1x125x80xi32, #tpu.memory_space<hbm>>
      %dma_start3A_95 = tpu.memref_squeeze %dma_start3A_94 : memref<1x125x80xi32, #tpu.memory_space<hbm>> -> memref<125x80xi32, #tpu.memory_space<hbm>>
      tpu.enqueue_dma source(%dma_start3A_95 : memref<125x80xi32, #tpu.memory_space<hbm>>) target(%arg7 : memref<125x80xi32, #tpu.memory_space<vmem>>) target_semaphore(%run_scoped3A_87 : memref<!tpu.dma_semaphore, #tpu.memory_space<semaphore_mem>>)
      %dma_wait3A_96 = arith.constant 0 : i32
      %dma_wait3A_97 = arith.constant 0 : i32
      %dma_wait3A_98 = tpu.memref_slice %arg4[%add3A, %dma_wait3A_96, %dma_wait3A_97] : memref<32x125x80xi32, #tpu.memory_space<hbm>> -> memref<1x125x80xi32, #tpu.memory_space<hbm>>
      %dma_wait3A_99 = tpu.memref_squeeze %dma_wait3A_98 : memref<1x125x80xi32, #tpu.memory_space<hbm>> -> memref<125x80xi32, #tpu.memory_space<hbm>>
      %dma_wait3A_100 = arith.constant 0 : i32
      %dma_wait3A_101 = arith.constant 0 : i32
      %dma_wait3A_102 = tpu.memref_slice %arg4[%add3A, %dma_wait3A_100, %dma_wait3A_101] : memref<32x125x80xi32, #tpu.memory_space<hbm>> -> memref<1x125x80xi32, #tpu.memory_space<hbm>>
      %dma_wait3A_103 = tpu.memref_squeeze %dma_wait3A_102 : memref<1x125x80xi32, #tpu.memory_space<hbm>> -> memref<125x80xi32, #tpu.memory_space<hbm>>
      tpu.wait_dma2 semaphore(%run_scoped3A_87 : memref<!tpu.dma_semaphore, #tpu.memory_space<semaphore_mem>>) src(%dma_wait3A_103 : memref<125x80xi32, #tpu.memory_space<hbm>>) dst(%arg7 : memref<125x80xi32, #tpu.memory_space<vmem>>)
      tpu.yield
    }) : () -> ()
    %scan3A = arith.constant 0 : i32
    %scan3A_1 = arith.constant 0 : i32
    %scan3A_2 = arith.constant 80 : i32
    %scan3A_3 = arith.addi %scan3A_1, %scan3A_2 : i32
    %scan3A_4 = arith.constant 1 : i32
    %scan3A_5 = scf.for %scan3A_87 = %scan3A_1 to %scan3A_3 step %scan3A_4 iter_args(%scan3A_88 = %scan3A) -> (i32)  : i32 {
      %broadcast_in_dim3A = arith.constant 0.000000e+00 : f32
      %broadcast_in_dim3A_89 = vector.broadcast %broadcast_in_dim3A : f32 to vector<16xf32>
      %swap3A = arith.index_cast %scan3A_87 : i32 to index
      %swap3A_90 = arith.constant 0 : index
      %swap3A_91 = tpu.vector_load %arg8[%swap3A, %swap3A_90] {strides = array<i32>} : memref<80x128xf32, #tpu.memory_space<vmem>>, vector<1x16xf32>,
      %swap3A_92 = vector.shape_cast %swap3A_91 : vector<1x16xf32> to vector<16xf32>
      %swap3A_93 = vector.shape_cast %broadcast_in_dim3A_89 : vector<16xf32> to vector<1x16xf32>
      tpu.vector_store %arg8[%swap3A, %swap3A_90], %swap3A_93 {strides = array<i32>} : memref<80x128xf32, #tpu.memory_space<vmem>>, vector<1x16xf32>,
      %broadcast_in_dim3A_94 = arith.constant 0.000000e+00 : f32
      %broadcast_in_dim3A_95 = vector.broadcast %broadcast_in_dim3A_94 : f32 to vector<16xf32>
      %swap3A_96 = arith.index_cast %scan3A_87 : i32 to index
      %swap3A_97 = arith.constant 16 : index
      %swap3A_98 = tpu.vector_load %arg8[%swap3A_96, %swap3A_97] {strides = array<i32>} : memref<80x128xf32, #tpu.memory_space<vmem>>, vector<1x16xf32>,
      %swap3A_99 = vector.shape_cast %swap3A_98 : vector<1x16xf32> to vector<16xf32>
      %swap3A_100 = vector.shape_cast %broadcast_in_dim3A_95 : vector<16xf32> to vector<1x16xf32>
      tpu.vector_store %arg8[%swap3A_96, %swap3A_97], %swap3A_100 {strides = array<i32>} : memref<80x128xf32, #tpu.memory_space<vmem>>, vector<1x16xf32>,
      %broadcast_in_dim3A_101 = arith.constant 0.000000e+00 : f32
      %broadcast_in_dim3A_102 = vector.broadcast %broadcast_in_dim3A_101 : f32 to vector<16xf32>
      %swap3A_103 = arith.index_cast %scan3A_87 : i32 to index
      %swap3A_104 = arith.constant 32 : index
      %swap3A_105 = tpu.vector_load %arg8[%swap3A_103, %swap3A_104] {strides = array<i32>} : memref<80x128xf32, #tpu.memory_space<vmem>>, vector<1x16xf32>,
      %swap3A_106 = vector.shape_cast %swap3A_105 : vector<1x16xf32> to vector<16xf32>
      %swap3A_107 = vector.shape_cast %broadcast_in_dim3A_102 : vector<16xf32> to vector<1x16xf32>
      tpu.vector_store %arg8[%swap3A_103, %swap3A_104], %swap3A_107 {strides = array<i32>} : memref<80x128xf32, #tpu.memory_space<vmem>>, vector<1x16xf32>,
      %broadcast_in_dim3A_108 = arith.constant 0.000000e+00 : f32
      %broadcast_in_dim3A_109 = vector.broadcast %broadcast_in_dim3A_108 : f32 to vector<16xf32>
      %swap3A_110 = arith.index_cast %scan3A_87 : i32 to index
      %swap3A_111 = arith.constant 48 : index
      %swap3A_112 = tpu.vector_load %arg8[%swap3A_110, %swap3A_111] {strides = array<i32>} : memref<80x128xf32, #tpu.memory_space<vmem>>, vector<1x16xf32>,
      %swap3A_113 = vector.shape_cast %swap3A_112 : vector<1x16xf32> to vector<16xf32>
      %swap3A_114 = vector.shape_cast %broadcast_in_dim3A_109 : vector<16xf32> to vector<1x16xf32>
      tpu.vector_store %arg8[%swap3A_110, %swap3A_111], %swap3A_114 {strides = array<i32>} : memref<80x128xf32, #tpu.memory_space<vmem>>, vector<1x16xf32>,
      %broadcast_in_dim3A_115 = arith.constant 0.000000e+00 : f32
      %broadcast_in_dim3A_116 = vector.broadcast %broadcast_in_dim3A_115 : f32 to vector<16xf32>
      %swap3A_117 = arith.index_cast %scan3A_87 : i32 to index
      %swap3A_118 = arith.constant 64 : index
      %swap3A_119 = tpu.vector_load %arg8[%swap3A_117, %swap3A_118] {strides = array<i32>} : memref<80x128xf32, #tpu.memory_space<vmem>>, vector<1x16xf32>,
      %swap3A_120 = vector.shape_cast %swap3A_119 : vector<1x16xf32> to vector<16xf32>
      %swap3A_121 = vector.shape_cast %broadcast_in_dim3A_116 : vector<16xf32> to vector<1x16xf32>
      tpu.vector_store %arg8[%swap3A_117, %swap3A_118], %swap3A_121 {strides = array<i32>} : memref<80x128xf32, #tpu.memory_space<vmem>>, vector<1x16xf32>,
      %broadcast_in_dim3A_122 = arith.constant 0.000000e+00 : f32
      %broadcast_in_dim3A_123 = vector.broadcast %broadcast_in_dim3A_122 : f32 to vector<16xf32>
      %swap3A_124 = arith.index_cast %scan3A_87 : i32 to index
      %swap3A_125 = arith.constant 80 : index
      %swap3A_126 = tpu.vector_load %arg8[%swap3A_124, %swap3A_125] {strides = array<i32>} : memref<80x128xf32, #tpu.memory_space<vmem>>, vector<1x16xf32>,
      %swap3A_127 = vector.shape_cast %swap3A_126 : vector<1x16xf32> to vector<16xf32>
      %swap3A_128 = vector.shape_cast %broadcast_in_dim3A_123 : vector<16xf32> to vector<1x16xf32>
      tpu.vector_store %arg8[%swap3A_124, %swap3A_125], %swap3A_128 {strides = array<i32>} : memref<80x128xf32, #tpu.memory_space<vmem>>, vector<1x16xf32>,
      %broadcast_in_dim3A_129 = arith.constant 0.000000e+00 : f32
      %broadcast_in_dim3A_130 = vector.broadcast %broadcast_in_dim3A_129 : f32 to vector<16xf32>
      %swap3A_131 = arith.index_cast %scan3A_87 : i32 to index
      %swap3A_132 = arith.constant 96 : index
      %swap3A_133 = tpu.vector_load %arg8[%swap3A_131, %swap3A_132] {strides = array<i32>} : memref<80x128xf32, #tpu.memory_space<vmem>>, vector<1x16xf32>,
      %swap3A_134 = vector.shape_cast %swap3A_133 : vector<1x16xf32> to vector<16xf32>
      %swap3A_135 = vector.shape_cast %broadcast_in_dim3A_130 : vector<16xf32> to vector<1x16xf32>
      tpu.vector_store %arg8[%swap3A_131, %swap3A_132], %swap3A_135 {strides = array<i32>} : memref<80x128xf32, #tpu.memory_space<vmem>>, vector<1x16xf32>,
      %broadcast_in_dim3A_136 = arith.constant 0.000000e+00 : f32
      %broadcast_in_dim3A_137 = vector.broadcast %broadcast_in_dim3A_136 : f32 to vector<16xf32>
      %swap3A_138 = arith.index_cast %scan3A_87 : i32 to index
      %swap3A_139 = arith.constant 112 : index
      %swap3A_140 = tpu.vector_load %arg8[%swap3A_138, %swap3A_139] {strides = array<i32>} : memref<80x128xf32, #tpu.memory_space<vmem>>, vector<1x16xf32>,
      %swap3A_141 = vector.shape_cast %swap3A_140 : vector<1x16xf32> to vector<16xf32>
      %swap3A_142 = vector.shape_cast %broadcast_in_dim3A_137 : vector<16xf32> to vector<1x16xf32>
      tpu.vector_store %arg8[%swap3A_138, %swap3A_139], %swap3A_142 {strides = array<i32>} : memref<80x128xf32, #tpu.memory_space<vmem>>, vector<1x16xf32>,
      %scan3A_143 = arith.constant 0 : i32
      scf.yield %scan3A_143 : i32
    }
    %scan3A_6 = arith.constant 80 : i32
    %mul3A_7 = arith.constant 640 : i32
    %mul3A_8 = arith.muli %arg1, %mul3A_7 : i32
    %add3A_9 = arith.constant 0 : i32
    %add3A_10 = arith.addi %mul3A_8, %add3A_9 : i32
    "tpu.region"() ({
      %run_scoped3A_87 = tpu.sem_alloc : memref<!tpu.dma_semaphore, #tpu.memory_space<semaphore_mem>>
      %dma_start3A_88 = arith.constant 0 : i32
      %dma_start3A_89 = tpu.memref_slice %arg10[%add3A_10, %dma_start3A_88] : memref<10240x128xf32, #tpu.memory_space<vmem_shared>> -> memref<80x128xf32, #tpu.memory_space<vmem_shared>>
      %dma_start3A_90 = arith.constant 0 : i32
      %dma_start3A_91 = tpu.memref_slice %arg10[%add3A_10, %dma_start3A_90] : memref<10240x128xf32, #tpu.memory_space<vmem_shared>> -> memref<80x128xf32, #tpu.memory_space<vmem_shared>>
      tpu.enqueue_dma source(%arg8 : memref<80x128xf32, #tpu.memory_space<vmem>>) target(%dma_start3A_91 : memref<80x128xf32, #tpu.memory_space<vmem_shared>>) target_semaphore(%run_scoped3A_87 : memref<!tpu.dma_semaphore, #tpu.memory_space<semaphore_mem>>)
      %dma_wait3A_92 = arith.constant 0 : i32
      %dma_wait3A_93 = tpu.memref_slice %arg10[%add3A_10, %dma_wait3A_92] : memref<10240x128xf32, #tpu.memory_space<vmem_shared>> -> memref<80x128xf32, #tpu.memory_space<vmem_shared>>
      %dma_wait3A_94 = arith.constant 0 : i32
      %dma_wait3A_95 = tpu.memref_slice %arg10[%add3A_10, %dma_wait3A_94] : memref<10240x128xf32, #tpu.memory_space<vmem_shared>> -> memref<80x128xf32, #tpu.memory_space<vmem_shared>>
      tpu.wait_dma2 semaphore(%run_scoped3A_87 : memref<!tpu.dma_semaphore, #tpu.memory_space<semaphore_mem>>) src(%arg8 : memref<80x128xf32, #tpu.memory_space<vmem>>) dst(%dma_wait3A_95 : memref<80x128xf32, #tpu.memory_space<vmem_shared>>)
      tpu.yield
    }) : () -> ()
    %mul3A_11 = arith.constant 640 : i32
    %mul3A_12 = arith.muli %arg1, %mul3A_11 : i32
    %add3A_13 = arith.constant 80 : i32
    %add3A_14 = arith.addi %mul3A_12, %add3A_13 : i32
    "tpu.region"() ({
      %run_scoped3A_87 = tpu.sem_alloc : memref<!tpu.dma_semaphore, #tpu.memory_space<semaphore_mem>>
      %dma_start3A_88 = arith.constant 0 : i32
      %dma_start3A_89 = tpu.memref_slice %arg10[%add3A_14, %dma_start3A_88] : memref<10240x128xf32, #tpu.memory_space<vmem_shared>> -> memref<80x128xf32, #tpu.memory_space<vmem_shared>>
      %dma_start3A_90 = arith.constant 0 : i32
      %dma_start3A_91 = tpu.memref_slice %arg10[%add3A_14, %dma_start3A_90] : memref<10240x128xf32, #tpu.memory_space<vmem_shared>> -> memref<80x128xf32, #tpu.memory_space<vmem_shared>>
      tpu.enqueue_dma source(%arg8 : memref<80x128xf32, #tpu.memory_space<vmem>>) target(%dma_start3A_91 : memref<80x128xf32, #tpu.memory_space<vmem_shared>>) target_semaphore(%run_scoped3A_87 : memref<!tpu.dma_semaphore, #tpu.memory_space<semaphore_mem>>)
      %dma_wait3A_92 = arith.constant 0 : i32
      %dma_wait3A_93 = tpu.memref_slice %arg10[%add3A_14, %dma_wait3A_92] : memref<10240x128xf32, #tpu.memory_space<vmem_shared>> -> memref<80x128xf32, #tpu.memory_space<vmem_shared>>
      %dma_wait3A_94 = arith.constant 0 : i32
      %dma_wait3A_95 = tpu.memref_slice %arg10[%add3A_14, %dma_wait3A_94] : memref<10240x128xf32, #tpu.memory_space<vmem_shared>> -> memref<80x128xf32, #tpu.memory_space<vmem_shared>>
      tpu.wait_dma2 semaphore(%run_scoped3A_87 : memref<!tpu.dma_semaphore, #tpu.memory_space<semaphore_mem>>) src(%arg8 : memref<80x128xf32, #tpu.memory_space<vmem>>) dst(%dma_wait3A_95 : memref<80x128xf32, #tpu.memory_space<vmem_shared>>)
      tpu.yield
    }) : () -> ()
    %mul3A_15 = arith.constant 640 : i32
    %mul3A_16 = arith.muli %arg1, %mul3A_15 : i32
    %add3A_17 = arith.constant 160 : i32
    %add3A_18 = arith.addi %mul3A_16, %add3A_17 : i32
    "tpu.region"() ({
      %run_scoped3A_87 = tpu.sem_alloc : memref<!tpu.dma_semaphore, #tpu.memory_space<semaphore_mem>>
      %dma_start3A_88 = arith.constant 0 : i32
      %dma_start3A_89 = tpu.memref_slice %arg10[%add3A_18, %dma_start3A_88] : memref<10240x128xf32, #tpu.memory_space<vmem_shared>> -> memref<80x128xf32, #tpu.memory_space<vmem_shared>>
      %dma_start3A_90 = arith.constant 0 : i32
      %dma_start3A_91 = tpu.memref_slice %arg10[%add3A_18, %dma_start3A_90] : memref<10240x128xf32, #tpu.memory_space<vmem_shared>> -> memref<80x128xf32, #tpu.memory_space<vmem_shared>>
      tpu.enqueue_dma source(%arg8 : memref<80x128xf32, #tpu.memory_space<vmem>>) target(%dma_start3A_91 : memref<80x128xf32, #tpu.memory_space<vmem_shared>>) target_semaphore(%run_scoped3A_87 : memref<!tpu.dma_semaphore, #tpu.memory_space<semaphore_mem>>)
      %dma_wait3A_92 = arith.constant 0 : i32
      %dma_wait3A_93 = tpu.memref_slice %arg10[%add3A_18, %dma_wait3A_92] : memref<10240x128xf32, #tpu.memory_space<vmem_shared>> -> memref<80x128xf32, #tpu.memory_space<vmem_shared>>
      %dma_wait3A_94 = arith.constant 0 : i32
      %dma_wait3A_95 = tpu.memref_slice %arg10[%add3A_18, %dma_wait3A_94] : memref<10240x128xf32, #tpu.memory_space<vmem_shared>> -> memref<80x128xf32, #tpu.memory_space<vmem_shared>>
      tpu.wait_dma2 semaphore(%run_scoped3A_87 : memref<!tpu.dma_semaphore, #tpu.memory_space<semaphore_mem>>) src(%arg8 : memref<80x128xf32, #tpu.memory_space<vmem>>) dst(%dma_wait3A_95 : memref<80x128xf32, #tpu.memory_space<vmem_shared>>)
      tpu.yield
    }) : () -> ()
    %mul3A_19 = arith.constant 640 : i32
    %mul3A_20 = arith.muli %arg1, %mul3A_19 : i32
    %add3A_21 = arith.constant 240 : i32
    %add3A_22 = arith.addi %mul3A_20, %add3A_21 : i32
    "tpu.region"() ({
      %run_scoped3A_87 = tpu.sem_alloc : memref<!tpu.dma_semaphore, #tpu.memory_space<semaphore_mem>>
      %dma_start3A_88 = arith.constant 0 : i32
      %dma_start3A_89 = tpu.memref_slice %arg10[%add3A_22, %dma_start3A_88] : memref<10240x128xf32, #tpu.memory_space<vmem_shared>> -> memref<80x128xf32, #tpu.memory_space<vmem_shared>>
      %dma_start3A_90 = arith.constant 0 : i32
      %dma_start3A_91 = tpu.memref_slice %arg10[%add3A_22, %dma_start3A_90] : memref<10240x128xf32, #tpu.memory_space<vmem_shared>> -> memref<80x128xf32, #tpu.memory_space<vmem_shared>>
      tpu.enqueue_dma source(%arg8 : memref<80x128xf32, #tpu.memory_space<vmem>>) target(%dma_start3A_91 : memref<80x128xf32, #tpu.memory_space<vmem_shared>>) target_semaphore(%run_scoped3A_87 : memref<!tpu.dma_semaphore, #tpu.memory_space<semaphore_mem>>)
      %dma_wait3A_92 = arith.constant 0 : i32
      %dma_wait3A_93 = tpu.memref_slice %arg10[%add3A_22, %dma_wait3A_92] : memref<10240x128xf32, #tpu.memory_space<vmem_shared>> -> memref<80x128xf32, #tpu.memory_space<vmem_shared>>
      %dma_wait3A_94 = arith.constant 0 : i32
      %dma_wait3A_95 = tpu.memref_slice %arg10[%add3A_22, %dma_wait3A_94] : memref<10240x128xf32, #tpu.memory_space<vmem_shared>> -> memref<80x128xf32, #tpu.memory_space<vmem_shared>>
      tpu.wait_dma2 semaphore(%run_scoped3A_87 : memref<!tpu.dma_semaphore, #tpu.memory_space<semaphore_mem>>) src(%arg8 : memref<80x128xf32, #tpu.memory_space<vmem>>) dst(%dma_wait3A_95 : memref<80x128xf32, #tpu.memory_space<vmem_shared>>)
      tpu.yield
    }) : () -> ()
    %mul3A_23 = arith.constant 640 : i32
    %mul3A_24 = arith.muli %arg1, %mul3A_23 : i32
    %add3A_25 = arith.constant 320 : i32
    %add3A_26 = arith.addi %mul3A_24, %add3A_25 : i32
    "tpu.region"() ({
      %run_scoped3A_87 = tpu.sem_alloc : memref<!tpu.dma_semaphore, #tpu.memory_space<semaphore_mem>>
      %dma_start3A_88 = arith.constant 0 : i32
      %dma_start3A_89 = tpu.memref_slice %arg10[%add3A_26, %dma_start3A_88] : memref<10240x128xf32, #tpu.memory_space<vmem_shared>> -> memref<80x128xf32, #tpu.memory_space<vmem_shared>>
      %dma_start3A_90 = arith.constant 0 : i32
      %dma_start3A_91 = tpu.memref_slice %arg10[%add3A_26, %dma_start3A_90] : memref<10240x128xf32, #tpu.memory_space<vmem_shared>> -> memref<80x128xf32, #tpu.memory_space<vmem_shared>>
      tpu.enqueue_dma source(%arg8 : memref<80x128xf32, #tpu.memory_space<vmem>>) target(%dma_start3A_91 : memref<80x128xf32, #tpu.memory_space<vmem_shared>>) target_semaphore(%run_scoped3A_87 : memref<!tpu.dma_semaphore, #tpu.memory_space<semaphore_mem>>)
      %dma_wait3A_92 = arith.constant 0 : i32
      %dma_wait3A_93 = tpu.memref_slice %arg10[%add3A_26, %dma_wait3A_92] : memref<10240x128xf32, #tpu.memory_space<vmem_shared>> -> memref<80x128xf32, #tpu.memory_space<vmem_shared>>
      %dma_wait3A_94 = arith.constant 0 : i32
      %dma_wait3A_95 = tpu.memref_slice %arg10[%add3A_26, %dma_wait3A_94] : memref<10240x128xf32, #tpu.memory_space<vmem_shared>> -> memref<80x128xf32, #tpu.memory_space<vmem_shared>>
      tpu.wait_dma2 semaphore(%run_scoped3A_87 : memref<!tpu.dma_semaphore, #tpu.memory_space<semaphore_mem>>) src(%arg8 : memref<80x128xf32, #tpu.memory_space<vmem>>) dst(%dma_wait3A_95 : memref<80x128xf32, #tpu.memory_space<vmem_shared>>)
      tpu.yield
    }) : () -> ()
    %mul3A_27 = arith.constant 640 : i32
    %mul3A_28 = arith.muli %arg1, %mul3A_27 : i32
    %add3A_29 = arith.constant 400 : i32
    %add3A_30 = arith.addi %mul3A_28, %add3A_29 : i32
    "tpu.region"() ({
      %run_scoped3A_87 = tpu.sem_alloc : memref<!tpu.dma_semaphore, #tpu.memory_space<semaphore_mem>>
      %dma_start3A_88 = arith.constant 0 : i32
      %dma_start3A_89 = tpu.memref_slice %arg10[%add3A_30, %dma_start3A_88] : memref<10240x128xf32, #tpu.memory_space<vmem_shared>> -> memref<80x128xf32, #tpu.memory_space<vmem_shared>>
      %dma_start3A_90 = arith.constant 0 : i32
      %dma_start3A_91 = tpu.memref_slice %arg10[%add3A_30, %dma_start3A_90] : memref<10240x128xf32, #tpu.memory_space<vmem_shared>> -> memref<80x128xf32, #tpu.memory_space<vmem_shared>>
      tpu.enqueue_dma source(%arg8 : memref<80x128xf32, #tpu.memory_space<vmem>>) target(%dma_start3A_91 : memref<80x128xf32, #tpu.memory_space<vmem_shared>>) target_semaphore(%run_scoped3A_87 : memref<!tpu.dma_semaphore, #tpu.memory_space<semaphore_mem>>)
      %dma_wait3A_92 = arith.constant 0 : i32
      %dma_wait3A_93 = tpu.memref_slice %arg10[%add3A_30, %dma_wait3A_92] : memref<10240x128xf32, #tpu.memory_space<vmem_shared>> -> memref<80x128xf32, #tpu.memory_space<vmem_shared>>
      %dma_wait3A_94 = arith.constant 0 : i32
      %dma_wait3A_95 = tpu.memref_slice %arg10[%add3A_30, %dma_wait3A_94] : memref<10240x128xf32, #tpu.memory_space<vmem_shared>> -> memref<80x128xf32, #tpu.memory_space<vmem_shared>>
      tpu.wait_dma2 semaphore(%run_scoped3A_87 : memref<!tpu.dma_semaphore, #tpu.memory_space<semaphore_mem>>) src(%arg8 : memref<80x128xf32, #tpu.memory_space<vmem>>) dst(%dma_wait3A_95 : memref<80x128xf32, #tpu.memory_space<vmem_shared>>)
      tpu.yield
    }) : () -> ()
    %mul3A_31 = arith.constant 640 : i32
    %mul3A_32 = arith.muli %arg1, %mul3A_31 : i32
    %add3A_33 = arith.constant 480 : i32
    %add3A_34 = arith.addi %mul3A_32, %add3A_33 : i32
    "tpu.region"() ({
      %run_scoped3A_87 = tpu.sem_alloc : memref<!tpu.dma_semaphore, #tpu.memory_space<semaphore_mem>>
      %dma_start3A_88 = arith.constant 0 : i32
      %dma_start3A_89 = tpu.memref_slice %arg10[%add3A_34, %dma_start3A_88] : memref<10240x128xf32, #tpu.memory_space<vmem_shared>> -> memref<80x128xf32, #tpu.memory_space<vmem_shared>>
      %dma_start3A_90 = arith.constant 0 : i32
      %dma_start3A_91 = tpu.memref_slice %arg10[%add3A_34, %dma_start3A_90] : memref<10240x128xf32, #tpu.memory_space<vmem_shared>> -> memref<80x128xf32, #tpu.memory_space<vmem_shared>>
      tpu.enqueue_dma source(%arg8 : memref<80x128xf32, #tpu.memory_space<vmem>>) target(%dma_start3A_91 : memref<80x128xf32, #tpu.memory_space<vmem_shared>>) target_semaphore(%run_scoped3A_87 : memref<!tpu.dma_semaphore, #tpu.memory_space<semaphore_mem>>)
      %dma_wait3A_92 = arith.constant 0 : i32
      %dma_wait3A_93 = tpu.memref_slice %arg10[%add3A_34, %dma_wait3A_92] : memref<10240x128xf32, #tpu.memory_space<vmem_shared>> -> memref<80x128xf32, #tpu.memory_space<vmem_shared>>
      %dma_wait3A_94 = arith.constant 0 : i32
      %dma_wait3A_95 = tpu.memref_slice %arg10[%add3A_34, %dma_wait3A_94] : memref<10240x128xf32, #tpu.memory_space<vmem_shared>> -> memref<80x128xf32, #tpu.memory_space<vmem_shared>>
      tpu.wait_dma2 semaphore(%run_scoped3A_87 : memref<!tpu.dma_semaphore, #tpu.memory_space<semaphore_mem>>) src(%arg8 : memref<80x128xf32, #tpu.memory_space<vmem>>) dst(%dma_wait3A_95 : memref<80x128xf32, #tpu.memory_space<vmem_shared>>)
      tpu.yield
    }) : () -> ()
    %mul3A_35 = arith.constant 640 : i32
    %mul3A_36 = arith.muli %arg1, %mul3A_35 : i32
    %add3A_37 = arith.constant 560 : i32
    %add3A_38 = arith.addi %mul3A_36, %add3A_37 : i32
    "tpu.region"() ({
      %run_scoped3A_87 = tpu.sem_alloc : memref<!tpu.dma_semaphore, #tpu.memory_space<semaphore_mem>>
      %dma_start3A_88 = arith.constant 0 : i32
      %dma_start3A_89 = tpu.memref_slice %arg10[%add3A_38, %dma_start3A_88] : memref<10240x128xf32, #tpu.memory_space<vmem_shared>> -> memref<80x128xf32, #tpu.memory_space<vmem_shared>>
      %dma_start3A_90 = arith.constant 0 : i32
      %dma_start3A_91 = tpu.memref_slice %arg10[%add3A_38, %dma_start3A_90] : memref<10240x128xf32, #tpu.memory_space<vmem_shared>> -> memref<80x128xf32, #tpu.memory_space<vmem_shared>>
      tpu.enqueue_dma source(%arg8 : memref<80x128xf32, #tpu.memory_space<vmem>>) target(%dma_start3A_91 : memref<80x128xf32, #tpu.memory_space<vmem_shared>>) target_semaphore(%run_scoped3A_87 : memref<!tpu.dma_semaphore, #tpu.memory_space<semaphore_mem>>)
      %dma_wait3A_92 = arith.constant 0 : i32
      %dma_wait3A_93 = tpu.memref_slice %arg10[%add3A_38, %dma_wait3A_92] : memref<10240x128xf32, #tpu.memory_space<vmem_shared>> -> memref<80x128xf32, #tpu.memory_space<vmem_shared>>
      %dma_wait3A_94 = arith.constant 0 : i32
      %dma_wait3A_95 = tpu.memref_slice %arg10[%add3A_38, %dma_wait3A_94] : memref<10240x128xf32, #tpu.memory_space<vmem_shared>> -> memref<80x128xf32, #tpu.memory_space<vmem_shared>>
      tpu.wait_dma2 semaphore(%run_scoped3A_87 : memref<!tpu.dma_semaphore, #tpu.memory_space<semaphore_mem>>) src(%arg8 : memref<80x128xf32, #tpu.memory_space<vmem>>) dst(%dma_wait3A_95 : memref<80x128xf32, #tpu.memory_space<vmem_shared>>)
      tpu.yield
    }) : () -> ()
    %barrier3A = arith.constant 0 : index
    tpu.barrier barrier_id(%barrier3A)
    %dma_start3A = arith.constant 0 : i32
    %dma_start3A_39 = tpu.memref_slice %arg6[%dma_start3A] : memref<10000xi32, #tpu.memory_space<vmem>> -> memref<80xi32, #tpu.memory_space<vmem>>
    %dma_start3A_40 = arith.constant 0 : i32
    %dma_start3A_41 = arith.constant 0 : i32
    %dma_start3A_42 = tpu.memref_slice %arg2[%dma_start3A_40, %dma_start3A_41] : memref<10000x128xf32, #tpu.memory_space<hbm>> -> memref<10000x128xf32, #tpu.memory_space<hbm>>
    tpu.enqueue_indirect_dma source(%dma_start3A_42 : memref<10000x128xf32, #tpu.memory_space<hbm>>) target(%arg8 : memref<80x128xf32, #tpu.memory_space<vmem>>) offsets(%dma_start3A_39 : memref<80xi32, #tpu.memory_space<vmem>>) semaphore(%arg11 : memref<!tpu.dma_semaphore, #tpu.memory_space<semaphore_mem>>)
    %scan3A_43 = arith.constant 0 : i32
    %scan3A_44 = arith.constant 0 : i32
    %scan3A_45 = arith.constant 62 : i32
    %scan3A_46 = arith.addi %scan3A_44, %scan3A_45 : i32
    %scan3A_47 = arith.constant 1 : i32
    %scan3A_48 = scf.for %scan3A_87 = %scan3A_44 to %scan3A_46 step %scan3A_47 iter_args(%scan3A_88 = %scan3A_43) -> (i32)  : i32 {
      %mul3A_89 = arith.constant 2 : i32
      %mul3A_90 = arith.muli %mul3A_89, %scan3A_87 : i32
      %mul3A_91 = arith.constant 80 : i32
      %mul3A_92 = arith.muli %mul3A_90, %mul3A_91 : i32
      %dma_wait3A_93 = tpu.memref_slice %arg6[%mul3A_92] : memref<10000xi32, #tpu.memory_space<vmem>> -> memref<80xi32, #tpu.memory_space<vmem>>
      %dma_wait3A_94 = arith.constant 0 : i32
      %dma_wait3A_95 = arith.constant 0 : i32
      %dma_wait3A_96 = tpu.memref_slice %arg2[%dma_wait3A_94, %dma_wait3A_95] : memref<10000x128xf32, #tpu.memory_space<hbm>> -> memref<10000x128xf32, #tpu.memory_space<hbm>>
      tpu.wait_indirect_dma semaphore(%arg11 : memref<!tpu.dma_semaphore, #tpu.memory_space<semaphore_mem>>) src(%dma_wait3A_96 : memref<10000x128xf32, #tpu.memory_space<hbm>>) dst(%arg8 : memref<80x128xf32, #tpu.memory_space<vmem>>)
      %add3A_97 = arith.constant 1 : i32
      %add3A_98 = arith.addi %mul3A_90, %add3A_97 : i32
      %mul3A_99 = arith.constant 80 : i32
      %mul3A_100 = arith.muli %add3A_98, %mul3A_99 : i32
      %dma_start3A_101 = tpu.memref_slice %arg6[%mul3A_100] : memref<10000xi32, #tpu.memory_space<vmem>> -> memref<80xi32, #tpu.memory_space<vmem>>
      %dma_start3A_102 = arith.constant 0 : i32
      %dma_start3A_103 = arith.constant 0 : i32
      %dma_start3A_104 = tpu.memref_slice %arg2[%dma_start3A_102, %dma_start3A_103] : memref<10000x128xf32, #tpu.memory_space<hbm>> -> memref<10000x128xf32, #tpu.memory_space<hbm>>
      tpu.enqueue_indirect_dma source(%dma_start3A_104 : memref<10000x128xf32, #tpu.memory_space<hbm>>) target(%arg9 : memref<80x128xf32, #tpu.memory_space<vmem>>) offsets(%dma_start3A_101 : memref<80xi32, #tpu.memory_space<vmem>>) semaphore(%arg12 : memref<!tpu.dma_semaphore, #tpu.memory_space<semaphore_mem>>)
      "tpu.region"() ({
        %run_scoped3A_124 = tpu.sem_alloc : memref<!tpu.dma_semaphore, #tpu.memory_space<semaphore_mem>>
        %dma_start3A_125 = arith.constant 0 : i32
        %dma_start3A_126 = tpu.memref_slice %arg7[%mul3A_90, %dma_start3A_125] : memref<125x80xi32, #tpu.memory_space<vmem>> -> memref<1x80xi32, #tpu.memory_space<vmem>>
        %dma_start3A_127 = tpu.memref_squeeze %dma_start3A_126 : memref<1x80xi32, #tpu.memory_space<vmem>> -> memref<80xi32, #tpu.memory_space<vmem>>
        %dma_start3A_128 = arith.constant 0 : i32
        %dma_start3A_129 = arith.constant 0 : i32
        %dma_start3A_130 = tpu.memref_slice %arg10[%dma_start3A_128, %dma_start3A_129] : memref<10240x128xf32, #tpu.memory_space<vmem_shared>> -> memref<10240x128xf32, #tpu.memory_space<vmem_shared>>
        tpu.enqueue_indirect_dma source(%arg8 : memref<80x128xf32, #tpu.memory_space<vmem>>) target(%dma_start3A_130 : memref<10240x128xf32, #tpu.memory_space<vmem_shared>>) offsets(%dma_start3A_127 : memref<80xi32, #tpu.memory_space<vmem>>) semaphore(%run_scoped3A_124 : memref<!tpu.dma_semaphore, #tpu.memory_space<semaphore_mem>>) {add = true}
        %dma_wait3A_131 = arith.constant 0 : i32
        %dma_wait3A_132 = tpu.memref_slice %arg7[%mul3A_90, %dma_wait3A_131] : memref<125x80xi32, #tpu.memory_space<vmem>> -> memref<1x80xi32, #tpu.memory_space<vmem>>
        %dma_wait3A_133 = tpu.memref_squeeze %dma_wait3A_132 : memref<1x80xi32, #tpu.memory_space<vmem>> -> memref<80xi32, #tpu.memory_space<vmem>>
        %dma_wait3A_134 = arith.constant 0 : i32
        %dma_wait3A_135 = arith.constant 0 : i32
        %dma_wait3A_136 = tpu.memref_slice %arg10[%dma_wait3A_134, %dma_wait3A_135] : memref<10240x128xf32, #tpu.memory_space<vmem_shared>> -> memref<10240x128xf32, #tpu.memory_space<vmem_shared>>
        tpu.wait_indirect_dma semaphore(%run_scoped3A_124 : memref<!tpu.dma_semaphore, #tpu.memory_space<semaphore_mem>>) src(%arg8 : memref<80x128xf32, #tpu.memory_space<vmem>>) dst(%dma_wait3A_136 : memref<10240x128xf32, #tpu.memory_space<vmem_shared>>)
        tpu.yield
      }) : () -> ()
      %add3A_105 = arith.constant 1 : i32
      %add3A_106 = arith.addi %mul3A_90, %add3A_105 : i32
      %mul3A_107 = arith.constant 80 : i32
      %mul3A_108 = arith.muli %add3A_106, %mul3A_107 : i32
      %dma_wait3A_109 = tpu.memref_slice %arg6[%mul3A_108] : memref<10000xi32, #tpu.memory_space<vmem>> -> memref<80xi32, #tpu.memory_space<vmem>>
      %dma_wait3A_110 = arith.constant 0 : i32
      %dma_wait3A_111 = arith.constant 0 : i32
      %dma_wait3A_112 = tpu.memref_slice %arg2[%dma_wait3A_110, %dma_wait3A_111] : memref<10000x128xf32, #tpu.memory_space<hbm>> -> memref<10000x128xf32, #tpu.memory_space<hbm>>
      tpu.wait_indirect_dma semaphore(%arg12 : memref<!tpu.dma_semaphore, #tpu.memory_space<semaphore_mem>>) src(%dma_wait3A_112 : memref<10000x128xf32, #tpu.memory_space<hbm>>) dst(%arg9 : memref<80x128xf32, #tpu.memory_space<vmem>>)
      %add3A_113 = arith.constant 2 : i32
      %add3A_114 = arith.addi %mul3A_90, %add3A_113 : i32
      %mul3A_115 = arith.constant 80 : i32
      %mul3A_116 = arith.muli %add3A_114, %mul3A_115 : i32
      %dma_start3A_117 = tpu.memref_slice %arg6[%mul3A_116] : memref<10000xi32, #tpu.memory_space<vmem>> -> memref<80xi32, #tpu.memory_space<vmem>>
      %dma_start3A_118 = arith.constant 0 : i32
      %dma_start3A_119 = arith.constant 0 : i32
      %dma_start3A_120 = tpu.memref_slice %arg2[%dma_start3A_118, %dma_start3A_119] : memref<10000x128xf32, #tpu.memory_space<hbm>> -> memref<10000x128xf32, #tpu.memory_space<hbm>>
      tpu.enqueue_indirect_dma source(%dma_start3A_120 : memref<10000x128xf32, #tpu.memory_space<hbm>>) target(%arg8 : memref<80x128xf32, #tpu.memory_space<vmem>>) offsets(%dma_start3A_117 : memref<80xi32, #tpu.memory_space<vmem>>) semaphore(%arg11 : memref<!tpu.dma_semaphore, #tpu.memory_space<semaphore_mem>>)
      %add3A_121 = arith.constant 1 : i32
      %add3A_122 = arith.addi %mul3A_90, %add3A_121 : i32
      "tpu.region"() ({
        %run_scoped3A_124 = tpu.sem_alloc : memref<!tpu.dma_semaphore, #tpu.memory_space<semaphore_mem>>
        %dma_start3A_125 = arith.constant 0 : i32
        %dma_start3A_126 = tpu.memref_slice %arg7[%add3A_122, %dma_start3A_125] : memref<125x80xi32, #tpu.memory_space<vmem>> -> memref<1x80xi32, #tpu.memory_space<vmem>>
        %dma_start3A_127 = tpu.memref_squeeze %dma_start3A_126 : memref<1x80xi32, #tpu.memory_space<vmem>> -> memref<80xi32, #tpu.memory_space<vmem>>
        %dma_start3A_128 = arith.constant 0 : i32
        %dma_start3A_129 = arith.constant 0 : i32
        %dma_start3A_130 = tpu.memref_slice %arg10[%dma_start3A_128, %dma_start3A_129] : memref<10240x128xf32, #tpu.memory_space<vmem_shared>> -> memref<10240x128xf32, #tpu.memory_space<vmem_shared>>
        tpu.enqueue_indirect_dma source(%arg9 : memref<80x128xf32, #tpu.memory_space<vmem>>) target(%dma_start3A_130 : memref<10240x128xf32, #tpu.memory_space<vmem_shared>>) offsets(%dma_start3A_127 : memref<80xi32, #tpu.memory_space<vmem>>) semaphore(%run_scoped3A_124 : memref<!tpu.dma_semaphore, #tpu.memory_space<semaphore_mem>>) {add = true}
        %dma_wait3A_131 = arith.constant 0 : i32
        %dma_wait3A_132 = tpu.memref_slice %arg7[%add3A_122, %dma_wait3A_131] : memref<125x80xi32, #tpu.memory_space<vmem>> -> memref<1x80xi32, #tpu.memory_space<vmem>>
        %dma_wait3A_133 = tpu.memref_squeeze %dma_wait3A_132 : memref<1x80xi32, #tpu.memory_space<vmem>> -> memref<80xi32, #tpu.memory_space<vmem>>
        %dma_wait3A_134 = arith.constant 0 : i32
        %dma_wait3A_135 = arith.constant 0 : i32
        %dma_wait3A_136 = tpu.memref_slice %arg10[%dma_wait3A_134, %dma_wait3A_135] : memref<10240x128xf32, #tpu.memory_space<vmem_shared>> -> memref<10240x128xf32, #tpu.memory_space<vmem_shared>>
        tpu.wait_indirect_dma semaphore(%run_scoped3A_124 : memref<!tpu.dma_semaphore, #tpu.memory_space<semaphore_mem>>) src(%arg9 : memref<80x128xf32, #tpu.memory_space<vmem>>) dst(%dma_wait3A_136 : memref<10240x128xf32, #tpu.memory_space<vmem_shared>>)
        tpu.yield
      }) : () -> ()
      %scan3A_123 = arith.constant 0 : i32
      scf.yield %scan3A_123 : i32
    }
    %scan3A_49 = arith.constant 62 : i32
    %dma_wait3A = arith.constant 9920 : i32
    %dma_wait3A_50 = tpu.memref_slice %arg6[%dma_wait3A] : memref<10000xi32, #tpu.memory_space<vmem>> -> memref<80xi32, #tpu.memory_space<vmem>>
    %dma_wait3A_51 = arith.constant 0 : i32
    %dma_wait3A_52 = arith.constant 0 : i32
    %dma_wait3A_53 = tpu.memref_slice %arg2[%dma_wait3A_51, %dma_wait3A_52] : memref<10000x128xf32, #tpu.memory_space<hbm>> -> memref<10000x128xf32, #tpu.memory_space<hbm>>
    tpu.wait_indirect_dma semaphore(%arg11 : memref<!tpu.dma_semaphore, #tpu.memory_space<semaphore_mem>>) src(%dma_wait3A_53 : memref<10000x128xf32, #tpu.memory_space<hbm>>) dst(%arg8 : memref<80x128xf32, #tpu.memory_space<vmem>>)
    %run_scoped3A = arith.constant 124 : i32
    "tpu.region"() ({
      %run_scoped3A_87 = tpu.sem_alloc : memref<!tpu.dma_semaphore, #tpu.memory_space<semaphore_mem>>
      %dma_start3A_88 = arith.constant 0 : i32
      %dma_start3A_89 = tpu.memref_slice %arg7[%run_scoped3A, %dma_start3A_88] : memref<125x80xi32, #tpu.memory_space<vmem>> -> memref<1x80xi32, #tpu.memory_space<vmem>>
      %dma_start3A_90 = tpu.memref_squeeze %dma_start3A_89 : memref<1x80xi32, #tpu.memory_space<vmem>> -> memref<80xi32, #tpu.memory_space<vmem>>
      %dma_start3A_91 = arith.constant 0 : i32
      %dma_start3A_92 = arith.constant 0 : i32
      %dma_start3A_93 = tpu.memref_slice %arg10[%dma_start3A_91, %dma_start3A_92] : memref<10240x128xf32, #tpu.memory_space<vmem_shared>> -> memref<10240x128xf32, #tpu.memory_space<vmem_shared>>
      tpu.enqueue_indirect_dma source(%arg8 : memref<80x128xf32, #tpu.memory_space<vmem>>) target(%dma_start3A_93 : memref<10240x128xf32, #tpu.memory_space<vmem_shared>>) offsets(%dma_start3A_90 : memref<80xi32, #tpu.memory_space<vmem>>) semaphore(%run_scoped3A_87 : memref<!tpu.dma_semaphore, #tpu.memory_space<semaphore_mem>>) {add = true}
      %dma_wait3A_94 = arith.constant 0 : i32
      %dma_wait3A_95 = tpu.memref_slice %arg7[%run_scoped3A, %dma_wait3A_94] : memref<125x80xi32, #tpu.memory_space<vmem>> -> memref<1x80xi32, #tpu.memory_space<vmem>>
      %dma_wait3A_96 = tpu.memref_squeeze %dma_wait3A_95 : memref<1x80xi32, #tpu.memory_space<vmem>> -> memref<80xi32, #tpu.memory_space<vmem>>
      %dma_wait3A_97 = arith.constant 0 : i32
      %dma_wait3A_98 = arith.constant 0 : i32
      %dma_wait3A_99 = tpu.memref_slice %arg10[%dma_wait3A_97, %dma_wait3A_98] : memref<10240x128xf32, #tpu.memory_space<vmem_shared>> -> memref<10240x128xf32, #tpu.memory_space<vmem_shared>>
      tpu.wait_indirect_dma semaphore(%run_scoped3A_87 : memref<!tpu.dma_semaphore, #tpu.memory_space<semaphore_mem>>) src(%arg8 : memref<80x128xf32, #tpu.memory_space<vmem>>) dst(%dma_wait3A_99 : memref<10240x128xf32, #tpu.memory_space<vmem_shared>>)
      tpu.yield
    }) : () -> ()
    %barrier3A_54 = arith.constant 0 : index
    tpu.barrier barrier_id(%barrier3A_54)
    %mul3A_55 = arith.constant 640 : i32
    %mul3A_56 = arith.muli %arg1, %mul3A_55 : i32
    %add3A_57 = arith.constant 0 : i32
    %add3A_58 = arith.addi %mul3A_56, %add3A_57 : i32
    "tpu.region"() ({
      %run_scoped3A_87 = tpu.sem_alloc : memref<!tpu.dma_semaphore, #tpu.memory_space<semaphore_mem>>
      %dma_start3A_88 = arith.constant 0 : i32
      %dma_start3A_89 = tpu.memref_slice %arg10[%add3A_58, %dma_start3A_88] : memref<10240x128xf32, #tpu.memory_space<vmem_shared>> -> memref<80x128xf32, #tpu.memory_space<vmem_shared>>
      %dma_start3A_90 = arith.constant 0 : i32
      %dma_start3A_91 = tpu.memref_slice %arg10[%add3A_58, %dma_start3A_90] : memref<10240x128xf32, #tpu.memory_space<vmem_shared>> -> memref<80x128xf32, #tpu.memory_space<vmem_shared>>
      tpu.enqueue_dma source(%dma_start3A_91 : memref<80x128xf32, #tpu.memory_space<vmem_shared>>) target(%arg8 : memref<80x128xf32, #tpu.memory_space<vmem>>) target_semaphore(%run_scoped3A_87 : memref<!tpu.dma_semaphore, #tpu.memory_space<semaphore_mem>>)
      %dma_wait3A_92 = arith.constant 0 : i32
      %dma_wait3A_93 = tpu.memref_slice %arg10[%add3A_58, %dma_wait3A_92] : memref<10240x128xf32, #tpu.memory_space<vmem_shared>> -> memref<80x128xf32, #tpu.memory_space<vmem_shared>>
      %dma_wait3A_94 = arith.constant 0 : i32
      %dma_wait3A_95 = tpu.memref_slice %arg10[%add3A_58, %dma_wait3A_94] : memref<10240x128xf32, #tpu.memory_space<vmem_shared>> -> memref<80x128xf32, #tpu.memory_space<vmem_shared>>
      tpu.wait_dma2 semaphore(%run_scoped3A_87 : memref<!tpu.dma_semaphore, #tpu.memory_space<semaphore_mem>>) src(%dma_wait3A_95 : memref<80x128xf32, #tpu.memory_space<vmem_shared>>) dst(%arg8 : memref<80x128xf32, #tpu.memory_space<vmem>>)
      tpu.yield
    }) : () -> ()
    "tpu.region"() ({
      %run_scoped3A_87 = tpu.sem_alloc : memref<!tpu.dma_semaphore, #tpu.memory_space<semaphore_mem>>
      %dma_start3A_88 = arith.constant 0 : i32
      %dma_start3A_89 = tpu.memref_slice %arg5[%arg0, %add3A_58, %dma_start3A_88] : memref<2x10240x128xf32, #tpu.memory_space<hbm>> -> memref<1x80x128xf32, #tpu.memory_space<hbm>>
      %dma_start3A_90 = tpu.memref_squeeze %dma_start3A_89 : memref<1x80x128xf32, #tpu.memory_space<hbm>> -> memref<80x128xf32, #tpu.memory_space<hbm>>
      %dma_start3A_91 = arith.constant 0 : i32
      %dma_start3A_92 = tpu.memref_slice %arg5[%arg0, %add3A_58, %dma_start3A_91] : memref<2x10240x128xf32, #tpu.memory_space<hbm>> -> memref<1x80x128xf32, #tpu.memory_space<hbm>>
      %dma_start3A_93 = tpu.memref_squeeze %dma_start3A_92 : memref<1x80x128xf32, #tpu.memory_space<hbm>> -> memref<80x128xf32, #tpu.memory_space<hbm>>
      tpu.enqueue_dma source(%arg8 : memref<80x128xf32, #tpu.memory_space<vmem>>) target(%dma_start3A_93 : memref<80x128xf32, #tpu.memory_space<hbm>>) target_semaphore(%run_scoped3A_87 : memref<!tpu.dma_semaphore, #tpu.memory_space<semaphore_mem>>)
      %dma_wait3A_94 = arith.constant 0 : i32
      %dma_wait3A_95 = tpu.memref_slice %arg5[%arg0, %add3A_58, %dma_wait3A_94] : memref<2x10240x128xf32, #tpu.memory_space<hbm>> -> memref<1x80x128xf32, #tpu.memory_space<hbm>>
      %dma_wait3A_96 = tpu.memref_squeeze %dma_wait3A_95 : memref<1x80x128xf32, #tpu.memory_space<hbm>> -> memref<80x128xf32, #tpu.memory_space<hbm>>
      %dma_wait3A_97 = arith.constant 0 : i32
      %dma_wait3A_98 = tpu.memref_slice %arg5[%arg0, %add3A_58, %dma_wait3A_97] : memref<2x10240x128xf32, #tpu.memory_space<hbm>> -> memref<1x80x128xf32, #tpu.memory_space<hbm>>
      %dma_wait3A_99 = tpu.memref_squeeze %dma_wait3A_98 : memref<1x80x128xf32, #tpu.memory_space<hbm>> -> memref<80x128xf32, #tpu.memory_space<hbm>>
      tpu.wait_dma2 semaphore(%run_scoped3A_87 : memref<!tpu.dma_semaphore, #tpu.memory_space<semaphore_mem>>) src(%arg8 : memref<80x128xf32, #tpu.memory_space<vmem>>) dst(%dma_wait3A_99 : memref<80x128xf32, #tpu.memory_space<hbm>>)
      tpu.yield
    }) : () -> ()
    %mul3A_59 = arith.constant 640 : i32
    %mul3A_60 = arith.muli %arg1, %mul3A_59 : i32
    %add3A_61 = arith.constant 80 : i32
    %add3A_62 = arith.addi %mul3A_60, %add3A_61 : i32
    "tpu.region"() ({
      %run_scoped3A_87 = tpu.sem_alloc : memref<!tpu.dma_semaphore, #tpu.memory_space<semaphore_mem>>
      %dma_start3A_88 = arith.constant 0 : i32
      %dma_start3A_89 = tpu.memref_slice %arg10[%add3A_62, %dma_start3A_88] : memref<10240x128xf32, #tpu.memory_space<vmem_shared>> -> memref<80x128xf32, #tpu.memory_space<vmem_shared>>
      %dma_start3A_90 = arith.constant 0 : i32
      %dma_start3A_91 = tpu.memref_slice %arg10[%add3A_62, %dma_start3A_90] : memref<10240x128xf32, #tpu.memory_space<vmem_shared>> -> memref<80x128xf32, #tpu.memory_space<vmem_shared>>
      tpu.enqueue_dma source(%dma_start3A_91 : memref<80x128xf32, #tpu.memory_space<vmem_shared>>) target(%arg8 : memref<80x128xf32, #tpu.memory_space<vmem>>) target_semaphore(%run_scoped3A_87 : memref<!tpu.dma_semaphore, #tpu.memory_space<semaphore_mem>>)
      %dma_wait3A_92 = arith.constant 0 : i32
      %dma_wait3A_93 = tpu.memref_slice %arg10[%add3A_62, %dma_wait3A_92] : memref<10240x128xf32, #tpu.memory_space<vmem_shared>> -> memref<80x128xf32, #tpu.memory_space<vmem_shared>>
      %dma_wait3A_94 = arith.constant 0 : i32
      %dma_wait3A_95 = tpu.memref_slice %arg10[%add3A_62, %dma_wait3A_94] : memref<10240x128xf32, #tpu.memory_space<vmem_shared>> -> memref<80x128xf32, #tpu.memory_space<vmem_shared>>
      tpu.wait_dma2 semaphore(%run_scoped3A_87 : memref<!tpu.dma_semaphore, #tpu.memory_space<semaphore_mem>>) src(%dma_wait3A_95 : memref<80x128xf32, #tpu.memory_space<vmem_shared>>) dst(%arg8 : memref<80x128xf32, #tpu.memory_space<vmem>>)
      tpu.yield
    }) : () -> ()
    "tpu.region"() ({
      %run_scoped3A_87 = tpu.sem_alloc : memref<!tpu.dma_semaphore, #tpu.memory_space<semaphore_mem>>
      %dma_start3A_88 = arith.constant 0 : i32
      %dma_start3A_89 = tpu.memref_slice %arg5[%arg0, %add3A_62, %dma_start3A_88] : memref<2x10240x128xf32, #tpu.memory_space<hbm>> -> memref<1x80x128xf32, #tpu.memory_space<hbm>>
      %dma_start3A_90 = tpu.memref_squeeze %dma_start3A_89 : memref<1x80x128xf32, #tpu.memory_space<hbm>> -> memref<80x128xf32, #tpu.memory_space<hbm>>
      %dma_start3A_91 = arith.constant 0 : i32
      %dma_start3A_92 = tpu.memref_slice %arg5[%arg0, %add3A_62, %dma_start3A_91] : memref<2x10240x128xf32, #tpu.memory_space<hbm>> -> memref<1x80x128xf32, #tpu.memory_space<hbm>>
      %dma_start3A_93 = tpu.memref_squeeze %dma_start3A_92 : memref<1x80x128xf32, #tpu.memory_space<hbm>> -> memref<80x128xf32, #tpu.memory_space<hbm>>
      tpu.enqueue_dma source(%arg8 : memref<80x128xf32, #tpu.memory_space<vmem>>) target(%dma_start3A_93 : memref<80x128xf32, #tpu.memory_space<hbm>>) target_semaphore(%run_scoped3A_87 : memref<!tpu.dma_semaphore, #tpu.memory_space<semaphore_mem>>)
      %dma_wait3A_94 = arith.constant 0 : i32
      %dma_wait3A_95 = tpu.memref_slice %arg5[%arg0, %add3A_62, %dma_wait3A_94] : memref<2x10240x128xf32, #tpu.memory_space<hbm>> -> memref<1x80x128xf32, #tpu.memory_space<hbm>>
      %dma_wait3A_96 = tpu.memref_squeeze %dma_wait3A_95 : memref<1x80x128xf32, #tpu.memory_space<hbm>> -> memref<80x128xf32, #tpu.memory_space<hbm>>
      %dma_wait3A_97 = arith.constant 0 : i32
      %dma_wait3A_98 = tpu.memref_slice %arg5[%arg0, %add3A_62, %dma_wait3A_97] : memref<2x10240x128xf32, #tpu.memory_space<hbm>> -> memref<1x80x128xf32, #tpu.memory_space<hbm>>
      %dma_wait3A_99 = tpu.memref_squeeze %dma_wait3A_98 : memref<1x80x128xf32, #tpu.memory_space<hbm>> -> memref<80x128xf32, #tpu.memory_space<hbm>>
      tpu.wait_dma2 semaphore(%run_scoped3A_87 : memref<!tpu.dma_semaphore, #tpu.memory_space<semaphore_mem>>) src(%arg8 : memref<80x128xf32, #tpu.memory_space<vmem>>) dst(%dma_wait3A_99 : memref<80x128xf32, #tpu.memory_space<hbm>>)
      tpu.yield
    }) : () -> ()
    %mul3A_63 = arith.constant 640 : i32
    %mul3A_64 = arith.muli %arg1, %mul3A_63 : i32
    %add3A_65 = arith.constant 160 : i32
    %add3A_66 = arith.addi %mul3A_64, %add3A_65 : i32
    "tpu.region"() ({
      %run_scoped3A_87 = tpu.sem_alloc : memref<!tpu.dma_semaphore, #tpu.memory_space<semaphore_mem>>
      %dma_start3A_88 = arith.constant 0 : i32
      %dma_start3A_89 = tpu.memref_slice %arg10[%add3A_66, %dma_start3A_88] : memref<10240x128xf32, #tpu.memory_space<vmem_shared>> -> memref<80x128xf32, #tpu.memory_space<vmem_shared>>
      %dma_start3A_90 = arith.constant 0 : i32
      %dma_start3A_91 = tpu.memref_slice %arg10[%add3A_66, %dma_start3A_90] : memref<10240x128xf32, #tpu.memory_space<vmem_shared>> -> memref<80x128xf32, #tpu.memory_space<vmem_shared>>
      tpu.enqueue_dma source(%dma_start3A_91 : memref<80x128xf32, #tpu.memory_space<vmem_shared>>) target(%arg8 : memref<80x128xf32, #tpu.memory_space<vmem>>) target_semaphore(%run_scoped3A_87 : memref<!tpu.dma_semaphore, #tpu.memory_space<semaphore_mem>>)
      %dma_wait3A_92 = arith.constant 0 : i32
      %dma_wait3A_93 = tpu.memref_slice %arg10[%add3A_66, %dma_wait3A_92] : memref<10240x128xf32, #tpu.memory_space<vmem_shared>> -> memref<80x128xf32, #tpu.memory_space<vmem_shared>>
      %dma_wait3A_94 = arith.constant 0 : i32
      %dma_wait3A_95 = tpu.memref_slice %arg10[%add3A_66, %dma_wait3A_94] : memref<10240x128xf32, #tpu.memory_space<vmem_shared>> -> memref<80x128xf32, #tpu.memory_space<vmem_shared>>
      tpu.wait_dma2 semaphore(%run_scoped3A_87 : memref<!tpu.dma_semaphore, #tpu.memory_space<semaphore_mem>>) src(%dma_wait3A_95 : memref<80x128xf32, #tpu.memory_space<vmem_shared>>) dst(%arg8 : memref<80x128xf32, #tpu.memory_space<vmem>>)
      tpu.yield
    }) : () -> ()
    "tpu.region"() ({
      %run_scoped3A_87 = tpu.sem_alloc : memref<!tpu.dma_semaphore, #tpu.memory_space<semaphore_mem>>
      %dma_start3A_88 = arith.constant 0 : i32
      %dma_start3A_89 = tpu.memref_slice %arg5[%arg0, %add3A_66, %dma_start3A_88] : memref<2x10240x128xf32, #tpu.memory_space<hbm>> -> memref<1x80x128xf32, #tpu.memory_space<hbm>>
      %dma_start3A_90 = tpu.memref_squeeze %dma_start3A_89 : memref<1x80x128xf32, #tpu.memory_space<hbm>> -> memref<80x128xf32, #tpu.memory_space<hbm>>
      %dma_start3A_91 = arith.constant 0 : i32
      %dma_start3A_92 = tpu.memref_slice %arg5[%arg0, %add3A_66, %dma_start3A_91] : memref<2x10240x128xf32, #tpu.memory_space<hbm>> -> memref<1x80x128xf32, #tpu.memory_space<hbm>>
      %dma_start3A_93 = tpu.memref_squeeze %dma_start3A_92 : memref<1x80x128xf32, #tpu.memory_space<hbm>> -> memref<80x128xf32, #tpu.memory_space<hbm>>
      tpu.enqueue_dma source(%arg8 : memref<80x128xf32, #tpu.memory_space<vmem>>) target(%dma_start3A_93 : memref<80x128xf32, #tpu.memory_space<hbm>>) target_semaphore(%run_scoped3A_87 : memref<!tpu.dma_semaphore, #tpu.memory_space<semaphore_mem>>)
      %dma_wait3A_94 = arith.constant 0 : i32
      %dma_wait3A_95 = tpu.memref_slice %arg5[%arg0, %add3A_66, %dma_wait3A_94] : memref<2x10240x128xf32, #tpu.memory_space<hbm>> -> memref<1x80x128xf32, #tpu.memory_space<hbm>>
      %dma_wait3A_96 = tpu.memref_squeeze %dma_wait3A_95 : memref<1x80x128xf32, #tpu.memory_space<hbm>> -> memref<80x128xf32, #tpu.memory_space<hbm>>
      %dma_wait3A_97 = arith.constant 0 : i32
      %dma_wait3A_98 = tpu.memref_slice %arg5[%arg0, %add3A_66, %dma_wait3A_97] : memref<2x10240x128xf32, #tpu.memory_space<hbm>> -> memref<1x80x128xf32, #tpu.memory_space<hbm>>
      %dma_wait3A_99 = tpu.memref_squeeze %dma_wait3A_98 : memref<1x80x128xf32, #tpu.memory_space<hbm>> -> memref<80x128xf32, #tpu.memory_space<hbm>>
      tpu.wait_dma2 semaphore(%run_scoped3A_87 : memref<!tpu.dma_semaphore, #tpu.memory_space<semaphore_mem>>) src(%arg8 : memref<80x128xf32, #tpu.memory_space<vmem>>) dst(%dma_wait3A_99 : memref<80x128xf32, #tpu.memory_space<hbm>>)
      tpu.yield
    }) : () -> ()
    %mul3A_67 = arith.constant 640 : i32
    %mul3A_68 = arith.muli %arg1, %mul3A_67 : i32
    %add3A_69 = arith.constant 240 : i32
    %add3A_70 = arith.addi %mul3A_68, %add3A_69 : i32
    "tpu.region"() ({
      %run_scoped3A_87 = tpu.sem_alloc : memref<!tpu.dma_semaphore, #tpu.memory_space<semaphore_mem>>
      %dma_start3A_88 = arith.constant 0 : i32
      %dma_start3A_89 = tpu.memref_slice %arg10[%add3A_70, %dma_start3A_88] : memref<10240x128xf32, #tpu.memory_space<vmem_shared>> -> memref<80x128xf32, #tpu.memory_space<vmem_shared>>
      %dma_start3A_90 = arith.constant 0 : i32
      %dma_start3A_91 = tpu.memref_slice %arg10[%add3A_70, %dma_start3A_90] : memref<10240x128xf32, #tpu.memory_space<vmem_shared>> -> memref<80x128xf32, #tpu.memory_space<vmem_shared>>
      tpu.enqueue_dma source(%dma_start3A_91 : memref<80x128xf32, #tpu.memory_space<vmem_shared>>) target(%arg8 : memref<80x128xf32, #tpu.memory_space<vmem>>) target_semaphore(%run_scoped3A_87 : memref<!tpu.dma_semaphore, #tpu.memory_space<semaphore_mem>>)
      %dma_wait3A_92 = arith.constant 0 : i32
      %dma_wait3A_93 = tpu.memref_slice %arg10[%add3A_70, %dma_wait3A_92] : memref<10240x128xf32, #tpu.memory_space<vmem_shared>> -> memref<80x128xf32, #tpu.memory_space<vmem_shared>>
      %dma_wait3A_94 = arith.constant 0 : i32
      %dma_wait3A_95 = tpu.memref_slice %arg10[%add3A_70, %dma_wait3A_94] : memref<10240x128xf32, #tpu.memory_space<vmem_shared>> -> memref<80x128xf32, #tpu.memory_space<vmem_shared>>
      tpu.wait_dma2 semaphore(%run_scoped3A_87 : memref<!tpu.dma_semaphore, #tpu.memory_space<semaphore_mem>>) src(%dma_wait3A_95 : memref<80x128xf32, #tpu.memory_space<vmem_shared>>) dst(%arg8 : memref<80x128xf32, #tpu.memory_space<vmem>>)
      tpu.yield
    }) : () -> ()
    "tpu.region"() ({
      %run_scoped3A_87 = tpu.sem_alloc : memref<!tpu.dma_semaphore, #tpu.memory_space<semaphore_mem>>
      %dma_start3A_88 = arith.constant 0 : i32
      %dma_start3A_89 = tpu.memref_slice %arg5[%arg0, %add3A_70, %dma_start3A_88] : memref<2x10240x128xf32, #tpu.memory_space<hbm>> -> memref<1x80x128xf32, #tpu.memory_space<hbm>>
      %dma_start3A_90 = tpu.memref_squeeze %dma_start3A_89 : memref<1x80x128xf32, #tpu.memory_space<hbm>> -> memref<80x128xf32, #tpu.memory_space<hbm>>
      %dma_start3A_91 = arith.constant 0 : i32
      %dma_start3A_92 = tpu.memref_slice %arg5[%arg0, %add3A_70, %dma_start3A_91] : memref<2x10240x128xf32, #tpu.memory_space<hbm>> -> memref<1x80x128xf32, #tpu.memory_space<hbm>>
      %dma_start3A_93 = tpu.memref_squeeze %dma_start3A_92 : memref<1x80x128xf32, #tpu.memory_space<hbm>> -> memref<80x128xf32, #tpu.memory_space<hbm>>
      tpu.enqueue_dma source(%arg8 : memref<80x128xf32, #tpu.memory_space<vmem>>) target(%dma_start3A_93 : memref<80x128xf32, #tpu.memory_space<hbm>>) target_semaphore(%run_scoped3A_87 : memref<!tpu.dma_semaphore, #tpu.memory_space<semaphore_mem>>)
      %dma_wait3A_94 = arith.constant 0 : i32
      %dma_wait3A_95 = tpu.memref_slice %arg5[%arg0, %add3A_70, %dma_wait3A_94] : memref<2x10240x128xf32, #tpu.memory_space<hbm>> -> memref<1x80x128xf32, #tpu.memory_space<hbm>>
      %dma_wait3A_96 = tpu.memref_squeeze %dma_wait3A_95 : memref<1x80x128xf32, #tpu.memory_space<hbm>> -> memref<80x128xf32, #tpu.memory_space<hbm>>
      %dma_wait3A_97 = arith.constant 0 : i32
      %dma_wait3A_98 = tpu.memref_slice %arg5[%arg0, %add3A_70, %dma_wait3A_97] : memref<2x10240x128xf32, #tpu.memory_space<hbm>> -> memref<1x80x128xf32, #tpu.memory_space<hbm>>
      %dma_wait3A_99 = tpu.memref_squeeze %dma_wait3A_98 : memref<1x80x128xf32, #tpu.memory_space<hbm>> -> memref<80x128xf32, #tpu.memory_space<hbm>>
      tpu.wait_dma2 semaphore(%run_scoped3A_87 : memref<!tpu.dma_semaphore, #tpu.memory_space<semaphore_mem>>) src(%arg8 : memref<80x128xf32, #tpu.memory_space<vmem>>) dst(%dma_wait3A_99 : memref<80x128xf32, #tpu.memory_space<hbm>>)
      tpu.yield
    }) : () -> ()
    %mul3A_71 = arith.constant 640 : i32
    %mul3A_72 = arith.muli %arg1, %mul3A_71 : i32
    %add3A_73 = arith.constant 320 : i32
    %add3A_74 = arith.addi %mul3A_72, %add3A_73 : i32
    "tpu.region"() ({
      %run_scoped3A_87 = tpu.sem_alloc : memref<!tpu.dma_semaphore, #tpu.memory_space<semaphore_mem>>
      %dma_start3A_88 = arith.constant 0 : i32
      %dma_start3A_89 = tpu.memref_slice %arg10[%add3A_74, %dma_start3A_88] : memref<10240x128xf32, #tpu.memory_space<vmem_shared>> -> memref<80x128xf32, #tpu.memory_space<vmem_shared>>
      %dma_start3A_90 = arith.constant 0 : i32
      %dma_start3A_91 = tpu.memref_slice %arg10[%add3A_74, %dma_start3A_90] : memref<10240x128xf32, #tpu.memory_space<vmem_shared>> -> memref<80x128xf32, #tpu.memory_space<vmem_shared>>
      tpu.enqueue_dma source(%dma_start3A_91 : memref<80x128xf32, #tpu.memory_space<vmem_shared>>) target(%arg8 : memref<80x128xf32, #tpu.memory_space<vmem>>) target_semaphore(%run_scoped3A_87 : memref<!tpu.dma_semaphore, #tpu.memory_space<semaphore_mem>>)
      %dma_wait3A_92 = arith.constant 0 : i32
      %dma_wait3A_93 = tpu.memref_slice %arg10[%add3A_74, %dma_wait3A_92] : memref<10240x128xf32, #tpu.memory_space<vmem_shared>> -> memref<80x128xf32, #tpu.memory_space<vmem_shared>>
      %dma_wait3A_94 = arith.constant 0 : i32
      %dma_wait3A_95 = tpu.memref_slice %arg10[%add3A_74, %dma_wait3A_94] : memref<10240x128xf32, #tpu.memory_space<vmem_shared>> -> memref<80x128xf32, #tpu.memory_space<vmem_shared>>
      tpu.wait_dma2 semaphore(%run_scoped3A_87 : memref<!tpu.dma_semaphore, #tpu.memory_space<semaphore_mem>>) src(%dma_wait3A_95 : memref<80x128xf32, #tpu.memory_space<vmem_shared>>) dst(%arg8 : memref<80x128xf32, #tpu.memory_space<vmem>>)
      tpu.yield
    }) : () -> ()
    "tpu.region"() ({
      %run_scoped3A_87 = tpu.sem_alloc : memref<!tpu.dma_semaphore, #tpu.memory_space<semaphore_mem>>
      %dma_start3A_88 = arith.constant 0 : i32
      %dma_start3A_89 = tpu.memref_slice %arg5[%arg0, %add3A_74, %dma_start3A_88] : memref<2x10240x128xf32, #tpu.memory_space<hbm>> -> memref<1x80x128xf32, #tpu.memory_space<hbm>>
      %dma_start3A_90 = tpu.memref_squeeze %dma_start3A_89 : memref<1x80x128xf32, #tpu.memory_space<hbm>> -> memref<80x128xf32, #tpu.memory_space<hbm>>
      %dma_start3A_91 = arith.constant 0 : i32
      %dma_start3A_92 = tpu.memref_slice %arg5[%arg0, %add3A_74, %dma_start3A_91] : memref<2x10240x128xf32, #tpu.memory_space<hbm>> -> memref<1x80x128xf32, #tpu.memory_space<hbm>>
      %dma_start3A_93 = tpu.memref_squeeze %dma_start3A_92 : memref<1x80x128xf32, #tpu.memory_space<hbm>> -> memref<80x128xf32, #tpu.memory_space<hbm>>
      tpu.enqueue_dma source(%arg8 : memref<80x128xf32, #tpu.memory_space<vmem>>) target(%dma_start3A_93 : memref<80x128xf32, #tpu.memory_space<hbm>>) target_semaphore(%run_scoped3A_87 : memref<!tpu.dma_semaphore, #tpu.memory_space<semaphore_mem>>)
      %dma_wait3A_94 = arith.constant 0 : i32
      %dma_wait3A_95 = tpu.memref_slice %arg5[%arg0, %add3A_74, %dma_wait3A_94] : memref<2x10240x128xf32, #tpu.memory_space<hbm>> -> memref<1x80x128xf32, #tpu.memory_space<hbm>>
      %dma_wait3A_96 = tpu.memref_squeeze %dma_wait3A_95 : memref<1x80x128xf32, #tpu.memory_space<hbm>> -> memref<80x128xf32, #tpu.memory_space<hbm>>
      %dma_wait3A_97 = arith.constant 0 : i32
      %dma_wait3A_98 = tpu.memref_slice %arg5[%arg0, %add3A_74, %dma_wait3A_97] : memref<2x10240x128xf32, #tpu.memory_space<hbm>> -> memref<1x80x128xf32, #tpu.memory_space<hbm>>
      %dma_wait3A_99 = tpu.memref_squeeze %dma_wait3A_98 : memref<1x80x128xf32, #tpu.memory_space<hbm>> -> memref<80x128xf32, #tpu.memory_space<hbm>>
      tpu.wait_dma2 semaphore(%run_scoped3A_87 : memref<!tpu.dma_semaphore, #tpu.memory_space<semaphore_mem>>) src(%arg8 : memref<80x128xf32, #tpu.memory_space<vmem>>) dst(%dma_wait3A_99 : memref<80x128xf32, #tpu.memory_space<hbm>>)
      tpu.yield
    }) : () -> ()
    %mul3A_75 = arith.constant 640 : i32
    %mul3A_76 = arith.muli %arg1, %mul3A_75 : i32
    %add3A_77 = arith.constant 400 : i32
    %add3A_78 = arith.addi %mul3A_76, %add3A_77 : i32
    "tpu.region"() ({
      %run_scoped3A_87 = tpu.sem_alloc : memref<!tpu.dma_semaphore, #tpu.memory_space<semaphore_mem>>
      %dma_start3A_88 = arith.constant 0 : i32
      %dma_start3A_89 = tpu.memref_slice %arg10[%add3A_78, %dma_start3A_88] : memref<10240x128xf32, #tpu.memory_space<vmem_shared>> -> memref<80x128xf32, #tpu.memory_space<vmem_shared>>
      %dma_start3A_90 = arith.constant 0 : i32
      %dma_start3A_91 = tpu.memref_slice %arg10[%add3A_78, %dma_start3A_90] : memref<10240x128xf32, #tpu.memory_space<vmem_shared>> -> memref<80x128xf32, #tpu.memory_space<vmem_shared>>
      tpu.enqueue_dma source(%dma_start3A_91 : memref<80x128xf32, #tpu.memory_space<vmem_shared>>) target(%arg8 : memref<80x128xf32, #tpu.memory_space<vmem>>) target_semaphore(%run_scoped3A_87 : memref<!tpu.dma_semaphore, #tpu.memory_space<semaphore_mem>>)
      %dma_wait3A_92 = arith.constant 0 : i32
      %dma_wait3A_93 = tpu.memref_slice %arg10[%add3A_78, %dma_wait3A_92] : memref<10240x128xf32, #tpu.memory_space<vmem_shared>> -> memref<80x128xf32, #tpu.memory_space<vmem_shared>>
      %dma_wait3A_94 = arith.constant 0 : i32
      %dma_wait3A_95 = tpu.memref_slice %arg10[%add3A_78, %dma_wait3A_94] : memref<10240x128xf32, #tpu.memory_space<vmem_shared>> -> memref<80x128xf32, #tpu.memory_space<vmem_shared>>
      tpu.wait_dma2 semaphore(%run_scoped3A_87 : memref<!tpu.dma_semaphore, #tpu.memory_space<semaphore_mem>>) src(%dma_wait3A_95 : memref<80x128xf32, #tpu.memory_space<vmem_shared>>) dst(%arg8 : memref<80x128xf32, #tpu.memory_space<vmem>>)
      tpu.yield
    }) : () -> ()
    "tpu.region"() ({
      %run_scoped3A_87 = tpu.sem_alloc : memref<!tpu.dma_semaphore, #tpu.memory_space<semaphore_mem>>
      %dma_start3A_88 = arith.constant 0 : i32
      %dma_start3A_89 = tpu.memref_slice %arg5[%arg0, %add3A_78, %dma_start3A_88] : memref<2x10240x128xf32, #tpu.memory_space<hbm>> -> memref<1x80x128xf32, #tpu.memory_space<hbm>>
      %dma_start3A_90 = tpu.memref_squeeze %dma_start3A_89 : memref<1x80x128xf32, #tpu.memory_space<hbm>> -> memref<80x128xf32, #tpu.memory_space<hbm>>
      %dma_start3A_91 = arith.constant 0 : i32
      %dma_start3A_92 = tpu.memref_slice %arg5[%arg0, %add3A_78, %dma_start3A_91] : memref<2x10240x128xf32, #tpu.memory_space<hbm>> -> memref<1x80x128xf32, #tpu.memory_space<hbm>>
      %dma_start3A_93 = tpu.memref_squeeze %dma_start3A_92 : memref<1x80x128xf32, #tpu.memory_space<hbm>> -> memref<80x128xf32, #tpu.memory_space<hbm>>
      tpu.enqueue_dma source(%arg8 : memref<80x128xf32, #tpu.memory_space<vmem>>) target(%dma_start3A_93 : memref<80x128xf32, #tpu.memory_space<hbm>>) target_semaphore(%run_scoped3A_87 : memref<!tpu.dma_semaphore, #tpu.memory_space<semaphore_mem>>)
      %dma_wait3A_94 = arith.constant 0 : i32
      %dma_wait3A_95 = tpu.memref_slice %arg5[%arg0, %add3A_78, %dma_wait3A_94] : memref<2x10240x128xf32, #tpu.memory_space<hbm>> -> memref<1x80x128xf32, #tpu.memory_space<hbm>>
      %dma_wait3A_96 = tpu.memref_squeeze %dma_wait3A_95 : memref<1x80x128xf32, #tpu.memory_space<hbm>> -> memref<80x128xf32, #tpu.memory_space<hbm>>
      %dma_wait3A_97 = arith.constant 0 : i32
      %dma_wait3A_98 = tpu.memref_slice %arg5[%arg0, %add3A_78, %dma_wait3A_97] : memref<2x10240x128xf32, #tpu.memory_space<hbm>> -> memref<1x80x128xf32, #tpu.memory_space<hbm>>
      %dma_wait3A_99 = tpu.memref_squeeze %dma_wait3A_98 : memref<1x80x128xf32, #tpu.memory_space<hbm>> -> memref<80x128xf32, #tpu.memory_space<hbm>>
      tpu.wait_dma2 semaphore(%run_scoped3A_87 : memref<!tpu.dma_semaphore, #tpu.memory_space<semaphore_mem>>) src(%arg8 : memref<80x128xf32, #tpu.memory_space<vmem>>) dst(%dma_wait3A_99 : memref<80x128xf32, #tpu.memory_space<hbm>>)
      tpu.yield
    }) : () -> ()
    %mul3A_79 = arith.constant 640 : i32
    %mul3A_80 = arith.muli %arg1, %mul3A_79 : i32
    %add3A_81 = arith.constant 480 : i32
    %add3A_82 = arith.addi %mul3A_80, %add3A_81 : i32
    "tpu.region"() ({
      %run_scoped3A_87 = tpu.sem_alloc : memref<!tpu.dma_semaphore, #tpu.memory_space<semaphore_mem>>
      %dma_start3A_88 = arith.constant 0 : i32
      %dma_start3A_89 = tpu.memref_slice %arg10[%add3A_82, %dma_start3A_88] : memref<10240x128xf32, #tpu.memory_space<vmem_shared>> -> memref<80x128xf32, #tpu.memory_space<vmem_shared>>
      %dma_start3A_90 = arith.constant 0 : i32
      %dma_start3A_91 = tpu.memref_slice %arg10[%add3A_82, %dma_start3A_90] : memref<10240x128xf32, #tpu.memory_space<vmem_shared>> -> memref<80x128xf32, #tpu.memory_space<vmem_shared>>
      tpu.enqueue_dma source(%dma_start3A_91 : memref<80x128xf32, #tpu.memory_space<vmem_shared>>) target(%arg8 : memref<80x128xf32, #tpu.memory_space<vmem>>) target_semaphore(%run_scoped3A_87 : memref<!tpu.dma_semaphore, #tpu.memory_space<semaphore_mem>>)
      %dma_wait3A_92 = arith.constant 0 : i32
      %dma_wait3A_93 = tpu.memref_slice %arg10[%add3A_82, %dma_wait3A_92] : memref<10240x128xf32, #tpu.memory_space<vmem_shared>> -> memref<80x128xf32, #tpu.memory_space<vmem_shared>>
      %dma_wait3A_94 = arith.constant 0 : i32
      %dma_wait3A_95 = tpu.memref_slice %arg10[%add3A_82, %dma_wait3A_94] : memref<10240x128xf32, #tpu.memory_space<vmem_shared>> -> memref<80x128xf32, #tpu.memory_space<vmem_shared>>
      tpu.wait_dma2 semaphore(%run_scoped3A_87 : memref<!tpu.dma_semaphore, #tpu.memory_space<semaphore_mem>>) src(%dma_wait3A_95 : memref<80x128xf32, #tpu.memory_space<vmem_shared>>) dst(%arg8 : memref<80x128xf32, #tpu.memory_space<vmem>>)
      tpu.yield
    }) : () -> ()
    "tpu.region"() ({
      %run_scoped3A_87 = tpu.sem_alloc : memref<!tpu.dma_semaphore, #tpu.memory_space<semaphore_mem>>
      %dma_start3A_88 = arith.constant 0 : i32
      %dma_start3A_89 = tpu.memref_slice %arg5[%arg0, %add3A_82, %dma_start3A_88] : memref<2x10240x128xf32, #tpu.memory_space<hbm>> -> memref<1x80x128xf32, #tpu.memory_space<hbm>>
      %dma_start3A_90 = tpu.memref_squeeze %dma_start3A_89 : memref<1x80x128xf32, #tpu.memory_space<hbm>> -> memref<80x128xf32, #tpu.memory_space<hbm>>
      %dma_start3A_91 = arith.constant 0 : i32
      %dma_start3A_92 = tpu.memref_slice %arg5[%arg0, %add3A_82, %dma_start3A_91] : memref<2x10240x128xf32, #tpu.memory_space<hbm>> -> memref<1x80x128xf32, #tpu.memory_space<hbm>>
      %dma_start3A_93 = tpu.memref_squeeze %dma_start3A_92 : memref<1x80x128xf32, #tpu.memory_space<hbm>> -> memref<80x128xf32, #tpu.memory_space<hbm>>
      tpu.enqueue_dma source(%arg8 : memref<80x128xf32, #tpu.memory_space<vmem>>) target(%dma_start3A_93 : memref<80x128xf32, #tpu.memory_space<hbm>>) target_semaphore(%run_scoped3A_87 : memref<!tpu.dma_semaphore, #tpu.memory_space<semaphore_mem>>)
      %dma_wait3A_94 = arith.constant 0 : i32
      %dma_wait3A_95 = tpu.memref_slice %arg5[%arg0, %add3A_82, %dma_wait3A_94] : memref<2x10240x128xf32, #tpu.memory_space<hbm>> -> memref<1x80x128xf32, #tpu.memory_space<hbm>>
      %dma_wait3A_96 = tpu.memref_squeeze %dma_wait3A_95 : memref<1x80x128xf32, #tpu.memory_space<hbm>> -> memref<80x128xf32, #tpu.memory_space<hbm>>
      %dma_wait3A_97 = arith.constant 0 : i32
      %dma_wait3A_98 = tpu.memref_slice %arg5[%arg0, %add3A_82, %dma_wait3A_97] : memref<2x10240x128xf32, #tpu.memory_space<hbm>> -> memref<1x80x128xf32, #tpu.memory_space<hbm>>
      %dma_wait3A_99 = tpu.memref_squeeze %dma_wait3A_98 : memref<1x80x128xf32, #tpu.memory_space<hbm>> -> memref<80x128xf32, #tpu.memory_space<hbm>>
      tpu.wait_dma2 semaphore(%run_scoped3A_87 : memref<!tpu.dma_semaphore, #tpu.memory_space<semaphore_mem>>) src(%arg8 : memref<80x128xf32, #tpu.memory_space<vmem>>) dst(%dma_wait3A_99 : memref<80x128xf32, #tpu.memory_space<hbm>>)
      tpu.yield
    }) : () -> ()
    %mul3A_83 = arith.constant 640 : i32
    %mul3A_84 = arith.muli %arg1, %mul3A_83 : i32
    %add3A_85 = arith.constant 560 : i32
    %add3A_86 = arith.addi %mul3A_84, %add3A_85 : i32
    "tpu.region"() ({
      %run_scoped3A_87 = tpu.sem_alloc : memref<!tpu.dma_semaphore, #tpu.memory_space<semaphore_mem>>
      %dma_start3A_88 = arith.constant 0 : i32
      %dma_start3A_89 = tpu.memref_slice %arg10[%add3A_86, %dma_start3A_88] : memref<10240x128xf32, #tpu.memory_space<vmem_shared>> -> memref<80x128xf32, #tpu.memory_space<vmem_shared>>
      %dma_start3A_90 = arith.constant 0 : i32
      %dma_start3A_91 = tpu.memref_slice %arg10[%add3A_86, %dma_start3A_90] : memref<10240x128xf32, #tpu.memory_space<vmem_shared>> -> memref<80x128xf32, #tpu.memory_space<vmem_shared>>
      tpu.enqueue_dma source(%dma_start3A_91 : memref<80x128xf32, #tpu.memory_space<vmem_shared>>) target(%arg8 : memref<80x128xf32, #tpu.memory_space<vmem>>) target_semaphore(%run_scoped3A_87 : memref<!tpu.dma_semaphore, #tpu.memory_space<semaphore_mem>>)
      %dma_wait3A_92 = arith.constant 0 : i32
      %dma_wait3A_93 = tpu.memref_slice %arg10[%add3A_86, %dma_wait3A_92] : memref<10240x128xf32, #tpu.memory_space<vmem_shared>> -> memref<80x128xf32, #tpu.memory_space<vmem_shared>>
      %dma_wait3A_94 = arith.constant 0 : i32
      %dma_wait3A_95 = tpu.memref_slice %arg10[%add3A_86, %dma_wait3A_94] : memref<10240x128xf32, #tpu.memory_space<vmem_shared>> -> memref<80x128xf32, #tpu.memory_space<vmem_shared>>
      tpu.wait_dma2 semaphore(%run_scoped3A_87 : memref<!tpu.dma_semaphore, #tpu.memory_space<semaphore_mem>>) src(%dma_wait3A_95 : memref<80x128xf32, #tpu.memory_space<vmem_shared>>) dst(%arg8 : memref<80x128xf32, #tpu.memory_space<vmem>>)
      tpu.yield
    }) : () -> ()
    "tpu.region"() ({
      %run_scoped3A_87 = tpu.sem_alloc : memref<!tpu.dma_semaphore, #tpu.memory_space<semaphore_mem>>
      %dma_start3A_88 = arith.constant 0 : i32
      %dma_start3A_89 = tpu.memref_slice %arg5[%arg0, %add3A_86, %dma_start3A_88] : memref<2x10240x128xf32, #tpu.memory_space<hbm>> -> memref<1x80x128xf32, #tpu.memory_space<hbm>>
      %dma_start3A_90 = tpu.memref_squeeze %dma_start3A_89 : memref<1x80x128xf32, #tpu.memory_space<hbm>> -> memref<80x128xf32, #tpu.memory_space<hbm>>
      %dma_start3A_91 = arith.constant 0 : i32
      %dma_start3A_92 = tpu.memref_slice %arg5[%arg0, %add3A_86, %dma_start3A_91] : memref<2x10240x128xf32, #tpu.memory_space<hbm>> -> memref<1x80x128xf32, #tpu.memory_space<hbm>>
      %dma_start3A_93 = tpu.memref_squeeze %dma_start3A_92 : memref<1x80x128xf32, #tpu.memory_space<hbm>> -> memref<80x128xf32, #tpu.memory_space<hbm>>
      tpu.enqueue_dma source(%arg8 : memref<80x128xf32, #tpu.memory_space<vmem>>) target(%dma_start3A_93 : memref<80x128xf32, #tpu.memory_space<hbm>>) target_semaphore(%run_scoped3A_87 : memref<!tpu.dma_semaphore, #tpu.memory_space<semaphore_mem>>)
      %dma_wait3A_94 = arith.constant 0 : i32
      %dma_wait3A_95 = tpu.memref_slice %arg5[%arg0, %add3A_86, %dma_wait3A_94] : memref<2x10240x128xf32, #tpu.memory_space<hbm>> -> memref<1x80x128xf32, #tpu.memory_space<hbm>>
      %dma_wait3A_96 = tpu.memref_squeeze %dma_wait3A_95 : memref<1x80x128xf32, #tpu.memory_space<hbm>> -> memref<80x128xf32, #tpu.memory_space<hbm>>
      %dma_wait3A_97 = arith.constant 0 : i32
      %dma_wait3A_98 = tpu.memref_slice %arg5[%arg0, %add3A_86, %dma_wait3A_97] : memref<2x10240x128xf32, #tpu.memory_space<hbm>> -> memref<1x80x128xf32, #tpu.memory_space<hbm>>
      %dma_wait3A_99 = tpu.memref_squeeze %dma_wait3A_98 : memref<1x80x128xf32, #tpu.memory_space<hbm>> -> memref<80x128xf32, #tpu.memory_space<hbm>>
      tpu.wait_dma2 semaphore(%run_scoped3A_87 : memref<!tpu.dma_semaphore, #tpu.memory_space<semaphore_mem>>) src(%arg8 : memref<80x128xf32, #tpu.memory_space<vmem>>) dst(%dma_wait3A_99 : memref<80x128xf32, #tpu.memory_space<hbm>>)
      tpu.yield
    }) : () -> ()
    return
  }
}

#map = affine_map<(d0, d1) -> (0, 0, 0)>
module attributes {stable_mosaic.version = 14 : i64} {
  func.func @_sc_cnt_body(%arg0: i32, %arg1: i32, %arg2: memref<32x125x80xi32, #tpu.memory_space<hbm>>, %arg3: memref<2x10240x128xf32, #tpu.memory_space<hbm>>, %arg4: memref<125x80xi32, #tpu.memory_space<vmem>>, %arg5: memref<80x128xf32, #tpu.memory_space<vmem>>, %arg6: memref<10240x128xf32, #tpu.memory_space<vmem_shared>>, %arg7: memref<!tpu.dma_semaphore, #tpu.memory_space<semaphore_mem>>) attributes {dimension_semantics = [#tpu.dimension_semantics<core_parallel>, #tpu.dimension_semantics<subcore_parallel>], iteration_bounds = array<i64: 2, 16>, scalar_prefetch = 0 : i64, scratch_operands = 4 : i64, tpu.core_type = #tpu.core_type<sc_vector_subcore>, window_params = [{transform_indices = #map}, {transform_indices = #map}]} {
    %mul3A = arith.constant 16 : i32
    %mul3A_0 = arith.muli %arg0, %mul3A : i32
    %add3A = arith.addi %mul3A_0, %arg1 : i32
    "tpu.region"() ({
      %run_scoped3A = tpu.sem_alloc : memref<!tpu.dma_semaphore, #tpu.memory_space<semaphore_mem>>
      %dma_start3A = arith.constant 0 : i32
      %dma_start3A_86 = arith.constant 0 : i32
      %dma_start3A_87 = tpu.memref_slice %arg2[%add3A, %dma_start3A, %dma_start3A_86] : memref<32x125x80xi32, #tpu.memory_space<hbm>> -> memref<1x125x80xi32, #tpu.memory_space<hbm>>
      %dma_start3A_88 = tpu.memref_squeeze %dma_start3A_87 : memref<1x125x80xi32, #tpu.memory_space<hbm>> -> memref<125x80xi32, #tpu.memory_space<hbm>>
      %dma_start3A_89 = arith.constant 0 : i32
      %dma_start3A_90 = arith.constant 0 : i32
      %dma_start3A_91 = tpu.memref_slice %arg2[%add3A, %dma_start3A_89, %dma_start3A_90] : memref<32x125x80xi32, #tpu.memory_space<hbm>> -> memref<1x125x80xi32, #tpu.memory_space<hbm>>
      %dma_start3A_92 = tpu.memref_squeeze %dma_start3A_91 : memref<1x125x80xi32, #tpu.memory_space<hbm>> -> memref<125x80xi32, #tpu.memory_space<hbm>>
      tpu.enqueue_dma source(%dma_start3A_92 : memref<125x80xi32, #tpu.memory_space<hbm>>) target(%arg4 : memref<125x80xi32, #tpu.memory_space<vmem>>) target_semaphore(%run_scoped3A : memref<!tpu.dma_semaphore, #tpu.memory_space<semaphore_mem>>)
      %dma_wait3A = arith.constant 0 : i32
      %dma_wait3A_93 = arith.constant 0 : i32
      %dma_wait3A_94 = tpu.memref_slice %arg2[%add3A, %dma_wait3A, %dma_wait3A_93] : memref<32x125x80xi32, #tpu.memory_space<hbm>> -> memref<1x125x80xi32, #tpu.memory_space<hbm>>
      %dma_wait3A_95 = tpu.memref_squeeze %dma_wait3A_94 : memref<1x125x80xi32, #tpu.memory_space<hbm>> -> memref<125x80xi32, #tpu.memory_space<hbm>>
      %dma_wait3A_96 = arith.constant 0 : i32
      %dma_wait3A_97 = arith.constant 0 : i32
      %dma_wait3A_98 = tpu.memref_slice %arg2[%add3A, %dma_wait3A_96, %dma_wait3A_97] : memref<32x125x80xi32, #tpu.memory_space<hbm>> -> memref<1x125x80xi32, #tpu.memory_space<hbm>>
      %dma_wait3A_99 = tpu.memref_squeeze %dma_wait3A_98 : memref<1x125x80xi32, #tpu.memory_space<hbm>> -> memref<125x80xi32, #tpu.memory_space<hbm>>
      tpu.wait_dma2 semaphore(%run_scoped3A : memref<!tpu.dma_semaphore, #tpu.memory_space<semaphore_mem>>) src(%dma_wait3A_99 : memref<125x80xi32, #tpu.memory_space<hbm>>) dst(%arg4 : memref<125x80xi32, #tpu.memory_space<vmem>>)
      tpu.yield
    }) : () -> ()
    %scan3A = arith.constant 0 : i32
    %scan3A_1 = arith.constant 0 : i32
    %scan3A_2 = arith.constant 80 : i32
    %scan3A_3 = arith.addi %scan3A_1, %scan3A_2 : i32
    %scan3A_4 = arith.constant 1 : i32
    %scan3A_5 = scf.for %scan3A_86 = %scan3A_1 to %scan3A_3 step %scan3A_4 iter_args(%scan3A_87 = %scan3A) -> (i32)  : i32 {
      %broadcast_in_dim3A = arith.constant 0.000000e+00 : f32
      %broadcast_in_dim3A_88 = vector.broadcast %broadcast_in_dim3A : f32 to vector<16xf32>
      %swap3A = arith.index_cast %scan3A_86 : i32 to index
      %swap3A_89 = arith.constant 0 : index
      %swap3A_90 = tpu.vector_load %arg5[%swap3A, %swap3A_89] {strides = array<i32>} : memref<80x128xf32, #tpu.memory_space<vmem>>, vector<1x16xf32>,
      %swap3A_91 = vector.shape_cast %swap3A_90 : vector<1x16xf32> to vector<16xf32>
      %swap3A_92 = vector.shape_cast %broadcast_in_dim3A_88 : vector<16xf32> to vector<1x16xf32>
      tpu.vector_store %arg5[%swap3A, %swap3A_89], %swap3A_92 {strides = array<i32>} : memref<80x128xf32, #tpu.memory_space<vmem>>, vector<1x16xf32>,
      %broadcast_in_dim3A_93 = arith.constant 0.000000e+00 : f32
      %broadcast_in_dim3A_94 = vector.broadcast %broadcast_in_dim3A_93 : f32 to vector<16xf32>
      %swap3A_95 = arith.index_cast %scan3A_86 : i32 to index
      %swap3A_96 = arith.constant 16 : index
      %swap3A_97 = tpu.vector_load %arg5[%swap3A_95, %swap3A_96] {strides = array<i32>} : memref<80x128xf32, #tpu.memory_space<vmem>>, vector<1x16xf32>,
      %swap3A_98 = vector.shape_cast %swap3A_97 : vector<1x16xf32> to vector<16xf32>
      %swap3A_99 = vector.shape_cast %broadcast_in_dim3A_94 : vector<16xf32> to vector<1x16xf32>
      tpu.vector_store %arg5[%swap3A_95, %swap3A_96], %swap3A_99 {strides = array<i32>} : memref<80x128xf32, #tpu.memory_space<vmem>>, vector<1x16xf32>,
      %broadcast_in_dim3A_100 = arith.constant 0.000000e+00 : f32
      %broadcast_in_dim3A_101 = vector.broadcast %broadcast_in_dim3A_100 : f32 to vector<16xf32>
      %swap3A_102 = arith.index_cast %scan3A_86 : i32 to index
      %swap3A_103 = arith.constant 32 : index
      %swap3A_104 = tpu.vector_load %arg5[%swap3A_102, %swap3A_103] {strides = array<i32>} : memref<80x128xf32, #tpu.memory_space<vmem>>, vector<1x16xf32>,
      %swap3A_105 = vector.shape_cast %swap3A_104 : vector<1x16xf32> to vector<16xf32>
      %swap3A_106 = vector.shape_cast %broadcast_in_dim3A_101 : vector<16xf32> to vector<1x16xf32>
      tpu.vector_store %arg5[%swap3A_102, %swap3A_103], %swap3A_106 {strides = array<i32>} : memref<80x128xf32, #tpu.memory_space<vmem>>, vector<1x16xf32>,
      %broadcast_in_dim3A_107 = arith.constant 0.000000e+00 : f32
      %broadcast_in_dim3A_108 = vector.broadcast %broadcast_in_dim3A_107 : f32 to vector<16xf32>
      %swap3A_109 = arith.index_cast %scan3A_86 : i32 to index
      %swap3A_110 = arith.constant 48 : index
      %swap3A_111 = tpu.vector_load %arg5[%swap3A_109, %swap3A_110] {strides = array<i32>} : memref<80x128xf32, #tpu.memory_space<vmem>>, vector<1x16xf32>,
      %swap3A_112 = vector.shape_cast %swap3A_111 : vector<1x16xf32> to vector<16xf32>
      %swap3A_113 = vector.shape_cast %broadcast_in_dim3A_108 : vector<16xf32> to vector<1x16xf32>
      tpu.vector_store %arg5[%swap3A_109, %swap3A_110], %swap3A_113 {strides = array<i32>} : memref<80x128xf32, #tpu.memory_space<vmem>>, vector<1x16xf32>,
      %broadcast_in_dim3A_114 = arith.constant 0.000000e+00 : f32
      %broadcast_in_dim3A_115 = vector.broadcast %broadcast_in_dim3A_114 : f32 to vector<16xf32>
      %swap3A_116 = arith.index_cast %scan3A_86 : i32 to index
      %swap3A_117 = arith.constant 64 : index
      %swap3A_118 = tpu.vector_load %arg5[%swap3A_116, %swap3A_117] {strides = array<i32>} : memref<80x128xf32, #tpu.memory_space<vmem>>, vector<1x16xf32>,
      %swap3A_119 = vector.shape_cast %swap3A_118 : vector<1x16xf32> to vector<16xf32>
      %swap3A_120 = vector.shape_cast %broadcast_in_dim3A_115 : vector<16xf32> to vector<1x16xf32>
      tpu.vector_store %arg5[%swap3A_116, %swap3A_117], %swap3A_120 {strides = array<i32>} : memref<80x128xf32, #tpu.memory_space<vmem>>, vector<1x16xf32>,
      %broadcast_in_dim3A_121 = arith.constant 0.000000e+00 : f32
      %broadcast_in_dim3A_122 = vector.broadcast %broadcast_in_dim3A_121 : f32 to vector<16xf32>
      %swap3A_123 = arith.index_cast %scan3A_86 : i32 to index
      %swap3A_124 = arith.constant 80 : index
      %swap3A_125 = tpu.vector_load %arg5[%swap3A_123, %swap3A_124] {strides = array<i32>} : memref<80x128xf32, #tpu.memory_space<vmem>>, vector<1x16xf32>,
      %swap3A_126 = vector.shape_cast %swap3A_125 : vector<1x16xf32> to vector<16xf32>
      %swap3A_127 = vector.shape_cast %broadcast_in_dim3A_122 : vector<16xf32> to vector<1x16xf32>
      tpu.vector_store %arg5[%swap3A_123, %swap3A_124], %swap3A_127 {strides = array<i32>} : memref<80x128xf32, #tpu.memory_space<vmem>>, vector<1x16xf32>,
      %broadcast_in_dim3A_128 = arith.constant 0.000000e+00 : f32
      %broadcast_in_dim3A_129 = vector.broadcast %broadcast_in_dim3A_128 : f32 to vector<16xf32>
      %swap3A_130 = arith.index_cast %scan3A_86 : i32 to index
      %swap3A_131 = arith.constant 96 : index
      %swap3A_132 = tpu.vector_load %arg5[%swap3A_130, %swap3A_131] {strides = array<i32>} : memref<80x128xf32, #tpu.memory_space<vmem>>, vector<1x16xf32>,
      %swap3A_133 = vector.shape_cast %swap3A_132 : vector<1x16xf32> to vector<16xf32>
      %swap3A_134 = vector.shape_cast %broadcast_in_dim3A_129 : vector<16xf32> to vector<1x16xf32>
      tpu.vector_store %arg5[%swap3A_130, %swap3A_131], %swap3A_134 {strides = array<i32>} : memref<80x128xf32, #tpu.memory_space<vmem>>, vector<1x16xf32>,
      %broadcast_in_dim3A_135 = arith.constant 0.000000e+00 : f32
      %broadcast_in_dim3A_136 = vector.broadcast %broadcast_in_dim3A_135 : f32 to vector<16xf32>
      %swap3A_137 = arith.index_cast %scan3A_86 : i32 to index
      %swap3A_138 = arith.constant 112 : index
      %swap3A_139 = tpu.vector_load %arg5[%swap3A_137, %swap3A_138] {strides = array<i32>} : memref<80x128xf32, #tpu.memory_space<vmem>>, vector<1x16xf32>,
      %swap3A_140 = vector.shape_cast %swap3A_139 : vector<1x16xf32> to vector<16xf32>
      %swap3A_141 = vector.shape_cast %broadcast_in_dim3A_136 : vector<16xf32> to vector<1x16xf32>
      tpu.vector_store %arg5[%swap3A_137, %swap3A_138], %swap3A_141 {strides = array<i32>} : memref<80x128xf32, #tpu.memory_space<vmem>>, vector<1x16xf32>,
      %scan3A_142 = arith.constant 0 : i32
      scf.yield %scan3A_142 : i32
    }
    %scan3A_6 = arith.constant 80 : i32
    %mul3A_7 = arith.constant 640 : i32
    %mul3A_8 = arith.muli %arg1, %mul3A_7 : i32
    %add3A_9 = arith.constant 0 : i32
    %add3A_10 = arith.addi %mul3A_8, %add3A_9 : i32
    "tpu.region"() ({
      %run_scoped3A = tpu.sem_alloc : memref<!tpu.dma_semaphore, #tpu.memory_space<semaphore_mem>>
      %dma_start3A = arith.constant 0 : i32
      %dma_start3A_86 = tpu.memref_slice %arg6[%add3A_10, %dma_start3A] : memref<10240x128xf32, #tpu.memory_space<vmem_shared>> -> memref<80x128xf32, #tpu.memory_space<vmem_shared>>
      %dma_start3A_87 = arith.constant 0 : i32
      %dma_start3A_88 = tpu.memref_slice %arg6[%add3A_10, %dma_start3A_87] : memref<10240x128xf32, #tpu.memory_space<vmem_shared>> -> memref<80x128xf32, #tpu.memory_space<vmem_shared>>
      tpu.enqueue_dma source(%arg5 : memref<80x128xf32, #tpu.memory_space<vmem>>) target(%dma_start3A_88 : memref<80x128xf32, #tpu.memory_space<vmem_shared>>) target_semaphore(%run_scoped3A : memref<!tpu.dma_semaphore, #tpu.memory_space<semaphore_mem>>)
      %dma_wait3A = arith.constant 0 : i32
      %dma_wait3A_89 = tpu.memref_slice %arg6[%add3A_10, %dma_wait3A] : memref<10240x128xf32, #tpu.memory_space<vmem_shared>> -> memref<80x128xf32, #tpu.memory_space<vmem_shared>>
      %dma_wait3A_90 = arith.constant 0 : i32
      %dma_wait3A_91 = tpu.memref_slice %arg6[%add3A_10, %dma_wait3A_90] : memref<10240x128xf32, #tpu.memory_space<vmem_shared>> -> memref<80x128xf32, #tpu.memory_space<vmem_shared>>
      tpu.wait_dma2 semaphore(%run_scoped3A : memref<!tpu.dma_semaphore, #tpu.memory_space<semaphore_mem>>) src(%arg5 : memref<80x128xf32, #tpu.memory_space<vmem>>) dst(%dma_wait3A_91 : memref<80x128xf32, #tpu.memory_space<vmem_shared>>)
      tpu.yield
    }) : () -> ()
    %mul3A_11 = arith.constant 640 : i32
    %mul3A_12 = arith.muli %arg1, %mul3A_11 : i32
    %add3A_13 = arith.constant 80 : i32
    %add3A_14 = arith.addi %mul3A_12, %add3A_13 : i32
    "tpu.region"() ({
      %run_scoped3A = tpu.sem_alloc : memref<!tpu.dma_semaphore, #tpu.memory_space<semaphore_mem>>
      %dma_start3A = arith.constant 0 : i32
      %dma_start3A_86 = tpu.memref_slice %arg6[%add3A_14, %dma_start3A] : memref<10240x128xf32, #tpu.memory_space<vmem_shared>> -> memref<80x128xf32, #tpu.memory_space<vmem_shared>>
      %dma_start3A_87 = arith.constant 0 : i32
      %dma_start3A_88 = tpu.memref_slice %arg6[%add3A_14, %dma_start3A_87] : memref<10240x128xf32, #tpu.memory_space<vmem_shared>> -> memref<80x128xf32, #tpu.memory_space<vmem_shared>>
      tpu.enqueue_dma source(%arg5 : memref<80x128xf32, #tpu.memory_space<vmem>>) target(%dma_start3A_88 : memref<80x128xf32, #tpu.memory_space<vmem_shared>>) target_semaphore(%run_scoped3A : memref<!tpu.dma_semaphore, #tpu.memory_space<semaphore_mem>>)
      %dma_wait3A = arith.constant 0 : i32
      %dma_wait3A_89 = tpu.memref_slice %arg6[%add3A_14, %dma_wait3A] : memref<10240x128xf32, #tpu.memory_space<vmem_shared>> -> memref<80x128xf32, #tpu.memory_space<vmem_shared>>
      %dma_wait3A_90 = arith.constant 0 : i32
      %dma_wait3A_91 = tpu.memref_slice %arg6[%add3A_14, %dma_wait3A_90] : memref<10240x128xf32, #tpu.memory_space<vmem_shared>> -> memref<80x128xf32, #tpu.memory_space<vmem_shared>>
      tpu.wait_dma2 semaphore(%run_scoped3A : memref<!tpu.dma_semaphore, #tpu.memory_space<semaphore_mem>>) src(%arg5 : memref<80x128xf32, #tpu.memory_space<vmem>>) dst(%dma_wait3A_91 : memref<80x128xf32, #tpu.memory_space<vmem_shared>>)
      tpu.yield
    }) : () -> ()
    %mul3A_15 = arith.constant 640 : i32
    %mul3A_16 = arith.muli %arg1, %mul3A_15 : i32
    %add3A_17 = arith.constant 160 : i32
    %add3A_18 = arith.addi %mul3A_16, %add3A_17 : i32
    "tpu.region"() ({
      %run_scoped3A = tpu.sem_alloc : memref<!tpu.dma_semaphore, #tpu.memory_space<semaphore_mem>>
      %dma_start3A = arith.constant 0 : i32
      %dma_start3A_86 = tpu.memref_slice %arg6[%add3A_18, %dma_start3A] : memref<10240x128xf32, #tpu.memory_space<vmem_shared>> -> memref<80x128xf32, #tpu.memory_space<vmem_shared>>
      %dma_start3A_87 = arith.constant 0 : i32
      %dma_start3A_88 = tpu.memref_slice %arg6[%add3A_18, %dma_start3A_87] : memref<10240x128xf32, #tpu.memory_space<vmem_shared>> -> memref<80x128xf32, #tpu.memory_space<vmem_shared>>
      tpu.enqueue_dma source(%arg5 : memref<80x128xf32, #tpu.memory_space<vmem>>) target(%dma_start3A_88 : memref<80x128xf32, #tpu.memory_space<vmem_shared>>) target_semaphore(%run_scoped3A : memref<!tpu.dma_semaphore, #tpu.memory_space<semaphore_mem>>)
      %dma_wait3A = arith.constant 0 : i32
      %dma_wait3A_89 = tpu.memref_slice %arg6[%add3A_18, %dma_wait3A] : memref<10240x128xf32, #tpu.memory_space<vmem_shared>> -> memref<80x128xf32, #tpu.memory_space<vmem_shared>>
      %dma_wait3A_90 = arith.constant 0 : i32
      %dma_wait3A_91 = tpu.memref_slice %arg6[%add3A_18, %dma_wait3A_90] : memref<10240x128xf32, #tpu.memory_space<vmem_shared>> -> memref<80x128xf32, #tpu.memory_space<vmem_shared>>
      tpu.wait_dma2 semaphore(%run_scoped3A : memref<!tpu.dma_semaphore, #tpu.memory_space<semaphore_mem>>) src(%arg5 : memref<80x128xf32, #tpu.memory_space<vmem>>) dst(%dma_wait3A_91 : memref<80x128xf32, #tpu.memory_space<vmem_shared>>)
      tpu.yield
    }) : () -> ()
    %mul3A_19 = arith.constant 640 : i32
    %mul3A_20 = arith.muli %arg1, %mul3A_19 : i32
    %add3A_21 = arith.constant 240 : i32
    %add3A_22 = arith.addi %mul3A_20, %add3A_21 : i32
    "tpu.region"() ({
      %run_scoped3A = tpu.sem_alloc : memref<!tpu.dma_semaphore, #tpu.memory_space<semaphore_mem>>
      %dma_start3A = arith.constant 0 : i32
      %dma_start3A_86 = tpu.memref_slice %arg6[%add3A_22, %dma_start3A] : memref<10240x128xf32, #tpu.memory_space<vmem_shared>> -> memref<80x128xf32, #tpu.memory_space<vmem_shared>>
      %dma_start3A_87 = arith.constant 0 : i32
      %dma_start3A_88 = tpu.memref_slice %arg6[%add3A_22, %dma_start3A_87] : memref<10240x128xf32, #tpu.memory_space<vmem_shared>> -> memref<80x128xf32, #tpu.memory_space<vmem_shared>>
      tpu.enqueue_dma source(%arg5 : memref<80x128xf32, #tpu.memory_space<vmem>>) target(%dma_start3A_88 : memref<80x128xf32, #tpu.memory_space<vmem_shared>>) target_semaphore(%run_scoped3A : memref<!tpu.dma_semaphore, #tpu.memory_space<semaphore_mem>>)
      %dma_wait3A = arith.constant 0 : i32
      %dma_wait3A_89 = tpu.memref_slice %arg6[%add3A_22, %dma_wait3A] : memref<10240x128xf32, #tpu.memory_space<vmem_shared>> -> memref<80x128xf32, #tpu.memory_space<vmem_shared>>
      %dma_wait3A_90 = arith.constant 0 : i32
      %dma_wait3A_91 = tpu.memref_slice %arg6[%add3A_22, %dma_wait3A_90] : memref<10240x128xf32, #tpu.memory_space<vmem_shared>> -> memref<80x128xf32, #tpu.memory_space<vmem_shared>>
      tpu.wait_dma2 semaphore(%run_scoped3A : memref<!tpu.dma_semaphore, #tpu.memory_space<semaphore_mem>>) src(%arg5 : memref<80x128xf32, #tpu.memory_space<vmem>>) dst(%dma_wait3A_91 : memref<80x128xf32, #tpu.memory_space<vmem_shared>>)
      tpu.yield
    }) : () -> ()
    %mul3A_23 = arith.constant 640 : i32
    %mul3A_24 = arith.muli %arg1, %mul3A_23 : i32
    %add3A_25 = arith.constant 320 : i32
    %add3A_26 = arith.addi %mul3A_24, %add3A_25 : i32
    "tpu.region"() ({
      %run_scoped3A = tpu.sem_alloc : memref<!tpu.dma_semaphore, #tpu.memory_space<semaphore_mem>>
      %dma_start3A = arith.constant 0 : i32
      %dma_start3A_86 = tpu.memref_slice %arg6[%add3A_26, %dma_start3A] : memref<10240x128xf32, #tpu.memory_space<vmem_shared>> -> memref<80x128xf32, #tpu.memory_space<vmem_shared>>
      %dma_start3A_87 = arith.constant 0 : i32
      %dma_start3A_88 = tpu.memref_slice %arg6[%add3A_26, %dma_start3A_87] : memref<10240x128xf32, #tpu.memory_space<vmem_shared>> -> memref<80x128xf32, #tpu.memory_space<vmem_shared>>
      tpu.enqueue_dma source(%arg5 : memref<80x128xf32, #tpu.memory_space<vmem>>) target(%dma_start3A_88 : memref<80x128xf32, #tpu.memory_space<vmem_shared>>) target_semaphore(%run_scoped3A : memref<!tpu.dma_semaphore, #tpu.memory_space<semaphore_mem>>)
      %dma_wait3A = arith.constant 0 : i32
      %dma_wait3A_89 = tpu.memref_slice %arg6[%add3A_26, %dma_wait3A] : memref<10240x128xf32, #tpu.memory_space<vmem_shared>> -> memref<80x128xf32, #tpu.memory_space<vmem_shared>>
      %dma_wait3A_90 = arith.constant 0 : i32
      %dma_wait3A_91 = tpu.memref_slice %arg6[%add3A_26, %dma_wait3A_90] : memref<10240x128xf32, #tpu.memory_space<vmem_shared>> -> memref<80x128xf32, #tpu.memory_space<vmem_shared>>
      tpu.wait_dma2 semaphore(%run_scoped3A : memref<!tpu.dma_semaphore, #tpu.memory_space<semaphore_mem>>) src(%arg5 : memref<80x128xf32, #tpu.memory_space<vmem>>) dst(%dma_wait3A_91 : memref<80x128xf32, #tpu.memory_space<vmem_shared>>)
      tpu.yield
    }) : () -> ()
    %mul3A_27 = arith.constant 640 : i32
    %mul3A_28 = arith.muli %arg1, %mul3A_27 : i32
    %add3A_29 = arith.constant 400 : i32
    %add3A_30 = arith.addi %mul3A_28, %add3A_29 : i32
    "tpu.region"() ({
      %run_scoped3A = tpu.sem_alloc : memref<!tpu.dma_semaphore, #tpu.memory_space<semaphore_mem>>
      %dma_start3A = arith.constant 0 : i32
      %dma_start3A_86 = tpu.memref_slice %arg6[%add3A_30, %dma_start3A] : memref<10240x128xf32, #tpu.memory_space<vmem_shared>> -> memref<80x128xf32, #tpu.memory_space<vmem_shared>>
      %dma_start3A_87 = arith.constant 0 : i32
      %dma_start3A_88 = tpu.memref_slice %arg6[%add3A_30, %dma_start3A_87] : memref<10240x128xf32, #tpu.memory_space<vmem_shared>> -> memref<80x128xf32, #tpu.memory_space<vmem_shared>>
      tpu.enqueue_dma source(%arg5 : memref<80x128xf32, #tpu.memory_space<vmem>>) target(%dma_start3A_88 : memref<80x128xf32, #tpu.memory_space<vmem_shared>>) target_semaphore(%run_scoped3A : memref<!tpu.dma_semaphore, #tpu.memory_space<semaphore_mem>>)
      %dma_wait3A = arith.constant 0 : i32
      %dma_wait3A_89 = tpu.memref_slice %arg6[%add3A_30, %dma_wait3A] : memref<10240x128xf32, #tpu.memory_space<vmem_shared>> -> memref<80x128xf32, #tpu.memory_space<vmem_shared>>
      %dma_wait3A_90 = arith.constant 0 : i32
      %dma_wait3A_91 = tpu.memref_slice %arg6[%add3A_30, %dma_wait3A_90] : memref<10240x128xf32, #tpu.memory_space<vmem_shared>> -> memref<80x128xf32, #tpu.memory_space<vmem_shared>>
      tpu.wait_dma2 semaphore(%run_scoped3A : memref<!tpu.dma_semaphore, #tpu.memory_space<semaphore_mem>>) src(%arg5 : memref<80x128xf32, #tpu.memory_space<vmem>>) dst(%dma_wait3A_91 : memref<80x128xf32, #tpu.memory_space<vmem_shared>>)
      tpu.yield
    }) : () -> ()
    %mul3A_31 = arith.constant 640 : i32
    %mul3A_32 = arith.muli %arg1, %mul3A_31 : i32
    %add3A_33 = arith.constant 480 : i32
    %add3A_34 = arith.addi %mul3A_32, %add3A_33 : i32
    "tpu.region"() ({
      %run_scoped3A = tpu.sem_alloc : memref<!tpu.dma_semaphore, #tpu.memory_space<semaphore_mem>>
      %dma_start3A = arith.constant 0 : i32
      %dma_start3A_86 = tpu.memref_slice %arg6[%add3A_34, %dma_start3A] : memref<10240x128xf32, #tpu.memory_space<vmem_shared>> -> memref<80x128xf32, #tpu.memory_space<vmem_shared>>
      %dma_start3A_87 = arith.constant 0 : i32
      %dma_start3A_88 = tpu.memref_slice %arg6[%add3A_34, %dma_start3A_87] : memref<10240x128xf32, #tpu.memory_space<vmem_shared>> -> memref<80x128xf32, #tpu.memory_space<vmem_shared>>
      tpu.enqueue_dma source(%arg5 : memref<80x128xf32, #tpu.memory_space<vmem>>) target(%dma_start3A_88 : memref<80x128xf32, #tpu.memory_space<vmem_shared>>) target_semaphore(%run_scoped3A : memref<!tpu.dma_semaphore, #tpu.memory_space<semaphore_mem>>)
      %dma_wait3A = arith.constant 0 : i32
      %dma_wait3A_89 = tpu.memref_slice %arg6[%add3A_34, %dma_wait3A] : memref<10240x128xf32, #tpu.memory_space<vmem_shared>> -> memref<80x128xf32, #tpu.memory_space<vmem_shared>>
      %dma_wait3A_90 = arith.constant 0 : i32
      %dma_wait3A_91 = tpu.memref_slice %arg6[%add3A_34, %dma_wait3A_90] : memref<10240x128xf32, #tpu.memory_space<vmem_shared>> -> memref<80x128xf32, #tpu.memory_space<vmem_shared>>
      tpu.wait_dma2 semaphore(%run_scoped3A : memref<!tpu.dma_semaphore, #tpu.memory_space<semaphore_mem>>) src(%arg5 : memref<80x128xf32, #tpu.memory_space<vmem>>) dst(%dma_wait3A_91 : memref<80x128xf32, #tpu.memory_space<vmem_shared>>)
      tpu.yield
    }) : () -> ()
    %mul3A_35 = arith.constant 640 : i32
    %mul3A_36 = arith.muli %arg1, %mul3A_35 : i32
    %add3A_37 = arith.constant 560 : i32
    %add3A_38 = arith.addi %mul3A_36, %add3A_37 : i32
    "tpu.region"() ({
      %run_scoped3A = tpu.sem_alloc : memref<!tpu.dma_semaphore, #tpu.memory_space<semaphore_mem>>
      %dma_start3A = arith.constant 0 : i32
      %dma_start3A_86 = tpu.memref_slice %arg6[%add3A_38, %dma_start3A] : memref<10240x128xf32, #tpu.memory_space<vmem_shared>> -> memref<80x128xf32, #tpu.memory_space<vmem_shared>>
      %dma_start3A_87 = arith.constant 0 : i32
      %dma_start3A_88 = tpu.memref_slice %arg6[%add3A_38, %dma_start3A_87] : memref<10240x128xf32, #tpu.memory_space<vmem_shared>> -> memref<80x128xf32, #tpu.memory_space<vmem_shared>>
      tpu.enqueue_dma source(%arg5 : memref<80x128xf32, #tpu.memory_space<vmem>>) target(%dma_start3A_88 : memref<80x128xf32, #tpu.memory_space<vmem_shared>>) target_semaphore(%run_scoped3A : memref<!tpu.dma_semaphore, #tpu.memory_space<semaphore_mem>>)
      %dma_wait3A = arith.constant 0 : i32
      %dma_wait3A_89 = tpu.memref_slice %arg6[%add3A_38, %dma_wait3A] : memref<10240x128xf32, #tpu.memory_space<vmem_shared>> -> memref<80x128xf32, #tpu.memory_space<vmem_shared>>
      %dma_wait3A_90 = arith.constant 0 : i32
      %dma_wait3A_91 = tpu.memref_slice %arg6[%add3A_38, %dma_wait3A_90] : memref<10240x128xf32, #tpu.memory_space<vmem_shared>> -> memref<80x128xf32, #tpu.memory_space<vmem_shared>>
      tpu.wait_dma2 semaphore(%run_scoped3A : memref<!tpu.dma_semaphore, #tpu.memory_space<semaphore_mem>>) src(%arg5 : memref<80x128xf32, #tpu.memory_space<vmem>>) dst(%dma_wait3A_91 : memref<80x128xf32, #tpu.memory_space<vmem_shared>>)
      tpu.yield
    }) : () -> ()
    %scan3A_39 = arith.constant 0 : i32
    %scan3A_40 = arith.constant 0 : i32
    %scan3A_41 = arith.constant 80 : i32
    %scan3A_42 = arith.addi %scan3A_40, %scan3A_41 : i32
    %scan3A_43 = arith.constant 1 : i32
    %scan3A_44 = scf.for %scan3A_86 = %scan3A_40 to %scan3A_42 step %scan3A_43 iter_args(%scan3A_87 = %scan3A_39) -> (i32)  : i32 {
      %broadcast_in_dim3A = arith.constant 1.000000e+00 : f32
      %broadcast_in_dim3A_88 = vector.broadcast %broadcast_in_dim3A : f32 to vector<16xf32>
      %swap3A = arith.index_cast %scan3A_86 : i32 to index
      %swap3A_89 = arith.constant 0 : index
      %swap3A_90 = tpu.vector_load %arg5[%swap3A, %swap3A_89] {strides = array<i32>} : memref<80x128xf32, #tpu.memory_space<vmem>>, vector<1x16xf32>,
      %swap3A_91 = vector.shape_cast %swap3A_90 : vector<1x16xf32> to vector<16xf32>
      %swap3A_92 = vector.shape_cast %broadcast_in_dim3A_88 : vector<16xf32> to vector<1x16xf32>
      tpu.vector_store %arg5[%swap3A, %swap3A_89], %swap3A_92 {strides = array<i32>} : memref<80x128xf32, #tpu.memory_space<vmem>>, vector<1x16xf32>,
      %broadcast_in_dim3A_93 = arith.constant 1.000000e+00 : f32
      %broadcast_in_dim3A_94 = vector.broadcast %broadcast_in_dim3A_93 : f32 to vector<16xf32>
      %swap3A_95 = arith.index_cast %scan3A_86 : i32 to index
      %swap3A_96 = arith.constant 16 : index
      %swap3A_97 = tpu.vector_load %arg5[%swap3A_95, %swap3A_96] {strides = array<i32>} : memref<80x128xf32, #tpu.memory_space<vmem>>, vector<1x16xf32>,
      %swap3A_98 = vector.shape_cast %swap3A_97 : vector<1x16xf32> to vector<16xf32>
      %swap3A_99 = vector.shape_cast %broadcast_in_dim3A_94 : vector<16xf32> to vector<1x16xf32>
      tpu.vector_store %arg5[%swap3A_95, %swap3A_96], %swap3A_99 {strides = array<i32>} : memref<80x128xf32, #tpu.memory_space<vmem>>, vector<1x16xf32>,
      %broadcast_in_dim3A_100 = arith.constant 1.000000e+00 : f32
      %broadcast_in_dim3A_101 = vector.broadcast %broadcast_in_dim3A_100 : f32 to vector<16xf32>
      %swap3A_102 = arith.index_cast %scan3A_86 : i32 to index
      %swap3A_103 = arith.constant 32 : index
      %swap3A_104 = tpu.vector_load %arg5[%swap3A_102, %swap3A_103] {strides = array<i32>} : memref<80x128xf32, #tpu.memory_space<vmem>>, vector<1x16xf32>,
      %swap3A_105 = vector.shape_cast %swap3A_104 : vector<1x16xf32> to vector<16xf32>
      %swap3A_106 = vector.shape_cast %broadcast_in_dim3A_101 : vector<16xf32> to vector<1x16xf32>
      tpu.vector_store %arg5[%swap3A_102, %swap3A_103], %swap3A_106 {strides = array<i32>} : memref<80x128xf32, #tpu.memory_space<vmem>>, vector<1x16xf32>,
      %broadcast_in_dim3A_107 = arith.constant 1.000000e+00 : f32
      %broadcast_in_dim3A_108 = vector.broadcast %broadcast_in_dim3A_107 : f32 to vector<16xf32>
      %swap3A_109 = arith.index_cast %scan3A_86 : i32 to index
      %swap3A_110 = arith.constant 48 : index
      %swap3A_111 = tpu.vector_load %arg5[%swap3A_109, %swap3A_110] {strides = array<i32>} : memref<80x128xf32, #tpu.memory_space<vmem>>, vector<1x16xf32>,
      %swap3A_112 = vector.shape_cast %swap3A_111 : vector<1x16xf32> to vector<16xf32>
      %swap3A_113 = vector.shape_cast %broadcast_in_dim3A_108 : vector<16xf32> to vector<1x16xf32>
      tpu.vector_store %arg5[%swap3A_109, %swap3A_110], %swap3A_113 {strides = array<i32>} : memref<80x128xf32, #tpu.memory_space<vmem>>, vector<1x16xf32>,
      %broadcast_in_dim3A_114 = arith.constant 1.000000e+00 : f32
      %broadcast_in_dim3A_115 = vector.broadcast %broadcast_in_dim3A_114 : f32 to vector<16xf32>
      %swap3A_116 = arith.index_cast %scan3A_86 : i32 to index
      %swap3A_117 = arith.constant 64 : index
      %swap3A_118 = tpu.vector_load %arg5[%swap3A_116, %swap3A_117] {strides = array<i32>} : memref<80x128xf32, #tpu.memory_space<vmem>>, vector<1x16xf32>,
      %swap3A_119 = vector.shape_cast %swap3A_118 : vector<1x16xf32> to vector<16xf32>
      %swap3A_120 = vector.shape_cast %broadcast_in_dim3A_115 : vector<16xf32> to vector<1x16xf32>
      tpu.vector_store %arg5[%swap3A_116, %swap3A_117], %swap3A_120 {strides = array<i32>} : memref<80x128xf32, #tpu.memory_space<vmem>>, vector<1x16xf32>,
      %broadcast_in_dim3A_121 = arith.constant 1.000000e+00 : f32
      %broadcast_in_dim3A_122 = vector.broadcast %broadcast_in_dim3A_121 : f32 to vector<16xf32>
      %swap3A_123 = arith.index_cast %scan3A_86 : i32 to index
      %swap3A_124 = arith.constant 80 : index
      %swap3A_125 = tpu.vector_load %arg5[%swap3A_123, %swap3A_124] {strides = array<i32>} : memref<80x128xf32, #tpu.memory_space<vmem>>, vector<1x16xf32>,
      %swap3A_126 = vector.shape_cast %swap3A_125 : vector<1x16xf32> to vector<16xf32>
      %swap3A_127 = vector.shape_cast %broadcast_in_dim3A_122 : vector<16xf32> to vector<1x16xf32>
      tpu.vector_store %arg5[%swap3A_123, %swap3A_124], %swap3A_127 {strides = array<i32>} : memref<80x128xf32, #tpu.memory_space<vmem>>, vector<1x16xf32>,
      %broadcast_in_dim3A_128 = arith.constant 1.000000e+00 : f32
      %broadcast_in_dim3A_129 = vector.broadcast %broadcast_in_dim3A_128 : f32 to vector<16xf32>
      %swap3A_130 = arith.index_cast %scan3A_86 : i32 to index
      %swap3A_131 = arith.constant 96 : index
      %swap3A_132 = tpu.vector_load %arg5[%swap3A_130, %swap3A_131] {strides = array<i32>} : memref<80x128xf32, #tpu.memory_space<vmem>>, vector<1x16xf32>,
      %swap3A_133 = vector.shape_cast %swap3A_132 : vector<1x16xf32> to vector<16xf32>
      %swap3A_134 = vector.shape_cast %broadcast_in_dim3A_129 : vector<16xf32> to vector<1x16xf32>
      tpu.vector_store %arg5[%swap3A_130, %swap3A_131], %swap3A_134 {strides = array<i32>} : memref<80x128xf32, #tpu.memory_space<vmem>>, vector<1x16xf32>,
      %broadcast_in_dim3A_135 = arith.constant 1.000000e+00 : f32
      %broadcast_in_dim3A_136 = vector.broadcast %broadcast_in_dim3A_135 : f32 to vector<16xf32>
      %swap3A_137 = arith.index_cast %scan3A_86 : i32 to index
      %swap3A_138 = arith.constant 112 : index
      %swap3A_139 = tpu.vector_load %arg5[%swap3A_137, %swap3A_138] {strides = array<i32>} : memref<80x128xf32, #tpu.memory_space<vmem>>, vector<1x16xf32>,
      %swap3A_140 = vector.shape_cast %swap3A_139 : vector<1x16xf32> to vector<16xf32>
      %swap3A_141 = vector.shape_cast %broadcast_in_dim3A_136 : vector<16xf32> to vector<1x16xf32>
      tpu.vector_store %arg5[%swap3A_137, %swap3A_138], %swap3A_141 {strides = array<i32>} : memref<80x128xf32, #tpu.memory_space<vmem>>, vector<1x16xf32>,
      %scan3A_142 = arith.constant 0 : i32
      scf.yield %scan3A_142 : i32
    }
    %scan3A_45 = arith.constant 80 : i32
    %barrier3A = arith.constant 0 : index
    tpu.barrier barrier_id(%barrier3A)
    %scan3A_46 = arith.constant 0 : i32
    %scan3A_47 = arith.constant 0 : i32
    %scan3A_48 = arith.constant 25 : i32
    %scan3A_49 = arith.addi %scan3A_47, %scan3A_48 : i32
    %scan3A_50 = arith.constant 1 : i32
    %scan3A_51 = scf.for %scan3A_86 = %scan3A_47 to %scan3A_49 step %scan3A_50 iter_args(%scan3A_87 = %scan3A_46) -> (i32)  : i32 {
      %mul3A_88 = arith.constant 5 : i32
      %mul3A_89 = arith.muli %scan3A_86, %mul3A_88 : i32
      %add3A_90 = arith.constant 0 : i32
      %add3A_91 = arith.addi %mul3A_89, %add3A_90 : i32
      %dma_start3A = arith.constant 0 : i32
      %dma_start3A_92 = tpu.memref_slice %arg4[%add3A_91, %dma_start3A] : memref<125x80xi32, #tpu.memory_space<vmem>> -> memref<1x80xi32, #tpu.memory_space<vmem>>
      %dma_start3A_93 = tpu.memref_squeeze %dma_start3A_92 : memref<1x80xi32, #tpu.memory_space<vmem>> -> memref<80xi32, #tpu.memory_space<vmem>>
      %dma_start3A_94 = arith.constant 0 : i32
      %dma_start3A_95 = arith.constant 0 : i32
      %dma_start3A_96 = tpu.memref_slice %arg6[%dma_start3A_94, %dma_start3A_95] : memref<10240x128xf32, #tpu.memory_space<vmem_shared>> -> memref<10240x128xf32, #tpu.memory_space<vmem_shared>>
      tpu.enqueue_indirect_dma source(%arg5 : memref<80x128xf32, #tpu.memory_space<vmem>>) target(%dma_start3A_96 : memref<10240x128xf32, #tpu.memory_space<vmem_shared>>) offsets(%dma_start3A_93 : memref<80xi32, #tpu.memory_space<vmem>>) semaphore(%arg7 : memref<!tpu.dma_semaphore, #tpu.memory_space<semaphore_mem>>) {add = true}
      %mul3A_97 = arith.constant 5 : i32
      %mul3A_98 = arith.muli %scan3A_86, %mul3A_97 : i32
      %add3A_99 = arith.constant 1 : i32
      %add3A_100 = arith.addi %mul3A_98, %add3A_99 : i32
      %dma_start3A_101 = arith.constant 0 : i32
      %dma_start3A_102 = tpu.memref_slice %arg4[%add3A_100, %dma_start3A_101] : memref<125x80xi32, #tpu.memory_space<vmem>> -> memref<1x80xi32, #tpu.memory_space<vmem>>
      %dma_start3A_103 = tpu.memref_squeeze %dma_start3A_102 : memref<1x80xi32, #tpu.memory_space<vmem>> -> memref<80xi32, #tpu.memory_space<vmem>>
      %dma_start3A_104 = arith.constant 0 : i32
      %dma_start3A_105 = arith.constant 0 : i32
      %dma_start3A_106 = tpu.memref_slice %arg6[%dma_start3A_104, %dma_start3A_105] : memref<10240x128xf32, #tpu.memory_space<vmem_shared>> -> memref<10240x128xf32, #tpu.memory_space<vmem_shared>>
      tpu.enqueue_indirect_dma source(%arg5 : memref<80x128xf32, #tpu.memory_space<vmem>>) target(%dma_start3A_106 : memref<10240x128xf32, #tpu.memory_space<vmem_shared>>) offsets(%dma_start3A_103 : memref<80xi32, #tpu.memory_space<vmem>>) semaphore(%arg7 : memref<!tpu.dma_semaphore, #tpu.memory_space<semaphore_mem>>) {add = true}
      %mul3A_107 = arith.constant 5 : i32
      %mul3A_108 = arith.muli %scan3A_86, %mul3A_107 : i32
      %add3A_109 = arith.constant 2 : i32
      %add3A_110 = arith.addi %mul3A_108, %add3A_109 : i32
      %dma_start3A_111 = arith.constant 0 : i32
      %dma_start3A_112 = tpu.memref_slice %arg4[%add3A_110, %dma_start3A_111] : memref<125x80xi32, #tpu.memory_space<vmem>> -> memref<1x80xi32, #tpu.memory_space<vmem>>
      %dma_start3A_113 = tpu.memref_squeeze %dma_start3A_112 : memref<1x80xi32, #tpu.memory_space<vmem>> -> memref<80xi32, #tpu.memory_space<vmem>>
      %dma_start3A_114 = arith.constant 0 : i32
      %dma_start3A_115 = arith.constant 0 : i32
      %dma_start3A_116 = tpu.memref_slice %arg6[%dma_start3A_114, %dma_start3A_115] : memref<10240x128xf32, #tpu.memory_space<vmem_shared>> -> memref<10240x128xf32, #tpu.memory_space<vmem_shared>>
      tpu.enqueue_indirect_dma source(%arg5 : memref<80x128xf32, #tpu.memory_space<vmem>>) target(%dma_start3A_116 : memref<10240x128xf32, #tpu.memory_space<vmem_shared>>) offsets(%dma_start3A_113 : memref<80xi32, #tpu.memory_space<vmem>>) semaphore(%arg7 : memref<!tpu.dma_semaphore, #tpu.memory_space<semaphore_mem>>) {add = true}
      %mul3A_117 = arith.constant 5 : i32
      %mul3A_118 = arith.muli %scan3A_86, %mul3A_117 : i32
      %add3A_119 = arith.constant 3 : i32
      %add3A_120 = arith.addi %mul3A_118, %add3A_119 : i32
      %dma_start3A_121 = arith.constant 0 : i32
      %dma_start3A_122 = tpu.memref_slice %arg4[%add3A_120, %dma_start3A_121] : memref<125x80xi32, #tpu.memory_space<vmem>> -> memref<1x80xi32, #tpu.memory_space<vmem>>
      %dma_start3A_123 = tpu.memref_squeeze %dma_start3A_122 : memref<1x80xi32, #tpu.memory_space<vmem>> -> memref<80xi32, #tpu.memory_space<vmem>>
      %dma_start3A_124 = arith.constant 0 : i32
      %dma_start3A_125 = arith.constant 0 : i32
      %dma_start3A_126 = tpu.memref_slice %arg6[%dma_start3A_124, %dma_start3A_125] : memref<10240x128xf32, #tpu.memory_space<vmem_shared>> -> memref<10240x128xf32, #tpu.memory_space<vmem_shared>>
      tpu.enqueue_indirect_dma source(%arg5 : memref<80x128xf32, #tpu.memory_space<vmem>>) target(%dma_start3A_126 : memref<10240x128xf32, #tpu.memory_space<vmem_shared>>) offsets(%dma_start3A_123 : memref<80xi32, #tpu.memory_space<vmem>>) semaphore(%arg7 : memref<!tpu.dma_semaphore, #tpu.memory_space<semaphore_mem>>) {add = true}
      %mul3A_127 = arith.constant 5 : i32
      %mul3A_128 = arith.muli %scan3A_86, %mul3A_127 : i32
      %add3A_129 = arith.constant 4 : i32
      %add3A_130 = arith.addi %mul3A_128, %add3A_129 : i32
      %dma_start3A_131 = arith.constant 0 : i32
      %dma_start3A_132 = tpu.memref_slice %arg4[%add3A_130, %dma_start3A_131] : memref<125x80xi32, #tpu.memory_space<vmem>> -> memref<1x80xi32, #tpu.memory_space<vmem>>
      %dma_start3A_133 = tpu.memref_squeeze %dma_start3A_132 : memref<1x80xi32, #tpu.memory_space<vmem>> -> memref<80xi32, #tpu.memory_space<vmem>>
      %dma_start3A_134 = arith.constant 0 : i32
      %dma_start3A_135 = arith.constant 0 : i32
      %dma_start3A_136 = tpu.memref_slice %arg6[%dma_start3A_134, %dma_start3A_135] : memref<10240x128xf32, #tpu.memory_space<vmem_shared>> -> memref<10240x128xf32, #tpu.memory_space<vmem_shared>>
      tpu.enqueue_indirect_dma source(%arg5 : memref<80x128xf32, #tpu.memory_space<vmem>>) target(%dma_start3A_136 : memref<10240x128xf32, #tpu.memory_space<vmem_shared>>) offsets(%dma_start3A_133 : memref<80xi32, #tpu.memory_space<vmem>>) semaphore(%arg7 : memref<!tpu.dma_semaphore, #tpu.memory_space<semaphore_mem>>) {add = true}
      %mul3A_137 = arith.constant 5 : i32
      %mul3A_138 = arith.muli %scan3A_86, %mul3A_137 : i32
      %add3A_139 = arith.constant 0 : i32
      %add3A_140 = arith.addi %mul3A_138, %add3A_139 : i32
      %dma_wait3A = arith.constant 0 : i32
      %dma_wait3A_141 = tpu.memref_slice %arg4[%add3A_140, %dma_wait3A] : memref<125x80xi32, #tpu.memory_space<vmem>> -> memref<1x80xi32, #tpu.memory_space<vmem>>
      %dma_wait3A_142 = tpu.memref_squeeze %dma_wait3A_141 : memref<1x80xi32, #tpu.memory_space<vmem>> -> memref<80xi32, #tpu.memory_space<vmem>>
      %dma_wait3A_143 = arith.constant 0 : i32
      %dma_wait3A_144 = arith.constant 0 : i32
      %dma_wait3A_145 = tpu.memref_slice %arg6[%dma_wait3A_143, %dma_wait3A_144] : memref<10240x128xf32, #tpu.memory_space<vmem_shared>> -> memref<10240x128xf32, #tpu.memory_space<vmem_shared>>
      tpu.wait_indirect_dma semaphore(%arg7 : memref<!tpu.dma_semaphore, #tpu.memory_space<semaphore_mem>>) src(%arg5 : memref<80x128xf32, #tpu.memory_space<vmem>>) dst(%dma_wait3A_145 : memref<10240x128xf32, #tpu.memory_space<vmem_shared>>)
      %mul3A_146 = arith.constant 5 : i32
      %mul3A_147 = arith.muli %scan3A_86, %mul3A_146 : i32
      %add3A_148 = arith.constant 1 : i32
      %add3A_149 = arith.addi %mul3A_147, %add3A_148 : i32
      %dma_wait3A_150 = arith.constant 0 : i32
      %dma_wait3A_151 = tpu.memref_slice %arg4[%add3A_149, %dma_wait3A_150] : memref<125x80xi32, #tpu.memory_space<vmem>> -> memref<1x80xi32, #tpu.memory_space<vmem>>
      %dma_wait3A_152 = tpu.memref_squeeze %dma_wait3A_151 : memref<1x80xi32, #tpu.memory_space<vmem>> -> memref<80xi32, #tpu.memory_space<vmem>>
      %dma_wait3A_153 = arith.constant 0 : i32
      %dma_wait3A_154 = arith.constant 0 : i32
      %dma_wait3A_155 = tpu.memref_slice %arg6[%dma_wait3A_153, %dma_wait3A_154] : memref<10240x128xf32, #tpu.memory_space<vmem_shared>> -> memref<10240x128xf32, #tpu.memory_space<vmem_shared>>
      tpu.wait_indirect_dma semaphore(%arg7 : memref<!tpu.dma_semaphore, #tpu.memory_space<semaphore_mem>>) src(%arg5 : memref<80x128xf32, #tpu.memory_space<vmem>>) dst(%dma_wait3A_155 : memref<10240x128xf32, #tpu.memory_space<vmem_shared>>)
      %mul3A_156 = arith.constant 5 : i32
      %mul3A_157 = arith.muli %scan3A_86, %mul3A_156 : i32
      %add3A_158 = arith.constant 2 : i32
      %add3A_159 = arith.addi %mul3A_157, %add3A_158 : i32
      %dma_wait3A_160 = arith.constant 0 : i32
      %dma_wait3A_161 = tpu.memref_slice %arg4[%add3A_159, %dma_wait3A_160] : memref<125x80xi32, #tpu.memory_space<vmem>> -> memref<1x80xi32, #tpu.memory_space<vmem>>
      %dma_wait3A_162 = tpu.memref_squeeze %dma_wait3A_161 : memref<1x80xi32, #tpu.memory_space<vmem>> -> memref<80xi32, #tpu.memory_space<vmem>>
      %dma_wait3A_163 = arith.constant 0 : i32
      %dma_wait3A_164 = arith.constant 0 : i32
      %dma_wait3A_165 = tpu.memref_slice %arg6[%dma_wait3A_163, %dma_wait3A_164] : memref<10240x128xf32, #tpu.memory_space<vmem_shared>> -> memref<10240x128xf32, #tpu.memory_space<vmem_shared>>
      tpu.wait_indirect_dma semaphore(%arg7 : memref<!tpu.dma_semaphore, #tpu.memory_space<semaphore_mem>>) src(%arg5 : memref<80x128xf32, #tpu.memory_space<vmem>>) dst(%dma_wait3A_165 : memref<10240x128xf32, #tpu.memory_space<vmem_shared>>)
      %mul3A_166 = arith.constant 5 : i32
      %mul3A_167 = arith.muli %scan3A_86, %mul3A_166 : i32
      %add3A_168 = arith.constant 3 : i32
      %add3A_169 = arith.addi %mul3A_167, %add3A_168 : i32
      %dma_wait3A_170 = arith.constant 0 : i32
      %dma_wait3A_171 = tpu.memref_slice %arg4[%add3A_169, %dma_wait3A_170] : memref<125x80xi32, #tpu.memory_space<vmem>> -> memref<1x80xi32, #tpu.memory_space<vmem>>
      %dma_wait3A_172 = tpu.memref_squeeze %dma_wait3A_171 : memref<1x80xi32, #tpu.memory_space<vmem>> -> memref<80xi32, #tpu.memory_space<vmem>>
      %dma_wait3A_173 = arith.constant 0 : i32
      %dma_wait3A_174 = arith.constant 0 : i32
      %dma_wait3A_175 = tpu.memref_slice %arg6[%dma_wait3A_173, %dma_wait3A_174] : memref<10240x128xf32, #tpu.memory_space<vmem_shared>> -> memref<10240x128xf32, #tpu.memory_space<vmem_shared>>
      tpu.wait_indirect_dma semaphore(%arg7 : memref<!tpu.dma_semaphore, #tpu.memory_space<semaphore_mem>>) src(%arg5 : memref<80x128xf32, #tpu.memory_space<vmem>>) dst(%dma_wait3A_175 : memref<10240x128xf32, #tpu.memory_space<vmem_shared>>)
      %mul3A_176 = arith.constant 5 : i32
      %mul3A_177 = arith.muli %scan3A_86, %mul3A_176 : i32
      %add3A_178 = arith.constant 4 : i32
      %add3A_179 = arith.addi %mul3A_177, %add3A_178 : i32
      %dma_wait3A_180 = arith.constant 0 : i32
      %dma_wait3A_181 = tpu.memref_slice %arg4[%add3A_179, %dma_wait3A_180] : memref<125x80xi32, #tpu.memory_space<vmem>> -> memref<1x80xi32, #tpu.memory_space<vmem>>
      %dma_wait3A_182 = tpu.memref_squeeze %dma_wait3A_181 : memref<1x80xi32, #tpu.memory_space<vmem>> -> memref<80xi32, #tpu.memory_space<vmem>>
      %dma_wait3A_183 = arith.constant 0 : i32
      %dma_wait3A_184 = arith.constant 0 : i32
      %dma_wait3A_185 = tpu.memref_slice %arg6[%dma_wait3A_183, %dma_wait3A_184] : memref<10240x128xf32, #tpu.memory_space<vmem_shared>> -> memref<10240x128xf32, #tpu.memory_space<vmem_shared>>
      tpu.wait_indirect_dma semaphore(%arg7 : memref<!tpu.dma_semaphore, #tpu.memory_space<semaphore_mem>>) src(%arg5 : memref<80x128xf32, #tpu.memory_space<vmem>>) dst(%dma_wait3A_185 : memref<10240x128xf32, #tpu.memory_space<vmem_shared>>)
      %scan3A_186 = arith.constant 0 : i32
      scf.yield %scan3A_186 : i32
    }
    %scan3A_52 = arith.constant 25 : i32
    %barrier3A_53 = arith.constant 0 : index
    tpu.barrier barrier_id(%barrier3A_53)
    %mul3A_54 = arith.constant 640 : i32
    %mul3A_55 = arith.muli %arg1, %mul3A_54 : i32
    %add3A_56 = arith.constant 0 : i32
    %add3A_57 = arith.addi %mul3A_55, %add3A_56 : i32
    "tpu.region"() ({
      %run_scoped3A = tpu.sem_alloc : memref<!tpu.dma_semaphore, #tpu.memory_space<semaphore_mem>>
      %dma_start3A = arith.constant 0 : i32
      %dma_start3A_86 = tpu.memref_slice %arg6[%add3A_57, %dma_start3A] : memref<10240x128xf32, #tpu.memory_space<vmem_shared>> -> memref<80x128xf32, #tpu.memory_space<vmem_shared>>
      %dma_start3A_87 = arith.constant 0 : i32
      %dma_start3A_88 = tpu.memref_slice %arg6[%add3A_57, %dma_start3A_87] : memref<10240x128xf32, #tpu.memory_space<vmem_shared>> -> memref<80x128xf32, #tpu.memory_space<vmem_shared>>
      tpu.enqueue_dma source(%dma_start3A_88 : memref<80x128xf32, #tpu.memory_space<vmem_shared>>) target(%arg5 : memref<80x128xf32, #tpu.memory_space<vmem>>) target_semaphore(%run_scoped3A : memref<!tpu.dma_semaphore, #tpu.memory_space<semaphore_mem>>)
      %dma_wait3A = arith.constant 0 : i32
      %dma_wait3A_89 = tpu.memref_slice %arg6[%add3A_57, %dma_wait3A] : memref<10240x128xf32, #tpu.memory_space<vmem_shared>> -> memref<80x128xf32, #tpu.memory_space<vmem_shared>>
      %dma_wait3A_90 = arith.constant 0 : i32
      %dma_wait3A_91 = tpu.memref_slice %arg6[%add3A_57, %dma_wait3A_90] : memref<10240x128xf32, #tpu.memory_space<vmem_shared>> -> memref<80x128xf32, #tpu.memory_space<vmem_shared>>
      tpu.wait_dma2 semaphore(%run_scoped3A : memref<!tpu.dma_semaphore, #tpu.memory_space<semaphore_mem>>) src(%dma_wait3A_91 : memref<80x128xf32, #tpu.memory_space<vmem_shared>>) dst(%arg5 : memref<80x128xf32, #tpu.memory_space<vmem>>)
      tpu.yield
    }) : () -> ()
    "tpu.region"() ({
      %run_scoped3A = tpu.sem_alloc : memref<!tpu.dma_semaphore, #tpu.memory_space<semaphore_mem>>
      %dma_start3A = arith.constant 0 : i32
      %dma_start3A_86 = tpu.memref_slice %arg3[%arg0, %add3A_57, %dma_start3A] : memref<2x10240x128xf32, #tpu.memory_space<hbm>> -> memref<1x80x128xf32, #tpu.memory_space<hbm>>
      %dma_start3A_87 = tpu.memref_squeeze %dma_start3A_86 : memref<1x80x128xf32, #tpu.memory_space<hbm>> -> memref<80x128xf32, #tpu.memory_space<hbm>>
      %dma_start3A_88 = arith.constant 0 : i32
      %dma_start3A_89 = tpu.memref_slice %arg3[%arg0, %add3A_57, %dma_start3A_88] : memref<2x10240x128xf32, #tpu.memory_space<hbm>> -> memref<1x80x128xf32, #tpu.memory_space<hbm>>
      %dma_start3A_90 = tpu.memref_squeeze %dma_start3A_89 : memref<1x80x128xf32, #tpu.memory_space<hbm>> -> memref<80x128xf32, #tpu.memory_space<hbm>>
      tpu.enqueue_dma source(%arg5 : memref<80x128xf32, #tpu.memory_space<vmem>>) target(%dma_start3A_90 : memref<80x128xf32, #tpu.memory_space<hbm>>) target_semaphore(%run_scoped3A : memref<!tpu.dma_semaphore, #tpu.memory_space<semaphore_mem>>)
      %dma_wait3A = arith.constant 0 : i32
      %dma_wait3A_91 = tpu.memref_slice %arg3[%arg0, %add3A_57, %dma_wait3A] : memref<2x10240x128xf32, #tpu.memory_space<hbm>> -> memref<1x80x128xf32, #tpu.memory_space<hbm>>
      %dma_wait3A_92 = tpu.memref_squeeze %dma_wait3A_91 : memref<1x80x128xf32, #tpu.memory_space<hbm>> -> memref<80x128xf32, #tpu.memory_space<hbm>>
      %dma_wait3A_93 = arith.constant 0 : i32
      %dma_wait3A_94 = tpu.memref_slice %arg3[%arg0, %add3A_57, %dma_wait3A_93] : memref<2x10240x128xf32, #tpu.memory_space<hbm>> -> memref<1x80x128xf32, #tpu.memory_space<hbm>>
      %dma_wait3A_95 = tpu.memref_squeeze %dma_wait3A_94 : memref<1x80x128xf32, #tpu.memory_space<hbm>> -> memref<80x128xf32, #tpu.memory_space<hbm>>
      tpu.wait_dma2 semaphore(%run_scoped3A : memref<!tpu.dma_semaphore, #tpu.memory_space<semaphore_mem>>) src(%arg5 : memref<80x128xf32, #tpu.memory_space<vmem>>) dst(%dma_wait3A_95 : memref<80x128xf32, #tpu.memory_space<hbm>>)
      tpu.yield
    }) : () -> ()
    %mul3A_58 = arith.constant 640 : i32
    %mul3A_59 = arith.muli %arg1, %mul3A_58 : i32
    %add3A_60 = arith.constant 80 : i32
    %add3A_61 = arith.addi %mul3A_59, %add3A_60 : i32
    "tpu.region"() ({
      %run_scoped3A = tpu.sem_alloc : memref<!tpu.dma_semaphore, #tpu.memory_space<semaphore_mem>>
      %dma_start3A = arith.constant 0 : i32
      %dma_start3A_86 = tpu.memref_slice %arg6[%add3A_61, %dma_start3A] : memref<10240x128xf32, #tpu.memory_space<vmem_shared>> -> memref<80x128xf32, #tpu.memory_space<vmem_shared>>
      %dma_start3A_87 = arith.constant 0 : i32
      %dma_start3A_88 = tpu.memref_slice %arg6[%add3A_61, %dma_start3A_87] : memref<10240x128xf32, #tpu.memory_space<vmem_shared>> -> memref<80x128xf32, #tpu.memory_space<vmem_shared>>
      tpu.enqueue_dma source(%dma_start3A_88 : memref<80x128xf32, #tpu.memory_space<vmem_shared>>) target(%arg5 : memref<80x128xf32, #tpu.memory_space<vmem>>) target_semaphore(%run_scoped3A : memref<!tpu.dma_semaphore, #tpu.memory_space<semaphore_mem>>)
      %dma_wait3A = arith.constant 0 : i32
      %dma_wait3A_89 = tpu.memref_slice %arg6[%add3A_61, %dma_wait3A] : memref<10240x128xf32, #tpu.memory_space<vmem_shared>> -> memref<80x128xf32, #tpu.memory_space<vmem_shared>>
      %dma_wait3A_90 = arith.constant 0 : i32
      %dma_wait3A_91 = tpu.memref_slice %arg6[%add3A_61, %dma_wait3A_90] : memref<10240x128xf32, #tpu.memory_space<vmem_shared>> -> memref<80x128xf32, #tpu.memory_space<vmem_shared>>
      tpu.wait_dma2 semaphore(%run_scoped3A : memref<!tpu.dma_semaphore, #tpu.memory_space<semaphore_mem>>) src(%dma_wait3A_91 : memref<80x128xf32, #tpu.memory_space<vmem_shared>>) dst(%arg5 : memref<80x128xf32, #tpu.memory_space<vmem>>)
      tpu.yield
    }) : () -> ()
    "tpu.region"() ({
      %run_scoped3A = tpu.sem_alloc : memref<!tpu.dma_semaphore, #tpu.memory_space<semaphore_mem>>
      %dma_start3A = arith.constant 0 : i32
      %dma_start3A_86 = tpu.memref_slice %arg3[%arg0, %add3A_61, %dma_start3A] : memref<2x10240x128xf32, #tpu.memory_space<hbm>> -> memref<1x80x128xf32, #tpu.memory_space<hbm>>
      %dma_start3A_87 = tpu.memref_squeeze %dma_start3A_86 : memref<1x80x128xf32, #tpu.memory_space<hbm>> -> memref<80x128xf32, #tpu.memory_space<hbm>>
      %dma_start3A_88 = arith.constant 0 : i32
      %dma_start3A_89 = tpu.memref_slice %arg3[%arg0, %add3A_61, %dma_start3A_88] : memref<2x10240x128xf32, #tpu.memory_space<hbm>> -> memref<1x80x128xf32, #tpu.memory_space<hbm>>
      %dma_start3A_90 = tpu.memref_squeeze %dma_start3A_89 : memref<1x80x128xf32, #tpu.memory_space<hbm>> -> memref<80x128xf32, #tpu.memory_space<hbm>>
      tpu.enqueue_dma source(%arg5 : memref<80x128xf32, #tpu.memory_space<vmem>>) target(%dma_start3A_90 : memref<80x128xf32, #tpu.memory_space<hbm>>) target_semaphore(%run_scoped3A : memref<!tpu.dma_semaphore, #tpu.memory_space<semaphore_mem>>)
      %dma_wait3A = arith.constant 0 : i32
      %dma_wait3A_91 = tpu.memref_slice %arg3[%arg0, %add3A_61, %dma_wait3A] : memref<2x10240x128xf32, #tpu.memory_space<hbm>> -> memref<1x80x128xf32, #tpu.memory_space<hbm>>
      %dma_wait3A_92 = tpu.memref_squeeze %dma_wait3A_91 : memref<1x80x128xf32, #tpu.memory_space<hbm>> -> memref<80x128xf32, #tpu.memory_space<hbm>>
      %dma_wait3A_93 = arith.constant 0 : i32
      %dma_wait3A_94 = tpu.memref_slice %arg3[%arg0, %add3A_61, %dma_wait3A_93] : memref<2x10240x128xf32, #tpu.memory_space<hbm>> -> memref<1x80x128xf32, #tpu.memory_space<hbm>>
      %dma_wait3A_95 = tpu.memref_squeeze %dma_wait3A_94 : memref<1x80x128xf32, #tpu.memory_space<hbm>> -> memref<80x128xf32, #tpu.memory_space<hbm>>
      tpu.wait_dma2 semaphore(%run_scoped3A : memref<!tpu.dma_semaphore, #tpu.memory_space<semaphore_mem>>) src(%arg5 : memref<80x128xf32, #tpu.memory_space<vmem>>) dst(%dma_wait3A_95 : memref<80x128xf32, #tpu.memory_space<hbm>>)
      tpu.yield
    }) : () -> ()
    %mul3A_62 = arith.constant 640 : i32
    %mul3A_63 = arith.muli %arg1, %mul3A_62 : i32
    %add3A_64 = arith.constant 160 : i32
    %add3A_65 = arith.addi %mul3A_63, %add3A_64 : i32
    "tpu.region"() ({
      %run_scoped3A = tpu.sem_alloc : memref<!tpu.dma_semaphore, #tpu.memory_space<semaphore_mem>>
      %dma_start3A = arith.constant 0 : i32
      %dma_start3A_86 = tpu.memref_slice %arg6[%add3A_65, %dma_start3A] : memref<10240x128xf32, #tpu.memory_space<vmem_shared>> -> memref<80x128xf32, #tpu.memory_space<vmem_shared>>
      %dma_start3A_87 = arith.constant 0 : i32
      %dma_start3A_88 = tpu.memref_slice %arg6[%add3A_65, %dma_start3A_87] : memref<10240x128xf32, #tpu.memory_space<vmem_shared>> -> memref<80x128xf32, #tpu.memory_space<vmem_shared>>
      tpu.enqueue_dma source(%dma_start3A_88 : memref<80x128xf32, #tpu.memory_space<vmem_shared>>) target(%arg5 : memref<80x128xf32, #tpu.memory_space<vmem>>) target_semaphore(%run_scoped3A : memref<!tpu.dma_semaphore, #tpu.memory_space<semaphore_mem>>)
      %dma_wait3A = arith.constant 0 : i32
      %dma_wait3A_89 = tpu.memref_slice %arg6[%add3A_65, %dma_wait3A] : memref<10240x128xf32, #tpu.memory_space<vmem_shared>> -> memref<80x128xf32, #tpu.memory_space<vmem_shared>>
      %dma_wait3A_90 = arith.constant 0 : i32
      %dma_wait3A_91 = tpu.memref_slice %arg6[%add3A_65, %dma_wait3A_90] : memref<10240x128xf32, #tpu.memory_space<vmem_shared>> -> memref<80x128xf32, #tpu.memory_space<vmem_shared>>
      tpu.wait_dma2 semaphore(%run_scoped3A : memref<!tpu.dma_semaphore, #tpu.memory_space<semaphore_mem>>) src(%dma_wait3A_91 : memref<80x128xf32, #tpu.memory_space<vmem_shared>>) dst(%arg5 : memref<80x128xf32, #tpu.memory_space<vmem>>)
      tpu.yield
    }) : () -> ()
    "tpu.region"() ({
      %run_scoped3A = tpu.sem_alloc : memref<!tpu.dma_semaphore, #tpu.memory_space<semaphore_mem>>
      %dma_start3A = arith.constant 0 : i32
      %dma_start3A_86 = tpu.memref_slice %arg3[%arg0, %add3A_65, %dma_start3A] : memref<2x10240x128xf32, #tpu.memory_space<hbm>> -> memref<1x80x128xf32, #tpu.memory_space<hbm>>
      %dma_start3A_87 = tpu.memref_squeeze %dma_start3A_86 : memref<1x80x128xf32, #tpu.memory_space<hbm>> -> memref<80x128xf32, #tpu.memory_space<hbm>>
      %dma_start3A_88 = arith.constant 0 : i32
      %dma_start3A_89 = tpu.memref_slice %arg3[%arg0, %add3A_65, %dma_start3A_88] : memref<2x10240x128xf32, #tpu.memory_space<hbm>> -> memref<1x80x128xf32, #tpu.memory_space<hbm>>
      %dma_start3A_90 = tpu.memref_squeeze %dma_start3A_89 : memref<1x80x128xf32, #tpu.memory_space<hbm>> -> memref<80x128xf32, #tpu.memory_space<hbm>>
      tpu.enqueue_dma source(%arg5 : memref<80x128xf32, #tpu.memory_space<vmem>>) target(%dma_start3A_90 : memref<80x128xf32, #tpu.memory_space<hbm>>) target_semaphore(%run_scoped3A : memref<!tpu.dma_semaphore, #tpu.memory_space<semaphore_mem>>)
      %dma_wait3A = arith.constant 0 : i32
      %dma_wait3A_91 = tpu.memref_slice %arg3[%arg0, %add3A_65, %dma_wait3A] : memref<2x10240x128xf32, #tpu.memory_space<hbm>> -> memref<1x80x128xf32, #tpu.memory_space<hbm>>
      %dma_wait3A_92 = tpu.memref_squeeze %dma_wait3A_91 : memref<1x80x128xf32, #tpu.memory_space<hbm>> -> memref<80x128xf32, #tpu.memory_space<hbm>>
      %dma_wait3A_93 = arith.constant 0 : i32
      %dma_wait3A_94 = tpu.memref_slice %arg3[%arg0, %add3A_65, %dma_wait3A_93] : memref<2x10240x128xf32, #tpu.memory_space<hbm>> -> memref<1x80x128xf32, #tpu.memory_space<hbm>>
      %dma_wait3A_95 = tpu.memref_squeeze %dma_wait3A_94 : memref<1x80x128xf32, #tpu.memory_space<hbm>> -> memref<80x128xf32, #tpu.memory_space<hbm>>
      tpu.wait_dma2 semaphore(%run_scoped3A : memref<!tpu.dma_semaphore, #tpu.memory_space<semaphore_mem>>) src(%arg5 : memref<80x128xf32, #tpu.memory_space<vmem>>) dst(%dma_wait3A_95 : memref<80x128xf32, #tpu.memory_space<hbm>>)
      tpu.yield
    }) : () -> ()
    %mul3A_66 = arith.constant 640 : i32
    %mul3A_67 = arith.muli %arg1, %mul3A_66 : i32
    %add3A_68 = arith.constant 240 : i32
    %add3A_69 = arith.addi %mul3A_67, %add3A_68 : i32
    "tpu.region"() ({
      %run_scoped3A = tpu.sem_alloc : memref<!tpu.dma_semaphore, #tpu.memory_space<semaphore_mem>>
      %dma_start3A = arith.constant 0 : i32
      %dma_start3A_86 = tpu.memref_slice %arg6[%add3A_69, %dma_start3A] : memref<10240x128xf32, #tpu.memory_space<vmem_shared>> -> memref<80x128xf32, #tpu.memory_space<vmem_shared>>
      %dma_start3A_87 = arith.constant 0 : i32
      %dma_start3A_88 = tpu.memref_slice %arg6[%add3A_69, %dma_start3A_87] : memref<10240x128xf32, #tpu.memory_space<vmem_shared>> -> memref<80x128xf32, #tpu.memory_space<vmem_shared>>
      tpu.enqueue_dma source(%dma_start3A_88 : memref<80x128xf32, #tpu.memory_space<vmem_shared>>) target(%arg5 : memref<80x128xf32, #tpu.memory_space<vmem>>) target_semaphore(%run_scoped3A : memref<!tpu.dma_semaphore, #tpu.memory_space<semaphore_mem>>)
      %dma_wait3A = arith.constant 0 : i32
      %dma_wait3A_89 = tpu.memref_slice %arg6[%add3A_69, %dma_wait3A] : memref<10240x128xf32, #tpu.memory_space<vmem_shared>> -> memref<80x128xf32, #tpu.memory_space<vmem_shared>>
      %dma_wait3A_90 = arith.constant 0 : i32
      %dma_wait3A_91 = tpu.memref_slice %arg6[%add3A_69, %dma_wait3A_90] : memref<10240x128xf32, #tpu.memory_space<vmem_shared>> -> memref<80x128xf32, #tpu.memory_space<vmem_shared>>
      tpu.wait_dma2 semaphore(%run_scoped3A : memref<!tpu.dma_semaphore, #tpu.memory_space<semaphore_mem>>) src(%dma_wait3A_91 : memref<80x128xf32, #tpu.memory_space<vmem_shared>>) dst(%arg5 : memref<80x128xf32, #tpu.memory_space<vmem>>)
      tpu.yield
    }) : () -> ()
    "tpu.region"() ({
      %run_scoped3A = tpu.sem_alloc : memref<!tpu.dma_semaphore, #tpu.memory_space<semaphore_mem>>
      %dma_start3A = arith.constant 0 : i32
      %dma_start3A_86 = tpu.memref_slice %arg3[%arg0, %add3A_69, %dma_start3A] : memref<2x10240x128xf32, #tpu.memory_space<hbm>> -> memref<1x80x128xf32, #tpu.memory_space<hbm>>
      %dma_start3A_87 = tpu.memref_squeeze %dma_start3A_86 : memref<1x80x128xf32, #tpu.memory_space<hbm>> -> memref<80x128xf32, #tpu.memory_space<hbm>>
      %dma_start3A_88 = arith.constant 0 : i32
      %dma_start3A_89 = tpu.memref_slice %arg3[%arg0, %add3A_69, %dma_start3A_88] : memref<2x10240x128xf32, #tpu.memory_space<hbm>> -> memref<1x80x128xf32, #tpu.memory_space<hbm>>
      %dma_start3A_90 = tpu.memref_squeeze %dma_start3A_89 : memref<1x80x128xf32, #tpu.memory_space<hbm>> -> memref<80x128xf32, #tpu.memory_space<hbm>>
      tpu.enqueue_dma source(%arg5 : memref<80x128xf32, #tpu.memory_space<vmem>>) target(%dma_start3A_90 : memref<80x128xf32, #tpu.memory_space<hbm>>) target_semaphore(%run_scoped3A : memref<!tpu.dma_semaphore, #tpu.memory_space<semaphore_mem>>)
      %dma_wait3A = arith.constant 0 : i32
      %dma_wait3A_91 = tpu.memref_slice %arg3[%arg0, %add3A_69, %dma_wait3A] : memref<2x10240x128xf32, #tpu.memory_space<hbm>> -> memref<1x80x128xf32, #tpu.memory_space<hbm>>
      %dma_wait3A_92 = tpu.memref_squeeze %dma_wait3A_91 : memref<1x80x128xf32, #tpu.memory_space<hbm>> -> memref<80x128xf32, #tpu.memory_space<hbm>>
      %dma_wait3A_93 = arith.constant 0 : i32
      %dma_wait3A_94 = tpu.memref_slice %arg3[%arg0, %add3A_69, %dma_wait3A_93] : memref<2x10240x128xf32, #tpu.memory_space<hbm>> -> memref<1x80x128xf32, #tpu.memory_space<hbm>>
      %dma_wait3A_95 = tpu.memref_squeeze %dma_wait3A_94 : memref<1x80x128xf32, #tpu.memory_space<hbm>> -> memref<80x128xf32, #tpu.memory_space<hbm>>
      tpu.wait_dma2 semaphore(%run_scoped3A : memref<!tpu.dma_semaphore, #tpu.memory_space<semaphore_mem>>) src(%arg5 : memref<80x128xf32, #tpu.memory_space<vmem>>) dst(%dma_wait3A_95 : memref<80x128xf32, #tpu.memory_space<hbm>>)
      tpu.yield
    }) : () -> ()
    %mul3A_70 = arith.constant 640 : i32
    %mul3A_71 = arith.muli %arg1, %mul3A_70 : i32
    %add3A_72 = arith.constant 320 : i32
    %add3A_73 = arith.addi %mul3A_71, %add3A_72 : i32
    "tpu.region"() ({
      %run_scoped3A = tpu.sem_alloc : memref<!tpu.dma_semaphore, #tpu.memory_space<semaphore_mem>>
      %dma_start3A = arith.constant 0 : i32
      %dma_start3A_86 = tpu.memref_slice %arg6[%add3A_73, %dma_start3A] : memref<10240x128xf32, #tpu.memory_space<vmem_shared>> -> memref<80x128xf32, #tpu.memory_space<vmem_shared>>
      %dma_start3A_87 = arith.constant 0 : i32
      %dma_start3A_88 = tpu.memref_slice %arg6[%add3A_73, %dma_start3A_87] : memref<10240x128xf32, #tpu.memory_space<vmem_shared>> -> memref<80x128xf32, #tpu.memory_space<vmem_shared>>
      tpu.enqueue_dma source(%dma_start3A_88 : memref<80x128xf32, #tpu.memory_space<vmem_shared>>) target(%arg5 : memref<80x128xf32, #tpu.memory_space<vmem>>) target_semaphore(%run_scoped3A : memref<!tpu.dma_semaphore, #tpu.memory_space<semaphore_mem>>)
      %dma_wait3A = arith.constant 0 : i32
      %dma_wait3A_89 = tpu.memref_slice %arg6[%add3A_73, %dma_wait3A] : memref<10240x128xf32, #tpu.memory_space<vmem_shared>> -> memref<80x128xf32, #tpu.memory_space<vmem_shared>>
      %dma_wait3A_90 = arith.constant 0 : i32
      %dma_wait3A_91 = tpu.memref_slice %arg6[%add3A_73, %dma_wait3A_90] : memref<10240x128xf32, #tpu.memory_space<vmem_shared>> -> memref<80x128xf32, #tpu.memory_space<vmem_shared>>
      tpu.wait_dma2 semaphore(%run_scoped3A : memref<!tpu.dma_semaphore, #tpu.memory_space<semaphore_mem>>) src(%dma_wait3A_91 : memref<80x128xf32, #tpu.memory_space<vmem_shared>>) dst(%arg5 : memref<80x128xf32, #tpu.memory_space<vmem>>)
      tpu.yield
    }) : () -> ()
    "tpu.region"() ({
      %run_scoped3A = tpu.sem_alloc : memref<!tpu.dma_semaphore, #tpu.memory_space<semaphore_mem>>
      %dma_start3A = arith.constant 0 : i32
      %dma_start3A_86 = tpu.memref_slice %arg3[%arg0, %add3A_73, %dma_start3A] : memref<2x10240x128xf32, #tpu.memory_space<hbm>> -> memref<1x80x128xf32, #tpu.memory_space<hbm>>
      %dma_start3A_87 = tpu.memref_squeeze %dma_start3A_86 : memref<1x80x128xf32, #tpu.memory_space<hbm>> -> memref<80x128xf32, #tpu.memory_space<hbm>>
      %dma_start3A_88 = arith.constant 0 : i32
      %dma_start3A_89 = tpu.memref_slice %arg3[%arg0, %add3A_73, %dma_start3A_88] : memref<2x10240x128xf32, #tpu.memory_space<hbm>> -> memref<1x80x128xf32, #tpu.memory_space<hbm>>
      %dma_start3A_90 = tpu.memref_squeeze %dma_start3A_89 : memref<1x80x128xf32, #tpu.memory_space<hbm>> -> memref<80x128xf32, #tpu.memory_space<hbm>>
      tpu.enqueue_dma source(%arg5 : memref<80x128xf32, #tpu.memory_space<vmem>>) target(%dma_start3A_90 : memref<80x128xf32, #tpu.memory_space<hbm>>) target_semaphore(%run_scoped3A : memref<!tpu.dma_semaphore, #tpu.memory_space<semaphore_mem>>)
      %dma_wait3A = arith.constant 0 : i32
      %dma_wait3A_91 = tpu.memref_slice %arg3[%arg0, %add3A_73, %dma_wait3A] : memref<2x10240x128xf32, #tpu.memory_space<hbm>> -> memref<1x80x128xf32, #tpu.memory_space<hbm>>
      %dma_wait3A_92 = tpu.memref_squeeze %dma_wait3A_91 : memref<1x80x128xf32, #tpu.memory_space<hbm>> -> memref<80x128xf32, #tpu.memory_space<hbm>>
      %dma_wait3A_93 = arith.constant 0 : i32
      %dma_wait3A_94 = tpu.memref_slice %arg3[%arg0, %add3A_73, %dma_wait3A_93] : memref<2x10240x128xf32, #tpu.memory_space<hbm>> -> memref<1x80x128xf32, #tpu.memory_space<hbm>>
      %dma_wait3A_95 = tpu.memref_squeeze %dma_wait3A_94 : memref<1x80x128xf32, #tpu.memory_space<hbm>> -> memref<80x128xf32, #tpu.memory_space<hbm>>
      tpu.wait_dma2 semaphore(%run_scoped3A : memref<!tpu.dma_semaphore, #tpu.memory_space<semaphore_mem>>) src(%arg5 : memref<80x128xf32, #tpu.memory_space<vmem>>) dst(%dma_wait3A_95 : memref<80x128xf32, #tpu.memory_space<hbm>>)
      tpu.yield
    }) : () -> ()
    %mul3A_74 = arith.constant 640 : i32
    %mul3A_75 = arith.muli %arg1, %mul3A_74 : i32
    %add3A_76 = arith.constant 400 : i32
    %add3A_77 = arith.addi %mul3A_75, %add3A_76 : i32
    "tpu.region"() ({
      %run_scoped3A = tpu.sem_alloc : memref<!tpu.dma_semaphore, #tpu.memory_space<semaphore_mem>>
      %dma_start3A = arith.constant 0 : i32
      %dma_start3A_86 = tpu.memref_slice %arg6[%add3A_77, %dma_start3A] : memref<10240x128xf32, #tpu.memory_space<vmem_shared>> -> memref<80x128xf32, #tpu.memory_space<vmem_shared>>
      %dma_start3A_87 = arith.constant 0 : i32
      %dma_start3A_88 = tpu.memref_slice %arg6[%add3A_77, %dma_start3A_87] : memref<10240x128xf32, #tpu.memory_space<vmem_shared>> -> memref<80x128xf32, #tpu.memory_space<vmem_shared>>
      tpu.enqueue_dma source(%dma_start3A_88 : memref<80x128xf32, #tpu.memory_space<vmem_shared>>) target(%arg5 : memref<80x128xf32, #tpu.memory_space<vmem>>) target_semaphore(%run_scoped3A : memref<!tpu.dma_semaphore, #tpu.memory_space<semaphore_mem>>)
      %dma_wait3A = arith.constant 0 : i32
      %dma_wait3A_89 = tpu.memref_slice %arg6[%add3A_77, %dma_wait3A] : memref<10240x128xf32, #tpu.memory_space<vmem_shared>> -> memref<80x128xf32, #tpu.memory_space<vmem_shared>>
      %dma_wait3A_90 = arith.constant 0 : i32
      %dma_wait3A_91 = tpu.memref_slice %arg6[%add3A_77, %dma_wait3A_90] : memref<10240x128xf32, #tpu.memory_space<vmem_shared>> -> memref<80x128xf32, #tpu.memory_space<vmem_shared>>
      tpu.wait_dma2 semaphore(%run_scoped3A : memref<!tpu.dma_semaphore, #tpu.memory_space<semaphore_mem>>) src(%dma_wait3A_91 : memref<80x128xf32, #tpu.memory_space<vmem_shared>>) dst(%arg5 : memref<80x128xf32, #tpu.memory_space<vmem>>)
      tpu.yield
    }) : () -> ()
    "tpu.region"() ({
      %run_scoped3A = tpu.sem_alloc : memref<!tpu.dma_semaphore, #tpu.memory_space<semaphore_mem>>
      %dma_start3A = arith.constant 0 : i32
      %dma_start3A_86 = tpu.memref_slice %arg3[%arg0, %add3A_77, %dma_start3A] : memref<2x10240x128xf32, #tpu.memory_space<hbm>> -> memref<1x80x128xf32, #tpu.memory_space<hbm>>
      %dma_start3A_87 = tpu.memref_squeeze %dma_start3A_86 : memref<1x80x128xf32, #tpu.memory_space<hbm>> -> memref<80x128xf32, #tpu.memory_space<hbm>>
      %dma_start3A_88 = arith.constant 0 : i32
      %dma_start3A_89 = tpu.memref_slice %arg3[%arg0, %add3A_77, %dma_start3A_88] : memref<2x10240x128xf32, #tpu.memory_space<hbm>> -> memref<1x80x128xf32, #tpu.memory_space<hbm>>
      %dma_start3A_90 = tpu.memref_squeeze %dma_start3A_89 : memref<1x80x128xf32, #tpu.memory_space<hbm>> -> memref<80x128xf32, #tpu.memory_space<hbm>>
      tpu.enqueue_dma source(%arg5 : memref<80x128xf32, #tpu.memory_space<vmem>>) target(%dma_start3A_90 : memref<80x128xf32, #tpu.memory_space<hbm>>) target_semaphore(%run_scoped3A : memref<!tpu.dma_semaphore, #tpu.memory_space<semaphore_mem>>)
      %dma_wait3A = arith.constant 0 : i32
      %dma_wait3A_91 = tpu.memref_slice %arg3[%arg0, %add3A_77, %dma_wait3A] : memref<2x10240x128xf32, #tpu.memory_space<hbm>> -> memref<1x80x128xf32, #tpu.memory_space<hbm>>
      %dma_wait3A_92 = tpu.memref_squeeze %dma_wait3A_91 : memref<1x80x128xf32, #tpu.memory_space<hbm>> -> memref<80x128xf32, #tpu.memory_space<hbm>>
      %dma_wait3A_93 = arith.constant 0 : i32
      %dma_wait3A_94 = tpu.memref_slice %arg3[%arg0, %add3A_77, %dma_wait3A_93] : memref<2x10240x128xf32, #tpu.memory_space<hbm>> -> memref<1x80x128xf32, #tpu.memory_space<hbm>>
      %dma_wait3A_95 = tpu.memref_squeeze %dma_wait3A_94 : memref<1x80x128xf32, #tpu.memory_space<hbm>> -> memref<80x128xf32, #tpu.memory_space<hbm>>
      tpu.wait_dma2 semaphore(%run_scoped3A : memref<!tpu.dma_semaphore, #tpu.memory_space<semaphore_mem>>) src(%arg5 : memref<80x128xf32, #tpu.memory_space<vmem>>) dst(%dma_wait3A_95 : memref<80x128xf32, #tpu.memory_space<hbm>>)
      tpu.yield
    }) : () -> ()
    %mul3A_78 = arith.constant 640 : i32
    %mul3A_79 = arith.muli %arg1, %mul3A_78 : i32
    %add3A_80 = arith.constant 480 : i32
    %add3A_81 = arith.addi %mul3A_79, %add3A_80 : i32
    "tpu.region"() ({
      %run_scoped3A = tpu.sem_alloc : memref<!tpu.dma_semaphore, #tpu.memory_space<semaphore_mem>>
      %dma_start3A = arith.constant 0 : i32
      %dma_start3A_86 = tpu.memref_slice %arg6[%add3A_81, %dma_start3A] : memref<10240x128xf32, #tpu.memory_space<vmem_shared>> -> memref<80x128xf32, #tpu.memory_space<vmem_shared>>
      %dma_start3A_87 = arith.constant 0 : i32
      %dma_start3A_88 = tpu.memref_slice %arg6[%add3A_81, %dma_start3A_87] : memref<10240x128xf32, #tpu.memory_space<vmem_shared>> -> memref<80x128xf32, #tpu.memory_space<vmem_shared>>
      tpu.enqueue_dma source(%dma_start3A_88 : memref<80x128xf32, #tpu.memory_space<vmem_shared>>) target(%arg5 : memref<80x128xf32, #tpu.memory_space<vmem>>) target_semaphore(%run_scoped3A : memref<!tpu.dma_semaphore, #tpu.memory_space<semaphore_mem>>)
      %dma_wait3A = arith.constant 0 : i32
      %dma_wait3A_89 = tpu.memref_slice %arg6[%add3A_81, %dma_wait3A] : memref<10240x128xf32, #tpu.memory_space<vmem_shared>> -> memref<80x128xf32, #tpu.memory_space<vmem_shared>>
      %dma_wait3A_90 = arith.constant 0 : i32
      %dma_wait3A_91 = tpu.memref_slice %arg6[%add3A_81, %dma_wait3A_90] : memref<10240x128xf32, #tpu.memory_space<vmem_shared>> -> memref<80x128xf32, #tpu.memory_space<vmem_shared>>
      tpu.wait_dma2 semaphore(%run_scoped3A : memref<!tpu.dma_semaphore, #tpu.memory_space<semaphore_mem>>) src(%dma_wait3A_91 : memref<80x128xf32, #tpu.memory_space<vmem_shared>>) dst(%arg5 : memref<80x128xf32, #tpu.memory_space<vmem>>)
      tpu.yield
    }) : () -> ()
    "tpu.region"() ({
      %run_scoped3A = tpu.sem_alloc : memref<!tpu.dma_semaphore, #tpu.memory_space<semaphore_mem>>
      %dma_start3A = arith.constant 0 : i32
      %dma_start3A_86 = tpu.memref_slice %arg3[%arg0, %add3A_81, %dma_start3A] : memref<2x10240x128xf32, #tpu.memory_space<hbm>> -> memref<1x80x128xf32, #tpu.memory_space<hbm>>
      %dma_start3A_87 = tpu.memref_squeeze %dma_start3A_86 : memref<1x80x128xf32, #tpu.memory_space<hbm>> -> memref<80x128xf32, #tpu.memory_space<hbm>>
      %dma_start3A_88 = arith.constant 0 : i32
      %dma_start3A_89 = tpu.memref_slice %arg3[%arg0, %add3A_81, %dma_start3A_88] : memref<2x10240x128xf32, #tpu.memory_space<hbm>> -> memref<1x80x128xf32, #tpu.memory_space<hbm>>
      %dma_start3A_90 = tpu.memref_squeeze %dma_start3A_89 : memref<1x80x128xf32, #tpu.memory_space<hbm>> -> memref<80x128xf32, #tpu.memory_space<hbm>>
      tpu.enqueue_dma source(%arg5 : memref<80x128xf32, #tpu.memory_space<vmem>>) target(%dma_start3A_90 : memref<80x128xf32, #tpu.memory_space<hbm>>) target_semaphore(%run_scoped3A : memref<!tpu.dma_semaphore, #tpu.memory_space<semaphore_mem>>)
      %dma_wait3A = arith.constant 0 : i32
      %dma_wait3A_91 = tpu.memref_slice %arg3[%arg0, %add3A_81, %dma_wait3A] : memref<2x10240x128xf32, #tpu.memory_space<hbm>> -> memref<1x80x128xf32, #tpu.memory_space<hbm>>
      %dma_wait3A_92 = tpu.memref_squeeze %dma_wait3A_91 : memref<1x80x128xf32, #tpu.memory_space<hbm>> -> memref<80x128xf32, #tpu.memory_space<hbm>>
      %dma_wait3A_93 = arith.constant 0 : i32
      %dma_wait3A_94 = tpu.memref_slice %arg3[%arg0, %add3A_81, %dma_wait3A_93] : memref<2x10240x128xf32, #tpu.memory_space<hbm>> -> memref<1x80x128xf32, #tpu.memory_space<hbm>>
      %dma_wait3A_95 = tpu.memref_squeeze %dma_wait3A_94 : memref<1x80x128xf32, #tpu.memory_space<hbm>> -> memref<80x128xf32, #tpu.memory_space<hbm>>
      tpu.wait_dma2 semaphore(%run_scoped3A : memref<!tpu.dma_semaphore, #tpu.memory_space<semaphore_mem>>) src(%arg5 : memref<80x128xf32, #tpu.memory_space<vmem>>) dst(%dma_wait3A_95 : memref<80x128xf32, #tpu.memory_space<hbm>>)
      tpu.yield
    }) : () -> ()
    %mul3A_82 = arith.constant 640 : i32
    %mul3A_83 = arith.muli %arg1, %mul3A_82 : i32
    %add3A_84 = arith.constant 560 : i32
    %add3A_85 = arith.addi %mul3A_83, %add3A_84 : i32
    "tpu.region"() ({
      %run_scoped3A = tpu.sem_alloc : memref<!tpu.dma_semaphore, #tpu.memory_space<semaphore_mem>>
      %dma_start3A = arith.constant 0 : i32
      %dma_start3A_86 = tpu.memref_slice %arg6[%add3A_85, %dma_start3A] : memref<10240x128xf32, #tpu.memory_space<vmem_shared>> -> memref<80x128xf32, #tpu.memory_space<vmem_shared>>
      %dma_start3A_87 = arith.constant 0 : i32
      %dma_start3A_88 = tpu.memref_slice %arg6[%add3A_85, %dma_start3A_87] : memref<10240x128xf32, #tpu.memory_space<vmem_shared>> -> memref<80x128xf32, #tpu.memory_space<vmem_shared>>
      tpu.enqueue_dma source(%dma_start3A_88 : memref<80x128xf32, #tpu.memory_space<vmem_shared>>) target(%arg5 : memref<80x128xf32, #tpu.memory_space<vmem>>) target_semaphore(%run_scoped3A : memref<!tpu.dma_semaphore, #tpu.memory_space<semaphore_mem>>)
      %dma_wait3A = arith.constant 0 : i32
      %dma_wait3A_89 = tpu.memref_slice %arg6[%add3A_85, %dma_wait3A] : memref<10240x128xf32, #tpu.memory_space<vmem_shared>> -> memref<80x128xf32, #tpu.memory_space<vmem_shared>>
      %dma_wait3A_90 = arith.constant 0 : i32
      %dma_wait3A_91 = tpu.memref_slice %arg6[%add3A_85, %dma_wait3A_90] : memref<10240x128xf32, #tpu.memory_space<vmem_shared>> -> memref<80x128xf32, #tpu.memory_space<vmem_shared>>
      tpu.wait_dma2 semaphore(%run_scoped3A : memref<!tpu.dma_semaphore, #tpu.memory_space<semaphore_mem>>) src(%dma_wait3A_91 : memref<80x128xf32, #tpu.memory_space<vmem_shared>>) dst(%arg5 : memref<80x128xf32, #tpu.memory_space<vmem>>)
      tpu.yield
    }) : () -> ()
    "tpu.region"() ({
      %run_scoped3A = tpu.sem_alloc : memref<!tpu.dma_semaphore, #tpu.memory_space<semaphore_mem>>
      %dma_start3A = arith.constant 0 : i32
      %dma_start3A_86 = tpu.memref_slice %arg3[%arg0, %add3A_85, %dma_start3A] : memref<2x10240x128xf32, #tpu.memory_space<hbm>> -> memref<1x80x128xf32, #tpu.memory_space<hbm>>
      %dma_start3A_87 = tpu.memref_squeeze %dma_start3A_86 : memref<1x80x128xf32, #tpu.memory_space<hbm>> -> memref<80x128xf32, #tpu.memory_space<hbm>>
      %dma_start3A_88 = arith.constant 0 : i32
      %dma_start3A_89 = tpu.memref_slice %arg3[%arg0, %add3A_85, %dma_start3A_88] : memref<2x10240x128xf32, #tpu.memory_space<hbm>> -> memref<1x80x128xf32, #tpu.memory_space<hbm>>
      %dma_start3A_90 = tpu.memref_squeeze %dma_start3A_89 : memref<1x80x128xf32, #tpu.memory_space<hbm>> -> memref<80x128xf32, #tpu.memory_space<hbm>>
      tpu.enqueue_dma source(%arg5 : memref<80x128xf32, #tpu.memory_space<vmem>>) target(%dma_start3A_90 : memref<80x128xf32, #tpu.memory_space<hbm>>) target_semaphore(%run_scoped3A : memref<!tpu.dma_semaphore, #tpu.memory_space<semaphore_mem>>)
      %dma_wait3A = arith.constant 0 : i32
      %dma_wait3A_91 = tpu.memref_slice %arg3[%arg0, %add3A_85, %dma_wait3A] : memref<2x10240x128xf32, #tpu.memory_space<hbm>> -> memref<1x80x128xf32, #tpu.memory_space<hbm>>
      %dma_wait3A_92 = tpu.memref_squeeze %dma_wait3A_91 : memref<1x80x128xf32, #tpu.memory_space<hbm>> -> memref<80x128xf32, #tpu.memory_space<hbm>>
      %dma_wait3A_93 = arith.constant 0 : i32
      %dma_wait3A_94 = tpu.memref_slice %arg3[%arg0, %add3A_85, %dma_wait3A_93] : memref<2x10240x128xf32, #tpu.memory_space<hbm>> -> memref<1x80x128xf32, #tpu.memory_space<hbm>>
      %dma_wait3A_95 = tpu.memref_squeeze %dma_wait3A_94 : memref<1x80x128xf32, #tpu.memory_space<hbm>> -> memref<80x128xf32, #tpu.memory_space<hbm>>
      tpu.wait_dma2 semaphore(%run_scoped3A : memref<!tpu.dma_semaphore, #tpu.memory_space<semaphore_mem>>) src(%arg5 : memref<80x128xf32, #tpu.memory_space<vmem>>) dst(%dma_wait3A_95 : memref<80x128xf32, #tpu.memory_space<hbm>>)
      tpu.yield
    }) : () -> ()
    return
  }
}

#map = affine_map<(d0, d1) -> (0, 0)>
#map1 = affine_map<(d0, d1) -> (0, 0, 0)>
module attributes {stable_mosaic.version = 14 : i64} {
  func.func @_sc_agg_body(%arg0: i32, %arg1: i32, %arg2: memref<10000x128xf32, #tpu.memory_space<hbm>>, %arg3: memref<32x10000xi32, #tpu.memory_space<hbm>>, %arg4: memref<32x125x80xi32, #tpu.memory_space<hbm>>, %arg5: memref<2x10240x128xf32, #tpu.memory_space<hbm>>, %arg6: memref<10000xi32, #tpu.memory_space<vmem>>, %arg7: memref<125x80xi32, #tpu.memory_space<vmem>>, %arg8: memref<80x128xf32, #tpu.memory_space<vmem>>, %arg9: memref<80x128xf32, #tpu.memory_space<vmem>>, %arg10: memref<10240x128xf32, #tpu.memory_space<vmem_shared>>, %arg11: memref<!tpu.dma_semaphore, #tpu.memory_space<semaphore_mem>>, %arg12: memref<!tpu.dma_semaphore, #tpu.memory_space<semaphore_mem>>) attributes {dimension_semantics = [#tpu.dimension_semantics<core_parallel>, #tpu.dimension_semantics<subcore_parallel>], iteration_bounds = array<i64: 2, 16>, scalar_prefetch = 0 : i64, scratch_operands = 7 : i64, tpu.core_type = #tpu.core_type<sc_vector_subcore>, window_params = [{transform_indices = #map}, {transform_indices = #map}, {transform_indices = #map1}, {transform_indices = #map1}]} {
    %mul3A = arith.constant 16 : i32
    %mul3A_0 = arith.muli %arg0, %mul3A : i32
    %add3A = arith.addi %mul3A_0, %arg1 : i32
    "tpu.region"() ({
      %run_scoped3A_87 = tpu.sem_alloc : memref<!tpu.dma_semaphore, #tpu.memory_space<semaphore_mem>>
      %dma_start3A_88 = arith.constant 0 : i32
      %dma_start3A_89 = tpu.memref_slice %arg3[%add3A, %dma_start3A_88] : memref<32x10000xi32, #tpu.memory_space<hbm>> -> memref<1x10000xi32, #tpu.memory_space<hbm>>
      %dma_start3A_90 = tpu.memref_squeeze %dma_start3A_89 : memref<1x10000xi32, #tpu.memory_space<hbm>> -> memref<10000xi32, #tpu.memory_space<hbm>>
      %dma_start3A_91 = arith.constant 0 : i32
      %dma_start3A_92 = tpu.memref_slice %arg3[%add3A, %dma_start3A_91] : memref<32x10000xi32, #tpu.memory_space<hbm>> -> memref<1x10000xi32, #tpu.memory_space<hbm>>
      %dma_start3A_93 = tpu.memref_squeeze %dma_start3A_92 : memref<1x10000xi32, #tpu.memory_space<hbm>> -> memref<10000xi32, #tpu.memory_space<hbm>>
      tpu.enqueue_dma source(%dma_start3A_93 : memref<10000xi32, #tpu.memory_space<hbm>>) target(%arg6 : memref<10000xi32, #tpu.memory_space<vmem>>) target_semaphore(%run_scoped3A_87 : memref<!tpu.dma_semaphore, #tpu.memory_space<semaphore_mem>>)
      %dma_wait3A_94 = arith.constant 0 : i32
      %dma_wait3A_95 = tpu.memref_slice %arg3[%add3A, %dma_wait3A_94] : memref<32x10000xi32, #tpu.memory_space<hbm>> -> memref<1x10000xi32, #tpu.memory_space<hbm>>
      %dma_wait3A_96 = tpu.memref_squeeze %dma_wait3A_95 : memref<1x10000xi32, #tpu.memory_space<hbm>> -> memref<10000xi32, #tpu.memory_space<hbm>>
      %dma_wait3A_97 = arith.constant 0 : i32
      %dma_wait3A_98 = tpu.memref_slice %arg3[%add3A, %dma_wait3A_97] : memref<32x10000xi32, #tpu.memory_space<hbm>> -> memref<1x10000xi32, #tpu.memory_space<hbm>>
      %dma_wait3A_99 = tpu.memref_squeeze %dma_wait3A_98 : memref<1x10000xi32, #tpu.memory_space<hbm>> -> memref<10000xi32, #tpu.memory_space<hbm>>
      tpu.wait_dma2 semaphore(%run_scoped3A_87 : memref<!tpu.dma_semaphore, #tpu.memory_space<semaphore_mem>>) src(%dma_wait3A_99 : memref<10000xi32, #tpu.memory_space<hbm>>) dst(%arg6 : memref<10000xi32, #tpu.memory_space<vmem>>)
      tpu.yield
    }) : () -> ()
    "tpu.region"() ({
      %run_scoped3A_87 = tpu.sem_alloc : memref<!tpu.dma_semaphore, #tpu.memory_space<semaphore_mem>>
      %dma_start3A_88 = arith.constant 0 : i32
      %dma_start3A_89 = arith.constant 0 : i32
      %dma_start3A_90 = tpu.memref_slice %arg4[%add3A, %dma_start3A_88, %dma_start3A_89] : memref<32x125x80xi32, #tpu.memory_space<hbm>> -> memref<1x125x80xi32, #tpu.memory_space<hbm>>
      %dma_start3A_91 = tpu.memref_squeeze %dma_start3A_90 : memref<1x125x80xi32, #tpu.memory_space<hbm>> -> memref<125x80xi32, #tpu.memory_space<hbm>>
      %dma_start3A_92 = arith.constant 0 : i32
      %dma_start3A_93 = arith.constant 0 : i32
      %dma_start3A_94 = tpu.memref_slice %arg4[%add3A, %dma_start3A_92, %dma_start3A_93] : memref<32x125x80xi32, #tpu.memory_space<hbm>> -> memref<1x125x80xi32, #tpu.memory_space<hbm>>
      %dma_start3A_95 = tpu.memref_squeeze %dma_start3A_94 : memref<1x125x80xi32, #tpu.memory_space<hbm>> -> memref<125x80xi32, #tpu.memory_space<hbm>>
      tpu.enqueue_dma source(%dma_start3A_95 : memref<125x80xi32, #tpu.memory_space<hbm>>) target(%arg7 : memref<125x80xi32, #tpu.memory_space<vmem>>) target_semaphore(%run_scoped3A_87 : memref<!tpu.dma_semaphore, #tpu.memory_space<semaphore_mem>>)
      %dma_wait3A_96 = arith.constant 0 : i32
      %dma_wait3A_97 = arith.constant 0 : i32
      %dma_wait3A_98 = tpu.memref_slice %arg4[%add3A, %dma_wait3A_96, %dma_wait3A_97] : memref<32x125x80xi32, #tpu.memory_space<hbm>> -> memref<1x125x80xi32, #tpu.memory_space<hbm>>
      %dma_wait3A_99 = tpu.memref_squeeze %dma_wait3A_98 : memref<1x125x80xi32, #tpu.memory_space<hbm>> -> memref<125x80xi32, #tpu.memory_space<hbm>>
      %dma_wait3A_100 = arith.constant 0 : i32
      %dma_wait3A_101 = arith.constant 0 : i32
      %dma_wait3A_102 = tpu.memref_slice %arg4[%add3A, %dma_wait3A_100, %dma_wait3A_101] : memref<32x125x80xi32, #tpu.memory_space<hbm>> -> memref<1x125x80xi32, #tpu.memory_space<hbm>>
      %dma_wait3A_103 = tpu.memref_squeeze %dma_wait3A_102 : memref<1x125x80xi32, #tpu.memory_space<hbm>> -> memref<125x80xi32, #tpu.memory_space<hbm>>
      tpu.wait_dma2 semaphore(%run_scoped3A_87 : memref<!tpu.dma_semaphore, #tpu.memory_space<semaphore_mem>>) src(%dma_wait3A_103 : memref<125x80xi32, #tpu.memory_space<hbm>>) dst(%arg7 : memref<125x80xi32, #tpu.memory_space<vmem>>)
      tpu.yield
    }) : () -> ()
    %scan3A = arith.constant 0 : i32
    %scan3A_1 = arith.constant 0 : i32
    %scan3A_2 = arith.constant 80 : i32
    %scan3A_3 = arith.addi %scan3A_1, %scan3A_2 : i32
    %scan3A_4 = arith.constant 1 : i32
    %scan3A_5 = scf.for %scan3A_87 = %scan3A_1 to %scan3A_3 step %scan3A_4 iter_args(%scan3A_88 = %scan3A) -> (i32)  : i32 {
      %broadcast_in_dim3A = arith.constant 0.000000e+00 : f32
      %broadcast_in_dim3A_89 = vector.broadcast %broadcast_in_dim3A : f32 to vector<16xf32>
      %swap3A = arith.index_cast %scan3A_87 : i32 to index
      %swap3A_90 = arith.constant 0 : index
      %swap3A_91 = tpu.vector_load %arg8[%swap3A, %swap3A_90] {strides = array<i32>} : memref<80x128xf32, #tpu.memory_space<vmem>>, vector<1x16xf32>,
      %swap3A_92 = vector.shape_cast %swap3A_91 : vector<1x16xf32> to vector<16xf32>
      %swap3A_93 = vector.shape_cast %broadcast_in_dim3A_89 : vector<16xf32> to vector<1x16xf32>
      tpu.vector_store %arg8[%swap3A, %swap3A_90], %swap3A_93 {strides = array<i32>} : memref<80x128xf32, #tpu.memory_space<vmem>>, vector<1x16xf32>,
      %broadcast_in_dim3A_94 = arith.constant 0.000000e+00 : f32
      %broadcast_in_dim3A_95 = vector.broadcast %broadcast_in_dim3A_94 : f32 to vector<16xf32>
      %swap3A_96 = arith.index_cast %scan3A_87 : i32 to index
      %swap3A_97 = arith.constant 16 : index
      %swap3A_98 = tpu.vector_load %arg8[%swap3A_96, %swap3A_97] {strides = array<i32>} : memref<80x128xf32, #tpu.memory_space<vmem>>, vector<1x16xf32>,
      %swap3A_99 = vector.shape_cast %swap3A_98 : vector<1x16xf32> to vector<16xf32>
      %swap3A_100 = vector.shape_cast %broadcast_in_dim3A_95 : vector<16xf32> to vector<1x16xf32>
      tpu.vector_store %arg8[%swap3A_96, %swap3A_97], %swap3A_100 {strides = array<i32>} : memref<80x128xf32, #tpu.memory_space<vmem>>, vector<1x16xf32>,
      %broadcast_in_dim3A_101 = arith.constant 0.000000e+00 : f32
      %broadcast_in_dim3A_102 = vector.broadcast %broadcast_in_dim3A_101 : f32 to vector<16xf32>
      %swap3A_103 = arith.index_cast %scan3A_87 : i32 to index
      %swap3A_104 = arith.constant 32 : index
      %swap3A_105 = tpu.vector_load %arg8[%swap3A_103, %swap3A_104] {strides = array<i32>} : memref<80x128xf32, #tpu.memory_space<vmem>>, vector<1x16xf32>,
      %swap3A_106 = vector.shape_cast %swap3A_105 : vector<1x16xf32> to vector<16xf32>
      %swap3A_107 = vector.shape_cast %broadcast_in_dim3A_102 : vector<16xf32> to vector<1x16xf32>
      tpu.vector_store %arg8[%swap3A_103, %swap3A_104], %swap3A_107 {strides = array<i32>} : memref<80x128xf32, #tpu.memory_space<vmem>>, vector<1x16xf32>,
      %broadcast_in_dim3A_108 = arith.constant 0.000000e+00 : f32
      %broadcast_in_dim3A_109 = vector.broadcast %broadcast_in_dim3A_108 : f32 to vector<16xf32>
      %swap3A_110 = arith.index_cast %scan3A_87 : i32 to index
      %swap3A_111 = arith.constant 48 : index
      %swap3A_112 = tpu.vector_load %arg8[%swap3A_110, %swap3A_111] {strides = array<i32>} : memref<80x128xf32, #tpu.memory_space<vmem>>, vector<1x16xf32>,
      %swap3A_113 = vector.shape_cast %swap3A_112 : vector<1x16xf32> to vector<16xf32>
      %swap3A_114 = vector.shape_cast %broadcast_in_dim3A_109 : vector<16xf32> to vector<1x16xf32>
      tpu.vector_store %arg8[%swap3A_110, %swap3A_111], %swap3A_114 {strides = array<i32>} : memref<80x128xf32, #tpu.memory_space<vmem>>, vector<1x16xf32>,
      %broadcast_in_dim3A_115 = arith.constant 0.000000e+00 : f32
      %broadcast_in_dim3A_116 = vector.broadcast %broadcast_in_dim3A_115 : f32 to vector<16xf32>
      %swap3A_117 = arith.index_cast %scan3A_87 : i32 to index
      %swap3A_118 = arith.constant 64 : index
      %swap3A_119 = tpu.vector_load %arg8[%swap3A_117, %swap3A_118] {strides = array<i32>} : memref<80x128xf32, #tpu.memory_space<vmem>>, vector<1x16xf32>,
      %swap3A_120 = vector.shape_cast %swap3A_119 : vector<1x16xf32> to vector<16xf32>
      %swap3A_121 = vector.shape_cast %broadcast_in_dim3A_116 : vector<16xf32> to vector<1x16xf32>
      tpu.vector_store %arg8[%swap3A_117, %swap3A_118], %swap3A_121 {strides = array<i32>} : memref<80x128xf32, #tpu.memory_space<vmem>>, vector<1x16xf32>,
      %broadcast_in_dim3A_122 = arith.constant 0.000000e+00 : f32
      %broadcast_in_dim3A_123 = vector.broadcast %broadcast_in_dim3A_122 : f32 to vector<16xf32>
      %swap3A_124 = arith.index_cast %scan3A_87 : i32 to index
      %swap3A_125 = arith.constant 80 : index
      %swap3A_126 = tpu.vector_load %arg8[%swap3A_124, %swap3A_125] {strides = array<i32>} : memref<80x128xf32, #tpu.memory_space<vmem>>, vector<1x16xf32>,
      %swap3A_127 = vector.shape_cast %swap3A_126 : vector<1x16xf32> to vector<16xf32>
      %swap3A_128 = vector.shape_cast %broadcast_in_dim3A_123 : vector<16xf32> to vector<1x16xf32>
      tpu.vector_store %arg8[%swap3A_124, %swap3A_125], %swap3A_128 {strides = array<i32>} : memref<80x128xf32, #tpu.memory_space<vmem>>, vector<1x16xf32>,
      %broadcast_in_dim3A_129 = arith.constant 0.000000e+00 : f32
      %broadcast_in_dim3A_130 = vector.broadcast %broadcast_in_dim3A_129 : f32 to vector<16xf32>
      %swap3A_131 = arith.index_cast %scan3A_87 : i32 to index
      %swap3A_132 = arith.constant 96 : index
      %swap3A_133 = tpu.vector_load %arg8[%swap3A_131, %swap3A_132] {strides = array<i32>} : memref<80x128xf32, #tpu.memory_space<vmem>>, vector<1x16xf32>,
      %swap3A_134 = vector.shape_cast %swap3A_133 : vector<1x16xf32> to vector<16xf32>
      %swap3A_135 = vector.shape_cast %broadcast_in_dim3A_130 : vector<16xf32> to vector<1x16xf32>
      tpu.vector_store %arg8[%swap3A_131, %swap3A_132], %swap3A_135 {strides = array<i32>} : memref<80x128xf32, #tpu.memory_space<vmem>>, vector<1x16xf32>,
      %broadcast_in_dim3A_136 = arith.constant 0.000000e+00 : f32
      %broadcast_in_dim3A_137 = vector.broadcast %broadcast_in_dim3A_136 : f32 to vector<16xf32>
      %swap3A_138 = arith.index_cast %scan3A_87 : i32 to index
      %swap3A_139 = arith.constant 112 : index
      %swap3A_140 = tpu.vector_load %arg8[%swap3A_138, %swap3A_139] {strides = array<i32>} : memref<80x128xf32, #tpu.memory_space<vmem>>, vector<1x16xf32>,
      %swap3A_141 = vector.shape_cast %swap3A_140 : vector<1x16xf32> to vector<16xf32>
      %swap3A_142 = vector.shape_cast %broadcast_in_dim3A_137 : vector<16xf32> to vector<1x16xf32>
      tpu.vector_store %arg8[%swap3A_138, %swap3A_139], %swap3A_142 {strides = array<i32>} : memref<80x128xf32, #tpu.memory_space<vmem>>, vector<1x16xf32>,
      %scan3A_143 = arith.constant 0 : i32
      scf.yield %scan3A_143 : i32
    }
    %scan3A_6 = arith.constant 80 : i32
    %mul3A_7 = arith.constant 640 : i32
    %mul3A_8 = arith.muli %arg1, %mul3A_7 : i32
    %add3A_9 = arith.constant 0 : i32
    %add3A_10 = arith.addi %mul3A_8, %add3A_9 : i32
    "tpu.region"() ({
      %run_scoped3A_87 = tpu.sem_alloc : memref<!tpu.dma_semaphore, #tpu.memory_space<semaphore_mem>>
      %dma_start3A_88 = arith.constant 0 : i32
      %dma_start3A_89 = tpu.memref_slice %arg10[%add3A_10, %dma_start3A_88] : memref<10240x128xf32, #tpu.memory_space<vmem_shared>> -> memref<80x128xf32, #tpu.memory_space<vmem_shared>>
      %dma_start3A_90 = arith.constant 0 : i32
      %dma_start3A_91 = tpu.memref_slice %arg10[%add3A_10, %dma_start3A_90] : memref<10240x128xf32, #tpu.memory_space<vmem_shared>> -> memref<80x128xf32, #tpu.memory_space<vmem_shared>>
      tpu.enqueue_dma source(%arg8 : memref<80x128xf32, #tpu.memory_space<vmem>>) target(%dma_start3A_91 : memref<80x128xf32, #tpu.memory_space<vmem_shared>>) target_semaphore(%run_scoped3A_87 : memref<!tpu.dma_semaphore, #tpu.memory_space<semaphore_mem>>)
      %dma_wait3A_92 = arith.constant 0 : i32
      %dma_wait3A_93 = tpu.memref_slice %arg10[%add3A_10, %dma_wait3A_92] : memref<10240x128xf32, #tpu.memory_space<vmem_shared>> -> memref<80x128xf32, #tpu.memory_space<vmem_shared>>
      %dma_wait3A_94 = arith.constant 0 : i32
      %dma_wait3A_95 = tpu.memref_slice %arg10[%add3A_10, %dma_wait3A_94] : memref<10240x128xf32, #tpu.memory_space<vmem_shared>> -> memref<80x128xf32, #tpu.memory_space<vmem_shared>>
      tpu.wait_dma2 semaphore(%run_scoped3A_87 : memref<!tpu.dma_semaphore, #tpu.memory_space<semaphore_mem>>) src(%arg8 : memref<80x128xf32, #tpu.memory_space<vmem>>) dst(%dma_wait3A_95 : memref<80x128xf32, #tpu.memory_space<vmem_shared>>)
      tpu.yield
    }) : () -> ()
    %mul3A_11 = arith.constant 640 : i32
    %mul3A_12 = arith.muli %arg1, %mul3A_11 : i32
    %add3A_13 = arith.constant 80 : i32
    %add3A_14 = arith.addi %mul3A_12, %add3A_13 : i32
    "tpu.region"() ({
      %run_scoped3A_87 = tpu.sem_alloc : memref<!tpu.dma_semaphore, #tpu.memory_space<semaphore_mem>>
      %dma_start3A_88 = arith.constant 0 : i32
      %dma_start3A_89 = tpu.memref_slice %arg10[%add3A_14, %dma_start3A_88] : memref<10240x128xf32, #tpu.memory_space<vmem_shared>> -> memref<80x128xf32, #tpu.memory_space<vmem_shared>>
      %dma_start3A_90 = arith.constant 0 : i32
      %dma_start3A_91 = tpu.memref_slice %arg10[%add3A_14, %dma_start3A_90] : memref<10240x128xf32, #tpu.memory_space<vmem_shared>> -> memref<80x128xf32, #tpu.memory_space<vmem_shared>>
      tpu.enqueue_dma source(%arg8 : memref<80x128xf32, #tpu.memory_space<vmem>>) target(%dma_start3A_91 : memref<80x128xf32, #tpu.memory_space<vmem_shared>>) target_semaphore(%run_scoped3A_87 : memref<!tpu.dma_semaphore, #tpu.memory_space<semaphore_mem>>)
      %dma_wait3A_92 = arith.constant 0 : i32
      %dma_wait3A_93 = tpu.memref_slice %arg10[%add3A_14, %dma_wait3A_92] : memref<10240x128xf32, #tpu.memory_space<vmem_shared>> -> memref<80x128xf32, #tpu.memory_space<vmem_shared>>
      %dma_wait3A_94 = arith.constant 0 : i32
      %dma_wait3A_95 = tpu.memref_slice %arg10[%add3A_14, %dma_wait3A_94] : memref<10240x128xf32, #tpu.memory_space<vmem_shared>> -> memref<80x128xf32, #tpu.memory_space<vmem_shared>>
      tpu.wait_dma2 semaphore(%run_scoped3A_87 : memref<!tpu.dma_semaphore, #tpu.memory_space<semaphore_mem>>) src(%arg8 : memref<80x128xf32, #tpu.memory_space<vmem>>) dst(%dma_wait3A_95 : memref<80x128xf32, #tpu.memory_space<vmem_shared>>)
      tpu.yield
    }) : () -> ()
    %mul3A_15 = arith.constant 640 : i32
    %mul3A_16 = arith.muli %arg1, %mul3A_15 : i32
    %add3A_17 = arith.constant 160 : i32
    %add3A_18 = arith.addi %mul3A_16, %add3A_17 : i32
    "tpu.region"() ({
      %run_scoped3A_87 = tpu.sem_alloc : memref<!tpu.dma_semaphore, #tpu.memory_space<semaphore_mem>>
      %dma_start3A_88 = arith.constant 0 : i32
      %dma_start3A_89 = tpu.memref_slice %arg10[%add3A_18, %dma_start3A_88] : memref<10240x128xf32, #tpu.memory_space<vmem_shared>> -> memref<80x128xf32, #tpu.memory_space<vmem_shared>>
      %dma_start3A_90 = arith.constant 0 : i32
      %dma_start3A_91 = tpu.memref_slice %arg10[%add3A_18, %dma_start3A_90] : memref<10240x128xf32, #tpu.memory_space<vmem_shared>> -> memref<80x128xf32, #tpu.memory_space<vmem_shared>>
      tpu.enqueue_dma source(%arg8 : memref<80x128xf32, #tpu.memory_space<vmem>>) target(%dma_start3A_91 : memref<80x128xf32, #tpu.memory_space<vmem_shared>>) target_semaphore(%run_scoped3A_87 : memref<!tpu.dma_semaphore, #tpu.memory_space<semaphore_mem>>)
      %dma_wait3A_92 = arith.constant 0 : i32
      %dma_wait3A_93 = tpu.memref_slice %arg10[%add3A_18, %dma_wait3A_92] : memref<10240x128xf32, #tpu.memory_space<vmem_shared>> -> memref<80x128xf32, #tpu.memory_space<vmem_shared>>
      %dma_wait3A_94 = arith.constant 0 : i32
      %dma_wait3A_95 = tpu.memref_slice %arg10[%add3A_18, %dma_wait3A_94] : memref<10240x128xf32, #tpu.memory_space<vmem_shared>> -> memref<80x128xf32, #tpu.memory_space<vmem_shared>>
      tpu.wait_dma2 semaphore(%run_scoped3A_87 : memref<!tpu.dma_semaphore, #tpu.memory_space<semaphore_mem>>) src(%arg8 : memref<80x128xf32, #tpu.memory_space<vmem>>) dst(%dma_wait3A_95 : memref<80x128xf32, #tpu.memory_space<vmem_shared>>)
      tpu.yield
    }) : () -> ()
    %mul3A_19 = arith.constant 640 : i32
    %mul3A_20 = arith.muli %arg1, %mul3A_19 : i32
    %add3A_21 = arith.constant 240 : i32
    %add3A_22 = arith.addi %mul3A_20, %add3A_21 : i32
    "tpu.region"() ({
      %run_scoped3A_87 = tpu.sem_alloc : memref<!tpu.dma_semaphore, #tpu.memory_space<semaphore_mem>>
      %dma_start3A_88 = arith.constant 0 : i32
      %dma_start3A_89 = tpu.memref_slice %arg10[%add3A_22, %dma_start3A_88] : memref<10240x128xf32, #tpu.memory_space<vmem_shared>> -> memref<80x128xf32, #tpu.memory_space<vmem_shared>>
      %dma_start3A_90 = arith.constant 0 : i32
      %dma_start3A_91 = tpu.memref_slice %arg10[%add3A_22, %dma_start3A_90] : memref<10240x128xf32, #tpu.memory_space<vmem_shared>> -> memref<80x128xf32, #tpu.memory_space<vmem_shared>>
      tpu.enqueue_dma source(%arg8 : memref<80x128xf32, #tpu.memory_space<vmem>>) target(%dma_start3A_91 : memref<80x128xf32, #tpu.memory_space<vmem_shared>>) target_semaphore(%run_scoped3A_87 : memref<!tpu.dma_semaphore, #tpu.memory_space<semaphore_mem>>)
      %dma_wait3A_92 = arith.constant 0 : i32
      %dma_wait3A_93 = tpu.memref_slice %arg10[%add3A_22, %dma_wait3A_92] : memref<10240x128xf32, #tpu.memory_space<vmem_shared>> -> memref<80x128xf32, #tpu.memory_space<vmem_shared>>
      %dma_wait3A_94 = arith.constant 0 : i32
      %dma_wait3A_95 = tpu.memref_slice %arg10[%add3A_22, %dma_wait3A_94] : memref<10240x128xf32, #tpu.memory_space<vmem_shared>> -> memref<80x128xf32, #tpu.memory_space<vmem_shared>>
      tpu.wait_dma2 semaphore(%run_scoped3A_87 : memref<!tpu.dma_semaphore, #tpu.memory_space<semaphore_mem>>) src(%arg8 : memref<80x128xf32, #tpu.memory_space<vmem>>) dst(%dma_wait3A_95 : memref<80x128xf32, #tpu.memory_space<vmem_shared>>)
      tpu.yield
    }) : () -> ()
    %mul3A_23 = arith.constant 640 : i32
    %mul3A_24 = arith.muli %arg1, %mul3A_23 : i32
    %add3A_25 = arith.constant 320 : i32
    %add3A_26 = arith.addi %mul3A_24, %add3A_25 : i32
    "tpu.region"() ({
      %run_scoped3A_87 = tpu.sem_alloc : memref<!tpu.dma_semaphore, #tpu.memory_space<semaphore_mem>>
      %dma_start3A_88 = arith.constant 0 : i32
      %dma_start3A_89 = tpu.memref_slice %arg10[%add3A_26, %dma_start3A_88] : memref<10240x128xf32, #tpu.memory_space<vmem_shared>> -> memref<80x128xf32, #tpu.memory_space<vmem_shared>>
      %dma_start3A_90 = arith.constant 0 : i32
      %dma_start3A_91 = tpu.memref_slice %arg10[%add3A_26, %dma_start3A_90] : memref<10240x128xf32, #tpu.memory_space<vmem_shared>> -> memref<80x128xf32, #tpu.memory_space<vmem_shared>>
      tpu.enqueue_dma source(%arg8 : memref<80x128xf32, #tpu.memory_space<vmem>>) target(%dma_start3A_91 : memref<80x128xf32, #tpu.memory_space<vmem_shared>>) target_semaphore(%run_scoped3A_87 : memref<!tpu.dma_semaphore, #tpu.memory_space<semaphore_mem>>)
      %dma_wait3A_92 = arith.constant 0 : i32
      %dma_wait3A_93 = tpu.memref_slice %arg10[%add3A_26, %dma_wait3A_92] : memref<10240x128xf32, #tpu.memory_space<vmem_shared>> -> memref<80x128xf32, #tpu.memory_space<vmem_shared>>
      %dma_wait3A_94 = arith.constant 0 : i32
      %dma_wait3A_95 = tpu.memref_slice %arg10[%add3A_26, %dma_wait3A_94] : memref<10240x128xf32, #tpu.memory_space<vmem_shared>> -> memref<80x128xf32, #tpu.memory_space<vmem_shared>>
      tpu.wait_dma2 semaphore(%run_scoped3A_87 : memref<!tpu.dma_semaphore, #tpu.memory_space<semaphore_mem>>) src(%arg8 : memref<80x128xf32, #tpu.memory_space<vmem>>) dst(%dma_wait3A_95 : memref<80x128xf32, #tpu.memory_space<vmem_shared>>)
      tpu.yield
    }) : () -> ()
    %mul3A_27 = arith.constant 640 : i32
    %mul3A_28 = arith.muli %arg1, %mul3A_27 : i32
    %add3A_29 = arith.constant 400 : i32
    %add3A_30 = arith.addi %mul3A_28, %add3A_29 : i32
    "tpu.region"() ({
      %run_scoped3A_87 = tpu.sem_alloc : memref<!tpu.dma_semaphore, #tpu.memory_space<semaphore_mem>>
      %dma_start3A_88 = arith.constant 0 : i32
      %dma_start3A_89 = tpu.memref_slice %arg10[%add3A_30, %dma_start3A_88] : memref<10240x128xf32, #tpu.memory_space<vmem_shared>> -> memref<80x128xf32, #tpu.memory_space<vmem_shared>>
      %dma_start3A_90 = arith.constant 0 : i32
      %dma_start3A_91 = tpu.memref_slice %arg10[%add3A_30, %dma_start3A_90] : memref<10240x128xf32, #tpu.memory_space<vmem_shared>> -> memref<80x128xf32, #tpu.memory_space<vmem_shared>>
      tpu.enqueue_dma source(%arg8 : memref<80x128xf32, #tpu.memory_space<vmem>>) target(%dma_start3A_91 : memref<80x128xf32, #tpu.memory_space<vmem_shared>>) target_semaphore(%run_scoped3A_87 : memref<!tpu.dma_semaphore, #tpu.memory_space<semaphore_mem>>)
      %dma_wait3A_92 = arith.constant 0 : i32
      %dma_wait3A_93 = tpu.memref_slice %arg10[%add3A_30, %dma_wait3A_92] : memref<10240x128xf32, #tpu.memory_space<vmem_shared>> -> memref<80x128xf32, #tpu.memory_space<vmem_shared>>
      %dma_wait3A_94 = arith.constant 0 : i32
      %dma_wait3A_95 = tpu.memref_slice %arg10[%add3A_30, %dma_wait3A_94] : memref<10240x128xf32, #tpu.memory_space<vmem_shared>> -> memref<80x128xf32, #tpu.memory_space<vmem_shared>>
      tpu.wait_dma2 semaphore(%run_scoped3A_87 : memref<!tpu.dma_semaphore, #tpu.memory_space<semaphore_mem>>) src(%arg8 : memref<80x128xf32, #tpu.memory_space<vmem>>) dst(%dma_wait3A_95 : memref<80x128xf32, #tpu.memory_space<vmem_shared>>)
      tpu.yield
    }) : () -> ()
    %mul3A_31 = arith.constant 640 : i32
    %mul3A_32 = arith.muli %arg1, %mul3A_31 : i32
    %add3A_33 = arith.constant 480 : i32
    %add3A_34 = arith.addi %mul3A_32, %add3A_33 : i32
    "tpu.region"() ({
      %run_scoped3A_87 = tpu.sem_alloc : memref<!tpu.dma_semaphore, #tpu.memory_space<semaphore_mem>>
      %dma_start3A_88 = arith.constant 0 : i32
      %dma_start3A_89 = tpu.memref_slice %arg10[%add3A_34, %dma_start3A_88] : memref<10240x128xf32, #tpu.memory_space<vmem_shared>> -> memref<80x128xf32, #tpu.memory_space<vmem_shared>>
      %dma_start3A_90 = arith.constant 0 : i32
      %dma_start3A_91 = tpu.memref_slice %arg10[%add3A_34, %dma_start3A_90] : memref<10240x128xf32, #tpu.memory_space<vmem_shared>> -> memref<80x128xf32, #tpu.memory_space<vmem_shared>>
      tpu.enqueue_dma source(%arg8 : memref<80x128xf32, #tpu.memory_space<vmem>>) target(%dma_start3A_91 : memref<80x128xf32, #tpu.memory_space<vmem_shared>>) target_semaphore(%run_scoped3A_87 : memref<!tpu.dma_semaphore, #tpu.memory_space<semaphore_mem>>)
      %dma_wait3A_92 = arith.constant 0 : i32
      %dma_wait3A_93 = tpu.memref_slice %arg10[%add3A_34, %dma_wait3A_92] : memref<10240x128xf32, #tpu.memory_space<vmem_shared>> -> memref<80x128xf32, #tpu.memory_space<vmem_shared>>
      %dma_wait3A_94 = arith.constant 0 : i32
      %dma_wait3A_95 = tpu.memref_slice %arg10[%add3A_34, %dma_wait3A_94] : memref<10240x128xf32, #tpu.memory_space<vmem_shared>> -> memref<80x128xf32, #tpu.memory_space<vmem_shared>>
      tpu.wait_dma2 semaphore(%run_scoped3A_87 : memref<!tpu.dma_semaphore, #tpu.memory_space<semaphore_mem>>) src(%arg8 : memref<80x128xf32, #tpu.memory_space<vmem>>) dst(%dma_wait3A_95 : memref<80x128xf32, #tpu.memory_space<vmem_shared>>)
      tpu.yield
    }) : () -> ()
    %mul3A_35 = arith.constant 640 : i32
    %mul3A_36 = arith.muli %arg1, %mul3A_35 : i32
    %add3A_37 = arith.constant 560 : i32
    %add3A_38 = arith.addi %mul3A_36, %add3A_37 : i32
    "tpu.region"() ({
      %run_scoped3A_87 = tpu.sem_alloc : memref<!tpu.dma_semaphore, #tpu.memory_space<semaphore_mem>>
      %dma_start3A_88 = arith.constant 0 : i32
      %dma_start3A_89 = tpu.memref_slice %arg10[%add3A_38, %dma_start3A_88] : memref<10240x128xf32, #tpu.memory_space<vmem_shared>> -> memref<80x128xf32, #tpu.memory_space<vmem_shared>>
      %dma_start3A_90 = arith.constant 0 : i32
      %dma_start3A_91 = tpu.memref_slice %arg10[%add3A_38, %dma_start3A_90] : memref<10240x128xf32, #tpu.memory_space<vmem_shared>> -> memref<80x128xf32, #tpu.memory_space<vmem_shared>>
      tpu.enqueue_dma source(%arg8 : memref<80x128xf32, #tpu.memory_space<vmem>>) target(%dma_start3A_91 : memref<80x128xf32, #tpu.memory_space<vmem_shared>>) target_semaphore(%run_scoped3A_87 : memref<!tpu.dma_semaphore, #tpu.memory_space<semaphore_mem>>)
      %dma_wait3A_92 = arith.constant 0 : i32
      %dma_wait3A_93 = tpu.memref_slice %arg10[%add3A_38, %dma_wait3A_92] : memref<10240x128xf32, #tpu.memory_space<vmem_shared>> -> memref<80x128xf32, #tpu.memory_space<vmem_shared>>
      %dma_wait3A_94 = arith.constant 0 : i32
      %dma_wait3A_95 = tpu.memref_slice %arg10[%add3A_38, %dma_wait3A_94] : memref<10240x128xf32, #tpu.memory_space<vmem_shared>> -> memref<80x128xf32, #tpu.memory_space<vmem_shared>>
      tpu.wait_dma2 semaphore(%run_scoped3A_87 : memref<!tpu.dma_semaphore, #tpu.memory_space<semaphore_mem>>) src(%arg8 : memref<80x128xf32, #tpu.memory_space<vmem>>) dst(%dma_wait3A_95 : memref<80x128xf32, #tpu.memory_space<vmem_shared>>)
      tpu.yield
    }) : () -> ()
    %barrier3A = arith.constant 0 : index
    tpu.barrier barrier_id(%barrier3A)
    %dma_start3A = arith.constant 0 : i32
    %dma_start3A_39 = tpu.memref_slice %arg6[%dma_start3A] : memref<10000xi32, #tpu.memory_space<vmem>> -> memref<80xi32, #tpu.memory_space<vmem>>
    %dma_start3A_40 = arith.constant 0 : i32
    %dma_start3A_41 = arith.constant 0 : i32
    %dma_start3A_42 = tpu.memref_slice %arg2[%dma_start3A_40, %dma_start3A_41] : memref<10000x128xf32, #tpu.memory_space<hbm>> -> memref<10000x128xf32, #tpu.memory_space<hbm>>
    tpu.enqueue_indirect_dma source(%dma_start3A_42 : memref<10000x128xf32, #tpu.memory_space<hbm>>) target(%arg8 : memref<80x128xf32, #tpu.memory_space<vmem>>) offsets(%dma_start3A_39 : memref<80xi32, #tpu.memory_space<vmem>>) semaphore(%arg11 : memref<!tpu.dma_semaphore, #tpu.memory_space<semaphore_mem>>)
    %scan3A_43 = arith.constant 0 : i32
    %scan3A_44 = arith.constant 0 : i32
    %scan3A_45 = arith.constant 62 : i32
    %scan3A_46 = arith.addi %scan3A_44, %scan3A_45 : i32
    %scan3A_47 = arith.constant 1 : i32
    %scan3A_48 = scf.for %scan3A_87 = %scan3A_44 to %scan3A_46 step %scan3A_47 iter_args(%scan3A_88 = %scan3A_43) -> (i32)  : i32 {
      %mul3A_89 = arith.constant 2 : i32
      %mul3A_90 = arith.muli %mul3A_89, %scan3A_87 : i32
      %mul3A_91 = arith.constant 80 : i32
      %mul3A_92 = arith.muli %mul3A_90, %mul3A_91 : i32
      %dma_wait3A_93 = tpu.memref_slice %arg6[%mul3A_92] : memref<10000xi32, #tpu.memory_space<vmem>> -> memref<80xi32, #tpu.memory_space<vmem>>
      %dma_wait3A_94 = arith.constant 0 : i32
      %dma_wait3A_95 = arith.constant 0 : i32
      %dma_wait3A_96 = tpu.memref_slice %arg2[%dma_wait3A_94, %dma_wait3A_95] : memref<10000x128xf32, #tpu.memory_space<hbm>> -> memref<10000x128xf32, #tpu.memory_space<hbm>>
      tpu.wait_indirect_dma semaphore(%arg11 : memref<!tpu.dma_semaphore, #tpu.memory_space<semaphore_mem>>) src(%dma_wait3A_96 : memref<10000x128xf32, #tpu.memory_space<hbm>>) dst(%arg8 : memref<80x128xf32, #tpu.memory_space<vmem>>)
      %add3A_97 = arith.constant 1 : i32
      %add3A_98 = arith.addi %mul3A_90, %add3A_97 : i32
      %mul3A_99 = arith.constant 80 : i32
      %mul3A_100 = arith.muli %add3A_98, %mul3A_99 : i32
      %dma_start3A_101 = tpu.memref_slice %arg6[%mul3A_100] : memref<10000xi32, #tpu.memory_space<vmem>> -> memref<80xi32, #tpu.memory_space<vmem>>
      %dma_start3A_102 = arith.constant 0 : i32
      %dma_start3A_103 = arith.constant 0 : i32
      %dma_start3A_104 = tpu.memref_slice %arg2[%dma_start3A_102, %dma_start3A_103] : memref<10000x128xf32, #tpu.memory_space<hbm>> -> memref<10000x128xf32, #tpu.memory_space<hbm>>
      tpu.enqueue_indirect_dma source(%dma_start3A_104 : memref<10000x128xf32, #tpu.memory_space<hbm>>) target(%arg9 : memref<80x128xf32, #tpu.memory_space<vmem>>) offsets(%dma_start3A_101 : memref<80xi32, #tpu.memory_space<vmem>>) semaphore(%arg12 : memref<!tpu.dma_semaphore, #tpu.memory_space<semaphore_mem>>)
      "tpu.region"() ({
        %run_scoped3A_124 = tpu.sem_alloc : memref<!tpu.dma_semaphore, #tpu.memory_space<semaphore_mem>>
        %dma_start3A_125 = arith.constant 0 : i32
        %dma_start3A_126 = tpu.memref_slice %arg7[%mul3A_90, %dma_start3A_125] : memref<125x80xi32, #tpu.memory_space<vmem>> -> memref<1x80xi32, #tpu.memory_space<vmem>>
        %dma_start3A_127 = tpu.memref_squeeze %dma_start3A_126 : memref<1x80xi32, #tpu.memory_space<vmem>> -> memref<80xi32, #tpu.memory_space<vmem>>
        %dma_start3A_128 = arith.constant 0 : i32
        %dma_start3A_129 = arith.constant 0 : i32
        %dma_start3A_130 = tpu.memref_slice %arg10[%dma_start3A_128, %dma_start3A_129] : memref<10240x128xf32, #tpu.memory_space<vmem_shared>> -> memref<10240x128xf32, #tpu.memory_space<vmem_shared>>
        tpu.enqueue_indirect_dma source(%arg8 : memref<80x128xf32, #tpu.memory_space<vmem>>) target(%dma_start3A_130 : memref<10240x128xf32, #tpu.memory_space<vmem_shared>>) offsets(%dma_start3A_127 : memref<80xi32, #tpu.memory_space<vmem>>) semaphore(%run_scoped3A_124 : memref<!tpu.dma_semaphore, #tpu.memory_space<semaphore_mem>>) {add = true}
        %dma_wait3A_131 = arith.constant 0 : i32
        %dma_wait3A_132 = tpu.memref_slice %arg7[%mul3A_90, %dma_wait3A_131] : memref<125x80xi32, #tpu.memory_space<vmem>> -> memref<1x80xi32, #tpu.memory_space<vmem>>
        %dma_wait3A_133 = tpu.memref_squeeze %dma_wait3A_132 : memref<1x80xi32, #tpu.memory_space<vmem>> -> memref<80xi32, #tpu.memory_space<vmem>>
        %dma_wait3A_134 = arith.constant 0 : i32
        %dma_wait3A_135 = arith.constant 0 : i32
        %dma_wait3A_136 = tpu.memref_slice %arg10[%dma_wait3A_134, %dma_wait3A_135] : memref<10240x128xf32, #tpu.memory_space<vmem_shared>> -> memref<10240x128xf32, #tpu.memory_space<vmem_shared>>
        tpu.wait_indirect_dma semaphore(%run_scoped3A_124 : memref<!tpu.dma_semaphore, #tpu.memory_space<semaphore_mem>>) src(%arg8 : memref<80x128xf32, #tpu.memory_space<vmem>>) dst(%dma_wait3A_136 : memref<10240x128xf32, #tpu.memory_space<vmem_shared>>)
        tpu.yield
      }) : () -> ()
      %add3A_105 = arith.constant 1 : i32
      %add3A_106 = arith.addi %mul3A_90, %add3A_105 : i32
      %mul3A_107 = arith.constant 80 : i32
      %mul3A_108 = arith.muli %add3A_106, %mul3A_107 : i32
      %dma_wait3A_109 = tpu.memref_slice %arg6[%mul3A_108] : memref<10000xi32, #tpu.memory_space<vmem>> -> memref<80xi32, #tpu.memory_space<vmem>>
      %dma_wait3A_110 = arith.constant 0 : i32
      %dma_wait3A_111 = arith.constant 0 : i32
      %dma_wait3A_112 = tpu.memref_slice %arg2[%dma_wait3A_110, %dma_wait3A_111] : memref<10000x128xf32, #tpu.memory_space<hbm>> -> memref<10000x128xf32, #tpu.memory_space<hbm>>
      tpu.wait_indirect_dma semaphore(%arg12 : memref<!tpu.dma_semaphore, #tpu.memory_space<semaphore_mem>>) src(%dma_wait3A_112 : memref<10000x128xf32, #tpu.memory_space<hbm>>) dst(%arg9 : memref<80x128xf32, #tpu.memory_space<vmem>>)
      %add3A_113 = arith.constant 2 : i32
      %add3A_114 = arith.addi %mul3A_90, %add3A_113 : i32
      %mul3A_115 = arith.constant 80 : i32
      %mul3A_116 = arith.muli %add3A_114, %mul3A_115 : i32
      %dma_start3A_117 = tpu.memref_slice %arg6[%mul3A_116] : memref<10000xi32, #tpu.memory_space<vmem>> -> memref<80xi32, #tpu.memory_space<vmem>>
      %dma_start3A_118 = arith.constant 0 : i32
      %dma_start3A_119 = arith.constant 0 : i32
      %dma_start3A_120 = tpu.memref_slice %arg2[%dma_start3A_118, %dma_start3A_119] : memref<10000x128xf32, #tpu.memory_space<hbm>> -> memref<10000x128xf32, #tpu.memory_space<hbm>>
      tpu.enqueue_indirect_dma source(%dma_start3A_120 : memref<10000x128xf32, #tpu.memory_space<hbm>>) target(%arg8 : memref<80x128xf32, #tpu.memory_space<vmem>>) offsets(%dma_start3A_117 : memref<80xi32, #tpu.memory_space<vmem>>) semaphore(%arg11 : memref<!tpu.dma_semaphore, #tpu.memory_space<semaphore_mem>>)
      %add3A_121 = arith.constant 1 : i32
      %add3A_122 = arith.addi %mul3A_90, %add3A_121 : i32
      "tpu.region"() ({
        %run_scoped3A_124 = tpu.sem_alloc : memref<!tpu.dma_semaphore, #tpu.memory_space<semaphore_mem>>
        %dma_start3A_125 = arith.constant 0 : i32
        %dma_start3A_126 = tpu.memref_slice %arg7[%add3A_122, %dma_start3A_125] : memref<125x80xi32, #tpu.memory_space<vmem>> -> memref<1x80xi32, #tpu.memory_space<vmem>>
        %dma_start3A_127 = tpu.memref_squeeze %dma_start3A_126 : memref<1x80xi32, #tpu.memory_space<vmem>> -> memref<80xi32, #tpu.memory_space<vmem>>
        %dma_start3A_128 = arith.constant 0 : i32
        %dma_start3A_129 = arith.constant 0 : i32
        %dma_start3A_130 = tpu.memref_slice %arg10[%dma_start3A_128, %dma_start3A_129] : memref<10240x128xf32, #tpu.memory_space<vmem_shared>> -> memref<10240x128xf32, #tpu.memory_space<vmem_shared>>
        tpu.enqueue_indirect_dma source(%arg9 : memref<80x128xf32, #tpu.memory_space<vmem>>) target(%dma_start3A_130 : memref<10240x128xf32, #tpu.memory_space<vmem_shared>>) offsets(%dma_start3A_127 : memref<80xi32, #tpu.memory_space<vmem>>) semaphore(%run_scoped3A_124 : memref<!tpu.dma_semaphore, #tpu.memory_space<semaphore_mem>>) {add = true}
        %dma_wait3A_131 = arith.constant 0 : i32
        %dma_wait3A_132 = tpu.memref_slice %arg7[%add3A_122, %dma_wait3A_131] : memref<125x80xi32, #tpu.memory_space<vmem>> -> memref<1x80xi32, #tpu.memory_space<vmem>>
        %dma_wait3A_133 = tpu.memref_squeeze %dma_wait3A_132 : memref<1x80xi32, #tpu.memory_space<vmem>> -> memref<80xi32, #tpu.memory_space<vmem>>
        %dma_wait3A_134 = arith.constant 0 : i32
        %dma_wait3A_135 = arith.constant 0 : i32
        %dma_wait3A_136 = tpu.memref_slice %arg10[%dma_wait3A_134, %dma_wait3A_135] : memref<10240x128xf32, #tpu.memory_space<vmem_shared>> -> memref<10240x128xf32, #tpu.memory_space<vmem_shared>>
        tpu.wait_indirect_dma semaphore(%run_scoped3A_124 : memref<!tpu.dma_semaphore, #tpu.memory_space<semaphore_mem>>) src(%arg9 : memref<80x128xf32, #tpu.memory_space<vmem>>) dst(%dma_wait3A_136 : memref<10240x128xf32, #tpu.memory_space<vmem_shared>>)
        tpu.yield
      }) : () -> ()
      %scan3A_123 = arith.constant 0 : i32
      scf.yield %scan3A_123 : i32
    }
    %scan3A_49 = arith.constant 62 : i32
    %dma_wait3A = arith.constant 9920 : i32
    %dma_wait3A_50 = tpu.memref_slice %arg6[%dma_wait3A] : memref<10000xi32, #tpu.memory_space<vmem>> -> memref<80xi32, #tpu.memory_space<vmem>>
    %dma_wait3A_51 = arith.constant 0 : i32
    %dma_wait3A_52 = arith.constant 0 : i32
    %dma_wait3A_53 = tpu.memref_slice %arg2[%dma_wait3A_51, %dma_wait3A_52] : memref<10000x128xf32, #tpu.memory_space<hbm>> -> memref<10000x128xf32, #tpu.memory_space<hbm>>
    tpu.wait_indirect_dma semaphore(%arg11 : memref<!tpu.dma_semaphore, #tpu.memory_space<semaphore_mem>>) src(%dma_wait3A_53 : memref<10000x128xf32, #tpu.memory_space<hbm>>) dst(%arg8 : memref<80x128xf32, #tpu.memory_space<vmem>>)
    %run_scoped3A = arith.constant 124 : i32
    "tpu.region"() ({
      %run_scoped3A_87 = tpu.sem_alloc : memref<!tpu.dma_semaphore, #tpu.memory_space<semaphore_mem>>
      %dma_start3A_88 = arith.constant 0 : i32
      %dma_start3A_89 = tpu.memref_slice %arg7[%run_scoped3A, %dma_start3A_88] : memref<125x80xi32, #tpu.memory_space<vmem>> -> memref<1x80xi32, #tpu.memory_space<vmem>>
      %dma_start3A_90 = tpu.memref_squeeze %dma_start3A_89 : memref<1x80xi32, #tpu.memory_space<vmem>> -> memref<80xi32, #tpu.memory_space<vmem>>
      %dma_start3A_91 = arith.constant 0 : i32
      %dma_start3A_92 = arith.constant 0 : i32
      %dma_start3A_93 = tpu.memref_slice %arg10[%dma_start3A_91, %dma_start3A_92] : memref<10240x128xf32, #tpu.memory_space<vmem_shared>> -> memref<10240x128xf32, #tpu.memory_space<vmem_shared>>
      tpu.enqueue_indirect_dma source(%arg8 : memref<80x128xf32, #tpu.memory_space<vmem>>) target(%dma_start3A_93 : memref<10240x128xf32, #tpu.memory_space<vmem_shared>>) offsets(%dma_start3A_90 : memref<80xi32, #tpu.memory_space<vmem>>) semaphore(%run_scoped3A_87 : memref<!tpu.dma_semaphore, #tpu.memory_space<semaphore_mem>>) {add = true}
      %dma_wait3A_94 = arith.constant 0 : i32
      %dma_wait3A_95 = tpu.memref_slice %arg7[%run_scoped3A, %dma_wait3A_94] : memref<125x80xi32, #tpu.memory_space<vmem>> -> memref<1x80xi32, #tpu.memory_space<vmem>>
      %dma_wait3A_96 = tpu.memref_squeeze %dma_wait3A_95 : memref<1x80xi32, #tpu.memory_space<vmem>> -> memref<80xi32, #tpu.memory_space<vmem>>
      %dma_wait3A_97 = arith.constant 0 : i32
      %dma_wait3A_98 = arith.constant 0 : i32
      %dma_wait3A_99 = tpu.memref_slice %arg10[%dma_wait3A_97, %dma_wait3A_98] : memref<10240x128xf32, #tpu.memory_space<vmem_shared>> -> memref<10240x128xf32, #tpu.memory_space<vmem_shared>>
      tpu.wait_indirect_dma semaphore(%run_scoped3A_87 : memref<!tpu.dma_semaphore, #tpu.memory_space<semaphore_mem>>) src(%arg8 : memref<80x128xf32, #tpu.memory_space<vmem>>) dst(%dma_wait3A_99 : memref<10240x128xf32, #tpu.memory_space<vmem_shared>>)
      tpu.yield
    }) : () -> ()
    %barrier3A_54 = arith.constant 0 : index
    tpu.barrier barrier_id(%barrier3A_54)
    %mul3A_55 = arith.constant 640 : i32
    %mul3A_56 = arith.muli %arg1, %mul3A_55 : i32
    %add3A_57 = arith.constant 0 : i32
    %add3A_58 = arith.addi %mul3A_56, %add3A_57 : i32
    "tpu.region"() ({
      %run_scoped3A_87 = tpu.sem_alloc : memref<!tpu.dma_semaphore, #tpu.memory_space<semaphore_mem>>
      %dma_start3A_88 = arith.constant 0 : i32
      %dma_start3A_89 = tpu.memref_slice %arg10[%add3A_58, %dma_start3A_88] : memref<10240x128xf32, #tpu.memory_space<vmem_shared>> -> memref<80x128xf32, #tpu.memory_space<vmem_shared>>
      %dma_start3A_90 = arith.constant 0 : i32
      %dma_start3A_91 = tpu.memref_slice %arg10[%add3A_58, %dma_start3A_90] : memref<10240x128xf32, #tpu.memory_space<vmem_shared>> -> memref<80x128xf32, #tpu.memory_space<vmem_shared>>
      tpu.enqueue_dma source(%dma_start3A_91 : memref<80x128xf32, #tpu.memory_space<vmem_shared>>) target(%arg8 : memref<80x128xf32, #tpu.memory_space<vmem>>) target_semaphore(%run_scoped3A_87 : memref<!tpu.dma_semaphore, #tpu.memory_space<semaphore_mem>>)
      %dma_wait3A_92 = arith.constant 0 : i32
      %dma_wait3A_93 = tpu.memref_slice %arg10[%add3A_58, %dma_wait3A_92] : memref<10240x128xf32, #tpu.memory_space<vmem_shared>> -> memref<80x128xf32, #tpu.memory_space<vmem_shared>>
      %dma_wait3A_94 = arith.constant 0 : i32
      %dma_wait3A_95 = tpu.memref_slice %arg10[%add3A_58, %dma_wait3A_94] : memref<10240x128xf32, #tpu.memory_space<vmem_shared>> -> memref<80x128xf32, #tpu.memory_space<vmem_shared>>
      tpu.wait_dma2 semaphore(%run_scoped3A_87 : memref<!tpu.dma_semaphore, #tpu.memory_space<semaphore_mem>>) src(%dma_wait3A_95 : memref<80x128xf32, #tpu.memory_space<vmem_shared>>) dst(%arg8 : memref<80x128xf32, #tpu.memory_space<vmem>>)
      tpu.yield
    }) : () -> ()
    "tpu.region"() ({
      %run_scoped3A_87 = tpu.sem_alloc : memref<!tpu.dma_semaphore, #tpu.memory_space<semaphore_mem>>
      %dma_start3A_88 = arith.constant 0 : i32
      %dma_start3A_89 = tpu.memref_slice %arg5[%arg0, %add3A_58, %dma_start3A_88] : memref<2x10240x128xf32, #tpu.memory_space<hbm>> -> memref<1x80x128xf32, #tpu.memory_space<hbm>>
      %dma_start3A_90 = tpu.memref_squeeze %dma_start3A_89 : memref<1x80x128xf32, #tpu.memory_space<hbm>> -> memref<80x128xf32, #tpu.memory_space<hbm>>
      %dma_start3A_91 = arith.constant 0 : i32
      %dma_start3A_92 = tpu.memref_slice %arg5[%arg0, %add3A_58, %dma_start3A_91] : memref<2x10240x128xf32, #tpu.memory_space<hbm>> -> memref<1x80x128xf32, #tpu.memory_space<hbm>>
      %dma_start3A_93 = tpu.memref_squeeze %dma_start3A_92 : memref<1x80x128xf32, #tpu.memory_space<hbm>> -> memref<80x128xf32, #tpu.memory_space<hbm>>
      tpu.enqueue_dma source(%arg8 : memref<80x128xf32, #tpu.memory_space<vmem>>) target(%dma_start3A_93 : memref<80x128xf32, #tpu.memory_space<hbm>>) target_semaphore(%run_scoped3A_87 : memref<!tpu.dma_semaphore, #tpu.memory_space<semaphore_mem>>)
      %dma_wait3A_94 = arith.constant 0 : i32
      %dma_wait3A_95 = tpu.memref_slice %arg5[%arg0, %add3A_58, %dma_wait3A_94] : memref<2x10240x128xf32, #tpu.memory_space<hbm>> -> memref<1x80x128xf32, #tpu.memory_space<hbm>>
      %dma_wait3A_96 = tpu.memref_squeeze %dma_wait3A_95 : memref<1x80x128xf32, #tpu.memory_space<hbm>> -> memref<80x128xf32, #tpu.memory_space<hbm>>
      %dma_wait3A_97 = arith.constant 0 : i32
      %dma_wait3A_98 = tpu.memref_slice %arg5[%arg0, %add3A_58, %dma_wait3A_97] : memref<2x10240x128xf32, #tpu.memory_space<hbm>> -> memref<1x80x128xf32, #tpu.memory_space<hbm>>
      %dma_wait3A_99 = tpu.memref_squeeze %dma_wait3A_98 : memref<1x80x128xf32, #tpu.memory_space<hbm>> -> memref<80x128xf32, #tpu.memory_space<hbm>>
      tpu.wait_dma2 semaphore(%run_scoped3A_87 : memref<!tpu.dma_semaphore, #tpu.memory_space<semaphore_mem>>) src(%arg8 : memref<80x128xf32, #tpu.memory_space<vmem>>) dst(%dma_wait3A_99 : memref<80x128xf32, #tpu.memory_space<hbm>>)
      tpu.yield
    }) : () -> ()
    %mul3A_59 = arith.constant 640 : i32
    %mul3A_60 = arith.muli %arg1, %mul3A_59 : i32
    %add3A_61 = arith.constant 80 : i32
    %add3A_62 = arith.addi %mul3A_60, %add3A_61 : i32
    "tpu.region"() ({
      %run_scoped3A_87 = tpu.sem_alloc : memref<!tpu.dma_semaphore, #tpu.memory_space<semaphore_mem>>
      %dma_start3A_88 = arith.constant 0 : i32
      %dma_start3A_89 = tpu.memref_slice %arg10[%add3A_62, %dma_start3A_88] : memref<10240x128xf32, #tpu.memory_space<vmem_shared>> -> memref<80x128xf32, #tpu.memory_space<vmem_shared>>
      %dma_start3A_90 = arith.constant 0 : i32
      %dma_start3A_91 = tpu.memref_slice %arg10[%add3A_62, %dma_start3A_90] : memref<10240x128xf32, #tpu.memory_space<vmem_shared>> -> memref<80x128xf32, #tpu.memory_space<vmem_shared>>
      tpu.enqueue_dma source(%dma_start3A_91 : memref<80x128xf32, #tpu.memory_space<vmem_shared>>) target(%arg8 : memref<80x128xf32, #tpu.memory_space<vmem>>) target_semaphore(%run_scoped3A_87 : memref<!tpu.dma_semaphore, #tpu.memory_space<semaphore_mem>>)
      %dma_wait3A_92 = arith.constant 0 : i32
      %dma_wait3A_93 = tpu.memref_slice %arg10[%add3A_62, %dma_wait3A_92] : memref<10240x128xf32, #tpu.memory_space<vmem_shared>> -> memref<80x128xf32, #tpu.memory_space<vmem_shared>>
      %dma_wait3A_94 = arith.constant 0 : i32
      %dma_wait3A_95 = tpu.memref_slice %arg10[%add3A_62, %dma_wait3A_94] : memref<10240x128xf32, #tpu.memory_space<vmem_shared>> -> memref<80x128xf32, #tpu.memory_space<vmem_shared>>
      tpu.wait_dma2 semaphore(%run_scoped3A_87 : memref<!tpu.dma_semaphore, #tpu.memory_space<semaphore_mem>>) src(%dma_wait3A_95 : memref<80x128xf32, #tpu.memory_space<vmem_shared>>) dst(%arg8 : memref<80x128xf32, #tpu.memory_space<vmem>>)
      tpu.yield
    }) : () -> ()
    "tpu.region"() ({
      %run_scoped3A_87 = tpu.sem_alloc : memref<!tpu.dma_semaphore, #tpu.memory_space<semaphore_mem>>
      %dma_start3A_88 = arith.constant 0 : i32
      %dma_start3A_89 = tpu.memref_slice %arg5[%arg0, %add3A_62, %dma_start3A_88] : memref<2x10240x128xf32, #tpu.memory_space<hbm>> -> memref<1x80x128xf32, #tpu.memory_space<hbm>>
      %dma_start3A_90 = tpu.memref_squeeze %dma_start3A_89 : memref<1x80x128xf32, #tpu.memory_space<hbm>> -> memref<80x128xf32, #tpu.memory_space<hbm>>
      %dma_start3A_91 = arith.constant 0 : i32
      %dma_start3A_92 = tpu.memref_slice %arg5[%arg0, %add3A_62, %dma_start3A_91] : memref<2x10240x128xf32, #tpu.memory_space<hbm>> -> memref<1x80x128xf32, #tpu.memory_space<hbm>>
      %dma_start3A_93 = tpu.memref_squeeze %dma_start3A_92 : memref<1x80x128xf32, #tpu.memory_space<hbm>> -> memref<80x128xf32, #tpu.memory_space<hbm>>
      tpu.enqueue_dma source(%arg8 : memref<80x128xf32, #tpu.memory_space<vmem>>) target(%dma_start3A_93 : memref<80x128xf32, #tpu.memory_space<hbm>>) target_semaphore(%run_scoped3A_87 : memref<!tpu.dma_semaphore, #tpu.memory_space<semaphore_mem>>)
      %dma_wait3A_94 = arith.constant 0 : i32
      %dma_wait3A_95 = tpu.memref_slice %arg5[%arg0, %add3A_62, %dma_wait3A_94] : memref<2x10240x128xf32, #tpu.memory_space<hbm>> -> memref<1x80x128xf32, #tpu.memory_space<hbm>>
      %dma_wait3A_96 = tpu.memref_squeeze %dma_wait3A_95 : memref<1x80x128xf32, #tpu.memory_space<hbm>> -> memref<80x128xf32, #tpu.memory_space<hbm>>
      %dma_wait3A_97 = arith.constant 0 : i32
      %dma_wait3A_98 = tpu.memref_slice %arg5[%arg0, %add3A_62, %dma_wait3A_97] : memref<2x10240x128xf32, #tpu.memory_space<hbm>> -> memref<1x80x128xf32, #tpu.memory_space<hbm>>
      %dma_wait3A_99 = tpu.memref_squeeze %dma_wait3A_98 : memref<1x80x128xf32, #tpu.memory_space<hbm>> -> memref<80x128xf32, #tpu.memory_space<hbm>>
      tpu.wait_dma2 semaphore(%run_scoped3A_87 : memref<!tpu.dma_semaphore, #tpu.memory_space<semaphore_mem>>) src(%arg8 : memref<80x128xf32, #tpu.memory_space<vmem>>) dst(%dma_wait3A_99 : memref<80x128xf32, #tpu.memory_space<hbm>>)
      tpu.yield
    }) : () -> ()
    %mul3A_63 = arith.constant 640 : i32
    %mul3A_64 = arith.muli %arg1, %mul3A_63 : i32
    %add3A_65 = arith.constant 160 : i32
    %add3A_66 = arith.addi %mul3A_64, %add3A_65 : i32
    "tpu.region"() ({
      %run_scoped3A_87 = tpu.sem_alloc : memref<!tpu.dma_semaphore, #tpu.memory_space<semaphore_mem>>
      %dma_start3A_88 = arith.constant 0 : i32
      %dma_start3A_89 = tpu.memref_slice %arg10[%add3A_66, %dma_start3A_88] : memref<10240x128xf32, #tpu.memory_space<vmem_shared>> -> memref<80x128xf32, #tpu.memory_space<vmem_shared>>
      %dma_start3A_90 = arith.constant 0 : i32
      %dma_start3A_91 = tpu.memref_slice %arg10[%add3A_66, %dma_start3A_90] : memref<10240x128xf32, #tpu.memory_space<vmem_shared>> -> memref<80x128xf32, #tpu.memory_space<vmem_shared>>
      tpu.enqueue_dma source(%dma_start3A_91 : memref<80x128xf32, #tpu.memory_space<vmem_shared>>) target(%arg8 : memref<80x128xf32, #tpu.memory_space<vmem>>) target_semaphore(%run_scoped3A_87 : memref<!tpu.dma_semaphore, #tpu.memory_space<semaphore_mem>>)
      %dma_wait3A_92 = arith.constant 0 : i32
      %dma_wait3A_93 = tpu.memref_slice %arg10[%add3A_66, %dma_wait3A_92] : memref<10240x128xf32, #tpu.memory_space<vmem_shared>> -> memref<80x128xf32, #tpu.memory_space<vmem_shared>>
      %dma_wait3A_94 = arith.constant 0 : i32
      %dma_wait3A_95 = tpu.memref_slice %arg10[%add3A_66, %dma_wait3A_94] : memref<10240x128xf32, #tpu.memory_space<vmem_shared>> -> memref<80x128xf32, #tpu.memory_space<vmem_shared>>
      tpu.wait_dma2 semaphore(%run_scoped3A_87 : memref<!tpu.dma_semaphore, #tpu.memory_space<semaphore_mem>>) src(%dma_wait3A_95 : memref<80x128xf32, #tpu.memory_space<vmem_shared>>) dst(%arg8 : memref<80x128xf32, #tpu.memory_space<vmem>>)
      tpu.yield
    }) : () -> ()
    "tpu.region"() ({
      %run_scoped3A_87 = tpu.sem_alloc : memref<!tpu.dma_semaphore, #tpu.memory_space<semaphore_mem>>
      %dma_start3A_88 = arith.constant 0 : i32
      %dma_start3A_89 = tpu.memref_slice %arg5[%arg0, %add3A_66, %dma_start3A_88] : memref<2x10240x128xf32, #tpu.memory_space<hbm>> -> memref<1x80x128xf32, #tpu.memory_space<hbm>>
      %dma_start3A_90 = tpu.memref_squeeze %dma_start3A_89 : memref<1x80x128xf32, #tpu.memory_space<hbm>> -> memref<80x128xf32, #tpu.memory_space<hbm>>
      %dma_start3A_91 = arith.constant 0 : i32
      %dma_start3A_92 = tpu.memref_slice %arg5[%arg0, %add3A_66, %dma_start3A_91] : memref<2x10240x128xf32, #tpu.memory_space<hbm>> -> memref<1x80x128xf32, #tpu.memory_space<hbm>>
      %dma_start3A_93 = tpu.memref_squeeze %dma_start3A_92 : memref<1x80x128xf32, #tpu.memory_space<hbm>> -> memref<80x128xf32, #tpu.memory_space<hbm>>
      tpu.enqueue_dma source(%arg8 : memref<80x128xf32, #tpu.memory_space<vmem>>) target(%dma_start3A_93 : memref<80x128xf32, #tpu.memory_space<hbm>>) target_semaphore(%run_scoped3A_87 : memref<!tpu.dma_semaphore, #tpu.memory_space<semaphore_mem>>)
      %dma_wait3A_94 = arith.constant 0 : i32
      %dma_wait3A_95 = tpu.memref_slice %arg5[%arg0, %add3A_66, %dma_wait3A_94] : memref<2x10240x128xf32, #tpu.memory_space<hbm>> -> memref<1x80x128xf32, #tpu.memory_space<hbm>>
      %dma_wait3A_96 = tpu.memref_squeeze %dma_wait3A_95 : memref<1x80x128xf32, #tpu.memory_space<hbm>> -> memref<80x128xf32, #tpu.memory_space<hbm>>
      %dma_wait3A_97 = arith.constant 0 : i32
      %dma_wait3A_98 = tpu.memref_slice %arg5[%arg0, %add3A_66, %dma_wait3A_97] : memref<2x10240x128xf32, #tpu.memory_space<hbm>> -> memref<1x80x128xf32, #tpu.memory_space<hbm>>
      %dma_wait3A_99 = tpu.memref_squeeze %dma_wait3A_98 : memref<1x80x128xf32, #tpu.memory_space<hbm>> -> memref<80x128xf32, #tpu.memory_space<hbm>>
      tpu.wait_dma2 semaphore(%run_scoped3A_87 : memref<!tpu.dma_semaphore, #tpu.memory_space<semaphore_mem>>) src(%arg8 : memref<80x128xf32, #tpu.memory_space<vmem>>) dst(%dma_wait3A_99 : memref<80x128xf32, #tpu.memory_space<hbm>>)
      tpu.yield
    }) : () -> ()
    %mul3A_67 = arith.constant 640 : i32
    %mul3A_68 = arith.muli %arg1, %mul3A_67 : i32
    %add3A_69 = arith.constant 240 : i32
    %add3A_70 = arith.addi %mul3A_68, %add3A_69 : i32
    "tpu.region"() ({
      %run_scoped3A_87 = tpu.sem_alloc : memref<!tpu.dma_semaphore, #tpu.memory_space<semaphore_mem>>
      %dma_start3A_88 = arith.constant 0 : i32
      %dma_start3A_89 = tpu.memref_slice %arg10[%add3A_70, %dma_start3A_88] : memref<10240x128xf32, #tpu.memory_space<vmem_shared>> -> memref<80x128xf32, #tpu.memory_space<vmem_shared>>
      %dma_start3A_90 = arith.constant 0 : i32
      %dma_start3A_91 = tpu.memref_slice %arg10[%add3A_70, %dma_start3A_90] : memref<10240x128xf32, #tpu.memory_space<vmem_shared>> -> memref<80x128xf32, #tpu.memory_space<vmem_shared>>
      tpu.enqueue_dma source(%dma_start3A_91 : memref<80x128xf32, #tpu.memory_space<vmem_shared>>) target(%arg8 : memref<80x128xf32, #tpu.memory_space<vmem>>) target_semaphore(%run_scoped3A_87 : memref<!tpu.dma_semaphore, #tpu.memory_space<semaphore_mem>>)
      %dma_wait3A_92 = arith.constant 0 : i32
      %dma_wait3A_93 = tpu.memref_slice %arg10[%add3A_70, %dma_wait3A_92] : memref<10240x128xf32, #tpu.memory_space<vmem_shared>> -> memref<80x128xf32, #tpu.memory_space<vmem_shared>>
      %dma_wait3A_94 = arith.constant 0 : i32
      %dma_wait3A_95 = tpu.memref_slice %arg10[%add3A_70, %dma_wait3A_94] : memref<10240x128xf32, #tpu.memory_space<vmem_shared>> -> memref<80x128xf32, #tpu.memory_space<vmem_shared>>
      tpu.wait_dma2 semaphore(%run_scoped3A_87 : memref<!tpu.dma_semaphore, #tpu.memory_space<semaphore_mem>>) src(%dma_wait3A_95 : memref<80x128xf32, #tpu.memory_space<vmem_shared>>) dst(%arg8 : memref<80x128xf32, #tpu.memory_space<vmem>>)
      tpu.yield
    }) : () -> ()
    "tpu.region"() ({
      %run_scoped3A_87 = tpu.sem_alloc : memref<!tpu.dma_semaphore, #tpu.memory_space<semaphore_mem>>
      %dma_start3A_88 = arith.constant 0 : i32
      %dma_start3A_89 = tpu.memref_slice %arg5[%arg0, %add3A_70, %dma_start3A_88] : memref<2x10240x128xf32, #tpu.memory_space<hbm>> -> memref<1x80x128xf32, #tpu.memory_space<hbm>>
      %dma_start3A_90 = tpu.memref_squeeze %dma_start3A_89 : memref<1x80x128xf32, #tpu.memory_space<hbm>> -> memref<80x128xf32, #tpu.memory_space<hbm>>
      %dma_start3A_91 = arith.constant 0 : i32
      %dma_start3A_92 = tpu.memref_slice %arg5[%arg0, %add3A_70, %dma_start3A_91] : memref<2x10240x128xf32, #tpu.memory_space<hbm>> -> memref<1x80x128xf32, #tpu.memory_space<hbm>>
      %dma_start3A_93 = tpu.memref_squeeze %dma_start3A_92 : memref<1x80x128xf32, #tpu.memory_space<hbm>> -> memref<80x128xf32, #tpu.memory_space<hbm>>
      tpu.enqueue_dma source(%arg8 : memref<80x128xf32, #tpu.memory_space<vmem>>) target(%dma_start3A_93 : memref<80x128xf32, #tpu.memory_space<hbm>>) target_semaphore(%run_scoped3A_87 : memref<!tpu.dma_semaphore, #tpu.memory_space<semaphore_mem>>)
      %dma_wait3A_94 = arith.constant 0 : i32
      %dma_wait3A_95 = tpu.memref_slice %arg5[%arg0, %add3A_70, %dma_wait3A_94] : memref<2x10240x128xf32, #tpu.memory_space<hbm>> -> memref<1x80x128xf32, #tpu.memory_space<hbm>>
      %dma_wait3A_96 = tpu.memref_squeeze %dma_wait3A_95 : memref<1x80x128xf32, #tpu.memory_space<hbm>> -> memref<80x128xf32, #tpu.memory_space<hbm>>
      %dma_wait3A_97 = arith.constant 0 : i32
      %dma_wait3A_98 = tpu.memref_slice %arg5[%arg0, %add3A_70, %dma_wait3A_97] : memref<2x10240x128xf32, #tpu.memory_space<hbm>> -> memref<1x80x128xf32, #tpu.memory_space<hbm>>
      %dma_wait3A_99 = tpu.memref_squeeze %dma_wait3A_98 : memref<1x80x128xf32, #tpu.memory_space<hbm>> -> memref<80x128xf32, #tpu.memory_space<hbm>>
      tpu.wait_dma2 semaphore(%run_scoped3A_87 : memref<!tpu.dma_semaphore, #tpu.memory_space<semaphore_mem>>) src(%arg8 : memref<80x128xf32, #tpu.memory_space<vmem>>) dst(%dma_wait3A_99 : memref<80x128xf32, #tpu.memory_space<hbm>>)
      tpu.yield
    }) : () -> ()
    %mul3A_71 = arith.constant 640 : i32
    %mul3A_72 = arith.muli %arg1, %mul3A_71 : i32
    %add3A_73 = arith.constant 320 : i32
    %add3A_74 = arith.addi %mul3A_72, %add3A_73 : i32
    "tpu.region"() ({
      %run_scoped3A_87 = tpu.sem_alloc : memref<!tpu.dma_semaphore, #tpu.memory_space<semaphore_mem>>
      %dma_start3A_88 = arith.constant 0 : i32
      %dma_start3A_89 = tpu.memref_slice %arg10[%add3A_74, %dma_start3A_88] : memref<10240x128xf32, #tpu.memory_space<vmem_shared>> -> memref<80x128xf32, #tpu.memory_space<vmem_shared>>
      %dma_start3A_90 = arith.constant 0 : i32
      %dma_start3A_91 = tpu.memref_slice %arg10[%add3A_74, %dma_start3A_90] : memref<10240x128xf32, #tpu.memory_space<vmem_shared>> -> memref<80x128xf32, #tpu.memory_space<vmem_shared>>
      tpu.enqueue_dma source(%dma_start3A_91 : memref<80x128xf32, #tpu.memory_space<vmem_shared>>) target(%arg8 : memref<80x128xf32, #tpu.memory_space<vmem>>) target_semaphore(%run_scoped3A_87 : memref<!tpu.dma_semaphore, #tpu.memory_space<semaphore_mem>>)
      %dma_wait3A_92 = arith.constant 0 : i32
      %dma_wait3A_93 = tpu.memref_slice %arg10[%add3A_74, %dma_wait3A_92] : memref<10240x128xf32, #tpu.memory_space<vmem_shared>> -> memref<80x128xf32, #tpu.memory_space<vmem_shared>>
      %dma_wait3A_94 = arith.constant 0 : i32
      %dma_wait3A_95 = tpu.memref_slice %arg10[%add3A_74, %dma_wait3A_94] : memref<10240x128xf32, #tpu.memory_space<vmem_shared>> -> memref<80x128xf32, #tpu.memory_space<vmem_shared>>
      tpu.wait_dma2 semaphore(%run_scoped3A_87 : memref<!tpu.dma_semaphore, #tpu.memory_space<semaphore_mem>>) src(%dma_wait3A_95 : memref<80x128xf32, #tpu.memory_space<vmem_shared>>) dst(%arg8 : memref<80x128xf32, #tpu.memory_space<vmem>>)
      tpu.yield
    }) : () -> ()
    "tpu.region"() ({
      %run_scoped3A_87 = tpu.sem_alloc : memref<!tpu.dma_semaphore, #tpu.memory_space<semaphore_mem>>
      %dma_start3A_88 = arith.constant 0 : i32
      %dma_start3A_89 = tpu.memref_slice %arg5[%arg0, %add3A_74, %dma_start3A_88] : memref<2x10240x128xf32, #tpu.memory_space<hbm>> -> memref<1x80x128xf32, #tpu.memory_space<hbm>>
      %dma_start3A_90 = tpu.memref_squeeze %dma_start3A_89 : memref<1x80x128xf32, #tpu.memory_space<hbm>> -> memref<80x128xf32, #tpu.memory_space<hbm>>
      %dma_start3A_91 = arith.constant 0 : i32
      %dma_start3A_92 = tpu.memref_slice %arg5[%arg0, %add3A_74, %dma_start3A_91] : memref<2x10240x128xf32, #tpu.memory_space<hbm>> -> memref<1x80x128xf32, #tpu.memory_space<hbm>>
      %dma_start3A_93 = tpu.memref_squeeze %dma_start3A_92 : memref<1x80x128xf32, #tpu.memory_space<hbm>> -> memref<80x128xf32, #tpu.memory_space<hbm>>
      tpu.enqueue_dma source(%arg8 : memref<80x128xf32, #tpu.memory_space<vmem>>) target(%dma_start3A_93 : memref<80x128xf32, #tpu.memory_space<hbm>>) target_semaphore(%run_scoped3A_87 : memref<!tpu.dma_semaphore, #tpu.memory_space<semaphore_mem>>)
      %dma_wait3A_94 = arith.constant 0 : i32
      %dma_wait3A_95 = tpu.memref_slice %arg5[%arg0, %add3A_74, %dma_wait3A_94] : memref<2x10240x128xf32, #tpu.memory_space<hbm>> -> memref<1x80x128xf32, #tpu.memory_space<hbm>>
      %dma_wait3A_96 = tpu.memref_squeeze %dma_wait3A_95 : memref<1x80x128xf32, #tpu.memory_space<hbm>> -> memref<80x128xf32, #tpu.memory_space<hbm>>
      %dma_wait3A_97 = arith.constant 0 : i32
      %dma_wait3A_98 = tpu.memref_slice %arg5[%arg0, %add3A_74, %dma_wait3A_97] : memref<2x10240x128xf32, #tpu.memory_space<hbm>> -> memref<1x80x128xf32, #tpu.memory_space<hbm>>
      %dma_wait3A_99 = tpu.memref_squeeze %dma_wait3A_98 : memref<1x80x128xf32, #tpu.memory_space<hbm>> -> memref<80x128xf32, #tpu.memory_space<hbm>>
      tpu.wait_dma2 semaphore(%run_scoped3A_87 : memref<!tpu.dma_semaphore, #tpu.memory_space<semaphore_mem>>) src(%arg8 : memref<80x128xf32, #tpu.memory_space<vmem>>) dst(%dma_wait3A_99 : memref<80x128xf32, #tpu.memory_space<hbm>>)
      tpu.yield
    }) : () -> ()
    %mul3A_75 = arith.constant 640 : i32
    %mul3A_76 = arith.muli %arg1, %mul3A_75 : i32
    %add3A_77 = arith.constant 400 : i32
    %add3A_78 = arith.addi %mul3A_76, %add3A_77 : i32
    "tpu.region"() ({
      %run_scoped3A_87 = tpu.sem_alloc : memref<!tpu.dma_semaphore, #tpu.memory_space<semaphore_mem>>
      %dma_start3A_88 = arith.constant 0 : i32
      %dma_start3A_89 = tpu.memref_slice %arg10[%add3A_78, %dma_start3A_88] : memref<10240x128xf32, #tpu.memory_space<vmem_shared>> -> memref<80x128xf32, #tpu.memory_space<vmem_shared>>
      %dma_start3A_90 = arith.constant 0 : i32
      %dma_start3A_91 = tpu.memref_slice %arg10[%add3A_78, %dma_start3A_90] : memref<10240x128xf32, #tpu.memory_space<vmem_shared>> -> memref<80x128xf32, #tpu.memory_space<vmem_shared>>
      tpu.enqueue_dma source(%dma_start3A_91 : memref<80x128xf32, #tpu.memory_space<vmem_shared>>) target(%arg8 : memref<80x128xf32, #tpu.memory_space<vmem>>) target_semaphore(%run_scoped3A_87 : memref<!tpu.dma_semaphore, #tpu.memory_space<semaphore_mem>>)
      %dma_wait3A_92 = arith.constant 0 : i32
      %dma_wait3A_93 = tpu.memref_slice %arg10[%add3A_78, %dma_wait3A_92] : memref<10240x128xf32, #tpu.memory_space<vmem_shared>> -> memref<80x128xf32, #tpu.memory_space<vmem_shared>>
      %dma_wait3A_94 = arith.constant 0 : i32
      %dma_wait3A_95 = tpu.memref_slice %arg10[%add3A_78, %dma_wait3A_94] : memref<10240x128xf32, #tpu.memory_space<vmem_shared>> -> memref<80x128xf32, #tpu.memory_space<vmem_shared>>
      tpu.wait_dma2 semaphore(%run_scoped3A_87 : memref<!tpu.dma_semaphore, #tpu.memory_space<semaphore_mem>>) src(%dma_wait3A_95 : memref<80x128xf32, #tpu.memory_space<vmem_shared>>) dst(%arg8 : memref<80x128xf32, #tpu.memory_space<vmem>>)
      tpu.yield
    }) : () -> ()
    "tpu.region"() ({
      %run_scoped3A_87 = tpu.sem_alloc : memref<!tpu.dma_semaphore, #tpu.memory_space<semaphore_mem>>
      %dma_start3A_88 = arith.constant 0 : i32
      %dma_start3A_89 = tpu.memref_slice %arg5[%arg0, %add3A_78, %dma_start3A_88] : memref<2x10240x128xf32, #tpu.memory_space<hbm>> -> memref<1x80x128xf32, #tpu.memory_space<hbm>>
      %dma_start3A_90 = tpu.memref_squeeze %dma_start3A_89 : memref<1x80x128xf32, #tpu.memory_space<hbm>> -> memref<80x128xf32, #tpu.memory_space<hbm>>
      %dma_start3A_91 = arith.constant 0 : i32
      %dma_start3A_92 = tpu.memref_slice %arg5[%arg0, %add3A_78, %dma_start3A_91] : memref<2x10240x128xf32, #tpu.memory_space<hbm>> -> memref<1x80x128xf32, #tpu.memory_space<hbm>>
      %dma_start3A_93 = tpu.memref_squeeze %dma_start3A_92 : memref<1x80x128xf32, #tpu.memory_space<hbm>> -> memref<80x128xf32, #tpu.memory_space<hbm>>
      tpu.enqueue_dma source(%arg8 : memref<80x128xf32, #tpu.memory_space<vmem>>) target(%dma_start3A_93 : memref<80x128xf32, #tpu.memory_space<hbm>>) target_semaphore(%run_scoped3A_87 : memref<!tpu.dma_semaphore, #tpu.memory_space<semaphore_mem>>)
      %dma_wait3A_94 = arith.constant 0 : i32
      %dma_wait3A_95 = tpu.memref_slice %arg5[%arg0, %add3A_78, %dma_wait3A_94] : memref<2x10240x128xf32, #tpu.memory_space<hbm>> -> memref<1x80x128xf32, #tpu.memory_space<hbm>>
      %dma_wait3A_96 = tpu.memref_squeeze %dma_wait3A_95 : memref<1x80x128xf32, #tpu.memory_space<hbm>> -> memref<80x128xf32, #tpu.memory_space<hbm>>
      %dma_wait3A_97 = arith.constant 0 : i32
      %dma_wait3A_98 = tpu.memref_slice %arg5[%arg0, %add3A_78, %dma_wait3A_97] : memref<2x10240x128xf32, #tpu.memory_space<hbm>> -> memref<1x80x128xf32, #tpu.memory_space<hbm>>
      %dma_wait3A_99 = tpu.memref_squeeze %dma_wait3A_98 : memref<1x80x128xf32, #tpu.memory_space<hbm>> -> memref<80x128xf32, #tpu.memory_space<hbm>>
      tpu.wait_dma2 semaphore(%run_scoped3A_87 : memref<!tpu.dma_semaphore, #tpu.memory_space<semaphore_mem>>) src(%arg8 : memref<80x128xf32, #tpu.memory_space<vmem>>) dst(%dma_wait3A_99 : memref<80x128xf32, #tpu.memory_space<hbm>>)
      tpu.yield
    }) : () -> ()
    %mul3A_79 = arith.constant 640 : i32
    %mul3A_80 = arith.muli %arg1, %mul3A_79 : i32
    %add3A_81 = arith.constant 480 : i32
    %add3A_82 = arith.addi %mul3A_80, %add3A_81 : i32
    "tpu.region"() ({
      %run_scoped3A_87 = tpu.sem_alloc : memref<!tpu.dma_semaphore, #tpu.memory_space<semaphore_mem>>
      %dma_start3A_88 = arith.constant 0 : i32
      %dma_start3A_89 = tpu.memref_slice %arg10[%add3A_82, %dma_start3A_88] : memref<10240x128xf32, #tpu.memory_space<vmem_shared>> -> memref<80x128xf32, #tpu.memory_space<vmem_shared>>
      %dma_start3A_90 = arith.constant 0 : i32
      %dma_start3A_91 = tpu.memref_slice %arg10[%add3A_82, %dma_start3A_90] : memref<10240x128xf32, #tpu.memory_space<vmem_shared>> -> memref<80x128xf32, #tpu.memory_space<vmem_shared>>
      tpu.enqueue_dma source(%dma_start3A_91 : memref<80x128xf32, #tpu.memory_space<vmem_shared>>) target(%arg8 : memref<80x128xf32, #tpu.memory_space<vmem>>) target_semaphore(%run_scoped3A_87 : memref<!tpu.dma_semaphore, #tpu.memory_space<semaphore_mem>>)
      %dma_wait3A_92 = arith.constant 0 : i32
      %dma_wait3A_93 = tpu.memref_slice %arg10[%add3A_82, %dma_wait3A_92] : memref<10240x128xf32, #tpu.memory_space<vmem_shared>> -> memref<80x128xf32, #tpu.memory_space<vmem_shared>>
      %dma_wait3A_94 = arith.constant 0 : i32
      %dma_wait3A_95 = tpu.memref_slice %arg10[%add3A_82, %dma_wait3A_94] : memref<10240x128xf32, #tpu.memory_space<vmem_shared>> -> memref<80x128xf32, #tpu.memory_space<vmem_shared>>
      tpu.wait_dma2 semaphore(%run_scoped3A_87 : memref<!tpu.dma_semaphore, #tpu.memory_space<semaphore_mem>>) src(%dma_wait3A_95 : memref<80x128xf32, #tpu.memory_space<vmem_shared>>) dst(%arg8 : memref<80x128xf32, #tpu.memory_space<vmem>>)
      tpu.yield
    }) : () -> ()
    "tpu.region"() ({
      %run_scoped3A_87 = tpu.sem_alloc : memref<!tpu.dma_semaphore, #tpu.memory_space<semaphore_mem>>
      %dma_start3A_88 = arith.constant 0 : i32
      %dma_start3A_89 = tpu.memref_slice %arg5[%arg0, %add3A_82, %dma_start3A_88] : memref<2x10240x128xf32, #tpu.memory_space<hbm>> -> memref<1x80x128xf32, #tpu.memory_space<hbm>>
      %dma_start3A_90 = tpu.memref_squeeze %dma_start3A_89 : memref<1x80x128xf32, #tpu.memory_space<hbm>> -> memref<80x128xf32, #tpu.memory_space<hbm>>
      %dma_start3A_91 = arith.constant 0 : i32
      %dma_start3A_92 = tpu.memref_slice %arg5[%arg0, %add3A_82, %dma_start3A_91] : memref<2x10240x128xf32, #tpu.memory_space<hbm>> -> memref<1x80x128xf32, #tpu.memory_space<hbm>>
      %dma_start3A_93 = tpu.memref_squeeze %dma_start3A_92 : memref<1x80x128xf32, #tpu.memory_space<hbm>> -> memref<80x128xf32, #tpu.memory_space<hbm>>
      tpu.enqueue_dma source(%arg8 : memref<80x128xf32, #tpu.memory_space<vmem>>) target(%dma_start3A_93 : memref<80x128xf32, #tpu.memory_space<hbm>>) target_semaphore(%run_scoped3A_87 : memref<!tpu.dma_semaphore, #tpu.memory_space<semaphore_mem>>)
      %dma_wait3A_94 = arith.constant 0 : i32
      %dma_wait3A_95 = tpu.memref_slice %arg5[%arg0, %add3A_82, %dma_wait3A_94] : memref<2x10240x128xf32, #tpu.memory_space<hbm>> -> memref<1x80x128xf32, #tpu.memory_space<hbm>>
      %dma_wait3A_96 = tpu.memref_squeeze %dma_wait3A_95 : memref<1x80x128xf32, #tpu.memory_space<hbm>> -> memref<80x128xf32, #tpu.memory_space<hbm>>
      %dma_wait3A_97 = arith.constant 0 : i32
      %dma_wait3A_98 = tpu.memref_slice %arg5[%arg0, %add3A_82, %dma_wait3A_97] : memref<2x10240x128xf32, #tpu.memory_space<hbm>> -> memref<1x80x128xf32, #tpu.memory_space<hbm>>
      %dma_wait3A_99 = tpu.memref_squeeze %dma_wait3A_98 : memref<1x80x128xf32, #tpu.memory_space<hbm>> -> memref<80x128xf32, #tpu.memory_space<hbm>>
      tpu.wait_dma2 semaphore(%run_scoped3A_87 : memref<!tpu.dma_semaphore, #tpu.memory_space<semaphore_mem>>) src(%arg8 : memref<80x128xf32, #tpu.memory_space<vmem>>) dst(%dma_wait3A_99 : memref<80x128xf32, #tpu.memory_space<hbm>>)
      tpu.yield
    }) : () -> ()
    %mul3A_83 = arith.constant 640 : i32
    %mul3A_84 = arith.muli %arg1, %mul3A_83 : i32
    %add3A_85 = arith.constant 560 : i32
    %add3A_86 = arith.addi %mul3A_84, %add3A_85 : i32
    "tpu.region"() ({
      %run_scoped3A_87 = tpu.sem_alloc : memref<!tpu.dma_semaphore, #tpu.memory_space<semaphore_mem>>
      %dma_start3A_88 = arith.constant 0 : i32
      %dma_start3A_89 = tpu.memref_slice %arg10[%add3A_86, %dma_start3A_88] : memref<10240x128xf32, #tpu.memory_space<vmem_shared>> -> memref<80x128xf32, #tpu.memory_space<vmem_shared>>
      %dma_start3A_90 = arith.constant 0 : i32
      %dma_start3A_91 = tpu.memref_slice %arg10[%add3A_86, %dma_start3A_90] : memref<10240x128xf32, #tpu.memory_space<vmem_shared>> -> memref<80x128xf32, #tpu.memory_space<vmem_shared>>
      tpu.enqueue_dma source(%dma_start3A_91 : memref<80x128xf32, #tpu.memory_space<vmem_shared>>) target(%arg8 : memref<80x128xf32, #tpu.memory_space<vmem>>) target_semaphore(%run_scoped3A_87 : memref<!tpu.dma_semaphore, #tpu.memory_space<semaphore_mem>>)
      %dma_wait3A_92 = arith.constant 0 : i32
      %dma_wait3A_93 = tpu.memref_slice %arg10[%add3A_86, %dma_wait3A_92] : memref<10240x128xf32, #tpu.memory_space<vmem_shared>> -> memref<80x128xf32, #tpu.memory_space<vmem_shared>>
      %dma_wait3A_94 = arith.constant 0 : i32
      %dma_wait3A_95 = tpu.memref_slice %arg10[%add3A_86, %dma_wait3A_94] : memref<10240x128xf32, #tpu.memory_space<vmem_shared>> -> memref<80x128xf32, #tpu.memory_space<vmem_shared>>
      tpu.wait_dma2 semaphore(%run_scoped3A_87 : memref<!tpu.dma_semaphore, #tpu.memory_space<semaphore_mem>>) src(%dma_wait3A_95 : memref<80x128xf32, #tpu.memory_space<vmem_shared>>) dst(%arg8 : memref<80x128xf32, #tpu.memory_space<vmem>>)
      tpu.yield
    }) : () -> ()
    "tpu.region"() ({
      %run_scoped3A_87 = tpu.sem_alloc : memref<!tpu.dma_semaphore, #tpu.memory_space<semaphore_mem>>
      %dma_start3A_88 = arith.constant 0 : i32
      %dma_start3A_89 = tpu.memref_slice %arg5[%arg0, %add3A_86, %dma_start3A_88] : memref<2x10240x128xf32, #tpu.memory_space<hbm>> -> memref<1x80x128xf32, #tpu.memory_space<hbm>>
      %dma_start3A_90 = tpu.memref_squeeze %dma_start3A_89 : memref<1x80x128xf32, #tpu.memory_space<hbm>> -> memref<80x128xf32, #tpu.memory_space<hbm>>
      %dma_start3A_91 = arith.constant 0 : i32
      %dma_start3A_92 = tpu.memref_slice %arg5[%arg0, %add3A_86, %dma_start3A_91] : memref<2x10240x128xf32, #tpu.memory_space<hbm>> -> memref<1x80x128xf32, #tpu.memory_space<hbm>>
      %dma_start3A_93 = tpu.memref_squeeze %dma_start3A_92 : memref<1x80x128xf32, #tpu.memory_space<hbm>> -> memref<80x128xf32, #tpu.memory_space<hbm>>
      tpu.enqueue_dma source(%arg8 : memref<80x128xf32, #tpu.memory_space<vmem>>) target(%dma_start3A_93 : memref<80x128xf32, #tpu.memory_space<hbm>>) target_semaphore(%run_scoped3A_87 : memref<!tpu.dma_semaphore, #tpu.memory_space<semaphore_mem>>)
      %dma_wait3A_94 = arith.constant 0 : i32
      %dma_wait3A_95 = tpu.memref_slice %arg5[%arg0, %add3A_86, %dma_wait3A_94] : memref<2x10240x128xf32, #tpu.memory_space<hbm>> -> memref<1x80x128xf32, #tpu.memory_space<hbm>>
      %dma_wait3A_96 = tpu.memref_squeeze %dma_wait3A_95 : memref<1x80x128xf32, #tpu.memory_space<hbm>> -> memref<80x128xf32, #tpu.memory_space<hbm>>
      %dma_wait3A_97 = arith.constant 0 : i32
      %dma_wait3A_98 = tpu.memref_slice %arg5[%arg0, %add3A_86, %dma_wait3A_97] : memref<2x10240x128xf32, #tpu.memory_space<hbm>> -> memref<1x80x128xf32, #tpu.memory_space<hbm>>
      %dma_wait3A_99 = tpu.memref_squeeze %dma_wait3A_98 : memref<1x80x128xf32, #tpu.memory_space<hbm>> -> memref<80x128xf32, #tpu.memory_space<hbm>>
      tpu.wait_dma2 semaphore(%run_scoped3A_87 : memref<!tpu.dma_semaphore, #tpu.memory_space<semaphore_mem>>) src(%arg8 : memref<80x128xf32, #tpu.memory_space<vmem>>) dst(%dma_wait3A_99 : memref<80x128xf32, #tpu.memory_space<hbm>>)
      tpu.yield
    }) : () -> ()
    return
  }
}

module attributes {stable_mosaic.version = 14 : i64} {
  func.func @_tc_self_body(%arg0: i32, %arg1: memref<1000x128xf32, #tpu.memory_space<vmem>>, %arg2: memref<128x128xf32, #tpu.memory_space<vmem>>, %arg3: memref<1000x128xf32, #tpu.memory_space<vmem>>) attributes {dimension_semantics = [#tpu.dimension_semantics<arbitrary>], iteration_bounds = array<i64: 10>, scalar_prefetch = 0 : i64, scratch_operands = 0 : i64, tpu.core_type = #tpu.core_type<tc>, window_params = [{transform_indices = @transform_0, window_bounds = array<i64: 1000, 128>}, {pipeline_mode = #tpu.pipeline_mode<synchronous>, transform_indices = @transform_1, window_bounds = array<i64: 128, 128>}, {transform_indices = @transform_2, window_bounds = array<i64: 1000, 128>}]} {
    %get3A = arith.constant 0 : index
    %get3A_0 = arith.constant 0 : index
    %get3A_1 = vector.load %arg1[%get3A, %get3A_0] : memref<1000x128xf32, #tpu.memory_space<vmem>>, vector<1000x128xf32>
    %get3A_2 = arith.constant 0 : index
    %get3A_3 = arith.constant 0 : index
    %get3A_4 = vector.load %arg2[%get3A_2, %get3A_3] : memref<128x128xf32, #tpu.memory_space<vmem>>, vector<128x128xf32>
    %dot_general3A = arith.constant dense<0.000000e+00> : vector<1000x128xf32>
    %dot_general3A_5 = tpu.matmul %get3A_1, %get3A_4, %dot_general3A {dimension_numbers = #tpu.dot_dimension_numbers<[1], [1], [0], [0], [0, 0, 1, 0], [], []>, transpose_lhs_hint = false} : vector<1000x128xf32>, vector<128x128xf32>, vector<1000x128xf32> -> vector<1000x128xf32>
    %swap3A = arith.constant 0 : index
    %swap3A_6 = arith.constant 0 : index
    %swap3A_7 = vector.load %arg3[%swap3A, %swap3A_6] : memref<1000x128xf32, #tpu.memory_space<vmem>>, vector<1000x128xf32>
    tpu.vector_store %arg3[%swap3A, %swap3A_6], %dot_general3A_5 {strides = array<i32>} : memref<1000x128xf32, #tpu.memory_space<vmem>>, vector<1000x128xf32>,
    return
  }
  func.func @transform_0(%arg0: i32) -> (i32, i32) {
    %c0_i32 = arith.constant 0 : i32
    %c0_i32_0 = arith.constant 0 : i32
    return %arg0, %c0_i32 : i32, i32
  }
  func.func @transform_1(%arg0: i32) -> (i32, i32) {
    %c0_i32 = arith.constant 0 : i32
    %c0_i32_0 = arith.constant 0 : i32
    %c0_i32_1 = arith.constant 0 : i32
    return %c0_i32, %c0_i32_0 : i32, i32
  }
  func.func @transform_2(%arg0: i32) -> (i32, i32) {
    %c0_i32 = arith.constant 0 : i32
    %c0_i32_0 = arith.constant 0 : i32
    return %arg0, %c0_i32 : i32, i32
  }
}

module attributes {stable_mosaic.version = 14 : i64} {
  func.func @_tc_combine_body(%arg0: i32, %arg1: memref<1000x128xf32, #tpu.memory_space<vmem>>, %arg2: memref<1000x128xf32, #tpu.memory_space<vmem>>, %arg3: memref<1000x128xf32, #tpu.memory_space<vmem>>, %arg4: memref<1000x128xf32, #tpu.memory_space<vmem>>, %arg5: memref<1000x128xf32, #tpu.memory_space<vmem>>, %arg6: memref<128x128xf32, #tpu.memory_space<vmem>>, %arg7: memref<1x128xf32, #tpu.memory_space<vmem>>, %arg8: memref<1000x128xf32, #tpu.memory_space<vmem>>) attributes {dimension_semantics = [#tpu.dimension_semantics<arbitrary>], iteration_bounds = array<i64: 10>, scalar_prefetch = 0 : i64, scratch_operands = 0 : i64, tpu.core_type = #tpu.core_type<tc>, window_params = [{transform_indices = @transform_0, window_bounds = array<i64: 1000, 128>}, {transform_indices = @transform_1, window_bounds = array<i64: 1000, 128>}, {transform_indices = @transform_2, window_bounds = array<i64: 1000, 128>}, {transform_indices = @transform_3, window_bounds = array<i64: 1000, 128>}, {transform_indices = @transform_4, window_bounds = array<i64: 1000, 128>}, {pipeline_mode = #tpu.pipeline_mode<synchronous>, transform_indices = @transform_5, window_bounds = array<i64: 128, 128>}, {pipeline_mode = #tpu.pipeline_mode<synchronous>, transform_indices = @transform_6, window_bounds = array<i64: 1, 128>}, {transform_indices = @transform_7, window_bounds = array<i64: 1000, 128>}]} {
    %get3A = arith.constant 0 : index
    %get3A_0 = arith.constant 0 : index
    %get3A_1 = vector.load %arg3[%get3A, %get3A_0] : memref<1000x128xf32, #tpu.memory_space<vmem>>, vector<1000x1xf32>
    %get3A_2 = arith.constant 0 : index
    %get3A_3 = arith.constant 0 : index
    %get3A_4 = vector.load %arg4[%get3A_2, %get3A_3] : memref<1000x128xf32, #tpu.memory_space<vmem>>, vector<1000x1xf32>
    %add3A = arith.addf %get3A_1, %get3A_4 : vector<1000x1xf32>
    %max3A = arith.constant 1.000000e+00 : f32
    %max3A_5 = vector.broadcast %max3A : f32 to vector<1000x1xf32>
    %max3A_6 = arith.maximumf %add3A, %max3A_5 : vector<1000x1xf32>
    %div3A = arith.constant 1.000000e+00 : f32
    %div3A_7 = vector.broadcast %div3A : f32 to vector<1000x1xf32>
    %div3A_8 = arith.divf %div3A_7, %max3A_6 : vector<1000x1xf32>
    %get3A_9 = arith.constant 0 : index
    %get3A_10 = arith.constant 0 : index
    %get3A_11 = vector.load %arg1[%get3A_9, %get3A_10] : memref<1000x128xf32, #tpu.memory_space<vmem>>, vector<1000x128xf32>
    %get3A_12 = arith.constant 0 : index
    %get3A_13 = arith.constant 0 : index
    %get3A_14 = vector.load %arg2[%get3A_12, %get3A_13] : memref<1000x128xf32, #tpu.memory_space<vmem>>, vector<1000x128xf32>
    %add3A_15 = arith.addf %get3A_11, %get3A_14 : vector<1000x128xf32>
    %mul3A = vector.broadcast %div3A_8 : vector<1000x1xf32> to vector<1000x128xf32>
    %mul3A_16 = arith.mulf %add3A_15, %mul3A : vector<1000x128xf32>
    %get3A_17 = arith.constant 0 : index
    %get3A_18 = arith.constant 0 : index
    %get3A_19 = vector.load %arg6[%get3A_17, %get3A_18] : memref<128x128xf32, #tpu.memory_space<vmem>>, vector<128x128xf32>
    %dot_general3A = arith.constant dense<0.000000e+00> : vector<1000x128xf32>
    %dot_general3A_20 = tpu.matmul %mul3A_16, %get3A_19, %dot_general3A {dimension_numbers = #tpu.dot_dimension_numbers<[1], [1], [0], [0], [0, 0, 1, 0], [], []>, transpose_lhs_hint = false} : vector<1000x128xf32>, vector<128x128xf32>, vector<1000x128xf32> -> vector<1000x128xf32>
    %get3A_21 = arith.constant 0 : index
    %get3A_22 = arith.constant 0 : index
    %get3A_23 = vector.load %arg5[%get3A_21, %get3A_22] : memref<1000x128xf32, #tpu.memory_space<vmem>>, vector<1000x128xf32>
    %add3A_24 = arith.addf %dot_general3A_20, %get3A_23 : vector<1000x128xf32>
    %get3A_25 = arith.constant 0 : index
    %get3A_26 = arith.constant 0 : index
    %get3A_27 = vector.load %arg7[%get3A_25, %get3A_26] : memref<1x128xf32, #tpu.memory_space<vmem>>, vector<1x128xf32>
    %add3A_28 = vector.broadcast %get3A_27 : vector<1x128xf32> to vector<1000x128xf32>
    %add3A_29 = arith.addf %add3A_24, %add3A_28 : vector<1000x128xf32>
    %max3A_30 = arith.constant 0.000000e+00 : f32
    %max3A_31 = vector.broadcast %max3A_30 : f32 to vector<1000x128xf32>
    %max3A_32 = arith.maximumf %add3A_29, %max3A_31 : vector<1000x128xf32>
    %swap3A = arith.constant 0 : index
    %swap3A_33 = arith.constant 0 : index
    %swap3A_34 = vector.load %arg8[%swap3A, %swap3A_33] : memref<1000x128xf32, #tpu.memory_space<vmem>>, vector<1000x128xf32>
    tpu.vector_store %arg8[%swap3A, %swap3A_33], %max3A_32 {strides = array<i32>} : memref<1000x128xf32, #tpu.memory_space<vmem>>, vector<1000x128xf32>,
    return
  }
  func.func @transform_0(%arg0: i32) -> (i32, i32) {
    %c0_i32 = arith.constant 0 : i32
    %c0_i32_0 = arith.constant 0 : i32
    return %arg0, %c0_i32 : i32, i32
  }
  func.func @transform_1(%arg0: i32) -> (i32, i32) {
    %c0_i32 = arith.constant 0 : i32
    %c0_i32_0 = arith.constant 0 : i32
    return %arg0, %c0_i32 : i32, i32
  }
  func.func @transform_2(%arg0: i32) -> (i32, i32) {
    %c0_i32 = arith.constant 0 : i32
    %c0_i32_0 = arith.constant 0 : i32
    return %arg0, %c0_i32 : i32, i32
  }
  func.func @transform_3(%arg0: i32) -> (i32, i32) {
    %c0_i32 = arith.constant 0 : i32
    %c0_i32_0 = arith.constant 0 : i32
    return %arg0, %c0_i32 : i32, i32
  }
  func.func @transform_4(%arg0: i32) -> (i32, i32) {
    %c0_i32 = arith.constant 0 : i32
    %c0_i32_0 = arith.constant 0 : i32
    return %arg0, %c0_i32 : i32, i32
  }
  func.func @transform_5(%arg0: i32) -> (i32, i32) {
    %c0_i32 = arith.constant 0 : i32
    %c0_i32_0 = arith.constant 0 : i32
    %c0_i32_1 = arith.constant 0 : i32
    return %c0_i32, %c0_i32_0 : i32, i32
  }
  func.func @transform_6(%arg0: i32) -> (i32, i32) {
    %c0_i32 = arith.constant 0 : i32
    %c0_i32_0 = arith.constant 0 : i32
    %c0_i32_1 = arith.constant 0 : i32
    return %c0_i32, %c0_i32_0 : i32, i32
  }
  func.func @transform_7(%arg0: i32) -> (i32, i32) {
    %c0_i32 = arith.constant 0 : i32
    %c0_i32_0 = arith.constant 0 : i32
    return %arg0, %c0_i32 : i32, i32
  }
}

module attributes {stable_mosaic.version = 14 : i64} {
  func.func @_tc_final_body(%arg0: i32, %arg1: memref<1000x128xf32, #tpu.memory_space<vmem>>, %arg2: memref<1000x128xf32, #tpu.memory_space<vmem>>, %arg3: memref<1000x128xf32, #tpu.memory_space<vmem>>, %arg4: memref<1000x128xf32, #tpu.memory_space<vmem>>, %arg5: memref<1000x128xf32, #tpu.memory_space<vmem>>, %arg6: memref<128x128xf32, #tpu.memory_space<vmem>>, %arg7: memref<1x128xf32, #tpu.memory_space<vmem>>, %arg8: memref<128x128xf32, #tpu.memory_space<vmem>>, %arg9: memref<1x128xf32, #tpu.memory_space<vmem>>, %arg10: memref<1000x128xf32, #tpu.memory_space<vmem>>) attributes {dimension_semantics = [#tpu.dimension_semantics<arbitrary>], iteration_bounds = array<i64: 10>, scalar_prefetch = 0 : i64, scratch_operands = 0 : i64, tpu.core_type = #tpu.core_type<tc>, window_params = [{transform_indices = @transform_0, window_bounds = array<i64: 1000, 128>}, {transform_indices = @transform_1, window_bounds = array<i64: 1000, 128>}, {transform_indices = @transform_2, window_bounds = array<i64: 1000, 128>}, {transform_indices = @transform_3, window_bounds = array<i64: 1000, 128>}, {transform_indices = @transform_4, window_bounds = array<i64: 1000, 128>}, {pipeline_mode = #tpu.pipeline_mode<synchronous>, transform_indices = @transform_5, window_bounds = array<i64: 128, 128>}, {pipeline_mode = #tpu.pipeline_mode<synchronous>, transform_indices = @transform_6, window_bounds = array<i64: 1, 128>}, {pipeline_mode = #tpu.pipeline_mode<synchronous>, transform_indices = @transform_7, window_bounds = array<i64: 128, 128>}, {pipeline_mode = #tpu.pipeline_mode<synchronous>, transform_indices = @transform_8, window_bounds = array<i64: 1, 128>}, {transform_indices = @transform_9, window_bounds = array<i64: 1000, 128>}]} {
    %get3A = arith.constant 0 : index
    %get3A_0 = arith.constant 0 : index
    %get3A_1 = vector.load %arg3[%get3A, %get3A_0] : memref<1000x128xf32, #tpu.memory_space<vmem>>, vector<1000x1xf32>
    %get3A_2 = arith.constant 0 : index
    %get3A_3 = arith.constant 0 : index
    %get3A_4 = vector.load %arg4[%get3A_2, %get3A_3] : memref<1000x128xf32, #tpu.memory_space<vmem>>, vector<1000x1xf32>
    %add3A = arith.addf %get3A_1, %get3A_4 : vector<1000x1xf32>
    %max3A = arith.constant 1.000000e+00 : f32
    %max3A_5 = vector.broadcast %max3A : f32 to vector<1000x1xf32>
    %max3A_6 = arith.maximumf %add3A, %max3A_5 : vector<1000x1xf32>
    %div3A = arith.constant 1.000000e+00 : f32
    %div3A_7 = vector.broadcast %div3A : f32 to vector<1000x1xf32>
    %div3A_8 = arith.divf %div3A_7, %max3A_6 : vector<1000x1xf32>
    %get3A_9 = arith.constant 0 : index
    %get3A_10 = arith.constant 0 : index
    %get3A_11 = vector.load %arg1[%get3A_9, %get3A_10] : memref<1000x128xf32, #tpu.memory_space<vmem>>, vector<1000x128xf32>
    %get3A_12 = arith.constant 0 : index
    %get3A_13 = arith.constant 0 : index
    %get3A_14 = vector.load %arg2[%get3A_12, %get3A_13] : memref<1000x128xf32, #tpu.memory_space<vmem>>, vector<1000x128xf32>
    %add3A_15 = arith.addf %get3A_11, %get3A_14 : vector<1000x128xf32>
    %mul3A = vector.broadcast %div3A_8 : vector<1000x1xf32> to vector<1000x128xf32>
    %mul3A_16 = arith.mulf %add3A_15, %mul3A : vector<1000x128xf32>
    %get3A_17 = arith.constant 0 : index
    %get3A_18 = arith.constant 0 : index
    %get3A_19 = vector.load %arg6[%get3A_17, %get3A_18] : memref<128x128xf32, #tpu.memory_space<vmem>>, vector<128x128xf32>
    %dot_general3A = arith.constant dense<0.000000e+00> : vector<1000x128xf32>
    %dot_general3A_20 = tpu.matmul %mul3A_16, %get3A_19, %dot_general3A {dimension_numbers = #tpu.dot_dimension_numbers<[1], [1], [0], [0], [0, 0, 1, 0], [], []>, transpose_lhs_hint = false} : vector<1000x128xf32>, vector<128x128xf32>, vector<1000x128xf32> -> vector<1000x128xf32>
    %get3A_21 = arith.constant 0 : index
    %get3A_22 = arith.constant 0 : index
    %get3A_23 = vector.load %arg5[%get3A_21, %get3A_22] : memref<1000x128xf32, #tpu.memory_space<vmem>>, vector<1000x128xf32>
    %add3A_24 = arith.addf %dot_general3A_20, %get3A_23 : vector<1000x128xf32>
    %get3A_25 = arith.constant 0 : index
    %get3A_26 = arith.constant 0 : index
    %get3A_27 = vector.load %arg7[%get3A_25, %get3A_26] : memref<1x128xf32, #tpu.memory_space<vmem>>, vector<1x128xf32>
    %add3A_28 = vector.broadcast %get3A_27 : vector<1x128xf32> to vector<1000x128xf32>
    %add3A_29 = arith.addf %add3A_24, %add3A_28 : vector<1000x128xf32>
    %max3A_30 = arith.constant 0.000000e+00 : f32
    %max3A_31 = vector.broadcast %max3A_30 : f32 to vector<1000x128xf32>
    %max3A_32 = arith.maximumf %add3A_29, %max3A_31 : vector<1000x128xf32>
    %get3A_33 = arith.constant 0 : index
    %get3A_34 = arith.constant 0 : index
    %get3A_35 = vector.load %arg8[%get3A_33, %get3A_34] : memref<128x128xf32, #tpu.memory_space<vmem>>, vector<128x128xf32>
    %dot_general3A_36 = arith.constant dense<0.000000e+00> : vector<1000x128xf32>
    %dot_general3A_37 = tpu.matmul %max3A_32, %get3A_35, %dot_general3A_36 {dimension_numbers = #tpu.dot_dimension_numbers<[1], [1], [0], [0], [0, 0, 1, 0], [], []>, transpose_lhs_hint = false} : vector<1000x128xf32>, vector<128x128xf32>, vector<1000x128xf32> -> vector<1000x128xf32>
    %get3A_38 = arith.constant 0 : index
    %get3A_39 = arith.constant 0 : index
    %get3A_40 = vector.load %arg9[%get3A_38, %get3A_39] : memref<1x128xf32, #tpu.memory_space<vmem>>, vector<1x128xf32>
    %add3A_41 = vector.broadcast %get3A_40 : vector<1x128xf32> to vector<1000x128xf32>
    %add3A_42 = arith.addf %dot_general3A_37, %add3A_41 : vector<1000x128xf32>
    %swap3A = arith.constant 0 : index
    %swap3A_43 = arith.constant 0 : index
    %swap3A_44 = vector.load %arg10[%swap3A, %swap3A_43] : memref<1000x128xf32, #tpu.memory_space<vmem>>, vector<1000x128xf32>
    tpu.vector_store %arg10[%swap3A, %swap3A_43], %add3A_42 {strides = array<i32>} : memref<1000x128xf32, #tpu.memory_space<vmem>>, vector<1000x128xf32>,
    return
  }
  func.func @transform_0(%arg0: i32) -> (i32, i32) {
    %c0_i32 = arith.constant 0 : i32
    %c0_i32_0 = arith.constant 0 : i32
    return %arg0, %c0_i32 : i32, i32
  }
  func.func @transform_1(%arg0: i32) -> (i32, i32) {
    %c0_i32 = arith.constant 0 : i32
    %c0_i32_0 = arith.constant 0 : i32
    return %arg0, %c0_i32 : i32, i32
  }
  func.func @transform_2(%arg0: i32) -> (i32, i32) {
    %c0_i32 = arith.constant 0 : i32
    %c0_i32_0 = arith.constant 0 : i32
    return %arg0, %c0_i32 : i32, i32
  }
  func.func @transform_3(%arg0: i32) -> (i32, i32) {
    %c0_i32 = arith.constant 0 : i32
    %c0_i32_0 = arith.constant 0 : i32
    return %arg0, %c0_i32 : i32, i32
  }
  func.func @transform_4(%arg0: i32) -> (i32, i32) {
    %c0_i32 = arith.constant 0 : i32
    %c0_i32_0 = arith.constant 0 : i32
    return %arg0, %c0_i32 : i32, i32
  }
  func.func @transform_5(%arg0: i32) -> (i32, i32) {
    %c0_i32 = arith.constant 0 : i32
    %c0_i32_0 = arith.constant 0 : i32
    %c0_i32_1 = arith.constant 0 : i32
    return %c0_i32, %c0_i32_0 : i32, i32
  }
  func.func @transform_6(%arg0: i32) -> (i32, i32) {
    %c0_i32 = arith.constant 0 : i32
    %c0_i32_0 = arith.constant 0 : i32
    %c0_i32_1 = arith.constant 0 : i32
    return %c0_i32, %c0_i32_0 : i32, i32
  }
  func.func @transform_7(%arg0: i32) -> (i32, i32) {
    %c0_i32 = arith.constant 0 : i32
    %c0_i32_0 = arith.constant 0 : i32
    %c0_i32_1 = arith.constant 0 : i32
    return %c0_i32, %c0_i32_0 : i32, i32
  }
  func.func @transform_8(%arg0: i32) -> (i32, i32) {
    %c0_i32 = arith.constant 0 : i32
    %c0_i32_0 = arith.constant 0 : i32
    %c0_i32_1 = arith.constant 0 : i32
    return %c0_i32, %c0_i32_0 : i32, i32
  }
  func.func @transform_9(%arg0: i32) -> (i32, i32) {
    %c0_i32 = arith.constant 0 : i32
    %c0_i32_0 = arith.constant 0 : i32
    return %arg0, %c0_i32 : i32, i32
  }
}

</mosaic_0001>

<sc_bundles>
// kernel: kernel.12.cloned.1.call-start
scs
__scs_entry_jumppad:
0x0: {  	(pc) =	sbr.rel $0x88, $3  }
0x1: {  	(tag) =	ssettag $0x0;
	lr =	simm.s32 $0x1  }
0x2: {  	[smem:$0x3F94] =	sst lr;
	_ =	strace $0xD0000000  }
0x3: {  	_ = 	snop  }
0x4: {  	_ = 	snop  }
0x5: {  	_ = 	snop  }
0x6: {  	_ = 	snop  }
0x7: {  	_ = 	snop  }
__scs_overlays_trampoline_lowered:
0x8: {  	[smem:$0x3FA3] =	sst s0  }
0x9: {  	[smem:$0x3FA4] =	sst s1  }
0xa: {  	[smem:$0x3FA5] =	sst s2  }
0xb: {  	[smem:$0x3FA6] =	sst s3  }
0xc: {  	[smem:$0x3FA7] =	sst s4  }
0xd: {  	[smem:$0x3FA8] =	sst s5  }
0xe: {  	[smem:$0x3FA9] =	sst s6  }
0xf: {  	[smem:$0x3FAA] =	sst s7  }
0x10: {  	[smem:$0x3FAB] =	sst s8  }
0x11: {  	[smem:$0x3FAC] =	sst s9;
	s0 =	simm.s32 @!p0 $0x0  }
0x12: {  	s1 =	sld [smem:$0x3F92];
	s0 =	simm.s32 @p0 $0x1  }
0x13: {  	[smem:$0x3FAD] =	sst s0;
	s0 =	simm.s32 @!p1 $0x0  }
0x14: {  	s2 =	sld [smem:$0x3F91];
	s0 =	simm.s32 @p1 $0x1  }
0x15: {  	[smem:$0x3FAE] =	sst s0;
	s0 =	simm.s32 @!p2 $0x0  }
0x16: {  	s3 =	sld [smem:$0x3FDB];
	s0 =	simm.s32 @p2 $0x1  }
0x17: {  	s4 =	simm.s32 $0x1BF5;
	[smem:$0x3FB0] =	sst s0  }
0x18: {  	s0 =	sld [smem:$0x3F93];
	_ =	swait.ge [sflag:s4], $0x0  }
0x19: {  	s7 =	sld [smem:$0x3F94]  }
0x1a: {  	s8 =	sadd.s32 $0xFFFFE003, lr  }
0x1b: {  	s9 =	sadd.s32 $0xFFFFFEF7, lr;
	s5 =	simm.s32 $0xFFFFFFFF;
	p2 =	slt.u32 s8, $0xFFFFF086  }
0x1c: {  	p1 =	slt.u32 s9, $0xF7A;
	s5 =	simm.s32 @!p2 $0x0  }
0x1d: {  	s5 =	simm.s32 @p1 $0x1;
	p0 =	seq.s32 s7, s2  }
0x1e: {  	s7 =	smul.u32 @!p0 $0xF7A, s2;
	p2 =	seq.s32 @!p0 s5, $0x0  }
0x1f: {  	s9 =	smul.u32 $0xF7A, s1;
	s8 =	simm.s32 @!p0 $0x1BF5;
	p2 =	por !p2, p0  }
0x20: {  	[sflag:s8] =	ssyncset.s32 @!p0 $0xFFFFF086;
	s6 =	sadd.s32 @!p0 s3, s7;
	s7 =	simm.s32 @!p0 $0x108  }
0x21: {  	s3 =	sadd.s32 s3, s9;
	s6 =	sadd.s32 @!p0 $0x88, s6;
	s7 =	simm.s32 @p2 $0x1082  }
0x22: {  	[simem:s7], [sflag:s8] =	dma.local @!p0 [hbm:s6], $0xF7A  }
0x23: {  	s9 =	sor.u32 $0xD0000000, s2;
	s6 =	simm.s32 $0x108;
	_ =	swait.ge @!p0 [sflag:s8], $0x0  }
0x24: {  	s3 =	sadd.s32 $0x88, s3;
	s6 =	simm.s32 @!p1 $0x1082;
	[sflag:s4] =	ssyncset.s32 $0xFFFFF086  }
0x25: {  	[simem:s6], [sflag:s4] =	dma.local [hbm:s3], $0xF7A  }
0x26: {  	[smem:$0x3F94] =	sst s1;
	(tag) =	ssettag s2;
	_ =	strace s9  }
0x27: {  	s1 =	sld [smem:$0x3FA4]  }
0x28: {  	s2 =	sld [smem:$0x3FA5]  }
0x29: {  	s4 =	sld [smem:$0x3FA7]  }
0x2a: {  	p0 =	seq.s32 s5, $0x0;
	s5 =	sld [smem:$0x3FA8]  }
0x2b: {  	s6 =	sld [smem:$0x3FA9]  }
0x2c: {  	s7 =	sld [smem:$0x3FAA]  }
0x2d: {  	s3 =	simm.s32 $0x108;
	s8 =	sld [smem:$0x3FAB]  }
0x2e: {  	s3 =	simm.s32 @!p0 $0x1082;
	s9 =	sld [smem:$0x3FAC]  }
0x2f: {  	lr =	sadd.s32 s0, s3;
	s0 =	sld [smem:$0x3FA3]  }
0x30: {  	s3 =	sld [smem:$0x3FA6]  }
0x31: {  	[smem:$0x3FAF] =	sst s10  }
0x32: {  	s10 =	sld [smem:$0x3FAD];
	_ =	sdelay $0x3  }
0x33: {  	p0 =	seq.s32 s10, $0x1;
	s10 =	sld [smem:$0x3FAF];
	_ =	sdelay $0x3  }
0x34: {  	[smem:$0x3FAF] =	sst s10  }
0x35: {  	s10 =	sld [smem:$0x3FAE];
	_ =	sdelay $0x3  }
0x36: {  	p1 =	seq.s32 s10, $0x1;
	s10 =	sld [smem:$0x3FAF];
	_ =	sdelay $0x3  }
0x37: {  	[smem:$0x3FAF] =	sst s10  }
0x38: {  	s10 =	sld [smem:$0x3FB0]  }
0x39: {  	_ = 	snop;
	(pc) =	sbr.ind lr, $3  }
0x3a: {  	_ = 	snop  }
0x3b: {  	_ = 	snop  }
0x3c: {  	p2 =	seq.s32 s10, $0x1;
	s10 =	sld [smem:$0x3FAF]  }
0x3d: {  	_ =	shalt  }
0x3e: {  	_ =	shalt  }
0x3f: {  	_ =	shalt  }
0x40: {  	_ =	shalt  }
0x41: {  	_ =	shalt  }
0x42: {  	_ =	shalt  }
0x43: {  	_ =	shalt  }
0x44: {  	_ =	shalt  }
0x45: {  	_ =	shalt  }
0x46: {  	_ =	shalt  }
0x47: {  	_ =	shalt  }
0x48: {  	_ =	shalt  }
0x49: {  	_ =	shalt  }
0x4a: {  	_ =	shalt  }
0x4b: {  	_ =	shalt  }
0x4c: {  	_ =	shalt  }
0x4d: {  	_ =	shalt  }
0x4e: {  	_ =	shalt  }
0x4f: {  	_ =	shalt  }
0x50: {  	_ =	shalt  }
0x51: {  	_ =	shalt  }
0x52: {  	_ =	shalt  }
0x53: {  	_ =	shalt  }
0x54: {  	_ =	shalt  }
0x55: {  	_ =	shalt  }
0x56: {  	_ =	shalt  }
0x57: {  	_ =	shalt  }
0x58: {  	_ =	shalt  }
0x59: {  	_ =	shalt  }
0x5a: {  	_ =	shalt  }
0x5b: {  	_ =	shalt  }
0x5c: {  	_ =	shalt  }
0x5d: {  	_ =	shalt  }
0x5e: {  	_ =	shalt  }
0x5f: {  	_ =	shalt  }
0x60: {  	_ =	shalt  }
0x61: {  	_ =	shalt  }
0x62: {  	_ =	shalt  }
0x63: {  	_ =	shalt  }
0x64: {  	_ =	shalt  }
0x65: {  	_ =	shalt  }
0x66: {  	_ =	shalt  }
0x67: {  	_ =	shalt  }
0x68: {  	_ =	shalt  }
0x69: {  	_ =	shalt  }
0x6a: {  	_ =	shalt  }
0x6b: {  	_ =	shalt  }
0x6c: {  	_ =	shalt  }
0x6d: {  	_ =	shalt  }
0x6e: {  	_ =	shalt  }
0x6f: {  	_ =	shalt  }
0x70: {  	_ =	shalt  }
0x71: {  	_ =	shalt  }
0x72: {  	_ =	shalt  }
0x73: {  	_ =	shalt  }
0x74: {  	_ =	shalt  }
0x75: {  	_ =	shalt  }
0x76: {  	_ =	shalt  }
0x77: {  	_ =	shalt  }
0x78: {  	_ =	shalt  }
0x79: {  	_ =	shalt  }
0x7a: {  	_ =	shalt  }
0x7b: {  	_ =	shalt  }
0x7c: {  	_ =	shalt  }
0x7d: {  	_ =	shalt  }
0x7e: {  	_ =	shalt  }
0x7f: {  	_ =	shalt  }
0x80: {  	_ =	shalt  }
0x81: {  	_ =	shalt  }
0x82: {  	_ =	shalt  }
0x83: {  	_ =	shalt  }
0x84: {  	_ =	shalt  }
0x85: {  	_ =	shalt  }
0x86: {  	_ =	shalt  }
0x87: {  	_ =	shalt  }
.Lfunc_end0:
.L_simem_size_0:
called_computation_lowered:
.L_overlay_start_0:
0x88: {  	s2 =	sld [smem:$0x3FD9]  }
0x89: {  	s3 =	sld [smem:$0x3FFE];
	_ =	sdelay $0x1  }
0x8a: {  	s1 =	srdreg.scid  }
0x8b: {  	s0 =	sand.u32 $0x1, s1  }
0x8c: {  	s17 =	sshll.u32 s0, $0xA;
	s2 =	sadd.s32 s3, s2  }
0x8d: {  	s2 =	sadd.s32 s2, s17  }
0x8e: {  	[smem:$0x3FBB] =	sst s2  }
0x8f: {  	_ = 	snop  }
0x90: {  	(tm) =	ssettm $0x1  }
0x91: {  	s18 =	sld [smem:$0x3FFB];
	_ =	sdelay $0x3  }
0x92: {  	_ =	strace s18  }
0x93: {  	s2 =	sld [smem:$0x3FFC];
	_ =	sdelay $0x3  }
0x94: {  	_ =	strace s2  }
0x95: {  	s2 =	sld [smem:$0x3FFD];
	_ =	sdelay $0x3  }
0x96: {  	_ =	strace s2  }
0x97: {  	_ =	strace $0x8FFFFFFF  }
0x98: {  	s19 =	sld [smem:$0x3FDB];
	_ =	sdelay $0x1  }
0x99: {  	s20 =	simm.s32 $_scs_section_size  }
0x9a: {  	s4 =	simm.s32 $_size__tile_overlayer_lowered;
	s5 =	simm.s32 $_tile_overlayer_lowered  }
0x9b: {  	s6 =	simm.s32 $0x1BFF;
	s21 =	sshll.u32 s5, $0x1;
	s3 =	sadd.s32 s20, s19  }
0x9c: {  	s22 =	simm.s32 $0x0;
	s4 =	sshll.u32 s4, $0x1;
	s5 =	sadd.s32 s21, s3  }
0x9d: {  	[timem:s22], [sflag:s6] =	dma.local [hbm:s5], s4  }
0x9e: {  	_ =	swait.ge [sflag:s6], s4  }
0x9f: {  	s4 =	ssub.s32 $0x0, s4;
	[sflag:s6] =	ssyncset.done $0x0  }
0xa0: {  	[sflag:s6] =	ssyncadd.s32 s4;
	_ =	sdelay $0x1  }
0xa1: {  	s23 =	simm.s32 $0x1B8B  }
0xa2: {  	_ =	swait.ge [sflag:s23], $0x1  }
0xa3: {  	[sflag:s23] =	ssyncset.done $0x0  }
0xa4: {  	[sflag:s23] =	ssyncadd.s32 $0xFFFFFFFF  }
0xa5: {  	s4 =	sld [smem:$0x0]  }
0xa6: {  	s5 =	sand.u32 $0xFFFFFFFE, s1  }
0xa7: {  	p0 =	sne.s32 s1, s5  }
0xa8: {  	s5 =	sshll.u32 @p0 s5, $0xE  }
0xa9: {  	s5 =	sadd.s32 @p0 $0x11B8D, s5;
	s6 =	sshll.u32 @p0 s4, $0x11  }
0xaa: {  	s5 =	sor.u32 @p0 s6, s5  }
0xab: {  	[sflag:s5] =	ssyncadd.remote.s32 @p0 $0x1;
	_ =	sdelay $0x1  }
0xac: {  	s5 =	simm.s32 @p0 $0x1B8D  }
0xad: {  	_ =	swait.eq @p0 [sflag:s5], $0x1  }
0xae: {  	[sflag:s5] =	ssyncadd.s32 @p0 $0xFFFFFFFF  }
0xaf: {  	s6 =	sshll.u32 @!p0 s1, $0xE  }
0xb0: {  	s6 =	sor.u32 @!p0 $0x4000, s6;
	s5 =	simm.s32 @!p0 $0x1B8D  }
0xb1: {  	s4 =	sshll.u32 @!p0 s4, $0x11;
	s6 =	sadd.s32 @!p0 $0x11B8D, s6;
	_ =	swait.eq @!p0 [sflag:s5], $0x1  }
0xb2: {  	s4 =	sor.u32 @!p0 s4, s6;
	[sflag:s5] =	ssyncadd.s32 @!p0 $0xFFFFFFFF  }
0xb3: {  	s25 =	simm.s32 $0x1B8E;
	s24 =	sld [smem:$0x3FFE];
	[sflag:s4] =	ssyncadd.remote.s32 @!p0 $0x1  }
0xb4: {  	s26 =	simm.s32 $execute0_lowered;
	[smem:$0x3FD2] =	sst s25  }
0xb5: {  	s5 =	sshll.u32 s26, $0x1;
	_ =	strace $0x80000049;
	[dreg:$0x1] =	wrdreg $0xFFFFFFFF  }
0xb6: {  	s28 =	simm.s32 $_size_execute0_lowered;
	s3 =	sadd.s32 s3, s5;
	[dreg:$0x0] =	wrdreg $0x0  }
0xb7: {  	s5 =	sshll.u32 s28, $0x1;
	[dreg:$0x2] =	wrdreg s3  }
0xb8: {  	[dreg:$0x3] =	wrdreg s5  }
0xb9: {  	[dreg:$0x4] =	wrdreg $0xC0  }
0xba: {  	_ =	task [dreg:s22], $0x5FFFF  }
0xbb: {  	[dreg:$0x1] =	wrdreg $0xFFFFFFFF  }
0xbc: {  	[dreg:$0x0] =	wrdreg $0x60  }
0xbd: {  	[dreg:$0x2] =	wrdreg s24  }
0xbe: {  	[dreg:$0x3] =	wrdreg $0x68000  }
0xbf: {  	[dreg:$0x4] =	wrdreg $0x9  }
0xc0: {  	_ =	task.clear_ibuf [dreg:s22], $0x5FFFF;
	_ =	strace $0x90000049  }
0xc1: {  	s29 =	simm.s32 $0x9;
	_ =	strace $0x8000004B  }
0xc2: {  	_ =	swait.ge [sflag:s29], $0x1  }
0xc3: {  	[sflag:s29] =	ssyncadd.s32 $0xFFFFFFFF  }
0xc4: {  	_ =	strace $0x9000004B  }
0xc5: {  	_ =	sfence  }
0xc6: {  	s30 =	sld [smem:$0x0];
	_ =	sdelay $0x2  }
0xc7: {  	s31 =	sshll.u32 s1, $0xD;
	s1 =	sshrl.u32 s1, $0x2  }
0xc8: {  	s4 =	sand.u32 $0x4000, s31;
	s1 =	sadd.s32 s1, s30  }
0xc9: {  	s0 =	sor.u32 s4, s0;
	s1 =	sshll.u32 s1, $0x11  }
0xca: {  	s0 =	sor.u32 s1, s0  }
0xcb: {  	s0 =	sadd.s32 $0x8F2B, s0  }
0xcc: {  	[sflag:s0] =	ssyncadd.remote.s32 $0x1  }
0xcd: {  	_ =	sfence.sel $0xFFFF  }
0xce: {  	[dreg:$0x0] =	wrdreg $0xFFFFFFFF;
	(pc) =	sbr.abs _section_cstart, $3  }
0xcf: {  	[dreg:$0x1] =	wrdreg $0xFFFFFFFF  }
0xd0: {  	_ =	task.clear_ibuf [dreg:s22], $0x2FFFF;
	_ =	strace $0x9FFFFFFF  }
0xd1: {  	(tm) =	ssettm $0x7FFFFFFF  }
tec
execute0_lowered:
.L_overlay_start_1:
0x0: {  	(tag) =	ssettag $0x1  }
0x1: {  	s4 =	rddreg [dreg:$0x0]  }
0x2: {  	s2 =	rddreg [dreg:$0x1]  }
0x3: {  	s0 =	rddreg [dreg:$0x2];
	s3 =	simm.s32 $0x0  }
0x4: {  	s1 =	stileid.u32;
	s5 =	srdreg.scid;
	s25 =	simm.s32 $0x1  }
0x5: {  	s26 =	simm.s32 $0x0;
	[smem:$0x7FF] =	sst s3;
	s6 =	sshll.u32 s1, $0xB  }
0x6: {  	s9 =	sand.u32 $0x1, s5;
	s7 =	smul.u32 $0x50000, s1;
	s20 =	sadd.s32 $0x6DA00, s4  }
0x7: {  	s12 =	smul.u32 $0x14000, s1;
	_ =	strace $0x8000004A;
	s29 =	sadd.s32 s6, s4  }
0x8: {  	s30 =	ssub.s32 $0x2, s9;
	s8 =	sshll.u32 s9, $0xF;
	s19 =	smul.u32 $0x140000, s9  }
0x9: {  	s31 =	sshrl.u32 s30, $0x1;
	s5 =	sadd.s32 s8, s29;
	s7 =	sshrl.u32 s7, $0x2  }
0xa: {  	s13 =	sor.u32 $0x2800, s12;
	s15 =	sadd.s32 $0x5000, s12;
	s16 =	sadd.s32 $0x7800, s12  }
0xb: {  	s17 =	sadd.s32 $0xA000, s12;
	s18 =	sadd.s32 $0xC800, s12;
	s22 =	sadd.s32 $0xF000, s12  }
0xc: {  	s23 =	sadd.s32 $0x11800, s12;
	s21 =	ssub.s32 s30, s31;
	s4 =	sadd.s32 $0x3C00, s5  }
0xd: {  	s5 =	sadd.s32 s7, s2;
	s6 =	sadd.s32 s13, s2;
	s7 =	sadd.s32 s15, s2  }
0xe: {  	s8 =	sadd.s32 s16, s2;
	s9 =	sadd.s32 s17, s2;
	s10 =	sadd.s32 s18, s2  }
0xf: {  	s11 =	sadd.s32 s22, s2;
	s14 =	sadd.s32 s12, s19;
	s13 =	sadd.s32 s19, s13  }
0x10: {  	s12 =	sadd.s32 s23, s2;
	s15 =	sadd.s32 s19, s15;
	s16 =	sadd.s32 s19, s16  }
0x11: {  	s17 =	sadd.s32 s19, s17;
	s18 =	sadd.s32 s19, s18;
	s22 =	sadd.s32 s19, s22  }
0x12: {  	s19 =	sadd.s32 s19, s23;
	s14 =	sshrl.u32 s14, $0x3;
	s24 =	sshrl.u32 s13, $0x3  }
0x13: {  	s15 =	sshrl.u32 s15, $0x3;
	s16 =	sshrl.u32 s16, $0x3;
	s17 =	sshrl.u32 s17, $0x3  }
0x14: {  	s18 =	sshrl.u32 s18, $0x3;
	s22 =	sshrl.u32 s22, $0x3;
	s23 =	sshrl.u32 s19, $0x3  }
0x15: {  	s21 =	smax.u32 s21, $0x1;
	s13 =	sadd.s32 s20, s14;
	s14 =	sadd.s32 s20, s24  }
0x16: {  	s15 =	sadd.s32 s20, s15;
	s16 =	sadd.s32 s20, s16;
	s17 =	sadd.s32 s20, s17  }
0x17: {  	s18 =	sadd.s32 s20, s18;
	s19 =	sadd.s32 s20, s22;
	s20 =	sadd.s32 s20, s23  }
0x18: {  	v0 =	vimm.f32 $0.0e+00;
	v1 =	vimm.f32 $1.000000000e+00;
	s22 =	simm.s32 $0x2;
	s23 =	simm.s32 $0x4000;
	s24 =	simm.s32 $0x50  }
.LBB2_1:
0x19: {  	[tilespmem:s3], [sflag:$0x2] =	stream.linear.gather [hbm4b:s4+s3], $0x3E80, $0x38;
	[tilespmem:$0x1A800] =	vst v63  }
0x1a: {  	_ =	swait.ge [sflag:s22], $0x3E80  }
0x1b: {  	[sflag:s22] =	ssyncset.done $0x0  }
0x1c: {  	s28 =	simm.s32 $0x0;
	s29 =	simm.s32 $0x200;
	[sflag:s22] =	ssyncadd.s32 $0xFFFFC180  }
.LBB2_2:
0x1d: {  	p0 =	sne.s32 s29, $0x9E00;
	[tilespmem:s28+$0x4070] =	vst v0  }
0x1e: {  	[tilespmem:s28+$0x4000] =	vst v0  }
0x1f: {  	[tilespmem:s28+$0x4010] =	vst v0  }
.Ltmp0:
0x20: {  	[tilespmem:s28+$0x4020] =	vst v0;
	(pc) =	sbr.rel @p0 .LBB2_2-.Ltmp0, $4  }
0x21: {  	[tilespmem:s28+$0x4030] =	vst v0  }
0x22: {  	[tilespmem:s28+$0x4040] =	vst v0  }
0x23: {  	[tilespmem:s28+$0x4050] =	vst v0  }
0x24: {  	[tilespmem:s28+$0x4060] =	vst v0;
	s28 =	sshra.s32 s29, $0x2;
	s29 =	sadd.s32 $0x200, s29  }
0x25: {  	[tilespmem:s28+$0x4070] =	vst v0  }
0x26: {  	[tilespmem:s28+$0x4000] =	vst v0  }
0x27: {  	[tilespmem:s28+$0x4010] =	vst v0  }
0x28: {  	[tilespmem:s28+$0x4020] =	vst v0  }
0x29: {  	[tilespmem:s28+$0x4030] =	vst v0  }
0x2a: {  	[tilespmem:s28+$0x4040] =	vst v0  }
0x2b: {  	[tilespmem:s28+$0x4050] =	vst v0  }
0x2c: {  	[tilespmem:s28+$0x4060] =	vst v0  }
0x2d: {  	[spmem:s5] =	stream.linear.scatter [tilespmem:s23], [sflag:$0x2], $0x2800, $0x38;
	[tilespmem:$0x1A800] =	vst v63  }
0x2e: {  	_ =	swait.ge [sflag:s22], $0x2800  }
0x2f: {  	[sflag:s22] =	ssyncset.done $0x0  }
0x30: {  	[sflag:s22] =	ssyncadd.s32 $0xFFFFD800  }
0x31: {  	[spmem:s6] =	stream.linear.scatter [tilespmem:s23], [sflag:$0x2], $0x2800, $0x38;
	[tilespmem:$0x1A800] =	vst v63  }
0x32: {  	_ =	swait.ge [sflag:s22], $0x2800  }
0x33: {  	[sflag:s22] =	ssyncset.done $0x0  }
0x34: {  	[sflag:s22] =	ssyncadd.s32 $0xFFFFD800  }
0x35: {  	[spmem:s7] =	stream.linear.scatter [tilespmem:s23], [sflag:$0x2], $0x2800, $0x38;
	[tilespmem:$0x1A800] =	vst v63  }
0x36: {  	_ =	swait.ge [sflag:s22], $0x2800  }
0x37: {  	[sflag:s22] =	ssyncset.done $0x0  }
0x38: {  	[sflag:s22] =	ssyncadd.s32 $0xFFFFD800  }
0x39: {  	[spmem:s8] =	stream.linear.scatter [tilespmem:s23], [sflag:$0x2], $0x2800, $0x38;
	[tilespmem:$0x1A800] =	vst v63  }
0x3a: {  	_ =	swait.ge [sflag:s22], $0x2800  }
0x3b: {  	[sflag:s22] =	ssyncset.done $0x0  }
0x3c: {  	[sflag:s22] =	ssyncadd.s32 $0xFFFFD800  }
0x3d: {  	[spmem:s9] =	stream.linear.scatter [tilespmem:s23], [sflag:$0x2], $0x2800, $0x38;
	[tilespmem:$0x1A800] =	vst v63  }
0x3e: {  	_ =	swait.ge [sflag:s22], $0x2800  }
0x3f: {  	[sflag:s22] =	ssyncset.done $0x0  }
0x40: {  	[sflag:s22] =	ssyncadd.s32 $0xFFFFD800  }
0x41: {  	[spmem:s10] =	stream.linear.scatter [tilespmem:s23], [sflag:$0x2], $0x2800, $0x38;
	[tilespmem:$0x1A800] =	vst v63  }
0x42: {  	_ =	swait.ge [sflag:s22], $0x2800  }
0x43: {  	[sflag:s22] =	ssyncset.done $0x0  }
0x44: {  	[sflag:s22] =	ssyncadd.s32 $0xFFFFD800  }
0x45: {  	[spmem:s11] =	stream.linear.scatter [tilespmem:s23], [sflag:$0x2], $0x2800, $0x38;
	[tilespmem:$0x1A800] =	vst v63  }
0x46: {  	_ =	swait.ge [sflag:s22], $0x2800  }
0x47: {  	[sflag:s22] =	ssyncset.done $0x0  }
0x48: {  	[sflag:s22] =	ssyncadd.s32 $0xFFFFD800  }
0x49: {  	[spmem:s12] =	stream.linear.scatter [tilespmem:s23], [sflag:$0x2], $0x2800, $0x38;
	[tilespmem:$0x1A800] =	vst v63  }
0x4a: {  	_ =	swait.ge [sflag:s22], $0x2800  }
0x4b: {  	[sflag:s22] =	ssyncset.done $0x0  }
0x4c: {  	s28 =	simm.s32 $0x0;
	s29 =	simm.s32 $0x200;
	[sflag:s22] =	ssyncadd.s32 $0xFFFFD800  }
.LBB2_4:
0x4d: {  	p0 =	sne.s32 s29, $0x9E00;
	[tilespmem:s28+$0x4070] =	vst v1  }
0x4e: {  	[tilespmem:s28+$0x4000] =	vst v1  }
0x4f: {  	[tilespmem:s28+$0x4010] =	vst v1  }
.Ltmp1:
0x50: {  	[tilespmem:s28+$0x4020] =	vst v1;
	(pc) =	sbr.rel @p0 .LBB2_4-.Ltmp1, $4  }
0x51: {  	[tilespmem:s28+$0x4030] =	vst v1  }
0x52: {  	[tilespmem:s28+$0x4040] =	vst v1  }
0x53: {  	[tilespmem:s28+$0x4050] =	vst v1  }
0x54: {  	[tilespmem:s28+$0x4060] =	vst v1;
	s28 =	sshra.s32 s29, $0x2;
	s29 =	sadd.s32 $0x200, s29  }
0x55: {  	[tilespmem:s28+$0x4070] =	vst v1  }
0x56: {  	[tilespmem:s28+$0x4000] =	vst v1  }
0x57: {  	[tilespmem:s28+$0x4010] =	vst v1  }
0x58: {  	[tilespmem:s28+$0x4020] =	vst v1  }
0x59: {  	[tilespmem:s28+$0x4030] =	vst v1  }
0x5a: {  	[tilespmem:s28+$0x4040] =	vst v1  }
0x5b: {  	[tilespmem:s28+$0x4050] =	vst v1  }
0x5c: {  	[tilespmem:s28+$0x4060] =	vst v1  }
0x5d: {  	s28 =	simm.s32 $0x0;
	[bflag:$0x0] =	sbarrier.arrive $0xFFFF  }
0x5e: {  	[spmem:s2] =	stream.indirect.scatter.add.f32 [tilespmem:s23], [sflag:$0x1], $0x80, s28, s24, $0xb8;
	[tilespmem:$0x1A800] =	vst v63  }
0x5f: {  	s28 =	simm.s32 $0x80  }
0x60: {  	[spmem:s2] =	stream.indirect.scatter.add.f32 [tilespmem:s23], [sflag:$0x1], $0x80, s28, s24, $0xb8;
	[tilespmem:$0x1A800] =	vst v63  }
0x61: {  	s28 =	simm.s32 $0x100  }
0x62: {  	[spmem:s2] =	stream.indirect.scatter.add.f32 [tilespmem:s23], [sflag:$0x1], $0x80, s28, s24, $0xb8;
	[tilespmem:$0x1A800] =	vst v63  }
0x63: {  	s28 =	simm.s32 $0x180  }
0x64: {  	[spmem:s2] =	stream.indirect.scatter.add.f32 [tilespmem:s23], [sflag:$0x1], $0x80, s28, s24, $0xb8;
	[tilespmem:$0x1A800] =	vst v63  }
0x65: {  	s28 =	simm.s32 $0x200  }
0x66: {  	[spmem:s2] =	stream.indirect.scatter.add.f32 [tilespmem:s23], [sflag:$0x1], $0x80, s28, s24, $0xb8;
	[tilespmem:$0x1A800] =	vst v63  }
0x67: {  	_ =	swait.ge [sflag:s25], $0x2800  }
0x68: {  	[sflag:s25] =	ssyncset.done $0x0  }
0x69: {  	[sflag:s25] =	ssyncadd.s32 $0xFFFFD800  }
0x6a: {  	_ =	swait.ge [sflag:s25], $0x2800  }
0x6b: {  	[sflag:s25] =	ssyncset.done $0x0  }
0x6c: {  	[sflag:s25] =	ssyncadd.s32 $0xFFFFD800  }
0x6d: {  	_ =	swait.ge [sflag:s25], $0x2800  }
0x6e: {  	[sflag:s25] =	ssyncset.done $0x0  }
0x6f: {  	[sflag:s25] =	ssyncadd.s32 $0xFFFFD800  }
0x70: {  	_ =	swait.ge [sflag:s25], $0x2800  }
0x71: {  	[sflag:s25] =	ssyncset.done $0x0  }
0x72: {  	[sflag:s25] =	ssyncadd.s32 $0xFFFFD800  }
0x73: {  	_ =	swait.ge [sflag:s25], $0x2800  }
0x74: {  	s29 =	simm.s32 $0x1400;
	s28 =	simm.s32 $0xA00;
	[sflag:s25] =	ssyncset.done $0x0  }
.LBB2_6:
0x75: {  	s30 =	sshra.s32 s28, $0x2  }
0x76: {  	[sflag:s25] =	ssyncadd.s32 $0xFFFFD800;
	s28 =	smov.u32 s29;
	s31 =	sadd.s32 $0xA00, s29  }
0x77: {  	[spmem:s2] =	stream.indirect.scatter.add.f32 [tilespmem:s23], [sflag:$0x1], $0x80, s30, s24, $0xb8;
	[tilespmem:$0x1A800] =	vst v63  }
0x78: {  	p0 =	sne.s32 s29, $0xF000;
	s29 =	sadd.s32 $0x80, s30  }
0x79: {  	[spmem:s2] =	stream.indirect.scatter.add.f32 [tilespmem:s23], [sflag:$0x1], $0x80, s29, s24, $0xb8;
	[tilespmem:$0x1A800] =	vst v63  }
0x7a: {  	s29 =	sadd.s32 $0x100, s30  }
0x7b: {  	[spmem:s2] =	stream.indirect.scatter.add.f32 [tilespmem:s23], [sflag:$0x1], $0x80, s29, s24, $0xb8;
	[tilespmem:$0x1A800] =	vst v63  }
0x7c: {  	s29 =	sadd.s32 $0x180, s30  }
0x7d: {  	[spmem:s2] =	stream.indirect.scatter.add.f32 [tilespmem:s23], [sflag:$0x1], $0x80, s29, s24, $0xb8;
	[tilespmem:$0x1A800] =	vst v63  }
0x7e: {  	s29 =	sadd.s32 $0x200, s30  }
0x7f: {  	[spmem:s2] =	stream.indirect.scatter.add.f32 [tilespmem:s23], [sflag:$0x1], $0x80, s29, s24, $0xb8;
	[tilespmem:$0x1A800] =	vst v63  }
0x80: {  	_ =	swait.ge [sflag:s25], $0x2800  }
0x81: {  	[sflag:s25] =	ssyncset.done $0x0  }
0x82: {  	[sflag:s25] =	ssyncadd.s32 $0xFFFFD800  }
0x83: {  	_ =	swait.ge [sflag:s25], $0x2800  }
0x84: {  	[sflag:s25] =	ssyncset.done $0x0  }
0x85: {  	[sflag:s25] =	ssyncadd.s32 $0xFFFFD800  }
0x86: {  	_ =	swait.ge [sflag:s25], $0x2800  }
0x87: {  	[sflag:s25] =	ssyncset.done $0x0  }
0x88: {  	[sflag:s25] =	ssyncadd.s32 $0xFFFFD800  }
.Ltmp2:
0x89: {  	_ =	swait.ge [sflag:s25], $0x2800;
	(pc) =	sbr.rel @p0 .LBB2_6-.Ltmp2, $4  }
0x8a: {  	[sflag:s25] =	ssyncset.done $0x0  }
0x8b: {  	[sflag:s25] =	ssyncadd.s32 $0xFFFFD800  }
0x8c: {  	_ =	swait.ge [sflag:s25], $0x2800  }
0x8d: {  	s29 =	smov.u32 s31;
	[sflag:s25] =	ssyncset.done $0x0  }
0x8e: {  	s28 =	sshra.s32 s28, $0x2;
	[sflag:s25] =	ssyncadd.s32 $0xFFFFD800  }
0x8f: {  	[spmem:s2] =	stream.indirect.scatter.add.f32 [tilespmem:s23], [sflag:$0x1], $0x80, s28, s24, $0xb8;
	[tilespmem:$0x1A800] =	vst v63  }
0x90: {  	s29 =	sadd.s32 $0x80, s28  }
0x91: {  	[spmem:s2] =	stream.indirect.scatter.add.f32 [tilespmem:s23], [sflag:$0x1], $0x80, s29, s24, $0xb8;
	[tilespmem:$0x1A800] =	vst v63  }
0x92: {  	s30 =	sadd.s32 $0x100, s28  }
0x93: {  	[spmem:s2] =	stream.indirect.scatter.add.f32 [tilespmem:s23], [sflag:$0x1], $0x80, s30, s24, $0xb8;
	[tilespmem:$0x1A800] =	vst v63  }
0x94: {  	s31 =	sadd.s32 $0x180, s28  }
0x95: {  	[spmem:s2] =	stream.indirect.scatter.add.f32 [tilespmem:s23], [sflag:$0x1], $0x80, s31, s24, $0xb8;
	[tilespmem:$0x1A800] =	vst v63  }
0x96: {  	s28 =	sadd.s32 $0x200, s28  }
0x97: {  	[spmem:s2] =	stream.indirect.scatter.add.f32 [tilespmem:s23], [sflag:$0x1], $0x80, s28, s24, $0xb8;
	[tilespmem:$0x1A800] =	vst v63  }
0x98: {  	_ =	swait.ge [sflag:s25], $0x2800  }
0x99: {  	[sflag:s25] =	ssyncset.done $0x0  }
0x9a: {  	[sflag:s25] =	ssyncadd.s32 $0xFFFFD800  }
0x9b: {  	_ =	swait.ge [sflag:s25], $0x2800  }
0x9c: {  	[sflag:s25] =	ssyncset.done $0x0  }
0x9d: {  	[sflag:s25] =	ssyncadd.s32 $0xFFFFD800  }
0x9e: {  	_ =	swait.ge [sflag:s25], $0x2800  }
0x9f: {  	[sflag:s25] =	ssyncset.done $0x0  }
0xa0: {  	[sflag:s25] =	ssyncadd.s32 $0xFFFFD800  }
0xa1: {  	_ =	swait.ge [sflag:s25], $0x2800  }
0xa2: {  	[sflag:s25] =	ssyncset.done $0x0  }
0xa3: {  	[sflag:s25] =	ssyncadd.s32 $0xFFFFD800  }
0xa4: {  	_ =	swait.ge [sflag:s25], $0x2800  }
0xa5: {  	[sflag:s25] =	ssyncset.done $0x0  }
0xa6: {  	[sflag:s25] =	ssyncadd.s32 $0xFFFFD800  }
0xa7: {  	[bflag:$0x0] =	sbarrier.arrive $0xFFFF  }
0xa8: {  	[tilespmem:s23], [sflag:$0x2] =	stream.linear.gather [spmem:s5], $0x2800, $0x38;
	[tilespmem:$0x1A800] =	vst v63  }
0xa9: {  	_ =	swait.ge [sflag:s22], $0x2800  }
0xaa: {  	[sflag:s22] =	ssyncset.done $0x0  }
0xab: {  	[sflag:s22] =	ssyncadd.s32 $0xFFFFD800  }
0xac: {  	[hbm4b:s13+s3] =	stream.linear.scatter [tilespmem:s23], [sflag:$0x2], $0x2800, $0x38;
	[tilespmem:$0x1A800] =	vst v63  }
0xad: {  	_ =	swait.ge [sflag:s22], $0x2800  }
0xae: {  	[sflag:s22] =	ssyncset.done $0x0  }
0xaf: {  	[sflag:s22] =	ssyncadd.s32 $0xFFFFD800  }
0xb0: {  	[tilespmem:s23], [sflag:$0x2] =	stream.linear.gather [spmem:s6], $0x2800, $0x38;
	[tilespmem:$0x1A800] =	vst v63  }
0xb1: {  	_ =	swait.ge [sflag:s22], $0x2800  }
0xb2: {  	[sflag:s22] =	ssyncset.done $0x0  }
0xb3: {  	[sflag:s22] =	ssyncadd.s32 $0xFFFFD800  }
0xb4: {  	[hbm4b:s14+s3] =	stream.linear.scatter [tilespmem:s23], [sflag:$0x2], $0x2800, $0x38;
	[tilespmem:$0x1A800] =	vst v63  }
0xb5: {  	_ =	swait.ge [sflag:s22], $0x2800  }
0xb6: {  	[sflag:s22] =	ssyncset.done $0x0  }
0xb7: {  	[sflag:s22] =	ssyncadd.s32 $0xFFFFD800  }
0xb8: {  	[tilespmem:s23], [sflag:$0x2] =	stream.linear.gather [spmem:s7], $0x2800, $0x38;
	[tilespmem:$0x1A800] =	vst v63  }
0xb9: {  	_ =	swait.ge [sflag:s22], $0x2800  }
0xba: {  	[sflag:s22] =	ssyncset.done $0x0  }
0xbb: {  	[sflag:s22] =	ssyncadd.s32 $0xFFFFD800  }
0xbc: {  	[hbm4b:s15+s3] =	stream.linear.scatter [tilespmem:s23], [sflag:$0x2], $0x2800, $0x38;
	[tilespmem:$0x1A800] =	vst v63  }
0xbd: {  	_ =	swait.ge [sflag:s22], $0x2800  }
0xbe: {  	[sflag:s22] =	ssyncset.done $0x0  }
0xbf: {  	[sflag:s22] =	ssyncadd.s32 $0xFFFFD800  }
0xc0: {  	[tilespmem:s23], [sflag:$0x2] =	stream.linear.gather [spmem:s8], $0x2800, $0x38;
	[tilespmem:$0x1A800] =	vst v63  }
0xc1: {  	_ =	swait.ge [sflag:s22], $0x2800  }
0xc2: {  	[sflag:s22] =	ssyncset.done $0x0  }
0xc3: {  	[sflag:s22] =	ssyncadd.s32 $0xFFFFD800  }
0xc4: {  	[hbm4b:s16+s3] =	stream.linear.scatter [tilespmem:s23], [sflag:$0x2], $0x2800, $0x38;
	[tilespmem:$0x1A800] =	vst v63  }
0xc5: {  	_ =	swait.ge [sflag:s22], $0x2800  }
0xc6: {  	[sflag:s22] =	ssyncset.done $0x0  }
0xc7: {  	[sflag:s22] =	ssyncadd.s32 $0xFFFFD800  }
0xc8: {  	[tilespmem:s23], [sflag:$0x2] =	stream.linear.gather [spmem:s9], $0x2800, $0x38;
	[tilespmem:$0x1A800] =	vst v63  }
0xc9: {  	_ =	swait.ge [sflag:s22], $0x2800  }
0xca: {  	[sflag:s22] =	ssyncset.done $0x0  }
0xcb: {  	[sflag:s22] =	ssyncadd.s32 $0xFFFFD800  }
0xcc: {  	[hbm4b:s17+s3] =	stream.linear.scatter [tilespmem:s23], [sflag:$0x2], $0x2800, $0x38;
	[tilespmem:$0x1A800] =	vst v63  }
0xcd: {  	_ =	swait.ge [sflag:s22], $0x2800  }
0xce: {  	[sflag:s22] =	ssyncset.done $0x0  }
0xcf: {  	[sflag:s22] =	ssyncadd.s32 $0xFFFFD800  }
0xd0: {  	[tilespmem:s23], [sflag:$0x2] =	stream.linear.gather [spmem:s10], $0x2800, $0x38;
	[tilespmem:$0x1A800] =	vst v63  }
0xd1: {  	_ =	swait.ge [sflag:s22], $0x2800  }
0xd2: {  	[sflag:s22] =	ssyncset.done $0x0  }
0xd3: {  	[sflag:s22] =	ssyncadd.s32 $0xFFFFD800  }
0xd4: {  	[hbm4b:s18+s3] =	stream.linear.scatter [tilespmem:s23], [sflag:$0x2], $0x2800, $0x38;
	[tilespmem:$0x1A800] =	vst v63  }
0xd5: {  	_ =	swait.ge [sflag:s22], $0x2800  }
0xd6: {  	[sflag:s22] =	ssyncset.done $0x0  }
0xd7: {  	[sflag:s22] =	ssyncadd.s32 $0xFFFFD800  }
0xd8: {  	[tilespmem:s23], [sflag:$0x2] =	stream.linear.gather [spmem:s11], $0x2800, $0x38;
	[tilespmem:$0x1A800] =	vst v63  }
0xd9: {  	_ =	swait.ge [sflag:s22], $0x2800  }
0xda: {  	[sflag:s22] =	ssyncset.done $0x0  }
0xdb: {  	[sflag:s22] =	ssyncadd.s32 $0xFFFFD800  }
0xdc: {  	[hbm4b:s19+s3] =	stream.linear.scatter [tilespmem:s23], [sflag:$0x2], $0x2800, $0x38;
	[tilespmem:$0x1A800] =	vst v63  }
0xdd: {  	_ =	swait.ge [sflag:s22], $0x2800  }
0xde: {  	[sflag:s22] =	ssyncset.done $0x0  }
0xdf: {  	[sflag:s22] =	ssyncadd.s32 $0xFFFFD800  }
0xe0: {  	[tilespmem:s23], [sflag:$0x2] =	stream.linear.gather [spmem:s12], $0x2800, $0x38;
	[tilespmem:$0x1A800] =	vst v63  }
0xe1: {  	s26 =	sadd.s32 $0x1, s26;
	_ =	swait.ge [sflag:s22], $0x2800  }
0xe2: {  	p0 =	sne.s32 s26, s21;
	[sflag:s22] =	ssyncset.done $0x0  }
.Ltmp3:
0xe3: {  	[sflag:s22] =	ssyncadd.s32 $0xFFFFD800;
	(pc) =	sbr.rel @p0 .LBB2_1-.Ltmp3, $4  }
0xe4: {  	[hbm4b:s20+s3] =	stream.linear.scatter [tilespmem:s23], [sflag:$0x2], $0x2800, $0x38;
	[tilespmem:$0x1A800] =	vst v63  }
0xe5: {  	_ =	swait.ge [sflag:s22], $0x2800  }
0xe6: {  	[sflag:s22] =	ssyncset.done $0x0  }
0xe7: {  	[sflag:s22] =	ssyncadd.s32 $0xFFFFD800  }
0xe8: {  	_ =	sfence.sel $0x180000  }
0xe9: {  	[bflag:$0x0] =	sbarrier.arrive $0xFFFF  }
0xea: {  	p0 =	sne.s32 s1, $0x0;
	_ =	strace $0x9000004A  }
0xeb: {  	s0 =	sadd.s32 @!p0 $0x100000, s0;
	[bflag:$0x2] =	sbarrier.arrive $0xFFFF  }
0xec: {  	[sflag:s0] =	ssyncadd.tile.s32 @!p0 $0x1;
	_ =	shalt  }
.Lfunc_end2:
_tile_overlayer_lowered:
.L_overlay_start_2:
0xed: {  	(tag) =	ssettag $0x2  }
0xee: {  	s0 =	rddreg [dreg:$0x0];
	s2 =	stileid.u32  }
0xef: {  	s1 =	rddreg [dreg:$0x1];
	p0 =	sne.s32 s2, $0x0  }
0xf0: {  	s3 =	rddreg [dreg:$0x2];
	[bflag:$0x3] =	sbarrier.arrive $0xFFFF;
	s2 =	simm.s32 @!p0 $0x1C02  }
0xf1: {  	[timem:s3], [sflag:s2] =	dma.local @!p0 [hbm:s0], s1  }
0xf2: {  	s0 =	simm.s32 @!p0 $0x2  }
0xf3: {  	_ =	swait.ge @!p0 [sflag:s0], s1  }
0xf4: {  	s1 =	ssub.s32 @!p0 $0x0, s1;
	[sflag:s0] =	ssyncset.done @!p0 $0x0  }
0xf5: {  	[sflag:s0] =	ssyncadd.s32 @!p0 s1  }
0xf6: {  	[bflag:$0x3] =	sbarrier.arrive $0xFFFF  }
0xf7: {  	_ =	shalt  }

// kernel: kernel.15.cloned.1.call-start
scs
__scs_entry_jumppad:
0x0: {  	(pc) =	sbr.rel $0x88, $3  }
0x1: {  	(tag) =	ssettag $0x0;
	lr =	simm.s32 $0x1  }
0x2: {  	[smem:$0x3F94] =	sst lr;
	_ =	strace $0xD0000000  }
0x3: {  	_ = 	snop  }
0x4: {  	_ = 	snop  }
0x5: {  	_ = 	snop  }
0x6: {  	_ = 	snop  }
0x7: {  	_ = 	snop  }
__scs_overlays_trampoline_lowered:
0x8: {  	[smem:$0x3FA3] =	sst s0  }
0x9: {  	[smem:$0x3FA4] =	sst s1  }
0xa: {  	[smem:$0x3FA5] =	sst s2  }
0xb: {  	[smem:$0x3FA6] =	sst s3  }
0xc: {  	[smem:$0x3FA7] =	sst s4  }
0xd: {  	[smem:$0x3FA8] =	sst s5  }
0xe: {  	[smem:$0x3FA9] =	sst s6  }
0xf: {  	[smem:$0x3FAA] =	sst s7  }
0x10: {  	[smem:$0x3FAB] =	sst s8  }
0x11: {  	[smem:$0x3FAC] =	sst s9;
	s0 =	simm.s32 @!p0 $0x0  }
0x12: {  	s1 =	sld [smem:$0x3F92];
	s0 =	simm.s32 @p0 $0x1  }
0x13: {  	[smem:$0x3FAD] =	sst s0;
	s0 =	simm.s32 @!p1 $0x0  }
0x14: {  	s2 =	sld [smem:$0x3F91];
	s0 =	simm.s32 @p1 $0x1  }
0x15: {  	[smem:$0x3FAE] =	sst s0;
	s0 =	simm.s32 @!p2 $0x0  }
0x16: {  	s3 =	sld [smem:$0x3FDB];
	s0 =	simm.s32 @p2 $0x1  }
0x17: {  	s4 =	simm.s32 $0x1BF5;
	[smem:$0x3FB0] =	sst s0  }
0x18: {  	s0 =	sld [smem:$0x3F93];
	_ =	swait.ge [sflag:s4], $0x0  }
0x19: {  	s7 =	sld [smem:$0x3F94]  }
0x1a: {  	s8 =	sadd.s32 $0xFFFFE003, lr  }
0x1b: {  	s9 =	sadd.s32 $0xFFFFFEF7, lr;
	s5 =	simm.s32 $0xFFFFFFFF;
	p2 =	slt.u32 s8, $0xFFFFF086  }
0x1c: {  	p1 =	slt.u32 s9, $0xF7A;
	s5 =	simm.s32 @!p2 $0x0  }
0x1d: {  	s5 =	simm.s32 @p1 $0x1;
	p0 =	seq.s32 s7, s2  }
0x1e: {  	s7 =	smul.u32 @!p0 $0xF7A, s2;
	p2 =	seq.s32 @!p0 s5, $0x0  }
0x1f: {  	s9 =	smul.u32 $0xF7A, s1;
	s8 =	simm.s32 @!p0 $0x1BF5;
	p2 =	por !p2, p0  }
0x20: {  	[sflag:s8] =	ssyncset.s32 @!p0 $0xFFFFF086;
	s6 =	sadd.s32 @!p0 s3, s7;
	s7 =	simm.s32 @!p0 $0x108  }
0x21: {  	s3 =	sadd.s32 s3, s9;
	s6 =	sadd.s32 @!p0 $0x88, s6;
	s7 =	simm.s32 @p2 $0x1082  }
0x22: {  	[simem:s7], [sflag:s8] =	dma.local @!p0 [hbm:s6], $0xF7A  }
0x23: {  	s9 =	sor.u32 $0xD0000000, s2;
	s6 =	simm.s32 $0x108;
	_ =	swait.ge @!p0 [sflag:s8], $0x0  }
0x24: {  	s3 =	sadd.s32 $0x88, s3;
	s6 =	simm.s32 @!p1 $0x1082;
	[sflag:s4] =	ssyncset.s32 $0xFFFFF086  }
0x25: {  	[simem:s6], [sflag:s4] =	dma.local [hbm:s3], $0xF7A  }
0x26: {  	[smem:$0x3F94] =	sst s1;
	(tag) =	ssettag s2;
	_ =	strace s9  }
0x27: {  	s1 =	sld [smem:$0x3FA4]  }
0x28: {  	s2 =	sld [smem:$0x3FA5]  }
0x29: {  	s4 =	sld [smem:$0x3FA7]  }
0x2a: {  	p0 =	seq.s32 s5, $0x0;
	s5 =	sld [smem:$0x3FA8]  }
0x2b: {  	s6 =	sld [smem:$0x3FA9]  }
0x2c: {  	s7 =	sld [smem:$0x3FAA]  }
0x2d: {  	s3 =	simm.s32 $0x108;
	s8 =	sld [smem:$0x3FAB]  }
0x2e: {  	s3 =	simm.s32 @!p0 $0x1082;
	s9 =	sld [smem:$0x3FAC]  }
0x2f: {  	lr =	sadd.s32 s0, s3;
	s0 =	sld [smem:$0x3FA3]  }
0x30: {  	s3 =	sld [smem:$0x3FA6]  }
0x31: {  	[smem:$0x3FAF] =	sst s10  }
0x32: {  	s10 =	sld [smem:$0x3FAD];
	_ =	sdelay $0x3  }
0x33: {  	p0 =	seq.s32 s10, $0x1;
	s10 =	sld [smem:$0x3FAF];
	_ =	sdelay $0x3  }
0x34: {  	[smem:$0x3FAF] =	sst s10  }
0x35: {  	s10 =	sld [smem:$0x3FAE];
	_ =	sdelay $0x3  }
0x36: {  	p1 =	seq.s32 s10, $0x1;
	s10 =	sld [smem:$0x3FAF];
	_ =	sdelay $0x3  }
0x37: {  	[smem:$0x3FAF] =	sst s10  }
0x38: {  	s10 =	sld [smem:$0x3FB0]  }
0x39: {  	_ = 	snop;
	(pc) =	sbr.ind lr, $3  }
0x3a: {  	_ = 	snop  }
0x3b: {  	_ = 	snop  }
0x3c: {  	p2 =	seq.s32 s10, $0x1;
	s10 =	sld [smem:$0x3FAF]  }
0x3d: {  	_ =	shalt  }
0x3e: {  	_ =	shalt  }
0x3f: {  	_ =	shalt  }
0x40: {  	_ =	shalt  }
0x41: {  	_ =	shalt  }
0x42: {  	_ =	shalt  }
0x43: {  	_ =	shalt  }
0x44: {  	_ =	shalt  }
0x45: {  	_ =	shalt  }
0x46: {  	_ =	shalt  }
0x47: {  	_ =	shalt  }
0x48: {  	_ =	shalt  }
0x49: {  	_ =	shalt  }
0x4a: {  	_ =	shalt  }
0x4b: {  	_ =	shalt  }
0x4c: {  	_ =	shalt  }
0x4d: {  	_ =	shalt  }
0x4e: {  	_ =	shalt  }
0x4f: {  	_ =	shalt  }
0x50: {  	_ =	shalt  }
0x51: {  	_ =	shalt  }
0x52: {  	_ =	shalt  }
0x53: {  	_ =	shalt  }
0x54: {  	_ =	shalt  }
0x55: {  	_ =	shalt  }
0x56: {  	_ =	shalt  }
0x57: {  	_ =	shalt  }
0x58: {  	_ =	shalt  }
0x59: {  	_ =	shalt  }
0x5a: {  	_ =	shalt  }
0x5b: {  	_ =	shalt  }
0x5c: {  	_ =	shalt  }
0x5d: {  	_ =	shalt  }
0x5e: {  	_ =	shalt  }
0x5f: {  	_ =	shalt  }
0x60: {  	_ =	shalt  }
0x61: {  	_ =	shalt  }
0x62: {  	_ =	shalt  }
0x63: {  	_ =	shalt  }
0x64: {  	_ =	shalt  }
0x65: {  	_ =	shalt  }
0x66: {  	_ =	shalt  }
0x67: {  	_ =	shalt  }
0x68: {  	_ =	shalt  }
0x69: {  	_ =	shalt  }
0x6a: {  	_ =	shalt  }
0x6b: {  	_ =	shalt  }
0x6c: {  	_ =	shalt  }
0x6d: {  	_ =	shalt  }
0x6e: {  	_ =	shalt  }
0x6f: {  	_ =	shalt  }
0x70: {  	_ =	shalt  }
0x71: {  	_ =	shalt  }
0x72: {  	_ =	shalt  }
0x73: {  	_ =	shalt  }
0x74: {  	_ =	shalt  }
0x75: {  	_ =	shalt  }
0x76: {  	_ =	shalt  }
0x77: {  	_ =	shalt  }
0x78: {  	_ =	shalt  }
0x79: {  	_ =	shalt  }
0x7a: {  	_ =	shalt  }
0x7b: {  	_ =	shalt  }
0x7c: {  	_ =	shalt  }
0x7d: {  	_ =	shalt  }
0x7e: {  	_ =	shalt  }
0x7f: {  	_ =	shalt  }
0x80: {  	_ =	shalt  }
0x81: {  	_ =	shalt  }
0x82: {  	_ =	shalt  }
0x83: {  	_ =	shalt  }
0x84: {  	_ =	shalt  }
0x85: {  	_ =	shalt  }
0x86: {  	_ =	shalt  }
0x87: {  	_ =	shalt  }
.Lfunc_end0:
.L_simem_size_0:
called_computation.1_lowered:
.L_overlay_start_0:
0x88: {  	s2 =	sld [smem:$0x3FD9]  }
0x89: {  	s3 =	sld [smem:$0x3FFE];
	_ =	sdelay $0x1  }
0x8a: {  	s1 =	srdreg.scid  }
0x8b: {  	s0 =	sand.u32 $0x1, s1  }
0x8c: {  	s17 =	sshll.u32 s0, $0xA;
	s2 =	sadd.s32 s3, s2  }
0x8d: {  	s2 =	sadd.s32 s2, s17  }
0x8e: {  	[smem:$0x3FBB] =	sst s2  }
0x8f: {  	_ = 	snop  }
0x90: {  	s2 =	sld [smem:$0x3FC9];
	(tm) =	ssettm $0x1  }
0x91: {  	s18 =	sld [smem:$0x3FFB];
	_ =	sdelay $0x3  }
0x92: {  	_ =	strace s18  }
0x93: {  	s3 =	sld [smem:$0x3FFC];
	_ =	sdelay $0x3  }
0x94: {  	_ =	strace s3  }
0x95: {  	s3 =	sld [smem:$0x3FFD];
	_ =	sdelay $0x3  }
0x96: {  	_ =	strace s3  }
0x97: {  	_ =	strace $0x8FFFFFFF  }
0x98: {  	s19 =	sld [smem:$0x3FDB];
	_ =	sdelay $0x1  }
0x99: {  	s4 =	simm.s32 $_scs_section_size  }
0x9a: {  	s5 =	simm.s32 $_size__tile_overlayer_lowered;
	s6 =	simm.s32 $_tile_overlayer_lowered  }
0x9b: {  	s22 =	simm.s32 $0x1BFF;
	s21 =	sshll.u32 s6, $0x1;
	s3 =	sadd.s32 s4, s19  }
0x9c: {  	s7 =	simm.s32 $0x0;
	s20 =	sshll.u32 s5, $0x1;
	s5 =	sadd.s32 s21, s3  }
0x9d: {  	[timem:s7], [sflag:s22] =	dma.local [hbm:s5], s20  }
0x9e: {  	_ =	swait.ge [sflag:s22], s20  }
0x9f: {  	s4 =	ssub.s32 $0x0, s20;
	[sflag:s22] =	ssyncset.done $0x0  }
0xa0: {  	[sflag:s22] =	ssyncadd.s32 s4;
	_ =	sdelay $0x1  }
0xa1: {  	s23 =	simm.s32 $0x1B8B  }
0xa2: {  	_ =	swait.ge [sflag:s23], $0x1  }
0xa3: {  	[sflag:s23] =	ssyncset.done $0x0  }
0xa4: {  	s25 =	simm.s32 $0x1B8E;
	s24 =	sld [smem:$0x3FFE];
	[sflag:s23] =	ssyncadd.s32 $0xFFFFFFFF  }
0xa5: {  	s26 =	simm.s32 $execute0_lowered;
	[smem:$0x3FD2] =	sst s25  }
0xa6: {  	s5 =	sshll.u32 s26, $0x1;
	_ =	strace $0x80000046;
	[dreg:$0x1] =	wrdreg $0xFFFFFFFF  }
0xa7: {  	s28 =	simm.s32 $_size_execute0_lowered;
	s3 =	sadd.s32 s3, s5;
	[dreg:$0x0] =	wrdreg $0x0  }
0xa8: {  	s5 =	sshll.u32 s28, $0x1;
	[dreg:$0x2] =	wrdreg s3  }
0xa9: {  	[dreg:$0x3] =	wrdreg s5  }
0xaa: {  	[dreg:$0x4] =	wrdreg $0xC0  }
0xab: {  	_ =	task [dreg:s7], $0x5FFFF  }
0xac: {  	[dreg:$0x1] =	wrdreg $0xFFFFFFFF  }
0xad: {  	[dreg:$0x0] =	wrdreg $0x60  }
0xae: {  	[dreg:$0x2] =	wrdreg s2  }
0xaf: {  	[dreg:$0x3] =	wrdreg s24  }
0xb0: {  	[dreg:$0x4] =	wrdreg $0xB7800  }
0xb1: {  	[dreg:$0x5] =	wrdreg $0xA  }
0xb2: {  	_ =	task.clear_ibuf [dreg:s7], $0x6FFFF;
	_ =	strace $0x90000046  }
0xb3: {  	s29 =	simm.s32 $0xA;
	_ =	strace $0x80000048  }
0xb4: {  	_ =	swait.ge [sflag:s29], $0x1  }
0xb5: {  	[sflag:s29] =	ssyncadd.s32 $0xFFFFFFFF  }
0xb6: {  	_ =	strace $0x90000048  }
0xb7: {  	_ =	sfence  }
0xb8: {  	s30 =	sld [smem:$0x0];
	_ =	sdelay $0x2  }
0xb9: {  	s31 =	sshll.u32 s1, $0xD;
	s1 =	sshrl.u32 s1, $0x2  }
0xba: {  	s3 =	sand.u32 $0x4000, s31;
	s1 =	sadd.s32 s1, s30  }
0xbb: {  	s0 =	sor.u32 s3, s0;
	s1 =	sshll.u32 s1, $0x11  }
0xbc: {  	s0 =	sor.u32 s1, s0  }
0xbd: {  	s0 =	sadd.s32 $0x8F2B, s0  }
0xbe: {  	[sflag:s0] =	ssyncadd.remote.s32 $0x1  }
0xbf: {  	_ =	sfence.sel $0xFFFF  }
0xc0: {  	[dreg:$0x0] =	wrdreg $0xFFFFFFFF;
	(pc) =	sbr.abs _section_cstart, $3  }
0xc1: {  	[dreg:$0x1] =	wrdreg $0xFFFFFFFF  }
0xc2: {  	_ =	task.clear_ibuf [dreg:s7], $0x2FFFF;
	_ =	strace $0x9FFFFFFF  }
0xc3: {  	(tm) =	ssettm $0x7FFFFFFF  }
tec
execute0_lowered:
.L_overlay_start_1:
0x0: {  	(tag) =	ssettag $0x1  }
0x1: {  	s0 =	srdreg.scid  }
0x2: {  	s9 =	stileid.u32;
	s5 =	rddreg [dreg:$0x1];
	s29 =	simm.s32 $0x6780  }
0x3: {  	s30 =	simm.s32 $0x50;
	s31 =	simm.s32 $0x1;
	s0 =	sand.u32 $0x1, s0  }
0x4: {  	s4 =	sshll.u32 s9, $0x7;
	s8 =	smul.u32 $0x50000, s9;
	s22 =	sadd.s32 $0x1DA00, s5  }
0x5: {  	s14 =	smul.u32 $0x14000, s9;
	s1 =	sshll.u32 s0, $0x4;
	s7 =	sand.u32 $0x380, s4  }
0x6: {  	s4 =	simm.s32 $0x0;
	s2 =	sor.u32 s9, s1;
	s1 =	rddreg [dreg:$0x0]  }
0x7: {  	s19 =	ssub.s32 $0x2, s0;
	s0 =	smul.u32 $0x140000, s0;
	[smem:$0x7FF] =	sst s4  }
0x8: {  	s20 =	sshrl.u32 s19, $0x1;
	s21 =	sshrl.u32 s8, $0x2;
	s25 =	sor.u32 $0x2800, s14  }
0x9: {  	s17 =	sadd.s32 $0x5000, s14;
	s18 =	sadd.s32 $0x7800, s14;
	s3 =	sshrl.u32 s2, $0x3  }
0xa: {  	s2 =	sshll.u32 s2, $0xB;
	s23 =	ssub.s32 s19, s20;
	s19 =	sadd.s32 $0xA000, s14  }
0xb: {  	s20 =	sadd.s32 $0xC800, s14;
	s15 =	sadd.s32 s14, s0;
	s26 =	sadd.s32 s0, s17  }
0xc: {  	s28 =	sadd.s32 s0, s18;
	s6 =	smul.u32 $0x13C00, s3;
	s3 =	rddreg [dreg:$0x2]  }
0xd: {  	_ =	strace $0x80000047;
	s2 =	sadd.s32 s2, s5;
	s15 =	sshrl.u32 s15, $0x3  }
0xe: {  	s23 =	smax.u32 s23, $0x1;
	s2 =	sadd.s32 $0x3C00, s2;
	s8 =	sadd.s32 s25, s3  }
0xf: {  	s9 =	sadd.s32 s17, s3;
	s10 =	sadd.s32 s18, s3;
	s11 =	sadd.s32 s19, s3  }
0x10: {  	s12 =	sadd.s32 s20, s3;
	s15 =	sadd.s32 s22, s15;
	s6 =	sor.u32 s7, s6  }
0x11: {  	[dreg:$0x5] =	wrdreg s2;
	s7 =	sadd.s32 s21, s3;
	s2 =	sadd.s32 s0, s25  }
0x12: {  	s21 =	sadd.s32 $0xF000, s14;
	s6 =	sshrl.u32 s6, $0x3;
	s2 =	sshrl.u32 s2, $0x3  }
0x13: {  	s13 =	sadd.s32 s21, s3;
	s6 =	sadd.s32 s6, s5;
	s16 =	sadd.s32 s22, s2  }
0x14: {  	s5 =	sadd.s32 s0, s19;
	s2 =	sshrl.u32 s26, $0x3;
	s26 =	sadd.s32 s0, s20  }
0x15: {  	s24 =	sadd.s32 $0x13C00, s6;
	s6 =	sshrl.u32 s28, $0x3;
	s25 =	sshrl.u32 s5, $0x3  }
0x16: {  	s17 =	sadd.s32 s22, s2;
	s28 =	sadd.s32 s0, s21;
	s2 =	sshrl.u32 s26, $0x3  }
0x17: {  	s26 =	simm.s32 $0x3;
	[dreg:$0x4] =	wrdreg s24;
	s24 =	sadd.s32 $0x11800, s14  }
0x18: {  	s18 =	sadd.s32 s22, s6;
	s19 =	sadd.s32 s22, s25;
	s21 =	sshrl.u32 s28, $0x3  }
0x19: {  	s20 =	sadd.s32 s22, s2;
	s2 =	simm.s32 $0x8F80;
	s0 =	sadd.s32 s0, s24  }
0x1a: {  	s25 =	simm.s32 $0x0;
	s14 =	sadd.s32 s24, s3;
	s0 =	sshrl.u32 s0, $0x3  }
0x1b: {  	v0 =	vimm.f32 $0.0e+00;
	s21 =	sadd.s32 s22, s21;
	s22 =	sadd.s32 s22, s0;
	s0 =	simm.s32 $0x2  }
.LBB2_1:
0x1c: {  	s5 =	rddreg [dreg:$0x4];
	s6 =	simm.s32 $0x80;
	s24 =	simm.s32 $0x400  }
0x1d: {  	[tilespmem:s4], [sflag:$0x3] =	stream.strided.gather [hbm4b:s5+s6], $0x2780, s24, s6, $0x38;
	[tilespmem:$0x1F780] =	vst v63  }
0x1e: {  	_ =	swait.ge [sflag:s26], $0x2780  }
0x1f: {  	[sflag:s26] =	ssyncset.done $0x0  }
0x20: {  	s24 =	simm.s32 $0x2780;
	s6 =	rddreg [dreg:$0x5];
	[sflag:s26] =	ssyncadd.s32 $0xFFFFD880  }
0x21: {  	[tilespmem:s24], [sflag:$0x3] =	stream.linear.gather [hbm4b:s6+s4], $0x3E80, $0x38;
	[tilespmem:$0x1F780] =	vst v63  }
0x22: {  	_ =	swait.ge [sflag:s26], $0x3E80  }
0x23: {  	[sflag:s26] =	ssyncset.done $0x0  }
0x24: {  	s28 =	simm.s32 $0x200;
	s24 =	simm.s32 $0x0;
	[sflag:s26] =	ssyncadd.s32 $0xFFFFC180  }
.LBB2_2:
0x25: {  	p0 =	sne.s32 s28, $0x9E00;
	[tilespmem:s24+$0x67F0] =	vst v0  }
0x26: {  	[tilespmem:s24+$0x6780] =	vst v0  }
0x27: {  	[tilespmem:s24+$0x6790] =	vst v0  }
.Ltmp0:
0x28: {  	[tilespmem:s24+$0x67A0] =	vst v0;
	(pc) =	sbr.rel @p0 .LBB2_2-.Ltmp0, $4  }
0x29: {  	[tilespmem:s24+$0x67B0] =	vst v0  }
0x2a: {  	[tilespmem:s24+$0x67C0] =	vst v0  }
0x2b: {  	[tilespmem:s24+$0x67D0] =	vst v0  }
0x2c: {  	[tilespmem:s24+$0x67E0] =	vst v0;
	s24 =	sshra.s32 s28, $0x2;
	s28 =	sadd.s32 $0x200, s28  }
0x2d: {  	[tilespmem:s24+$0x67F0] =	vst v0  }
0x2e: {  	[tilespmem:s24+$0x6780] =	vst v0  }
0x2f: {  	[tilespmem:s24+$0x6790] =	vst v0  }
0x30: {  	[tilespmem:s24+$0x67A0] =	vst v0  }
0x31: {  	[tilespmem:s24+$0x67B0] =	vst v0  }
0x32: {  	[tilespmem:s24+$0x67C0] =	vst v0  }
0x33: {  	[tilespmem:s24+$0x67D0] =	vst v0  }
0x34: {  	[tilespmem:s24+$0x67E0] =	vst v0  }
0x35: {  	[spmem:s7] =	stream.linear.scatter [tilespmem:s29], [sflag:$0x3], $0x2800, $0x38;
	[tilespmem:$0x1F780] =	vst v63  }
0x36: {  	_ =	swait.ge [sflag:s26], $0x2800  }
0x37: {  	[sflag:s26] =	ssyncset.done $0x0  }
0x38: {  	[sflag:s26] =	ssyncadd.s32 $0xFFFFD800  }
0x39: {  	[spmem:s8] =	stream.linear.scatter [tilespmem:s29], [sflag:$0x3], $0x2800, $0x38;
	[tilespmem:$0x1F780] =	vst v63  }
0x3a: {  	_ =	swait.ge [sflag:s26], $0x2800  }
0x3b: {  	[sflag:s26] =	ssyncset.done $0x0  }
0x3c: {  	[sflag:s26] =	ssyncadd.s32 $0xFFFFD800  }
0x3d: {  	[spmem:s9] =	stream.linear.scatter [tilespmem:s29], [sflag:$0x3], $0x2800, $0x38;
	[tilespmem:$0x1F780] =	vst v63  }
0x3e: {  	_ =	swait.ge [sflag:s26], $0x2800  }
0x3f: {  	[sflag:s26] =	ssyncset.done $0x0  }
0x40: {  	[sflag:s26] =	ssyncadd.s32 $0xFFFFD800  }
0x41: {  	[spmem:s10] =	stream.linear.scatter [tilespmem:s29], [sflag:$0x3], $0x2800, $0x38;
	[tilespmem:$0x1F780] =	vst v63  }
0x42: {  	_ =	swait.ge [sflag:s26], $0x2800  }
0x43: {  	[sflag:s26] =	ssyncset.done $0x0  }
0x44: {  	[sflag:s26] =	ssyncadd.s32 $0xFFFFD800  }
0x45: {  	[spmem:s11] =	stream.linear.scatter [tilespmem:s29], [sflag:$0x3], $0x2800, $0x38;
	[tilespmem:$0x1F780] =	vst v63  }
0x46: {  	_ =	swait.ge [sflag:s26], $0x2800  }
0x47: {  	[sflag:s26] =	ssyncset.done $0x0  }
0x48: {  	[sflag:s26] =	ssyncadd.s32 $0xFFFFD800  }
0x49: {  	[spmem:s12] =	stream.linear.scatter [tilespmem:s29], [sflag:$0x3], $0x2800, $0x38;
	[tilespmem:$0x1F780] =	vst v63  }
0x4a: {  	_ =	swait.ge [sflag:s26], $0x2800  }
0x4b: {  	[sflag:s26] =	ssyncset.done $0x0  }
0x4c: {  	[sflag:s26] =	ssyncadd.s32 $0xFFFFD800  }
0x4d: {  	[spmem:s13] =	stream.linear.scatter [tilespmem:s29], [sflag:$0x3], $0x2800, $0x38;
	[tilespmem:$0x1F780] =	vst v63  }
0x4e: {  	_ =	swait.ge [sflag:s26], $0x2800  }
0x4f: {  	[sflag:s26] =	ssyncset.done $0x0  }
0x50: {  	[sflag:s26] =	ssyncadd.s32 $0xFFFFD800  }
0x51: {  	[spmem:s14] =	stream.linear.scatter [tilespmem:s29], [sflag:$0x3], $0x2800, $0x38;
	[tilespmem:$0x1F780] =	vst v63  }
0x52: {  	_ =	swait.ge [sflag:s26], $0x2800  }
0x53: {  	[sflag:s26] =	ssyncset.done $0x0  }
0x54: {  	[sflag:s26] =	ssyncadd.s32 $0xFFFFD800  }
0x55: {  	s5 =	simm.s32 $0x0;
	[bflag:$0x0] =	sbarrier.arrive $0xFFFF  }
0x56: {  	[tilespmem:s29], [sflag:$0x1] =	stream.indirect.gather [hbm4b:s1+s30], $0x80, s5, s30, $0xb8;
	[tilespmem:$0x1F780] =	vst v63  }
0x57: {  	_ =	swait.ge [sflag:s31], $0x2800  }
0x58: {  	[sflag:s31] =	ssyncset.done $0x0  }
0x59: {  	s6 =	simm.s32 $0x50;
	[sflag:s31] =	ssyncadd.s32 $0xFFFFD800  }
0x5a: {  	[tilespmem:s2], [sflag:$0x2] =	stream.indirect.gather [hbm4b:s1+s30], $0x80, s6, s30, $0xb8;
	[tilespmem:$0x1F780] =	vst v63  }
0x5b: {  	s5 =	simm.s32 $0x2780  }
0x5c: {  	[spmem:s3] =	stream.indirect.scatter.add.f32 [tilespmem:s29], [sflag:$0x3], $0x80, s5, s30, $0xb8;
	[tilespmem:$0x1F780] =	vst v63  }
0x5d: {  	_ =	swait.ge [sflag:s26], $0x2800  }
0x5e: {  	[sflag:s26] =	ssyncset.done $0x0  }
0x5f: {  	[sflag:s26] =	ssyncadd.s32 $0xFFFFD800  }
0x60: {  	_ =	swait.ge [sflag:s0], $0x2800  }
0x61: {  	[sflag:s0] =	ssyncset.done $0x0  }
0x62: {  	s28 =	simm.s32 $0xA0;
	[sflag:s0] =	ssyncadd.s32 $0xFFFFD800  }
0x63: {  	[tilespmem:s29], [sflag:$0x1] =	stream.indirect.gather [hbm4b:s1+s30], $0x80, s28, s30, $0xb8;
	[tilespmem:$0x1F780] =	vst v63  }
0x64: {  	s6 =	simm.s32 $0x2800  }
0x65: {  	[spmem:s3] =	stream.indirect.scatter.add.f32 [tilespmem:s2], [sflag:$0x3], $0x80, s6, s30, $0xb8;
	[tilespmem:$0x1F780] =	vst v63  }
0x66: {  	_ =	swait.ge [sflag:s26], $0x2800  }
0x67: {  	s24 =	simm.s32 $0x400;
	[sflag:s26] =	ssyncset.done $0x0  }
.LBB2_4:
0x68: {  	p0 =	sne.s32 s24, $0xF400;
	[sflag:s26] =	ssyncadd.s32 $0xFFFFD800;
	s28 =	sadd.s32 $0xA0, s28  }
0x69: {  	s5 =	smov.u32 s24;
	s24 =	sadd.s32 $0x400, s24  }
0x6a: {  	_ =	swait.ge [sflag:s31], $0x2800  }
0x6b: {  	[sflag:s31] =	ssyncset.done $0x0  }
0x6c: {  	s6 =	sadd.s32 $0xFFFFFFB0, s28;
	s5 =	sshra.s32 s5, $0x2;
	[sflag:s31] =	ssyncadd.s32 $0xFFFFD800  }
0x6d: {  	[tilespmem:s2], [sflag:$0x2] =	stream.indirect.gather [hbm4b:s1+s30], $0x80, s6, s30, $0xb8;
	[tilespmem:$0x1F780] =	vst v63  }
0x6e: {  	s6 =	sadd.s32 $0x2780, s5  }
0x6f: {  	[spmem:s3] =	stream.indirect.scatter.add.f32 [tilespmem:s29], [sflag:$0x3], $0x80, s6, s30, $0xb8;
	[tilespmem:$0x1F780] =	vst v63  }
0x70: {  	_ =	swait.ge [sflag:s26], $0x2800  }
0x71: {  	[sflag:s26] =	ssyncset.done $0x0  }
0x72: {  	[sflag:s26] =	ssyncadd.s32 $0xFFFFD800  }
0x73: {  	_ =	swait.ge [sflag:s0], $0x2800  }
0x74: {  	[sflag:s0] =	ssyncset.done $0x0  }
0x75: {  	[sflag:s0] =	ssyncadd.s32 $0xFFFFD800  }
0x76: {  	[tilespmem:s29], [sflag:$0x1] =	stream.indirect.gather [hbm4b:s1+s30], $0x80, s28, s30, $0xb8;
	[tilespmem:$0x1F780] =	vst v63  }
.Ltmp1:
0x77: {  	_ = 	snop;
	(pc) =	sbr.rel @p0 .LBB2_4-.Ltmp1, $4  }
0x78: {  	s5 =	sadd.s32 $0x2800, s5  }
0x79: {  	[spmem:s3] =	stream.indirect.scatter.add.f32 [tilespmem:s2], [sflag:$0x3], $0x80, s5, s30, $0xb8;
	[tilespmem:$0x1F780] =	vst v63  }
0x7a: {  	_ =	swait.ge [sflag:s26], $0x2800  }
0x7b: {  	[sflag:s26] =	ssyncset.done $0x0  }
0x7c: {  	[sflag:s26] =	ssyncadd.s32 $0xFFFFD800  }
0x7d: {  	_ =	swait.ge [sflag:s31], $0x2800  }
0x7e: {  	[sflag:s31] =	ssyncset.done $0x0  }
0x7f: {  	s5 =	simm.s32 $0x6580;
	[sflag:s31] =	ssyncadd.s32 $0xFFFFD800  }
0x80: {  	[spmem:s3] =	stream.indirect.scatter.add.f32 [tilespmem:s29], [sflag:$0x3], $0x80, s5, s30, $0xb8;
	[tilespmem:$0x1F780] =	vst v63  }
0x81: {  	_ =	swait.ge [sflag:s26], $0x2800  }
0x82: {  	[sflag:s26] =	ssyncset.done $0x0  }
0x83: {  	[sflag:s26] =	ssyncadd.s32 $0xFFFFD800  }
0x84: {  	[bflag:$0x0] =	sbarrier.arrive $0xFFFF  }
0x85: {  	[tilespmem:s29], [sflag:$0x3] =	stream.linear.gather [spmem:s7], $0x2800, $0x38;
	[tilespmem:$0x1F780] =	vst v63  }
0x86: {  	_ =	swait.ge [sflag:s26], $0x2800  }
0x87: {  	[sflag:s26] =	ssyncset.done $0x0  }
0x88: {  	[sflag:s26] =	ssyncadd.s32 $0xFFFFD800  }
0x89: {  	[hbm4b:s15+s4] =	stream.linear.scatter [tilespmem:s29], [sflag:$0x3], $0x2800, $0x38;
	[tilespmem:$0x1F780] =	vst v63  }
0x8a: {  	_ =	swait.ge [sflag:s26], $0x2800  }
0x8b: {  	[sflag:s26] =	ssyncset.done $0x0  }
0x8c: {  	[sflag:s26] =	ssyncadd.s32 $0xFFFFD800  }
0x8d: {  	[tilespmem:s29], [sflag:$0x3] =	stream.linear.gather [spmem:s8], $0x2800, $0x38;
	[tilespmem:$0x1F780] =	vst v63  }
0x8e: {  	_ =	swait.ge [sflag:s26], $0x2800  }
0x8f: {  	[sflag:s26] =	ssyncset.done $0x0  }
0x90: {  	[sflag:s26] =	ssyncadd.s32 $0xFFFFD800  }
0x91: {  	[hbm4b:s16+s4] =	stream.linear.scatter [tilespmem:s29], [sflag:$0x3], $0x2800, $0x38;
	[tilespmem:$0x1F780] =	vst v63  }
0x92: {  	_ =	swait.ge [sflag:s26], $0x2800  }
0x93: {  	[sflag:s26] =	ssyncset.done $0x0  }
0x94: {  	[sflag:s26] =	ssyncadd.s32 $0xFFFFD800  }
0x95: {  	[tilespmem:s29], [sflag:$0x3] =	stream.linear.gather [spmem:s9], $0x2800, $0x38;
	[tilespmem:$0x1F780] =	vst v63  }
0x96: {  	_ =	swait.ge [sflag:s26], $0x2800  }
0x97: {  	[sflag:s26] =	ssyncset.done $0x0  }
0x98: {  	[sflag:s26] =	ssyncadd.s32 $0xFFFFD800  }
0x99: {  	[hbm4b:s17+s4] =	stream.linear.scatter [tilespmem:s29], [sflag:$0x3], $0x2800, $0x38;
	[tilespmem:$0x1F780] =	vst v63  }
0x9a: {  	_ =	swait.ge [sflag:s26], $0x2800  }
0x9b: {  	[sflag:s26] =	ssyncset.done $0x0  }
0x9c: {  	[sflag:s26] =	ssyncadd.s32 $0xFFFFD800  }
0x9d: {  	[tilespmem:s29], [sflag:$0x3] =	stream.linear.gather [spmem:s10], $0x2800, $0x38;
	[tilespmem:$0x1F780] =	vst v63  }
0x9e: {  	_ =	swait.ge [sflag:s26], $0x2800  }
0x9f: {  	[sflag:s26] =	ssyncset.done $0x0  }
0xa0: {  	[sflag:s26] =	ssyncadd.s32 $0xFFFFD800  }
0xa1: {  	[hbm4b:s18+s4] =	stream.linear.scatter [tilespmem:s29], [sflag:$0x3], $0x2800, $0x38;
	[tilespmem:$0x1F780] =	vst v63  }
0xa2: {  	_ =	swait.ge [sflag:s26], $0x2800  }
0xa3: {  	[sflag:s26] =	ssyncset.done $0x0  }
0xa4: {  	[sflag:s26] =	ssyncadd.s32 $0xFFFFD800  }
0xa5: {  	[tilespmem:s29], [sflag:$0x3] =	stream.linear.gather [spmem:s11], $0x2800, $0x38;
	[tilespmem:$0x1F780] =	vst v63  }
0xa6: {  	_ =	swait.ge [sflag:s26], $0x2800  }
0xa7: {  	[sflag:s26] =	ssyncset.done $0x0  }
0xa8: {  	[sflag:s26] =	ssyncadd.s32 $0xFFFFD800  }
0xa9: {  	[hbm4b:s19+s4] =	stream.linear.scatter [tilespmem:s29], [sflag:$0x3], $0x2800, $0x38;
	[tilespmem:$0x1F780] =	vst v63  }
0xaa: {  	_ =	swait.ge [sflag:s26], $0x2800  }
0xab: {  	[sflag:s26] =	ssyncset.done $0x0  }
0xac: {  	[sflag:s26] =	ssyncadd.s32 $0xFFFFD800  }
0xad: {  	[tilespmem:s29], [sflag:$0x3] =	stream.linear.gather [spmem:s12], $0x2800, $0x38;
	[tilespmem:$0x1F780] =	vst v63  }
0xae: {  	_ =	swait.ge [sflag:s26], $0x2800  }
0xaf: {  	[sflag:s26] =	ssyncset.done $0x0  }
0xb0: {  	[sflag:s26] =	ssyncadd.s32 $0xFFFFD800  }
0xb1: {  	[hbm4b:s20+s4] =	stream.linear.scatter [tilespmem:s29], [sflag:$0x3], $0x2800, $0x38;
	[tilespmem:$0x1F780] =	vst v63  }
0xb2: {  	_ =	swait.ge [sflag:s26], $0x2800  }
0xb3: {  	[sflag:s26] =	ssyncset.done $0x0  }
0xb4: {  	[sflag:s26] =	ssyncadd.s32 $0xFFFFD800  }
0xb5: {  	[tilespmem:s29], [sflag:$0x3] =	stream.linear.gather [spmem:s13], $0x2800, $0x38;
	[tilespmem:$0x1F780] =	vst v63  }
0xb6: {  	_ =	swait.ge [sflag:s26], $0x2800  }
0xb7: {  	[sflag:s26] =	ssyncset.done $0x0  }
0xb8: {  	[sflag:s26] =	ssyncadd.s32 $0xFFFFD800  }
0xb9: {  	[hbm4b:s21+s4] =	stream.linear.scatter [tilespmem:s29], [sflag:$0x3], $0x2800, $0x38;
	[tilespmem:$0x1F780] =	vst v63  }
0xba: {  	_ =	swait.ge [sflag:s26], $0x2800  }
0xbb: {  	[sflag:s26] =	ssyncset.done $0x0  }
0xbc: {  	[sflag:s26] =	ssyncadd.s32 $0xFFFFD800  }
0xbd: {  	[tilespmem:s29], [sflag:$0x3] =	stream.linear.gather [spmem:s14], $0x2800, $0x38;
	[tilespmem:$0x1F780] =	vst v63  }
0xbe: {  	s25 =	sadd.s32 $0x1, s25;
	_ =	swait.ge [sflag:s26], $0x2800  }
0xbf: {  	p0 =	sne.s32 s25, s23;
	[sflag:s26] =	ssyncset.done $0x0  }
.Ltmp2:
0xc0: {  	[sflag:s26] =	ssyncadd.s32 $0xFFFFD800;
	(pc) =	sbr.rel @p0 .LBB2_1-.Ltmp2, $4  }
0xc1: {  	[hbm4b:s22+s4] =	stream.linear.scatter [tilespmem:s29], [sflag:$0x3], $0x2800, $0x38;
	[tilespmem:$0x1F780] =	vst v63  }
0xc2: {  	_ =	swait.ge [sflag:s26], $0x2800  }
0xc3: {  	[sflag:s26] =	ssyncset.done $0x0  }
0xc4: {  	[sflag:s26] =	ssyncadd.s32 $0xFFFFD800  }
0xc5: {  	_ =	sfence.sel $0x180000  }
0xc6: {  	[bflag:$0x0] =	sbarrier.arrive $0xFFFF  }
0xc7: {  	_ =	strace $0x90000047  }
0xc8: {  	s0 =	stileid.u32;
	[bflag:$0x2] =	sbarrier.arrive $0xFFFF  }
0xc9: {  	p0 =	sne.s32 s0, $0x0;
	s0 =	rddreg [dreg:$0x3]  }
0xca: {  	s0 =	sadd.s32 @!p0 $0x100000, s0  }
0xcb: {  	[sflag:s0] =	ssyncadd.tile.s32 @!p0 $0x1;
	_ =	shalt  }
.Lfunc_end2:
_tile_overlayer_lowered:
.L_overlay_start_2:
0xcc: {  	(tag) =	ssettag $0x2  }
0xcd: {  	s0 =	rddreg [dreg:$0x0];
	s2 =	stileid.u32  }
0xce: {  	s1 =	rddreg [dreg:$0x1];
	p0 =	sne.s32 s2, $0x0  }
0xcf: {  	s3 =	rddreg [dreg:$0x2];
	[bflag:$0x3] =	sbarrier.arrive $0xFFFF;
	s2 =	simm.s32 @!p0 $0x1C03  }
0xd0: {  	[timem:s3], [sflag:s2] =	dma.local @!p0 [hbm:s0], s1  }
0xd1: {  	s0 =	simm.s32 @!p0 $0x3  }
0xd2: {  	_ =	swait.ge @!p0 [sflag:s0], s1  }
0xd3: {  	s1 =	ssub.s32 @!p0 $0x0, s1;
	[sflag:s0] =	ssyncset.done @!p0 $0x0  }
0xd4: {  	[sflag:s0] =	ssyncadd.s32 @!p0 s1  }
0xd5: {  	[bflag:$0x3] =	sbarrier.arrive $0xFFFF  }
0xd6: {  	_ =	shalt  }

// kernel: kernel.18.cloned.1.call-start
scs
__scs_entry_jumppad:
0x0: {  	(pc) =	sbr.rel $0x88, $3  }
0x1: {  	(tag) =	ssettag $0x0;
	lr =	simm.s32 $0x1  }
0x2: {  	[smem:$0x3F94] =	sst lr;
	_ =	strace $0xD0000000  }
0x3: {  	_ = 	snop  }
0x4: {  	_ = 	snop  }
0x5: {  	_ = 	snop  }
0x6: {  	_ = 	snop  }
0x7: {  	_ = 	snop  }
__scs_overlays_trampoline_lowered:
0x8: {  	[smem:$0x3FA3] =	sst s0  }
0x9: {  	[smem:$0x3FA4] =	sst s1  }
0xa: {  	[smem:$0x3FA5] =	sst s2  }
0xb: {  	[smem:$0x3FA6] =	sst s3  }
0xc: {  	[smem:$0x3FA7] =	sst s4  }
0xd: {  	[smem:$0x3FA8] =	sst s5  }
0xe: {  	[smem:$0x3FA9] =	sst s6  }
0xf: {  	[smem:$0x3FAA] =	sst s7  }
0x10: {  	[smem:$0x3FAB] =	sst s8  }
0x11: {  	[smem:$0x3FAC] =	sst s9;
	s0 =	simm.s32 @!p0 $0x0  }
0x12: {  	s1 =	sld [smem:$0x3F92];
	s0 =	simm.s32 @p0 $0x1  }
0x13: {  	[smem:$0x3FAD] =	sst s0;
	s0 =	simm.s32 @!p1 $0x0  }
0x14: {  	s2 =	sld [smem:$0x3F91];
	s0 =	simm.s32 @p1 $0x1  }
0x15: {  	[smem:$0x3FAE] =	sst s0;
	s0 =	simm.s32 @!p2 $0x0  }
0x16: {  	s3 =	sld [smem:$0x3FDB];
	s0 =	simm.s32 @p2 $0x1  }
0x17: {  	s4 =	simm.s32 $0x1BF5;
	[smem:$0x3FB0] =	sst s0  }
0x18: {  	s0 =	sld [smem:$0x3F93];
	_ =	swait.ge [sflag:s4], $0x0  }
0x19: {  	s7 =	sld [smem:$0x3F94]  }
0x1a: {  	s8 =	sadd.s32 $0xFFFFE003, lr  }
0x1b: {  	s9 =	sadd.s32 $0xFFFFFEF7, lr;
	s5 =	simm.s32 $0xFFFFFFFF;
	p2 =	slt.u32 s8, $0xFFFFF086  }
0x1c: {  	p1 =	slt.u32 s9, $0xF7A;
	s5 =	simm.s32 @!p2 $0x0  }
0x1d: {  	s5 =	simm.s32 @p1 $0x1;
	p0 =	seq.s32 s7, s2  }
0x1e: {  	s7 =	smul.u32 @!p0 $0xF7A, s2;
	p2 =	seq.s32 @!p0 s5, $0x0  }
0x1f: {  	s9 =	smul.u32 $0xF7A, s1;
	s8 =	simm.s32 @!p0 $0x1BF5;
	p2 =	por !p2, p0  }
0x20: {  	[sflag:s8] =	ssyncset.s32 @!p0 $0xFFFFF086;
	s6 =	sadd.s32 @!p0 s3, s7;
	s7 =	simm.s32 @!p0 $0x108  }
0x21: {  	s3 =	sadd.s32 s3, s9;
	s6 =	sadd.s32 @!p0 $0x88, s6;
	s7 =	simm.s32 @p2 $0x1082  }
0x22: {  	[simem:s7], [sflag:s8] =	dma.local @!p0 [hbm:s6], $0xF7A  }
0x23: {  	s9 =	sor.u32 $0xD0000000, s2;
	s6 =	simm.s32 $0x108;
	_ =	swait.ge @!p0 [sflag:s8], $0x0  }
0x24: {  	s3 =	sadd.s32 $0x88, s3;
	s6 =	simm.s32 @!p1 $0x1082;
	[sflag:s4] =	ssyncset.s32 $0xFFFFF086  }
0x25: {  	[simem:s6], [sflag:s4] =	dma.local [hbm:s3], $0xF7A  }
0x26: {  	[smem:$0x3F94] =	sst s1;
	(tag) =	ssettag s2;
	_ =	strace s9  }
0x27: {  	s1 =	sld [smem:$0x3FA4]  }
0x28: {  	s2 =	sld [smem:$0x3FA5]  }
0x29: {  	s4 =	sld [smem:$0x3FA7]  }
0x2a: {  	p0 =	seq.s32 s5, $0x0;
	s5 =	sld [smem:$0x3FA8]  }
0x2b: {  	s6 =	sld [smem:$0x3FA9]  }
0x2c: {  	s7 =	sld [smem:$0x3FAA]  }
0x2d: {  	s3 =	simm.s32 $0x108;
	s8 =	sld [smem:$0x3FAB]  }
0x2e: {  	s3 =	simm.s32 @!p0 $0x1082;
	s9 =	sld [smem:$0x3FAC]  }
0x2f: {  	lr =	sadd.s32 s0, s3;
	s0 =	sld [smem:$0x3FA3]  }
0x30: {  	s3 =	sld [smem:$0x3FA6]  }
0x31: {  	[smem:$0x3FAF] =	sst s10  }
0x32: {  	s10 =	sld [smem:$0x3FAD];
	_ =	sdelay $0x3  }
0x33: {  	p0 =	seq.s32 s10, $0x1;
	s10 =	sld [smem:$0x3FAF];
	_ =	sdelay $0x3  }
0x34: {  	[smem:$0x3FAF] =	sst s10  }
0x35: {  	s10 =	sld [smem:$0x3FAE];
	_ =	sdelay $0x3  }
0x36: {  	p1 =	seq.s32 s10, $0x1;
	s10 =	sld [smem:$0x3FAF];
	_ =	sdelay $0x3  }
0x37: {  	[smem:$0x3FAF] =	sst s10  }
0x38: {  	s10 =	sld [smem:$0x3FB0]  }
0x39: {  	_ = 	snop;
	(pc) =	sbr.ind lr, $3  }
0x3a: {  	_ = 	snop  }
0x3b: {  	_ = 	snop  }
0x3c: {  	p2 =	seq.s32 s10, $0x1;
	s10 =	sld [smem:$0x3FAF]  }
0x3d: {  	_ =	shalt  }
0x3e: {  	_ =	shalt  }
0x3f: {  	_ =	shalt  }
0x40: {  	_ =	shalt  }
0x41: {  	_ =	shalt  }
0x42: {  	_ =	shalt  }
0x43: {  	_ =	shalt  }
0x44: {  	_ =	shalt  }
0x45: {  	_ =	shalt  }
0x46: {  	_ =	shalt  }
0x47: {  	_ =	shalt  }
0x48: {  	_ =	shalt  }
0x49: {  	_ =	shalt  }
0x4a: {  	_ =	shalt  }
0x4b: {  	_ =	shalt  }
0x4c: {  	_ =	shalt  }
0x4d: {  	_ =	shalt  }
0x4e: {  	_ =	shalt  }
0x4f: {  	_ =	shalt  }
0x50: {  	_ =	shalt  }
0x51: {  	_ =	shalt  }
0x52: {  	_ =	shalt  }
0x53: {  	_ =	shalt  }
0x54: {  	_ =	shalt  }
0x55: {  	_ =	shalt  }
0x56: {  	_ =	shalt  }
0x57: {  	_ =	shalt  }
0x58: {  	_ =	shalt  }
0x59: {  	_ =	shalt  }
0x5a: {  	_ =	shalt  }
0x5b: {  	_ =	shalt  }
0x5c: {  	_ =	shalt  }
0x5d: {  	_ =	shalt  }
0x5e: {  	_ =	shalt  }
0x5f: {  	_ =	shalt  }
0x60: {  	_ =	shalt  }
0x61: {  	_ =	shalt  }
0x62: {  	_ =	shalt  }
0x63: {  	_ =	shalt  }
0x64: {  	_ =	shalt  }
0x65: {  	_ =	shalt  }
0x66: {  	_ =	shalt  }
0x67: {  	_ =	shalt  }
0x68: {  	_ =	shalt  }
0x69: {  	_ =	shalt  }
0x6a: {  	_ =	shalt  }
0x6b: {  	_ =	shalt  }
0x6c: {  	_ =	shalt  }
0x6d: {  	_ =	shalt  }
0x6e: {  	_ =	shalt  }
0x6f: {  	_ =	shalt  }
0x70: {  	_ =	shalt  }
0x71: {  	_ =	shalt  }
0x72: {  	_ =	shalt  }
0x73: {  	_ =	shalt  }
0x74: {  	_ =	shalt  }
0x75: {  	_ =	shalt  }
0x76: {  	_ =	shalt  }
0x77: {  	_ =	shalt  }
0x78: {  	_ =	shalt  }
0x79: {  	_ =	shalt  }
0x7a: {  	_ =	shalt  }
0x7b: {  	_ =	shalt  }
0x7c: {  	_ =	shalt  }
0x7d: {  	_ =	shalt  }
0x7e: {  	_ =	shalt  }
0x7f: {  	_ =	shalt  }
0x80: {  	_ =	shalt  }
0x81: {  	_ =	shalt  }
0x82: {  	_ =	shalt  }
0x83: {  	_ =	shalt  }
0x84: {  	_ =	shalt  }
0x85: {  	_ =	shalt  }
0x86: {  	_ =	shalt  }
0x87: {  	_ =	shalt  }
.Lfunc_end0:
.L_simem_size_0:
called_computation.2_lowered:
.L_overlay_start_0:
0x88: {  	s2 =	sld [smem:$0x3FD9]  }
0x89: {  	s3 =	sld [smem:$0x3FFE];
	_ =	sdelay $0x1  }
0x8a: {  	s1 =	srdreg.scid  }
0x8b: {  	s0 =	sand.u32 $0x1, s1  }
0x8c: {  	s17 =	sshll.u32 s0, $0xA;
	s2 =	sadd.s32 s3, s2  }
0x8d: {  	s2 =	sadd.s32 s2, s17  }
0x8e: {  	[smem:$0x3FBB] =	sst s2  }
0x8f: {  	_ = 	snop  }
0x90: {  	s2 =	sld [smem:$0x3FD0];
	(tm) =	ssettm $0x1  }
0x91: {  	s18 =	sld [smem:$0x3FFB];
	_ =	sdelay $0x3  }
0x92: {  	_ =	strace s18  }
0x93: {  	s3 =	sld [smem:$0x3FFC];
	_ =	sdelay $0x3  }
0x94: {  	_ =	strace s3  }
0x95: {  	s3 =	sld [smem:$0x3FFD];
	_ =	sdelay $0x3  }
0x96: {  	_ =	strace s3  }
0x97: {  	_ =	strace $0x8FFFFFFF  }
0x98: {  	s19 =	sld [smem:$0x3FDB];
	_ =	sdelay $0x1  }
0x99: {  	s4 =	simm.s32 $_scs_section_size  }
0x9a: {  	s5 =	simm.s32 $_size__tile_overlayer_lowered;
	s6 =	simm.s32 $_tile_overlayer_lowered  }
0x9b: {  	s22 =	simm.s32 $0x1BFF;
	s21 =	sshll.u32 s6, $0x1;
	s3 =	sadd.s32 s4, s19  }
0x9c: {  	s7 =	simm.s32 $0x0;
	s20 =	sshll.u32 s5, $0x1;
	s5 =	sadd.s32 s21, s3  }
0x9d: {  	[timem:s7], [sflag:s22] =	dma.local [hbm:s5], s20  }
0x9e: {  	_ =	swait.ge [sflag:s22], s20  }
0x9f: {  	s4 =	ssub.s32 $0x0, s20;
	[sflag:s22] =	ssyncset.done $0x0  }
0xa0: {  	[sflag:s22] =	ssyncadd.s32 s4;
	_ =	sdelay $0x1  }
0xa1: {  	s23 =	simm.s32 $0x1B8B  }
0xa2: {  	_ =	swait.ge [sflag:s23], $0x1  }
0xa3: {  	[sflag:s23] =	ssyncset.done $0x0  }
0xa4: {  	s25 =	simm.s32 $0x1B8E;
	s24 =	sld [smem:$0x3FFE];
	[sflag:s23] =	ssyncadd.s32 $0xFFFFFFFF  }
0xa5: {  	s26 =	simm.s32 $execute0_lowered;
	[smem:$0x3FD2] =	sst s25  }
0xa6: {  	s5 =	sshll.u32 s26, $0x1;
	_ =	strace $0x8000004C;
	[dreg:$0x1] =	wrdreg $0xFFFFFFFF  }
0xa7: {  	s28 =	simm.s32 $_size_execute0_lowered;
	s3 =	sadd.s32 s3, s5;
	[dreg:$0x0] =	wrdreg $0x0  }
0xa8: {  	s5 =	sshll.u32 s28, $0x1;
	[dreg:$0x2] =	wrdreg s3  }
0xa9: {  	[dreg:$0x3] =	wrdreg s5  }
0xaa: {  	[dreg:$0x4] =	wrdreg $0xC0  }
0xab: {  	_ =	task [dreg:s7], $0x5FFFF  }
0xac: {  	[dreg:$0x1] =	wrdreg $0xFFFFFFFF  }
0xad: {  	[dreg:$0x0] =	wrdreg $0x60  }
0xae: {  	[dreg:$0x2] =	wrdreg s2  }
0xaf: {  	[dreg:$0x3] =	wrdreg s24  }
0xb0: {  	[dreg:$0x4] =	wrdreg $0xB7800  }
0xb1: {  	[dreg:$0x5] =	wrdreg $0x9  }
0xb2: {  	_ =	task.clear_ibuf [dreg:s7], $0x6FFFF;
	_ =	strace $0x9000004C  }
0xb3: {  	s29 =	simm.s32 $0x9;
	_ =	strace $0x8000004E  }
0xb4: {  	_ =	swait.ge [sflag:s29], $0x1  }
0xb5: {  	[sflag:s29] =	ssyncadd.s32 $0xFFFFFFFF  }
0xb6: {  	_ =	strace $0x9000004E  }
0xb7: {  	_ =	sfence  }
0xb8: {  	s30 =	sld [smem:$0x0];
	_ =	sdelay $0x2  }
0xb9: {  	s31 =	sshll.u32 s1, $0xD;
	s1 =	sshrl.u32 s1, $0x2  }
0xba: {  	s3 =	sand.u32 $0x4000, s31;
	s1 =	sadd.s32 s1, s30  }
0xbb: {  	s0 =	sor.u32 s3, s0;
	s1 =	sshll.u32 s1, $0x11  }
0xbc: {  	s0 =	sor.u32 s1, s0  }
0xbd: {  	s0 =	sadd.s32 $0x8F2B, s0  }
0xbe: {  	[sflag:s0] =	ssyncadd.remote.s32 $0x1  }
0xbf: {  	_ =	sfence.sel $0xFFFF  }
0xc0: {  	[dreg:$0x0] =	wrdreg $0xFFFFFFFF;
	(pc) =	sbr.abs _section_cstart, $3  }
0xc1: {  	[dreg:$0x1] =	wrdreg $0xFFFFFFFF  }
0xc2: {  	_ =	task.clear_ibuf [dreg:s7], $0x2FFFF;
	_ =	strace $0x9FFFFFFF  }
0xc3: {  	(tm) =	ssettm $0x7FFFFFFF  }
tec
execute0_lowered:
.L_overlay_start_1:
0x0: {  	(tag) =	ssettag $0x1  }
0x1: {  	s0 =	srdreg.scid  }
0x2: {  	s9 =	stileid.u32;
	s5 =	rddreg [dreg:$0x1];
	s29 =	simm.s32 $0x6780  }
0x3: {  	s30 =	simm.s32 $0x50;
	s31 =	simm.s32 $0x1;
	s0 =	sand.u32 $0x1, s0  }
0x4: {  	s4 =	sshll.u32 s9, $0x7;
	s8 =	smul.u32 $0x50000, s9;
	s22 =	sadd.s32 $0x1DA00, s5  }
0x5: {  	s14 =	smul.u32 $0x14000, s9;
	s1 =	sshll.u32 s0, $0x4;
	s7 =	sand.u32 $0x380, s4  }
0x6: {  	s4 =	simm.s32 $0x0;
	s2 =	sor.u32 s9, s1;
	s1 =	rddreg [dreg:$0x0]  }
0x7: {  	s19 =	ssub.s32 $0x2, s0;
	s0 =	smul.u32 $0x140000, s0;
	[smem:$0x7FF] =	sst s4  }
0x8: {  	s20 =	sshrl.u32 s19, $0x1;
	s21 =	sshrl.u32 s8, $0x2;
	s25 =	sor.u32 $0x2800, s14  }
0x9: {  	s17 =	sadd.s32 $0x5000, s14;
	s18 =	sadd.s32 $0x7800, s14;
	s3 =	sshrl.u32 s2, $0x3  }
0xa: {  	s2 =	sshll.u32 s2, $0xB;
	s23 =	ssub.s32 s19, s20;
	s19 =	sadd.s32 $0xA000, s14  }
0xb: {  	s20 =	sadd.s32 $0xC800, s14;
	s15 =	sadd.s32 s14, s0;
	s26 =	sadd.s32 s0, s17  }
0xc: {  	s28 =	sadd.s32 s0, s18;
	s6 =	smul.u32 $0x13C00, s3;
	s3 =	rddreg [dreg:$0x2]  }
0xd: {  	_ =	strace $0x8000004D;
	s2 =	sadd.s32 s2, s5;
	s15 =	sshrl.u32 s15, $0x3  }
0xe: {  	s23 =	smax.u32 s23, $0x1;
	s2 =	sadd.s32 $0x3C00, s2;
	s8 =	sadd.s32 s25, s3  }
0xf: {  	s9 =	sadd.s32 s17, s3;
	s10 =	sadd.s32 s18, s3;
	s11 =	sadd.s32 s19, s3  }
0x10: {  	s12 =	sadd.s32 s20, s3;
	s15 =	sadd.s32 s22, s15;
	s6 =	sor.u32 s7, s6  }
0x11: {  	[dreg:$0x5] =	wrdreg s2;
	s7 =	sadd.s32 s21, s3;
	s2 =	sadd.s32 s0, s25  }
0x12: {  	s21 =	sadd.s32 $0xF000, s14;
	s6 =	sshrl.u32 s6, $0x3;
	s2 =	sshrl.u32 s2, $0x3  }
0x13: {  	s13 =	sadd.s32 s21, s3;
	s6 =	sadd.s32 s6, s5;
	s16 =	sadd.s32 s22, s2  }
0x14: {  	s5 =	sadd.s32 s0, s19;
	s2 =	sshrl.u32 s26, $0x3;
	s26 =	sadd.s32 s0, s20  }
0x15: {  	s24 =	sadd.s32 $0x13C00, s6;
	s6 =	sshrl.u32 s28, $0x3;
	s25 =	sshrl.u32 s5, $0x3  }
0x16: {  	s17 =	sadd.s32 s22, s2;
	s28 =	sadd.s32 s0, s21;
	s2 =	sshrl.u32 s26, $0x3  }
0x17: {  	s26 =	simm.s32 $0x3;
	[dreg:$0x4] =	wrdreg s24;
	s24 =	sadd.s32 $0x11800, s14  }
0x18: {  	s18 =	sadd.s32 s22, s6;
	s19 =	sadd.s32 s22, s25;
	s21 =	sshrl.u32 s28, $0x3  }
0x19: {  	s20 =	sadd.s32 s22, s2;
	s2 =	simm.s32 $0x8F80;
	s0 =	sadd.s32 s0, s24  }
0x1a: {  	s25 =	simm.s32 $0x0;
	s14 =	sadd.s32 s24, s3;
	s0 =	sshrl.u32 s0, $0x3  }
0x1b: {  	v0 =	vimm.f32 $0.0e+00;
	s21 =	sadd.s32 s22, s21;
	s22 =	sadd.s32 s22, s0;
	s0 =	simm.s32 $0x2  }
.LBB2_1:
0x1c: {  	s5 =	rddreg [dreg:$0x4];
	s6 =	simm.s32 $0x80;
	s24 =	simm.s32 $0x400  }
0x1d: {  	[tilespmem:s4], [sflag:$0x3] =	stream.strided.gather [hbm4b:s5+s6], $0x2780, s24, s6, $0x38;
	[tilespmem:$0x1F780] =	vst v63  }
0x1e: {  	_ =	swait.ge [sflag:s26], $0x2780  }
0x1f: {  	[sflag:s26] =	ssyncset.done $0x0  }
0x20: {  	s24 =	simm.s32 $0x2780;
	s6 =	rddreg [dreg:$0x5];
	[sflag:s26] =	ssyncadd.s32 $0xFFFFD880  }
0x21: {  	[tilespmem:s24], [sflag:$0x3] =	stream.linear.gather [hbm4b:s6+s4], $0x3E80, $0x38;
	[tilespmem:$0x1F780] =	vst v63  }
0x22: {  	_ =	swait.ge [sflag:s26], $0x3E80  }
0x23: {  	[sflag:s26] =	ssyncset.done $0x0  }
0x24: {  	s28 =	simm.s32 $0x200;
	s24 =	simm.s32 $0x0;
	[sflag:s26] =	ssyncadd.s32 $0xFFFFC180  }
.LBB2_2:
0x25: {  	p0 =	sne.s32 s28, $0x9E00;
	[tilespmem:s24+$0x67F0] =	vst v0  }
0x26: {  	[tilespmem:s24+$0x6780] =	vst v0  }
0x27: {  	[tilespmem:s24+$0x6790] =	vst v0  }
.Ltmp0:
0x28: {  	[tilespmem:s24+$0x67A0] =	vst v0;
	(pc) =	sbr.rel @p0 .LBB2_2-.Ltmp0, $4  }
0x29: {  	[tilespmem:s24+$0x67B0] =	vst v0  }
0x2a: {  	[tilespmem:s24+$0x67C0] =	vst v0  }
0x2b: {  	[tilespmem:s24+$0x67D0] =	vst v0  }
0x2c: {  	[tilespmem:s24+$0x67E0] =	vst v0;
	s24 =	sshra.s32 s28, $0x2;
	s28 =	sadd.s32 $0x200, s28  }
0x2d: {  	[tilespmem:s24+$0x67F0] =	vst v0  }
0x2e: {  	[tilespmem:s24+$0x6780] =	vst v0  }
0x2f: {  	[tilespmem:s24+$0x6790] =	vst v0  }
0x30: {  	[tilespmem:s24+$0x67A0] =	vst v0  }
0x31: {  	[tilespmem:s24+$0x67B0] =	vst v0  }
0x32: {  	[tilespmem:s24+$0x67C0] =	vst v0  }
0x33: {  	[tilespmem:s24+$0x67D0] =	vst v0  }
0x34: {  	[tilespmem:s24+$0x67E0] =	vst v0  }
0x35: {  	[spmem:s7] =	stream.linear.scatter [tilespmem:s29], [sflag:$0x3], $0x2800, $0x38;
	[tilespmem:$0x1F780] =	vst v63  }
0x36: {  	_ =	swait.ge [sflag:s26], $0x2800  }
0x37: {  	[sflag:s26] =	ssyncset.done $0x0  }
0x38: {  	[sflag:s26] =	ssyncadd.s32 $0xFFFFD800  }
0x39: {  	[spmem:s8] =	stream.linear.scatter [tilespmem:s29], [sflag:$0x3], $0x2800, $0x38;
	[tilespmem:$0x1F780] =	vst v63  }
0x3a: {  	_ =	swait.ge [sflag:s26], $0x2800  }
0x3b: {  	[sflag:s26] =	ssyncset.done $0x0  }
0x3c: {  	[sflag:s26] =	ssyncadd.s32 $0xFFFFD800  }
0x3d: {  	[spmem:s9] =	stream.linear.scatter [tilespmem:s29], [sflag:$0x3], $0x2800, $0x38;
	[tilespmem:$0x1F780] =	vst v63  }
0x3e: {  	_ =	swait.ge [sflag:s26], $0x2800  }
0x3f: {  	[sflag:s26] =	ssyncset.done $0x0  }
0x40: {  	[sflag:s26] =	ssyncadd.s32 $0xFFFFD800  }
0x41: {  	[spmem:s10] =	stream.linear.scatter [tilespmem:s29], [sflag:$0x3], $0x2800, $0x38;
	[tilespmem:$0x1F780] =	vst v63  }
0x42: {  	_ =	swait.ge [sflag:s26], $0x2800  }
0x43: {  	[sflag:s26] =	ssyncset.done $0x0  }
0x44: {  	[sflag:s26] =	ssyncadd.s32 $0xFFFFD800  }
0x45: {  	[spmem:s11] =	stream.linear.scatter [tilespmem:s29], [sflag:$0x3], $0x2800, $0x38;
	[tilespmem:$0x1F780] =	vst v63  }
0x46: {  	_ =	swait.ge [sflag:s26], $0x2800  }
0x47: {  	[sflag:s26] =	ssyncset.done $0x0  }
0x48: {  	[sflag:s26] =	ssyncadd.s32 $0xFFFFD800  }
0x49: {  	[spmem:s12] =	stream.linear.scatter [tilespmem:s29], [sflag:$0x3], $0x2800, $0x38;
	[tilespmem:$0x1F780] =	vst v63  }
0x4a: {  	_ =	swait.ge [sflag:s26], $0x2800  }
0x4b: {  	[sflag:s26] =	ssyncset.done $0x0  }
0x4c: {  	[sflag:s26] =	ssyncadd.s32 $0xFFFFD800  }
0x4d: {  	[spmem:s13] =	stream.linear.scatter [tilespmem:s29], [sflag:$0x3], $0x2800, $0x38;
	[tilespmem:$0x1F780] =	vst v63  }
0x4e: {  	_ =	swait.ge [sflag:s26], $0x2800  }
0x4f: {  	[sflag:s26] =	ssyncset.done $0x0  }
0x50: {  	[sflag:s26] =	ssyncadd.s32 $0xFFFFD800  }
0x51: {  	[spmem:s14] =	stream.linear.scatter [tilespmem:s29], [sflag:$0x3], $0x2800, $0x38;
	[tilespmem:$0x1F780] =	vst v63  }
0x52: {  	_ =	swait.ge [sflag:s26], $0x2800  }
0x53: {  	[sflag:s26] =	ssyncset.done $0x0  }
0x54: {  	[sflag:s26] =	ssyncadd.s32 $0xFFFFD800  }
0x55: {  	s5 =	simm.s32 $0x0;
	[bflag:$0x0] =	sbarrier.arrive $0xFFFF  }
0x56: {  	[tilespmem:s29], [sflag:$0x1] =	stream.indirect.gather [hbm4b:s1+s30], $0x80, s5, s30, $0xb8;
	[tilespmem:$0x1F780] =	vst v63  }
0x57: {  	_ =	swait.ge [sflag:s31], $0x2800  }
0x58: {  	[sflag:s31] =	ssyncset.done $0x0  }
0x59: {  	s6 =	simm.s32 $0x50;
	[sflag:s31] =	ssyncadd.s32 $0xFFFFD800  }
0x5a: {  	[tilespmem:s2], [sflag:$0x2] =	stream.indirect.gather [hbm4b:s1+s30], $0x80, s6, s30, $0xb8;
	[tilespmem:$0x1F780] =	vst v63  }
0x5b: {  	s5 =	simm.s32 $0x2780  }
0x5c: {  	[spmem:s3] =	stream.indirect.scatter.add.f32 [tilespmem:s29], [sflag:$0x3], $0x80, s5, s30, $0xb8;
	[tilespmem:$0x1F780] =	vst v63  }
0x5d: {  	_ =	swait.ge [sflag:s26], $0x2800  }
0x5e: {  	[sflag:s26] =	ssyncset.done $0x0  }
0x5f: {  	[sflag:s26] =	ssyncadd.s32 $0xFFFFD800  }
0x60: {  	_ =	swait.ge [sflag:s0], $0x2800  }
0x61: {  	[sflag:s0] =	ssyncset.done $0x0  }
0x62: {  	s28 =	simm.s32 $0xA0;
	[sflag:s0] =	ssyncadd.s32 $0xFFFFD800  }
0x63: {  	[tilespmem:s29], [sflag:$0x1] =	stream.indirect.gather [hbm4b:s1+s30], $0x80, s28, s30, $0xb8;
	[tilespmem:$0x1F780] =	vst v63  }
0x64: {  	s6 =	simm.s32 $0x2800  }
0x65: {  	[spmem:s3] =	stream.indirect.scatter.add.f32 [tilespmem:s2], [sflag:$0x3], $0x80, s6, s30, $0xb8;
	[tilespmem:$0x1F780] =	vst v63  }
0x66: {  	_ =	swait.ge [sflag:s26], $0x2800  }
0x67: {  	s24 =	simm.s32 $0x400;
	[sflag:s26] =	ssyncset.done $0x0  }
.LBB2_4:
0x68: {  	p0 =	sne.s32 s24, $0xF400;
	[sflag:s26] =	ssyncadd.s32 $0xFFFFD800;
	s28 =	sadd.s32 $0xA0, s28  }
0x69: {  	s5 =	smov.u32 s24;
	s24 =	sadd.s32 $0x400, s24  }
0x6a: {  	_ =	swait.ge [sflag:s31], $0x2800  }
0x6b: {  	[sflag:s31] =	ssyncset.done $0x0  }
0x6c: {  	s6 =	sadd.s32 $0xFFFFFFB0, s28;
	s5 =	sshra.s32 s5, $0x2;
	[sflag:s31] =	ssyncadd.s32 $0xFFFFD800  }
0x6d: {  	[tilespmem:s2], [sflag:$0x2] =	stream.indirect.gather [hbm4b:s1+s30], $0x80, s6, s30, $0xb8;
	[tilespmem:$0x1F780] =	vst v63  }
0x6e: {  	s6 =	sadd.s32 $0x2780, s5  }
0x6f: {  	[spmem:s3] =	stream.indirect.scatter.add.f32 [tilespmem:s29], [sflag:$0x3], $0x80, s6, s30, $0xb8;
	[tilespmem:$0x1F780] =	vst v63  }
0x70: {  	_ =	swait.ge [sflag:s26], $0x2800  }
0x71: {  	[sflag:s26] =	ssyncset.done $0x0  }
0x72: {  	[sflag:s26] =	ssyncadd.s32 $0xFFFFD800  }
0x73: {  	_ =	swait.ge [sflag:s0], $0x2800  }
0x74: {  	[sflag:s0] =	ssyncset.done $0x0  }
0x75: {  	[sflag:s0] =	ssyncadd.s32 $0xFFFFD800  }
0x76: {  	[tilespmem:s29], [sflag:$0x1] =	stream.indirect.gather [hbm4b:s1+s30], $0x80, s28, s30, $0xb8;
	[tilespmem:$0x1F780] =	vst v63  }
.Ltmp1:
0x77: {  	_ = 	snop;
	(pc) =	sbr.rel @p0 .LBB2_4-.Ltmp1, $4  }
0x78: {  	s5 =	sadd.s32 $0x2800, s5  }
0x79: {  	[spmem:s3] =	stream.indirect.scatter.add.f32 [tilespmem:s2], [sflag:$0x3], $0x80, s5, s30, $0xb8;
	[tilespmem:$0x1F780] =	vst v63  }
0x7a: {  	_ =	swait.ge [sflag:s26], $0x2800  }
0x7b: {  	[sflag:s26] =	ssyncset.done $0x0  }
0x7c: {  	[sflag:s26] =	ssyncadd.s32 $0xFFFFD800  }
0x7d: {  	_ =	swait.ge [sflag:s31], $0x2800  }
0x7e: {  	[sflag:s31] =	ssyncset.done $0x0  }
0x7f: {  	s5 =	simm.s32 $0x6580;
	[sflag:s31] =	ssyncadd.s32 $0xFFFFD800  }
0x80: {  	[spmem:s3] =	stream.indirect.scatter.add.f32 [tilespmem:s29], [sflag:$0x3], $0x80, s5, s30, $0xb8;
	[tilespmem:$0x1F780] =	vst v63  }
0x81: {  	_ =	swait.ge [sflag:s26], $0x2800  }
0x82: {  	[sflag:s26] =	ssyncset.done $0x0  }
0x83: {  	[sflag:s26] =	ssyncadd.s32 $0xFFFFD800  }
0x84: {  	[bflag:$0x0] =	sbarrier.arrive $0xFFFF  }
0x85: {  	[tilespmem:s29], [sflag:$0x3] =	stream.linear.gather [spmem:s7], $0x2800, $0x38;
	[tilespmem:$0x1F780] =	vst v63  }
0x86: {  	_ =	swait.ge [sflag:s26], $0x2800  }
0x87: {  	[sflag:s26] =	ssyncset.done $0x0  }
0x88: {  	[sflag:s26] =	ssyncadd.s32 $0xFFFFD800  }
0x89: {  	[hbm4b:s15+s4] =	stream.linear.scatter [tilespmem:s29], [sflag:$0x3], $0x2800, $0x38;
	[tilespmem:$0x1F780] =	vst v63  }
0x8a: {  	_ =	swait.ge [sflag:s26], $0x2800  }
0x8b: {  	[sflag:s26] =	ssyncset.done $0x0  }
0x8c: {  	[sflag:s26] =	ssyncadd.s32 $0xFFFFD800  }
0x8d: {  	[tilespmem:s29], [sflag:$0x3] =	stream.linear.gather [spmem:s8], $0x2800, $0x38;
	[tilespmem:$0x1F780] =	vst v63  }
0x8e: {  	_ =	swait.ge [sflag:s26], $0x2800  }
0x8f: {  	[sflag:s26] =	ssyncset.done $0x0  }
0x90: {  	[sflag:s26] =	ssyncadd.s32 $0xFFFFD800  }
0x91: {  	[hbm4b:s16+s4] =	stream.linear.scatter [tilespmem:s29], [sflag:$0x3], $0x2800, $0x38;
	[tilespmem:$0x1F780] =	vst v63  }
0x92: {  	_ =	swait.ge [sflag:s26], $0x2800  }
0x93: {  	[sflag:s26] =	ssyncset.done $0x0  }
0x94: {  	[sflag:s26] =	ssyncadd.s32 $0xFFFFD800  }
0x95: {  	[tilespmem:s29], [sflag:$0x3] =	stream.linear.gather [spmem:s9], $0x2800, $0x38;
	[tilespmem:$0x1F780] =	vst v63  }
0x96: {  	_ =	swait.ge [sflag:s26], $0x2800  }
0x97: {  	[sflag:s26] =	ssyncset.done $0x0  }
0x98: {  	[sflag:s26] =	ssyncadd.s32 $0xFFFFD800  }
0x99: {  	[hbm4b:s17+s4] =	stream.linear.scatter [tilespmem:s29], [sflag:$0x3], $0x2800, $0x38;
	[tilespmem:$0x1F780] =	vst v63  }
0x9a: {  	_ =	swait.ge [sflag:s26], $0x2800  }
0x9b: {  	[sflag:s26] =	ssyncset.done $0x0  }
0x9c: {  	[sflag:s26] =	ssyncadd.s32 $0xFFFFD800  }
0x9d: {  	[tilespmem:s29], [sflag:$0x3] =	stream.linear.gather [spmem:s10], $0x2800, $0x38;
	[tilespmem:$0x1F780] =	vst v63  }
0x9e: {  	_ =	swait.ge [sflag:s26], $0x2800  }
0x9f: {  	[sflag:s26] =	ssyncset.done $0x0  }
0xa0: {  	[sflag:s26] =	ssyncadd.s32 $0xFFFFD800  }
0xa1: {  	[hbm4b:s18+s4] =	stream.linear.scatter [tilespmem:s29], [sflag:$0x3], $0x2800, $0x38;
	[tilespmem:$0x1F780] =	vst v63  }
0xa2: {  	_ =	swait.ge [sflag:s26], $0x2800  }
0xa3: {  	[sflag:s26] =	ssyncset.done $0x0  }
0xa4: {  	[sflag:s26] =	ssyncadd.s32 $0xFFFFD800  }
0xa5: {  	[tilespmem:s29], [sflag:$0x3] =	stream.linear.gather [spmem:s11], $0x2800, $0x38;
	[tilespmem:$0x1F780] =	vst v63  }
0xa6: {  	_ =	swait.ge [sflag:s26], $0x2800  }
0xa7: {  	[sflag:s26] =	ssyncset.done $0x0  }
0xa8: {  	[sflag:s26] =	ssyncadd.s32 $0xFFFFD800  }
0xa9: {  	[hbm4b:s19+s4] =	stream.linear.scatter [tilespmem:s29], [sflag:$0x3], $0x2800, $0x38;
	[tilespmem:$0x1F780] =	vst v63  }
0xaa: {  	_ =	swait.ge [sflag:s26], $0x2800  }
0xab: {  	[sflag:s26] =	ssyncset.done $0x0  }
0xac: {  	[sflag:s26] =	ssyncadd.s32 $0xFFFFD800  }
0xad: {  	[tilespmem:s29], [sflag:$0x3] =	stream.linear.gather [spmem:s12], $0x2800, $0x38;
	[tilespmem:$0x1F780] =	vst v63  }
0xae: {  	_ =	swait.ge [sflag:s26], $0x2800  }
0xaf: {  	[sflag:s26] =	ssyncset.done $0x0  }
0xb0: {  	[sflag:s26] =	ssyncadd.s32 $0xFFFFD800  }
0xb1: {  	[hbm4b:s20+s4] =	stream.linear.scatter [tilespmem:s29], [sflag:$0x3], $0x2800, $0x38;
	[tilespmem:$0x1F780] =	vst v63  }
0xb2: {  	_ =	swait.ge [sflag:s26], $0x2800  }
0xb3: {  	[sflag:s26] =	ssyncset.done $0x0  }
0xb4: {  	[sflag:s26] =	ssyncadd.s32 $0xFFFFD800  }
0xb5: {  	[tilespmem:s29], [sflag:$0x3] =	stream.linear.gather [spmem:s13], $0x2800, $0x38;
	[tilespmem:$0x1F780] =	vst v63  }
0xb6: {  	_ =	swait.ge [sflag:s26], $0x2800  }
0xb7: {  	[sflag:s26] =	ssyncset.done $0x0  }
0xb8: {  	[sflag:s26] =	ssyncadd.s32 $0xFFFFD800  }
0xb9: {  	[hbm4b:s21+s4] =	stream.linear.scatter [tilespmem:s29], [sflag:$0x3], $0x2800, $0x38;
	[tilespmem:$0x1F780] =	vst v63  }
0xba: {  	_ =	swait.ge [sflag:s26], $0x2800  }
0xbb: {  	[sflag:s26] =	ssyncset.done $0x0  }
0xbc: {  	[sflag:s26] =	ssyncadd.s32 $0xFFFFD800  }
0xbd: {  	[tilespmem:s29], [sflag:$0x3] =	stream.linear.gather [spmem:s14], $0x2800, $0x38;
	[tilespmem:$0x1F780] =	vst v63  }
0xbe: {  	s25 =	sadd.s32 $0x1, s25;
	_ =	swait.ge [sflag:s26], $0x2800  }
0xbf: {  	p0 =	sne.s32 s25, s23;
	[sflag:s26] =	ssyncset.done $0x0  }
.Ltmp2:
0xc0: {  	[sflag:s26] =	ssyncadd.s32 $0xFFFFD800;
	(pc) =	sbr.rel @p0 .LBB2_1-.Ltmp2, $4  }
0xc1: {  	[hbm4b:s22+s4] =	stream.linear.scatter [tilespmem:s29], [sflag:$0x3], $0x2800, $0x38;
	[tilespmem:$0x1F780] =	vst v63  }
0xc2: {  	_ =	swait.ge [sflag:s26], $0x2800  }
0xc3: {  	[sflag:s26] =	ssyncset.done $0x0  }
0xc4: {  	[sflag:s26] =	ssyncadd.s32 $0xFFFFD800  }
0xc5: {  	_ =	sfence.sel $0x180000  }
0xc6: {  	[bflag:$0x0] =	sbarrier.arrive $0xFFFF  }
0xc7: {  	_ =	strace $0x9000004D  }
0xc8: {  	s0 =	stileid.u32;
	[bflag:$0x2] =	sbarrier.arrive $0xFFFF  }
0xc9: {  	p0 =	sne.s32 s0, $0x0;
	s0 =	rddreg [dreg:$0x3]  }
0xca: {  	s0 =	sadd.s32 @!p0 $0x100000, s0  }
0xcb: {  	[sflag:s0] =	ssyncadd.tile.s32 @!p0 $0x1;
	_ =	shalt  }
.Lfunc_end2:
_tile_overlayer_lowered:
.L_overlay_start_2:
0xcc: {  	(tag) =	ssettag $0x2  }
0xcd: {  	s0 =	rddreg [dreg:$0x0];
	s2 =	stileid.u32  }
0xce: {  	s1 =	rddreg [dreg:$0x1];
	p0 =	sne.s32 s2, $0x0  }
0xcf: {  	s3 =	rddreg [dreg:$0x2];
	[bflag:$0x3] =	sbarrier.arrive $0xFFFF;
	s2 =	simm.s32 @!p0 $0x1C03  }
0xd0: {  	[timem:s3], [sflag:s2] =	dma.local @!p0 [hbm:s0], s1  }
0xd1: {  	s0 =	simm.s32 @!p0 $0x3  }
0xd2: {  	_ =	swait.ge @!p0 [sflag:s0], s1  }
0xd3: {  	s1 =	ssub.s32 @!p0 $0x0, s1;
	[sflag:s0] =	ssyncset.done @!p0 $0x0  }
0xd4: {  	[sflag:s0] =	ssyncadd.s32 @!p0 s1  }
0xd5: {  	[bflag:$0x3] =	sbarrier.arrive $0xFFFF  }
0xd6: {  	_ =	shalt  }

// kernel: kernel.21.cloned.1.call-start
scs
__scs_entry_jumppad:
0x0: {  	(pc) =	sbr.rel $0x88, $3  }
0x1: {  	(tag) =	ssettag $0x0;
	lr =	simm.s32 $0x1  }
0x2: {  	[smem:$0x3F94] =	sst lr;
	_ =	strace $0xD0000000  }
0x3: {  	_ = 	snop  }
0x4: {  	_ = 	snop  }
0x5: {  	_ = 	snop  }
0x6: {  	_ = 	snop  }
0x7: {  	_ = 	snop  }
__scs_overlays_trampoline_lowered:
0x8: {  	[smem:$0x3FA3] =	sst s0  }
0x9: {  	[smem:$0x3FA4] =	sst s1  }
0xa: {  	[smem:$0x3FA5] =	sst s2  }
0xb: {  	[smem:$0x3FA6] =	sst s3  }
0xc: {  	[smem:$0x3FA7] =	sst s4  }
0xd: {  	[smem:$0x3FA8] =	sst s5  }
0xe: {  	[smem:$0x3FA9] =	sst s6  }
0xf: {  	[smem:$0x3FAA] =	sst s7  }
0x10: {  	[smem:$0x3FAB] =	sst s8  }
0x11: {  	[smem:$0x3FAC] =	sst s9;
	s0 =	simm.s32 @!p0 $0x0  }
0x12: {  	s1 =	sld [smem:$0x3F92];
	s0 =	simm.s32 @p0 $0x1  }
0x13: {  	[smem:$0x3FAD] =	sst s0;
	s0 =	simm.s32 @!p1 $0x0  }
0x14: {  	s2 =	sld [smem:$0x3F91];
	s0 =	simm.s32 @p1 $0x1  }
0x15: {  	[smem:$0x3FAE] =	sst s0;
	s0 =	simm.s32 @!p2 $0x0  }
0x16: {  	s3 =	sld [smem:$0x3FDB];
	s0 =	simm.s32 @p2 $0x1  }
0x17: {  	s4 =	simm.s32 $0x1BF5;
	[smem:$0x3FB0] =	sst s0  }
0x18: {  	s0 =	sld [smem:$0x3F93];
	_ =	swait.ge [sflag:s4], $0x0  }
0x19: {  	s7 =	sld [smem:$0x3F94]  }
0x1a: {  	s8 =	sadd.s32 $0xFFFFE003, lr  }
0x1b: {  	s9 =	sadd.s32 $0xFFFFFEF7, lr;
	s5 =	simm.s32 $0xFFFFFFFF;
	p2 =	slt.u32 s8, $0xFFFFF086  }
0x1c: {  	p1 =	slt.u32 s9, $0xF7A;
	s5 =	simm.s32 @!p2 $0x0  }
0x1d: {  	s5 =	simm.s32 @p1 $0x1;
	p0 =	seq.s32 s7, s2  }
0x1e: {  	s7 =	smul.u32 @!p0 $0xF7A, s2;
	p2 =	seq.s32 @!p0 s5, $0x0  }
0x1f: {  	s9 =	smul.u32 $0xF7A, s1;
	s8 =	simm.s32 @!p0 $0x1BF5;
	p2 =	por !p2, p0  }
0x20: {  	[sflag:s8] =	ssyncset.s32 @!p0 $0xFFFFF086;
	s6 =	sadd.s32 @!p0 s3, s7;
	s7 =	simm.s32 @!p0 $0x108  }
0x21: {  	s3 =	sadd.s32 s3, s9;
	s6 =	sadd.s32 @!p0 $0x88, s6;
	s7 =	simm.s32 @p2 $0x1082  }
0x22: {  	[simem:s7], [sflag:s8] =	dma.local @!p0 [hbm:s6], $0xF7A  }
0x23: {  	s9 =	sor.u32 $0xD0000000, s2;
	s6 =	simm.s32 $0x108;
	_ =	swait.ge @!p0 [sflag:s8], $0x0  }
0x24: {  	s3 =	sadd.s32 $0x88, s3;
	s6 =	simm.s32 @!p1 $0x1082;
	[sflag:s4] =	ssyncset.s32 $0xFFFFF086  }
0x25: {  	[simem:s6], [sflag:s4] =	dma.local [hbm:s3], $0xF7A  }
0x26: {  	[smem:$0x3F94] =	sst s1;
	(tag) =	ssettag s2;
	_ =	strace s9  }
0x27: {  	s1 =	sld [smem:$0x3FA4]  }
0x28: {  	s2 =	sld [smem:$0x3FA5]  }
0x29: {  	s4 =	sld [smem:$0x3FA7]  }
0x2a: {  	p0 =	seq.s32 s5, $0x0;
	s5 =	sld [smem:$0x3FA8]  }
0x2b: {  	s6 =	sld [smem:$0x3FA9]  }
0x2c: {  	s7 =	sld [smem:$0x3FAA]  }
0x2d: {  	s3 =	simm.s32 $0x108;
	s8 =	sld [smem:$0x3FAB]  }
0x2e: {  	s3 =	simm.s32 @!p0 $0x1082;
	s9 =	sld [smem:$0x3FAC]  }
0x2f: {  	lr =	sadd.s32 s0, s3;
	s0 =	sld [smem:$0x3FA3]  }
0x30: {  	s3 =	sld [smem:$0x3FA6]  }
0x31: {  	[smem:$0x3FAF] =	sst s10  }
0x32: {  	s10 =	sld [smem:$0x3FAD];
	_ =	sdelay $0x3  }
0x33: {  	p0 =	seq.s32 s10, $0x1;
	s10 =	sld [smem:$0x3FAF];
	_ =	sdelay $0x3  }
0x34: {  	[smem:$0x3FAF] =	sst s10  }
0x35: {  	s10 =	sld [smem:$0x3FAE];
	_ =	sdelay $0x3  }
0x36: {  	p1 =	seq.s32 s10, $0x1;
	s10 =	sld [smem:$0x3FAF];
	_ =	sdelay $0x3  }
0x37: {  	[smem:$0x3FAF] =	sst s10  }
0x38: {  	s10 =	sld [smem:$0x3FB0]  }
0x39: {  	_ = 	snop;
	(pc) =	sbr.ind lr, $3  }
0x3a: {  	_ = 	snop  }
0x3b: {  	_ = 	snop  }
0x3c: {  	p2 =	seq.s32 s10, $0x1;
	s10 =	sld [smem:$0x3FAF]  }
0x3d: {  	_ =	shalt  }
0x3e: {  	_ =	shalt  }
0x3f: {  	_ =	shalt  }
0x40: {  	_ =	shalt  }
0x41: {  	_ =	shalt  }
0x42: {  	_ =	shalt  }
0x43: {  	_ =	shalt  }
0x44: {  	_ =	shalt  }
0x45: {  	_ =	shalt  }
0x46: {  	_ =	shalt  }
0x47: {  	_ =	shalt  }
0x48: {  	_ =	shalt  }
0x49: {  	_ =	shalt  }
0x4a: {  	_ =	shalt  }
0x4b: {  	_ =	shalt  }
0x4c: {  	_ =	shalt  }
0x4d: {  	_ =	shalt  }
0x4e: {  	_ =	shalt  }
0x4f: {  	_ =	shalt  }
0x50: {  	_ =	shalt  }
0x51: {  	_ =	shalt  }
0x52: {  	_ =	shalt  }
0x53: {  	_ =	shalt  }
0x54: {  	_ =	shalt  }
0x55: {  	_ =	shalt  }
0x56: {  	_ =	shalt  }
0x57: {  	_ =	shalt  }
0x58: {  	_ =	shalt  }
0x59: {  	_ =	shalt  }
0x5a: {  	_ =	shalt  }
0x5b: {  	_ =	shalt  }
0x5c: {  	_ =	shalt  }
0x5d: {  	_ =	shalt  }
0x5e: {  	_ =	shalt  }
0x5f: {  	_ =	shalt  }
0x60: {  	_ =	shalt  }
0x61: {  	_ =	shalt  }
0x62: {  	_ =	shalt  }
0x63: {  	_ =	shalt  }
0x64: {  	_ =	shalt  }
0x65: {  	_ =	shalt  }
0x66: {  	_ =	shalt  }
0x67: {  	_ =	shalt  }
0x68: {  	_ =	shalt  }
0x69: {  	_ =	shalt  }
0x6a: {  	_ =	shalt  }
0x6b: {  	_ =	shalt  }
0x6c: {  	_ =	shalt  }
0x6d: {  	_ =	shalt  }
0x6e: {  	_ =	shalt  }
0x6f: {  	_ =	shalt  }
0x70: {  	_ =	shalt  }
0x71: {  	_ =	shalt  }
0x72: {  	_ =	shalt  }
0x73: {  	_ =	shalt  }
0x74: {  	_ =	shalt  }
0x75: {  	_ =	shalt  }
0x76: {  	_ =	shalt  }
0x77: {  	_ =	shalt  }
0x78: {  	_ =	shalt  }
0x79: {  	_ =	shalt  }
0x7a: {  	_ =	shalt  }
0x7b: {  	_ =	shalt  }
0x7c: {  	_ =	shalt  }
0x7d: {  	_ =	shalt  }
0x7e: {  	_ =	shalt  }
0x7f: {  	_ =	shalt  }
0x80: {  	_ =	shalt  }
0x81: {  	_ =	shalt  }
0x82: {  	_ =	shalt  }
0x83: {  	_ =	shalt  }
0x84: {  	_ =	shalt  }
0x85: {  	_ =	shalt  }
0x86: {  	_ =	shalt  }
0x87: {  	_ =	shalt  }
.Lfunc_end0:
.L_simem_size_0:
called_computation.3_lowered:
.L_overlay_start_0:
0x88: {  	s2 =	sld [smem:$0x3FD9]  }
0x89: {  	s3 =	sld [smem:$0x3FFE];
	_ =	sdelay $0x1  }
0x8a: {  	s1 =	srdreg.scid  }
0x8b: {  	s0 =	sand.u32 $0x1, s1  }
0x8c: {  	s17 =	sshll.u32 s0, $0xA;
	s2 =	sadd.s32 s3, s2  }
0x8d: {  	s2 =	sadd.s32 s2, s17  }
0x8e: {  	[smem:$0x3FBB] =	sst s2  }
0x8f: {  	_ = 	snop  }
0x90: {  	s2 =	sld [smem:$0x3FD0];
	(tm) =	ssettm $0x1  }
0x91: {  	s18 =	sld [smem:$0x3FFB];
	_ =	sdelay $0x3  }
0x92: {  	_ =	strace s18  }
0x93: {  	s3 =	sld [smem:$0x3FFC];
	_ =	sdelay $0x3  }
0x94: {  	_ =	strace s3  }
0x95: {  	s3 =	sld [smem:$0x3FFD];
	_ =	sdelay $0x3  }
0x96: {  	_ =	strace s3  }
0x97: {  	_ =	strace $0x8FFFFFFF  }
0x98: {  	s19 =	sld [smem:$0x3FDB];
	_ =	sdelay $0x1  }
0x99: {  	s4 =	simm.s32 $_scs_section_size  }
0x9a: {  	s5 =	simm.s32 $_size__tile_overlayer_lowered;
	s6 =	simm.s32 $_tile_overlayer_lowered  }
0x9b: {  	s22 =	simm.s32 $0x1BFF;
	s21 =	sshll.u32 s6, $0x1;
	s3 =	sadd.s32 s4, s19  }
0x9c: {  	s7 =	simm.s32 $0x0;
	s20 =	sshll.u32 s5, $0x1;
	s5 =	sadd.s32 s21, s3  }
0x9d: {  	[timem:s7], [sflag:s22] =	dma.local [hbm:s5], s20  }
0x9e: {  	_ =	swait.ge [sflag:s22], s20  }
0x9f: {  	s4 =	ssub.s32 $0x0, s20;
	[sflag:s22] =	ssyncset.done $0x0  }
0xa0: {  	[sflag:s22] =	ssyncadd.s32 s4;
	_ =	sdelay $0x1  }
0xa1: {  	s23 =	simm.s32 $0x1B8B  }
0xa2: {  	_ =	swait.ge [sflag:s23], $0x1  }
0xa3: {  	[sflag:s23] =	ssyncset.done $0x0  }
0xa4: {  	s25 =	simm.s32 $0x1B8E;
	s24 =	sld [smem:$0x3FFE];
	[sflag:s23] =	ssyncadd.s32 $0xFFFFFFFF  }
0xa5: {  	s26 =	simm.s32 $execute0_lowered;
	[smem:$0x3FD2] =	sst s25  }
0xa6: {  	s5 =	sshll.u32 s26, $0x1;
	_ =	strace $0x8000004F;
	[dreg:$0x1] =	wrdreg $0xFFFFFFFF  }
0xa7: {  	s28 =	simm.s32 $_size_execute0_lowered;
	s3 =	sadd.s32 s3, s5;
	[dreg:$0x0] =	wrdreg $0x0  }
0xa8: {  	s5 =	sshll.u32 s28, $0x1;
	[dreg:$0x2] =	wrdreg s3  }
0xa9: {  	[dreg:$0x3] =	wrdreg s5  }
0xaa: {  	[dreg:$0x4] =	wrdreg $0xC0  }
0xab: {  	_ =	task [dreg:s7], $0x5FFFF  }
0xac: {  	[dreg:$0x1] =	wrdreg $0xFFFFFFFF  }
0xad: {  	[dreg:$0x0] =	wrdreg $0x60  }
0xae: {  	[dreg:$0x2] =	wrdreg s2  }
0xaf: {  	[dreg:$0x3] =	wrdreg s24  }
0xb0: {  	[dreg:$0x4] =	wrdreg $0xB7800  }
0xb1: {  	[dreg:$0x5] =	wrdreg $0x9  }
0xb2: {  	_ =	task.clear_ibuf [dreg:s7], $0x6FFFF;
	_ =	strace $0x9000004F  }
0xb3: {  	s29 =	simm.s32 $0x9;
	_ =	strace $0x80000051  }
0xb4: {  	_ =	swait.ge [sflag:s29], $0x1  }
0xb5: {  	[sflag:s29] =	ssyncadd.s32 $0xFFFFFFFF  }
0xb6: {  	_ =	strace $0x90000051  }
0xb7: {  	_ =	sfence  }
0xb8: {  	s30 =	sld [smem:$0x0];
	_ =	sdelay $0x2  }
0xb9: {  	s31 =	sshll.u32 s1, $0xD;
	s1 =	sshrl.u32 s1, $0x2  }
0xba: {  	s3 =	sand.u32 $0x4000, s31;
	s1 =	sadd.s32 s1, s30  }
0xbb: {  	s0 =	sor.u32 s3, s0;
	s1 =	sshll.u32 s1, $0x11  }
0xbc: {  	s0 =	sor.u32 s1, s0  }
0xbd: {  	s0 =	sadd.s32 $0x8F2B, s0  }
0xbe: {  	[sflag:s0] =	ssyncadd.remote.s32 $0x1  }
0xbf: {  	_ =	sfence.sel $0xFFFF  }
0xc0: {  	[dreg:$0x0] =	wrdreg $0xFFFFFFFF;
	(pc) =	sbr.abs _section_cstart, $3  }
0xc1: {  	[dreg:$0x1] =	wrdreg $0xFFFFFFFF  }
0xc2: {  	_ =	task.clear_ibuf [dreg:s7], $0x2FFFF;
	_ =	strace $0x9FFFFFFF  }
0xc3: {  	(tm) =	ssettm $0x7FFFFFFF  }
tec
execute0_lowered:
.L_overlay_start_1:
0x0: {  	(tag) =	ssettag $0x1  }
0x1: {  	s0 =	srdreg.scid  }
0x2: {  	s9 =	stileid.u32;
	s5 =	rddreg [dreg:$0x1];
	s29 =	simm.s32 $0x6780  }
0x3: {  	s30 =	simm.s32 $0x50;
	s31 =	simm.s32 $0x1;
	s0 =	sand.u32 $0x1, s0  }
0x4: {  	s4 =	sshll.u32 s9, $0x7;
	s8 =	smul.u32 $0x50000, s9;
	s22 =	sadd.s32 $0x1DA00, s5  }
0x5: {  	s14 =	smul.u32 $0x14000, s9;
	s1 =	sshll.u32 s0, $0x4;
	s7 =	sand.u32 $0x380, s4  }
0x6: {  	s4 =	simm.s32 $0x0;
	s2 =	sor.u32 s9, s1;
	s1 =	rddreg [dreg:$0x0]  }
0x7: {  	s19 =	ssub.s32 $0x2, s0;
	s0 =	smul.u32 $0x140000, s0;
	[smem:$0x7FF] =	sst s4  }
0x8: {  	s20 =	sshrl.u32 s19, $0x1;
	s21 =	sshrl.u32 s8, $0x2;
	s25 =	sor.u32 $0x2800, s14  }
0x9: {  	s17 =	sadd.s32 $0x5000, s14;
	s18 =	sadd.s32 $0x7800, s14;
	s3 =	sshrl.u32 s2, $0x3  }
0xa: {  	s2 =	sshll.u32 s2, $0xB;
	s23 =	ssub.s32 s19, s20;
	s19 =	sadd.s32 $0xA000, s14  }
0xb: {  	s20 =	sadd.s32 $0xC800, s14;
	s15 =	sadd.s32 s14, s0;
	s26 =	sadd.s32 s0, s17  }
0xc: {  	s28 =	sadd.s32 s0, s18;
	s6 =	smul.u32 $0x13C00, s3;
	s3 =	rddreg [dreg:$0x2]  }
0xd: {  	_ =	strace $0x80000050;
	s2 =	sadd.s32 s2, s5;
	s15 =	sshrl.u32 s15, $0x3  }
0xe: {  	s23 =	smax.u32 s23, $0x1;
	s2 =	sadd.s32 $0x3C00, s2;
	s8 =	sadd.s32 s25, s3  }
0xf: {  	s9 =	sadd.s32 s17, s3;
	s10 =	sadd.s32 s18, s3;
	s11 =	sadd.s32 s19, s3  }
0x10: {  	s12 =	sadd.s32 s20, s3;
	s15 =	sadd.s32 s22, s15;
	s6 =	sor.u32 s7, s6  }
0x11: {  	[dreg:$0x5] =	wrdreg s2;
	s7 =	sadd.s32 s21, s3;
	s2 =	sadd.s32 s0, s25  }
0x12: {  	s21 =	sadd.s32 $0xF000, s14;
	s6 =	sshrl.u32 s6, $0x3;
	s2 =	sshrl.u32 s2, $0x3  }
0x13: {  	s13 =	sadd.s32 s21, s3;
	s6 =	sadd.s32 s6, s5;
	s16 =	sadd.s32 s22, s2  }
0x14: {  	s5 =	sadd.s32 s0, s19;
	s2 =	sshrl.u32 s26, $0x3;
	s26 =	sadd.s32 s0, s20  }
0x15: {  	s24 =	sadd.s32 $0x13C00, s6;
	s6 =	sshrl.u32 s28, $0x3;
	s25 =	sshrl.u32 s5, $0x3  }
0x16: {  	s17 =	sadd.s32 s22, s2;
	s28 =	sadd.s32 s0, s21;
	s2 =	sshrl.u32 s26, $0x3  }
0x17: {  	s26 =	simm.s32 $0x3;
	[dreg:$0x4] =	wrdreg s24;
	s24 =	sadd.s32 $0x11800, s14  }
0x18: {  	s18 =	sadd.s32 s22, s6;
	s19 =	sadd.s32 s22, s25;
	s21 =	sshrl.u32 s28, $0x3  }
0x19: {  	s20 =	sadd.s32 s22, s2;
	s2 =	simm.s32 $0x8F80;
	s0 =	sadd.s32 s0, s24  }
0x1a: {  	s25 =	simm.s32 $0x0;
	s14 =	sadd.s32 s24, s3;
	s0 =	sshrl.u32 s0, $0x3  }
0x1b: {  	v0 =	vimm.f32 $0.0e+00;
	s21 =	sadd.s32 s22, s21;
	s22 =	sadd.s32 s22, s0;
	s0 =	simm.s32 $0x2  }
.LBB2_1:
0x1c: {  	s5 =	rddreg [dreg:$0x4];
	s6 =	simm.s32 $0x80;
	s24 =	simm.s32 $0x400  }
0x1d: {  	[tilespmem:s4], [sflag:$0x3] =	stream.strided.gather [hbm4b:s5+s6], $0x2780, s24, s6, $0x38;
	[tilespmem:$0x1F780] =	vst v63  }
0x1e: {  	_ =	swait.ge [sflag:s26], $0x2780  }
0x1f: {  	[sflag:s26] =	ssyncset.done $0x0  }
0x20: {  	s24 =	simm.s32 $0x2780;
	s6 =	rddreg [dreg:$0x5];
	[sflag:s26] =	ssyncadd.s32 $0xFFFFD880  }
0x21: {  	[tilespmem:s24], [sflag:$0x3] =	stream.linear.gather [hbm4b:s6+s4], $0x3E80, $0x38;
	[tilespmem:$0x1F780] =	vst v63  }
0x22: {  	_ =	swait.ge [sflag:s26], $0x3E80  }
0x23: {  	[sflag:s26] =	ssyncset.done $0x0  }
0x24: {  	s28 =	simm.s32 $0x200;
	s24 =	simm.s32 $0x0;
	[sflag:s26] =	ssyncadd.s32 $0xFFFFC180  }
.LBB2_2:
0x25: {  	p0 =	sne.s32 s28, $0x9E00;
	[tilespmem:s24+$0x67F0] =	vst v0  }
0x26: {  	[tilespmem:s24+$0x6780] =	vst v0  }
0x27: {  	[tilespmem:s24+$0x6790] =	vst v0  }
.Ltmp0:
0x28: {  	[tilespmem:s24+$0x67A0] =	vst v0;
	(pc) =	sbr.rel @p0 .LBB2_2-.Ltmp0, $4  }
0x29: {  	[tilespmem:s24+$0x67B0] =	vst v0  }
0x2a: {  	[tilespmem:s24+$0x67C0] =	vst v0  }
0x2b: {  	[tilespmem:s24+$0x67D0] =	vst v0  }
0x2c: {  	[tilespmem:s24+$0x67E0] =	vst v0;
	s24 =	sshra.s32 s28, $0x2;
	s28 =	sadd.s32 $0x200, s28  }
0x2d: {  	[tilespmem:s24+$0x67F0] =	vst v0  }
0x2e: {  	[tilespmem:s24+$0x6780] =	vst v0  }
0x2f: {  	[tilespmem:s24+$0x6790] =	vst v0  }
0x30: {  	[tilespmem:s24+$0x67A0] =	vst v0  }
0x31: {  	[tilespmem:s24+$0x67B0] =	vst v0  }
0x32: {  	[tilespmem:s24+$0x67C0] =	vst v0  }
0x33: {  	[tilespmem:s24+$0x67D0] =	vst v0  }
0x34: {  	[tilespmem:s24+$0x67E0] =	vst v0  }
0x35: {  	[spmem:s7] =	stream.linear.scatter [tilespmem:s29], [sflag:$0x3], $0x2800, $0x38;
	[tilespmem:$0x1F780] =	vst v63  }
0x36: {  	_ =	swait.ge [sflag:s26], $0x2800  }
0x37: {  	[sflag:s26] =	ssyncset.done $0x0  }
0x38: {  	[sflag:s26] =	ssyncadd.s32 $0xFFFFD800  }
0x39: {  	[spmem:s8] =	stream.linear.scatter [tilespmem:s29], [sflag:$0x3], $0x2800, $0x38;
	[tilespmem:$0x1F780] =	vst v63  }
0x3a: {  	_ =	swait.ge [sflag:s26], $0x2800  }
0x3b: {  	[sflag:s26] =	ssyncset.done $0x0  }
0x3c: {  	[sflag:s26] =	ssyncadd.s32 $0xFFFFD800  }
0x3d: {  	[spmem:s9] =	stream.linear.scatter [tilespmem:s29], [sflag:$0x3], $0x2800, $0x38;
	[tilespmem:$0x1F780] =	vst v63  }
0x3e: {  	_ =	swait.ge [sflag:s26], $0x2800  }
0x3f: {  	[sflag:s26] =	ssyncset.done $0x0  }
0x40: {  	[sflag:s26] =	ssyncadd.s32 $0xFFFFD800  }
0x41: {  	[spmem:s10] =	stream.linear.scatter [tilespmem:s29], [sflag:$0x3], $0x2800, $0x38;
	[tilespmem:$0x1F780] =	vst v63  }
0x42: {  	_ =	swait.ge [sflag:s26], $0x2800  }
0x43: {  	[sflag:s26] =	ssyncset.done $0x0  }
0x44: {  	[sflag:s26] =	ssyncadd.s32 $0xFFFFD800  }
0x45: {  	[spmem:s11] =	stream.linear.scatter [tilespmem:s29], [sflag:$0x3], $0x2800, $0x38;
	[tilespmem:$0x1F780] =	vst v63  }
0x46: {  	_ =	swait.ge [sflag:s26], $0x2800  }
0x47: {  	[sflag:s26] =	ssyncset.done $0x0  }
0x48: {  	[sflag:s26] =	ssyncadd.s32 $0xFFFFD800  }
0x49: {  	[spmem:s12] =	stream.linear.scatter [tilespmem:s29], [sflag:$0x3], $0x2800, $0x38;
	[tilespmem:$0x1F780] =	vst v63  }
0x4a: {  	_ =	swait.ge [sflag:s26], $0x2800  }
0x4b: {  	[sflag:s26] =	ssyncset.done $0x0  }
0x4c: {  	[sflag:s26] =	ssyncadd.s32 $0xFFFFD800  }
0x4d: {  	[spmem:s13] =	stream.linear.scatter [tilespmem:s29], [sflag:$0x3], $0x2800, $0x38;
	[tilespmem:$0x1F780] =	vst v63  }
0x4e: {  	_ =	swait.ge [sflag:s26], $0x2800  }
0x4f: {  	[sflag:s26] =	ssyncset.done $0x0  }
0x50: {  	[sflag:s26] =	ssyncadd.s32 $0xFFFFD800  }
0x51: {  	[spmem:s14] =	stream.linear.scatter [tilespmem:s29], [sflag:$0x3], $0x2800, $0x38;
	[tilespmem:$0x1F780] =	vst v63  }
0x52: {  	_ =	swait.ge [sflag:s26], $0x2800  }
0x53: {  	[sflag:s26] =	ssyncset.done $0x0  }
0x54: {  	[sflag:s26] =	ssyncadd.s32 $0xFFFFD800  }
0x55: {  	s5 =	simm.s32 $0x0;
	[bflag:$0x0] =	sbarrier.arrive $0xFFFF  }
0x56: {  	[tilespmem:s29], [sflag:$0x1] =	stream.indirect.gather [hbm4b:s1+s30], $0x80, s5, s30, $0xb8;
	[tilespmem:$0x1F780] =	vst v63  }
0x57: {  	_ =	swait.ge [sflag:s31], $0x2800  }
0x58: {  	[sflag:s31] =	ssyncset.done $0x0  }
0x59: {  	s6 =	simm.s32 $0x50;
	[sflag:s31] =	ssyncadd.s32 $0xFFFFD800  }
0x5a: {  	[tilespmem:s2], [sflag:$0x2] =	stream.indirect.gather [hbm4b:s1+s30], $0x80, s6, s30, $0xb8;
	[tilespmem:$0x1F780] =	vst v63  }
0x5b: {  	s5 =	simm.s32 $0x2780  }
0x5c: {  	[spmem:s3] =	stream.indirect.scatter.add.f32 [tilespmem:s29], [sflag:$0x3], $0x80, s5, s30, $0xb8;
	[tilespmem:$0x1F780] =	vst v63  }
0x5d: {  	_ =	swait.ge [sflag:s26], $0x2800  }
0x5e: {  	[sflag:s26] =	ssyncset.done $0x0  }
0x5f: {  	[sflag:s26] =	ssyncadd.s32 $0xFFFFD800  }
0x60: {  	_ =	swait.ge [sflag:s0], $0x2800  }
0x61: {  	[sflag:s0] =	ssyncset.done $0x0  }
0x62: {  	s28 =	simm.s32 $0xA0;
	[sflag:s0] =	ssyncadd.s32 $0xFFFFD800  }
0x63: {  	[tilespmem:s29], [sflag:$0x1] =	stream.indirect.gather [hbm4b:s1+s30], $0x80, s28, s30, $0xb8;
	[tilespmem:$0x1F780] =	vst v63  }
0x64: {  	s6 =	simm.s32 $0x2800  }
0x65: {  	[spmem:s3] =	stream.indirect.scatter.add.f32 [tilespmem:s2], [sflag:$0x3], $0x80, s6, s30, $0xb8;
	[tilespmem:$0x1F780] =	vst v63  }
0x66: {  	_ =	swait.ge [sflag:s26], $0x2800  }
0x67: {  	s24 =	simm.s32 $0x400;
	[sflag:s26] =	ssyncset.done $0x0  }
.LBB2_4:
0x68: {  	p0 =	sne.s32 s24, $0xF400;
	[sflag:s26] =	ssyncadd.s32 $0xFFFFD800;
	s28 =	sadd.s32 $0xA0, s28  }
0x69: {  	s5 =	smov.u32 s24;
	s24 =	sadd.s32 $0x400, s24  }
0x6a: {  	_ =	swait.ge [sflag:s31], $0x2800  }
0x6b: {  	[sflag:s31] =	ssyncset.done $0x0  }
0x6c: {  	s6 =	sadd.s32 $0xFFFFFFB0, s28;
	s5 =	sshra.s32 s5, $0x2;
	[sflag:s31] =	ssyncadd.s32 $0xFFFFD800  }
0x6d: {  	[tilespmem:s2], [sflag:$0x2] =	stream.indirect.gather [hbm4b:s1+s30], $0x80, s6, s30, $0xb8;
	[tilespmem:$0x1F780] =	vst v63  }
0x6e: {  	s6 =	sadd.s32 $0x2780, s5  }
0x6f: {  	[spmem:s3] =	stream.indirect.scatter.add.f32 [tilespmem:s29], [sflag:$0x3], $0x80, s6, s30, $0xb8;
	[tilespmem:$0x1F780] =	vst v63  }
0x70: {  	_ =	swait.ge [sflag:s26], $0x2800  }
0x71: {  	[sflag:s26] =	ssyncset.done $0x0  }
0x72: {  	[sflag:s26] =	ssyncadd.s32 $0xFFFFD800  }
0x73: {  	_ =	swait.ge [sflag:s0], $0x2800  }
0x74: {  	[sflag:s0] =	ssyncset.done $0x0  }
0x75: {  	[sflag:s0] =	ssyncadd.s32 $0xFFFFD800  }
0x76: {  	[tilespmem:s29], [sflag:$0x1] =	stream.indirect.gather [hbm4b:s1+s30], $0x80, s28, s30, $0xb8;
	[tilespmem:$0x1F780] =	vst v63  }
.Ltmp1:
0x77: {  	_ = 	snop;
	(pc) =	sbr.rel @p0 .LBB2_4-.Ltmp1, $4  }
0x78: {  	s5 =	sadd.s32 $0x2800, s5  }
0x79: {  	[spmem:s3] =	stream.indirect.scatter.add.f32 [tilespmem:s2], [sflag:$0x3], $0x80, s5, s30, $0xb8;
	[tilespmem:$0x1F780] =	vst v63  }
0x7a: {  	_ =	swait.ge [sflag:s26], $0x2800  }
0x7b: {  	[sflag:s26] =	ssyncset.done $0x0  }
0x7c: {  	[sflag:s26] =	ssyncadd.s32 $0xFFFFD800  }
0x7d: {  	_ =	swait.ge [sflag:s31], $0x2800  }
0x7e: {  	[sflag:s31] =	ssyncset.done $0x0  }
0x7f: {  	s5 =	simm.s32 $0x6580;
	[sflag:s31] =	ssyncadd.s32 $0xFFFFD800  }
0x80: {  	[spmem:s3] =	stream.indirect.scatter.add.f32 [tilespmem:s29], [sflag:$0x3], $0x80, s5, s30, $0xb8;
	[tilespmem:$0x1F780] =	vst v63  }
0x81: {  	_ =	swait.ge [sflag:s26], $0x2800  }
0x82: {  	[sflag:s26] =	ssyncset.done $0x0  }
0x83: {  	[sflag:s26] =	ssyncadd.s32 $0xFFFFD800  }
0x84: {  	[bflag:$0x0] =	sbarrier.arrive $0xFFFF  }
0x85: {  	[tilespmem:s29], [sflag:$0x3] =	stream.linear.gather [spmem:s7], $0x2800, $0x38;
	[tilespmem:$0x1F780] =	vst v63  }
0x86: {  	_ =	swait.ge [sflag:s26], $0x2800  }
0x87: {  	[sflag:s26] =	ssyncset.done $0x0  }
0x88: {  	[sflag:s26] =	ssyncadd.s32 $0xFFFFD800  }
0x89: {  	[hbm4b:s15+s4] =	stream.linear.scatter [tilespmem:s29], [sflag:$0x3], $0x2800, $0x38;
	[tilespmem:$0x1F780] =	vst v63  }
0x8a: {  	_ =	swait.ge [sflag:s26], $0x2800  }
0x8b: {  	[sflag:s26] =	ssyncset.done $0x0  }
0x8c: {  	[sflag:s26] =	ssyncadd.s32 $0xFFFFD800  }
0x8d: {  	[tilespmem:s29], [sflag:$0x3] =	stream.linear.gather [spmem:s8], $0x2800, $0x38;
	[tilespmem:$0x1F780] =	vst v63  }
0x8e: {  	_ =	swait.ge [sflag:s26], $0x2800  }
0x8f: {  	[sflag:s26] =	ssyncset.done $0x0  }
0x90: {  	[sflag:s26] =	ssyncadd.s32 $0xFFFFD800  }
0x91: {  	[hbm4b:s16+s4] =	stream.linear.scatter [tilespmem:s29], [sflag:$0x3], $0x2800, $0x38;
	[tilespmem:$0x1F780] =	vst v63  }
0x92: {  	_ =	swait.ge [sflag:s26], $0x2800  }
0x93: {  	[sflag:s26] =	ssyncset.done $0x0  }
0x94: {  	[sflag:s26] =	ssyncadd.s32 $0xFFFFD800  }
0x95: {  	[tilespmem:s29], [sflag:$0x3] =	stream.linear.gather [spmem:s9], $0x2800, $0x38;
	[tilespmem:$0x1F780] =	vst v63  }
0x96: {  	_ =	swait.ge [sflag:s26], $0x2800  }
0x97: {  	[sflag:s26] =	ssyncset.done $0x0  }
0x98: {  	[sflag:s26] =	ssyncadd.s32 $0xFFFFD800  }
0x99: {  	[hbm4b:s17+s4] =	stream.linear.scatter [tilespmem:s29], [sflag:$0x3], $0x2800, $0x38;
	[tilespmem:$0x1F780] =	vst v63  }
0x9a: {  	_ =	swait.ge [sflag:s26], $0x2800  }
0x9b: {  	[sflag:s26] =	ssyncset.done $0x0  }
0x9c: {  	[sflag:s26] =	ssyncadd.s32 $0xFFFFD800  }
0x9d: {  	[tilespmem:s29], [sflag:$0x3] =	stream.linear.gather [spmem:s10], $0x2800, $0x38;
	[tilespmem:$0x1F780] =	vst v63  }
0x9e: {  	_ =	swait.ge [sflag:s26], $0x2800  }
0x9f: {  	[sflag:s26] =	ssyncset.done $0x0  }
0xa0: {  	[sflag:s26] =	ssyncadd.s32 $0xFFFFD800  }
0xa1: {  	[hbm4b:s18+s4] =	stream.linear.scatter [tilespmem:s29], [sflag:$0x3], $0x2800, $0x38;
	[tilespmem:$0x1F780] =	vst v63  }
0xa2: {  	_ =	swait.ge [sflag:s26], $0x2800  }
0xa3: {  	[sflag:s26] =	ssyncset.done $0x0  }
0xa4: {  	[sflag:s26] =	ssyncadd.s32 $0xFFFFD800  }
0xa5: {  	[tilespmem:s29], [sflag:$0x3] =	stream.linear.gather [spmem:s11], $0x2800, $0x38;
	[tilespmem:$0x1F780] =	vst v63  }
0xa6: {  	_ =	swait.ge [sflag:s26], $0x2800  }
0xa7: {  	[sflag:s26] =	ssyncset.done $0x0  }
0xa8: {  	[sflag:s26] =	ssyncadd.s32 $0xFFFFD800  }
0xa9: {  	[hbm4b:s19+s4] =	stream.linear.scatter [tilespmem:s29], [sflag:$0x3], $0x2800, $0x38;
	[tilespmem:$0x1F780] =	vst v63  }
0xaa: {  	_ =	swait.ge [sflag:s26], $0x2800  }
0xab: {  	[sflag:s26] =	ssyncset.done $0x0  }
0xac: {  	[sflag:s26] =	ssyncadd.s32 $0xFFFFD800  }
0xad: {  	[tilespmem:s29], [sflag:$0x3] =	stream.linear.gather [spmem:s12], $0x2800, $0x38;
	[tilespmem:$0x1F780] =	vst v63  }
0xae: {  	_ =	swait.ge [sflag:s26], $0x2800  }
0xaf: {  	[sflag:s26] =	ssyncset.done $0x0  }
0xb0: {  	[sflag:s26] =	ssyncadd.s32 $0xFFFFD800  }
0xb1: {  	[hbm4b:s20+s4] =	stream.linear.scatter [tilespmem:s29], [sflag:$0x3], $0x2800, $0x38;
	[tilespmem:$0x1F780] =	vst v63  }
0xb2: {  	_ =	swait.ge [sflag:s26], $0x2800  }
0xb3: {  	[sflag:s26] =	ssyncset.done $0x0  }
0xb4: {  	[sflag:s26] =	ssyncadd.s32 $0xFFFFD800  }
0xb5: {  	[tilespmem:s29], [sflag:$0x3] =	stream.linear.gather [spmem:s13], $0x2800, $0x38;
	[tilespmem:$0x1F780] =	vst v63  }
0xb6: {  	_ =	swait.ge [sflag:s26], $0x2800  }
0xb7: {  	[sflag:s26] =	ssyncset.done $0x0  }
0xb8: {  	[sflag:s26] =	ssyncadd.s32 $0xFFFFD800  }
0xb9: {  	[hbm4b:s21+s4] =	stream.linear.scatter [tilespmem:s29], [sflag:$0x3], $0x2800, $0x38;
	[tilespmem:$0x1F780] =	vst v63  }
0xba: {  	_ =	swait.ge [sflag:s26], $0x2800  }
0xbb: {  	[sflag:s26] =	ssyncset.done $0x0  }
0xbc: {  	[sflag:s26] =	ssyncadd.s32 $0xFFFFD800  }
0xbd: {  	[tilespmem:s29], [sflag:$0x3] =	stream.linear.gather [spmem:s14], $0x2800, $0x38;
	[tilespmem:$0x1F780] =	vst v63  }
0xbe: {  	s25 =	sadd.s32 $0x1, s25;
	_ =	swait.ge [sflag:s26], $0x2800  }
0xbf: {  	p0 =	sne.s32 s25, s23;
	[sflag:s26] =	ssyncset.done $0x0  }
.Ltmp2:
0xc0: {  	[sflag:s26] =	ssyncadd.s32 $0xFFFFD800;
	(pc) =	sbr.rel @p0 .LBB2_1-.Ltmp2, $4  }
0xc1: {  	[hbm4b:s22+s4] =	stream.linear.scatter [tilespmem:s29], [sflag:$0x3], $0x2800, $0x38;
	[tilespmem:$0x1F780] =	vst v63  }
0xc2: {  	_ =	swait.ge [sflag:s26], $0x2800  }
0xc3: {  	[sflag:s26] =	ssyncset.done $0x0  }
0xc4: {  	[sflag:s26] =	ssyncadd.s32 $0xFFFFD800  }
0xc5: {  	_ =	sfence.sel $0x180000  }
0xc6: {  	[bflag:$0x0] =	sbarrier.arrive $0xFFFF  }
0xc7: {  	_ =	strace $0x90000050  }
0xc8: {  	s0 =	stileid.u32;
	[bflag:$0x2] =	sbarrier.arrive $0xFFFF  }
0xc9: {  	p0 =	sne.s32 s0, $0x0;
	s0 =	rddreg [dreg:$0x3]  }
0xca: {  	s0 =	sadd.s32 @!p0 $0x100000, s0  }
0xcb: {  	[sflag:s0] =	ssyncadd.tile.s32 @!p0 $0x1;
	_ =	shalt  }
.Lfunc_end2:
_tile_overlayer_lowered:
.L_overlay_start_2:
0xcc: {  	(tag) =	ssettag $0x2  }
0xcd: {  	s0 =	rddreg [dreg:$0x0];
	s2 =	stileid.u32  }
0xce: {  	s1 =	rddreg [dreg:$0x1];
	p0 =	sne.s32 s2, $0x0  }
0xcf: {  	s3 =	rddreg [dreg:$0x2];
	[bflag:$0x3] =	sbarrier.arrive $0xFFFF;
	s2 =	simm.s32 @!p0 $0x1C03  }
0xd0: {  	[timem:s3], [sflag:s2] =	dma.local @!p0 [hbm:s0], s1  }
0xd1: {  	s0 =	simm.s32 @!p0 $0x3  }
0xd2: {  	_ =	swait.ge @!p0 [sflag:s0], s1  }
0xd3: {  	s1 =	ssub.s32 @!p0 $0x0, s1;
	[sflag:s0] =	ssyncset.done @!p0 $0x0  }
0xd4: {  	[sflag:s0] =	ssyncadd.s32 @!p0 s1  }
0xd5: {  	[bflag:$0x3] =	sbarrier.arrive $0xFFFF  }
0xd6: {  	_ =	shalt  }

</sc_bundles>
